<compile_context>
chip_gen: v7x
topology: tpu7x:2x2x1
jax: 0.10.2.dev20260603
libtpu: 0.0.44.dev20260713+nightly
codegen_flags: <defaults>
</compile_context>

<pallas_src>
import functools

import jax
import jax.numpy as jnp
from jax import lax
from jax.experimental import pallas as pl
from jax.experimental.pallas import tpu as pltpu
from jax.experimental.pallas import tpu_sc as plsc

_LANES = 128
_SUB = 5
_LK = 40
_NBLK = _SUB * _LANES // 16


def _make_sc_embed(B, L, NC, NS):
    NW = NC * NS
    Dp = _SUB * _LANES
    cols_per_tile = B // NW
    pairs_per_tile = cols_per_tile * L
    n_chunks = pairs_per_tile // _LK
    cpc = L // _LK

    mesh = plsc.VectorSubcoreMesh(core_axis_name="c", subcore_axis_name="s")

    @functools.partial(
        pl.kernel,
        mesh=mesh,
        out_type=jax.ShapeDtypeStruct((B, Dp), jnp.float32),
        scratch_types=[
            pltpu.VMEM((n_chunks, _LK), jnp.int32),
            pltpu.VMEM((_LK, Dp), jnp.float32),
            pltpu.VMEM((_LK, Dp), jnp.float32),
            pltpu.VMEM((cols_per_tile, Dp), jnp.float32),
            pltpu.SemaphoreType.DMA,
            pltpu.SemaphoreType.DMA,
        ],
    )
    def sc_embed(idx_hbm, tab_hbm, ep_hbm,
                 idx_v, buf_a, buf_b, stage, gs_a, gs_b):
        c = lax.axis_index("c")
        s = lax.axis_index("s")
        w = c * NS + s
        out_base = c * (B // NC) + s * cols_per_tile

        pltpu.sync_copy(idx_hbm.at[w], idx_v)

        def accumulate(buf, acc):
            def lk_body(lk, a):
                a = list(a)
                for blk in range(_NBLK):
                    a[blk] = a[blk] + buf[lk, pl.ds(blk * 16, 16)]
                return tuple(a)
            return lax.fori_loop(0, _LK, lk_body, acc)

        zeros_acc = tuple(
            jnp.zeros((16,), jnp.float32) for _ in range(_NBLK))

        pltpu.async_copy(tab_hbm.at[idx_v.at[0]], buf_a, gs_a)
        pltpu.async_copy(tab_hbm.at[idx_v.at[1]], buf_b, gs_b)

        def pair_body(cp, acc):
            base = 2 * cpc * cp
            for j in range(2 * cpc):
                buf, sem = (buf_a, gs_a) if j % 2 == 0 else (buf_b, gs_b)
                g = base + j
                pltpu.make_async_copy(tab_hbm.at[idx_v.at[g]], buf, sem).wait()
                acc = accumulate(buf, acc)

                @pl.when(g + 2 < n_chunks)
                def _():
                    pltpu.async_copy(tab_hbm.at[idx_v.at[g + 2]], buf, sem)

                if j % cpc == cpc - 1:
                    col = 2 * cp + j // cpc
                    for blk in range(_NBLK):
                        stage[col, pl.ds(blk * 16, 16)] = acc[blk]
                    acc = zeros_acc
            return acc

        lax.fori_loop(0, cols_per_tile // 2, pair_body, zeros_acc)

        pltpu.sync_copy(stage, ep_hbm.at[pl.ds(out_base, cols_per_tile)])

    return sc_embed, cols_per_tile, pairs_per_tile, n_chunks


def _mlp_body(ep_ref, wx_ref, b1_ref, w2_ref, b2_ref, out_ref):
    a = lax.dot_general(ep_ref[...], wx_ref[...], (((1,), (0,)), ((), ())),
                        preferred_element_type=jnp.float32)
    h = jnp.maximum(a + b1_ref[...][None, :], 0.0)
    out_ref[...] = jnp.sum(h * w2_ref[...], axis=1) + b2_ref[...]


def kernel(input, lut, static_lut, W1, b1, W2, b2):
    L, B = input.shape
    V, D = lut.shape
    Dp = _SUB * _LANES
    info = plsc.get_sparse_core_info()
    NC, NS = info.num_cores, info.num_subcores
    NW = NC * NS

    sc_embed, cols_per_tile, pairs_per_tile, n_chunks = _make_sc_embed(
        B, L, NC, NS)

    fused = (jnp.pad(lut, ((0, 0), (0, Dp - D)))
             + jnp.pad(static_lut, ((0, 0), (D, Dp - 2 * D))))

    idx = input.T.astype(jnp.int32).reshape(NW, n_chunks, _LK)

    ep = sc_embed(idx, fused)

    Wx = jnp.concatenate(
        [W1.T, jnp.zeros((Dp - 2 * D, 2 * D), jnp.float32)], axis=0)
    out = pl.pallas_call(
        _mlp_body,
        out_shape=jax.ShapeDtypeStruct((B,), jnp.float32),
    )(ep, Wx, b1, W2, b2)
    return out

# --- scband reference (transcript-rebuilt; emitter-appended) ---
"""Pipeline reference for scband-cbo-w-3221225472040 (READ-ONLY COPY).

The authoritative reference and input builder live on the scoring server;
editing this copy changes nothing except your own understanding.
"""

import jax, jax.numpy as jnp
import numpy as np

V_SIZE, D, L, B = 100000, 300, 200, 1024


def setup_inputs(seed: int = 0) -> dict:
    key = jax.random.key(seed)
    ks = jax.random.split(key, 6)
    inp = jax.random.randint(ks[0], (L, B), 0, V_SIZE)
    # two embedding tables (trainable lut and 'static' lut, both init from pretrained vectors)
    lut = jax.random.normal(ks[1], (V_SIZE, D), dtype=jnp.float32) * 0.1
    static_lut = lut + jax.random.normal(ks[2], (V_SIZE, D), dtype=jnp.float32) * 0.01
    # proj = Linear(600,600) -> ReLU -> Linear(600,1); torch Linear computes x @ W.T + b
    W1 = jax.random.normal(ks[3], (600, 600), dtype=jnp.float32) * (1.0 / np.sqrt(600.0))
    b1 = jnp.zeros((600,), dtype=jnp.float32)
    W2 = jax.random.normal(ks[4], (1, 600), dtype=jnp.float32) * (1.0 / np.sqrt(600.0))
    b2 = jnp.zeros((1,), dtype=jnp.float32)
    return {"input": inp, "lut": lut, "static_lut": static_lut, "W1": W1, "b1": b1, "W2": W2, "b2": b2}


def reference(input, lut, static_lut, W1, b1, W2, b2):
    # CBoW forward with binarize=False, average=False, dropout=0
    # input: int[L, B]; embedding lookup on each table, sum over sequence dim 0
    e1 = jnp.take(lut, input, axis=0).sum(axis=0)          # [B, 300]
    e2 = jnp.take(static_lut, input, axis=0).sum(axis=0)   # [B, 300]
    hidden = jnp.concatenate([e1, e2], axis=-1)             # [B, 600]
    h = jnp.maximum(hidden @ W1.T + b1, 0.0)                # Linear + ReLU
    out = h @ W2.T + b2                                     # [B, 1]
    return out.squeeze(-1)                                  # [B]

if __name__ == "__main__":
    import jax
    _d = setup_inputs()
    print(jax.jit(kernel)(*tuple(_d.values())))

</pallas_src>

<mosaic_0001>
#map = affine_map<(d0, d1) -> (0, 0, 0)>
#map1 = affine_map<(d0, d1) -> (0, 0)>
module attributes {stable_mosaic.version = 14 : i64} {
  func.func @sc_embed(%arg0: i32, %arg1: i32, %arg2: memref<32x160x40xi32, #tpu.memory_space<hbm>>, %arg3: memref<100000x640xf32, #tpu.memory_space<hbm>>, %arg4: memref<1024x640xf32, #tpu.memory_space<hbm>>, %arg5: memref<160x40xi32, #tpu.memory_space<vmem>>, %arg6: memref<40x640xf32, #tpu.memory_space<vmem>>, %arg7: memref<40x640xf32, #tpu.memory_space<vmem>>, %arg8: memref<32x640xf32, #tpu.memory_space<vmem>>, %arg9: memref<!tpu.dma_semaphore, #tpu.memory_space<semaphore_mem>>, %arg10: memref<!tpu.dma_semaphore, #tpu.memory_space<semaphore_mem>>) attributes {dimension_semantics = [#tpu.dimension_semantics<core_parallel>, #tpu.dimension_semantics<subcore_parallel>], iteration_bounds = array<i64: 2, 16>, scalar_prefetch = 0 : i64, scratch_operands = 6 : i64, tpu.core_type = #tpu.core_type<sc_vector_subcore>, window_params = [{transform_indices = #map}, {transform_indices = #map1}, {transform_indices = #map1}]} {
    %mul3A = arith.constant 16 : i32
    %mul3A_0 = arith.muli %arg0, %mul3A : i32
    %add3A = arith.addi %mul3A_0, %arg1 : i32
    %mul3A_1 = arith.constant 512 : i32
    %mul3A_2 = arith.muli %arg0, %mul3A_1 : i32
    %mul3A_3 = arith.constant 32 : i32
    %mul3A_4 = arith.muli %arg1, %mul3A_3 : i32
    %add3A_5 = arith.addi %mul3A_2, %mul3A_4 : i32
    "tpu.region"() ({
      %run_scoped3A = tpu.sem_alloc : memref<!tpu.dma_semaphore, #tpu.memory_space<semaphore_mem>>
      %dma_start3A_103 = arith.constant 0 : i32
      %dma_start3A_104 = arith.constant 0 : i32
      %dma_start3A_105 = tpu.memref_slice %arg2[%add3A, %dma_start3A_103, %dma_start3A_104] : memref<32x160x40xi32, #tpu.memory_space<hbm>> -> memref<1x160x40xi32, #tpu.memory_space<hbm>>
      %dma_start3A_106 = tpu.memref_squeeze %dma_start3A_105 : memref<1x160x40xi32, #tpu.memory_space<hbm>> -> memref<160x40xi32, #tpu.memory_space<hbm>>
      %dma_start3A_107 = arith.constant 0 : i32
      %dma_start3A_108 = arith.constant 0 : i32
      %dma_start3A_109 = tpu.memref_slice %arg2[%add3A, %dma_start3A_107, %dma_start3A_108] : memref<32x160x40xi32, #tpu.memory_space<hbm>> -> memref<1x160x40xi32, #tpu.memory_space<hbm>>
      %dma_start3A_110 = tpu.memref_squeeze %dma_start3A_109 : memref<1x160x40xi32, #tpu.memory_space<hbm>> -> memref<160x40xi32, #tpu.memory_space<hbm>>
      tpu.enqueue_dma source(%dma_start3A_110 : memref<160x40xi32, #tpu.memory_space<hbm>>) target(%arg5 : memref<160x40xi32, #tpu.memory_space<vmem>>) target_semaphore(%run_scoped3A : memref<!tpu.dma_semaphore, #tpu.memory_space<semaphore_mem>>)
      %dma_wait3A = arith.constant 0 : i32
      %dma_wait3A_111 = arith.constant 0 : i32
      %dma_wait3A_112 = tpu.memref_slice %arg2[%add3A, %dma_wait3A, %dma_wait3A_111] : memref<32x160x40xi32, #tpu.memory_space<hbm>> -> memref<1x160x40xi32, #tpu.memory_space<hbm>>
      %dma_wait3A_113 = tpu.memref_squeeze %dma_wait3A_112 : memref<1x160x40xi32, #tpu.memory_space<hbm>> -> memref<160x40xi32, #tpu.memory_space<hbm>>
      %dma_wait3A_114 = arith.constant 0 : i32
      %dma_wait3A_115 = arith.constant 0 : i32
      %dma_wait3A_116 = tpu.memref_slice %arg2[%add3A, %dma_wait3A_114, %dma_wait3A_115] : memref<32x160x40xi32, #tpu.memory_space<hbm>> -> memref<1x160x40xi32, #tpu.memory_space<hbm>>
      %dma_wait3A_117 = tpu.memref_squeeze %dma_wait3A_116 : memref<1x160x40xi32, #tpu.memory_space<hbm>> -> memref<160x40xi32, #tpu.memory_space<hbm>>
      tpu.wait_dma2 semaphore(%run_scoped3A : memref<!tpu.dma_semaphore, #tpu.memory_space<semaphore_mem>>) src(%dma_wait3A_117 : memref<160x40xi32, #tpu.memory_space<hbm>>) dst(%arg5 : memref<160x40xi32, #tpu.memory_space<vmem>>)
      tpu.yield
    }) : () -> ()
    %broadcast_in_dim3A = arith.constant 0.000000e+00 : f32
    %broadcast_in_dim3A_6 = vector.broadcast %broadcast_in_dim3A : f32 to vector<16xf32>
    %broadcast_in_dim3A_7 = arith.constant 0.000000e+00 : f32
    %broadcast_in_dim3A_8 = vector.broadcast %broadcast_in_dim3A_7 : f32 to vector<16xf32>
    %broadcast_in_dim3A_9 = arith.constant 0.000000e+00 : f32
    %broadcast_in_dim3A_10 = vector.broadcast %broadcast_in_dim3A_9 : f32 to vector<16xf32>
    %broadcast_in_dim3A_11 = arith.constant 0.000000e+00 : f32
    %broadcast_in_dim3A_12 = vector.broadcast %broadcast_in_dim3A_11 : f32 to vector<16xf32>
    %broadcast_in_dim3A_13 = arith.constant 0.000000e+00 : f32
    %broadcast_in_dim3A_14 = vector.broadcast %broadcast_in_dim3A_13 : f32 to vector<16xf32>
    %broadcast_in_dim3A_15 = arith.constant 0.000000e+00 : f32
    %broadcast_in_dim3A_16 = vector.broadcast %broadcast_in_dim3A_15 : f32 to vector<16xf32>
    %broadcast_in_dim3A_17 = arith.constant 0.000000e+00 : f32
    %broadcast_in_dim3A_18 = vector.broadcast %broadcast_in_dim3A_17 : f32 to vector<16xf32>
    %broadcast_in_dim3A_19 = arith.constant 0.000000e+00 : f32
    %broadcast_in_dim3A_20 = vector.broadcast %broadcast_in_dim3A_19 : f32 to vector<16xf32>
    %broadcast_in_dim3A_21 = arith.constant 0.000000e+00 : f32
    %broadcast_in_dim3A_22 = vector.broadcast %broadcast_in_dim3A_21 : f32 to vector<16xf32>
    %broadcast_in_dim3A_23 = arith.constant 0.000000e+00 : f32
    %broadcast_in_dim3A_24 = vector.broadcast %broadcast_in_dim3A_23 : f32 to vector<16xf32>
    %broadcast_in_dim3A_25 = arith.constant 0.000000e+00 : f32
    %broadcast_in_dim3A_26 = vector.broadcast %broadcast_in_dim3A_25 : f32 to vector<16xf32>
    %broadcast_in_dim3A_27 = arith.constant 0.000000e+00 : f32
    %broadcast_in_dim3A_28 = vector.broadcast %broadcast_in_dim3A_27 : f32 to vector<16xf32>
    %broadcast_in_dim3A_29 = arith.constant 0.000000e+00 : f32
    %broadcast_in_dim3A_30 = vector.broadcast %broadcast_in_dim3A_29 : f32 to vector<16xf32>
    %broadcast_in_dim3A_31 = arith.constant 0.000000e+00 : f32
    %broadcast_in_dim3A_32 = vector.broadcast %broadcast_in_dim3A_31 : f32 to vector<16xf32>
    %broadcast_in_dim3A_33 = arith.constant 0.000000e+00 : f32
    %broadcast_in_dim3A_34 = vector.broadcast %broadcast_in_dim3A_33 : f32 to vector<16xf32>
    %broadcast_in_dim3A_35 = arith.constant 0.000000e+00 : f32
    %broadcast_in_dim3A_36 = vector.broadcast %broadcast_in_dim3A_35 : f32 to vector<16xf32>
    %broadcast_in_dim3A_37 = arith.constant 0.000000e+00 : f32
    %broadcast_in_dim3A_38 = vector.broadcast %broadcast_in_dim3A_37 : f32 to vector<16xf32>
    %broadcast_in_dim3A_39 = arith.constant 0.000000e+00 : f32
    %broadcast_in_dim3A_40 = vector.broadcast %broadcast_in_dim3A_39 : f32 to vector<16xf32>
    %broadcast_in_dim3A_41 = arith.constant 0.000000e+00 : f32
    %broadcast_in_dim3A_42 = vector.broadcast %broadcast_in_dim3A_41 : f32 to vector<16xf32>
    %broadcast_in_dim3A_43 = arith.constant 0.000000e+00 : f32
    %broadcast_in_dim3A_44 = vector.broadcast %broadcast_in_dim3A_43 : f32 to vector<16xf32>
    %broadcast_in_dim3A_45 = arith.constant 0.000000e+00 : f32
    %broadcast_in_dim3A_46 = vector.broadcast %broadcast_in_dim3A_45 : f32 to vector<16xf32>
    %broadcast_in_dim3A_47 = arith.constant 0.000000e+00 : f32
    %broadcast_in_dim3A_48 = vector.broadcast %broadcast_in_dim3A_47 : f32 to vector<16xf32>
    %broadcast_in_dim3A_49 = arith.constant 0.000000e+00 : f32
    %broadcast_in_dim3A_50 = vector.broadcast %broadcast_in_dim3A_49 : f32 to vector<16xf32>
    %broadcast_in_dim3A_51 = arith.constant 0.000000e+00 : f32
    %broadcast_in_dim3A_52 = vector.broadcast %broadcast_in_dim3A_51 : f32 to vector<16xf32>
    %broadcast_in_dim3A_53 = arith.constant 0.000000e+00 : f32
    %broadcast_in_dim3A_54 = vector.broadcast %broadcast_in_dim3A_53 : f32 to vector<16xf32>
    %broadcast_in_dim3A_55 = arith.constant 0.000000e+00 : f32
    %broadcast_in_dim3A_56 = vector.broadcast %broadcast_in_dim3A_55 : f32 to vector<16xf32>
    %broadcast_in_dim3A_57 = arith.constant 0.000000e+00 : f32
    %broadcast_in_dim3A_58 = vector.broadcast %broadcast_in_dim3A_57 : f32 to vector<16xf32>
    %broadcast_in_dim3A_59 = arith.constant 0.000000e+00 : f32
    %broadcast_in_dim3A_60 = vector.broadcast %broadcast_in_dim3A_59 : f32 to vector<16xf32>
    %broadcast_in_dim3A_61 = arith.constant 0.000000e+00 : f32
    %broadcast_in_dim3A_62 = vector.broadcast %broadcast_in_dim3A_61 : f32 to vector<16xf32>
    %broadcast_in_dim3A_63 = arith.constant 0.000000e+00 : f32
    %broadcast_in_dim3A_64 = vector.broadcast %broadcast_in_dim3A_63 : f32 to vector<16xf32>
    %broadcast_in_dim3A_65 = arith.constant 0.000000e+00 : f32
    %broadcast_in_dim3A_66 = vector.broadcast %broadcast_in_dim3A_65 : f32 to vector<16xf32>
    %broadcast_in_dim3A_67 = arith.constant 0.000000e+00 : f32
    %broadcast_in_dim3A_68 = vector.broadcast %broadcast_in_dim3A_67 : f32 to vector<16xf32>
    %broadcast_in_dim3A_69 = arith.constant 0.000000e+00 : f32
    %broadcast_in_dim3A_70 = vector.broadcast %broadcast_in_dim3A_69 : f32 to vector<16xf32>
    %broadcast_in_dim3A_71 = arith.constant 0.000000e+00 : f32
    %broadcast_in_dim3A_72 = vector.broadcast %broadcast_in_dim3A_71 : f32 to vector<16xf32>
    %broadcast_in_dim3A_73 = arith.constant 0.000000e+00 : f32
    %broadcast_in_dim3A_74 = vector.broadcast %broadcast_in_dim3A_73 : f32 to vector<16xf32>
    %broadcast_in_dim3A_75 = arith.constant 0.000000e+00 : f32
    %broadcast_in_dim3A_76 = vector.broadcast %broadcast_in_dim3A_75 : f32 to vector<16xf32>
    %broadcast_in_dim3A_77 = arith.constant 0.000000e+00 : f32
    %broadcast_in_dim3A_78 = vector.broadcast %broadcast_in_dim3A_77 : f32 to vector<16xf32>
    %broadcast_in_dim3A_79 = arith.constant 0.000000e+00 : f32
    %broadcast_in_dim3A_80 = vector.broadcast %broadcast_in_dim3A_79 : f32 to vector<16xf32>
    %broadcast_in_dim3A_81 = arith.constant 0.000000e+00 : f32
    %broadcast_in_dim3A_82 = vector.broadcast %broadcast_in_dim3A_81 : f32 to vector<16xf32>
    %broadcast_in_dim3A_83 = arith.constant 0.000000e+00 : f32
    %broadcast_in_dim3A_84 = vector.broadcast %broadcast_in_dim3A_83 : f32 to vector<16xf32>
    %dma_start3A = arith.constant 0 : i32
    %dma_start3A_85 = arith.constant 0 : i32
    %dma_start3A_86 = tpu.memref_slice %arg5[%dma_start3A, %dma_start3A_85] : memref<160x40xi32, #tpu.memory_space<vmem>> -> memref<1x40xi32, #tpu.memory_space<vmem>>
    %dma_start3A_87 = tpu.memref_squeeze %dma_start3A_86 : memref<1x40xi32, #tpu.memory_space<vmem>> -> memref<40xi32, #tpu.memory_space<vmem>>
    %dma_start3A_88 = arith.constant 0 : i32
    %dma_start3A_89 = arith.constant 0 : i32
    %dma_start3A_90 = tpu.memref_slice %arg3[%dma_start3A_88, %dma_start3A_89] : memref<100000x640xf32, #tpu.memory_space<hbm>> -> memref<100000x640xf32, #tpu.memory_space<hbm>>
    tpu.enqueue_indirect_dma source(%dma_start3A_90 : memref<100000x640xf32, #tpu.memory_space<hbm>>) target(%arg6 : memref<40x640xf32, #tpu.memory_space<vmem>>) offsets(%dma_start3A_87 : memref<40xi32, #tpu.memory_space<vmem>>) semaphore(%arg9 : memref<!tpu.dma_semaphore, #tpu.memory_space<semaphore_mem>>)
    %dma_start3A_91 = arith.constant 1 : i32
    %dma_start3A_92 = arith.constant 0 : i32
    %dma_start3A_93 = tpu.memref_slice %arg5[%dma_start3A_91, %dma_start3A_92] : memref<160x40xi32, #tpu.memory_space<vmem>> -> memref<1x40xi32, #tpu.memory_space<vmem>>
    %dma_start3A_94 = tpu.memref_squeeze %dma_start3A_93 : memref<1x40xi32, #tpu.memory_space<vmem>> -> memref<40xi32, #tpu.memory_space<vmem>>
    %dma_start3A_95 = arith.constant 0 : i32
    %dma_start3A_96 = arith.constant 0 : i32
    %dma_start3A_97 = tpu.memref_slice %arg3[%dma_start3A_95, %dma_start3A_96] : memref<100000x640xf32, #tpu.memory_space<hbm>> -> memref<100000x640xf32, #tpu.memory_space<hbm>>
    tpu.enqueue_indirect_dma source(%dma_start3A_97 : memref<100000x640xf32, #tpu.memory_space<hbm>>) target(%arg7 : memref<40x640xf32, #tpu.memory_space<vmem>>) offsets(%dma_start3A_94 : memref<40xi32, #tpu.memory_space<vmem>>) semaphore(%arg10 : memref<!tpu.dma_semaphore, #tpu.memory_space<semaphore_mem>>)
    %scan3A = arith.constant 0 : i32
    %scan3A_98 = arith.constant 16 : i32
    %scan3A_99 = arith.addi %scan3A, %scan3A_98 : i32
    %scan3A_100 = arith.constant 1 : i32
    %scan3A_101:40 = scf.for %scan3A_103 = %scan3A to %scan3A_99 step %scan3A_100 iter_args(%scan3A_104 = %broadcast_in_dim3A_6, %scan3A_105 = %broadcast_in_dim3A_8, %scan3A_106 = %broadcast_in_dim3A_10, %scan3A_107 = %broadcast_in_dim3A_12, %scan3A_108 = %broadcast_in_dim3A_14, %scan3A_109 = %broadcast_in_dim3A_16, %scan3A_110 = %broadcast_in_dim3A_18, %scan3A_111 = %broadcast_in_dim3A_20, %scan3A_112 = %broadcast_in_dim3A_22, %scan3A_113 = %broadcast_in_dim3A_24, %scan3A_114 = %broadcast_in_dim3A_26, %scan3A_115 = %broadcast_in_dim3A_28, %scan3A_116 = %broadcast_in_dim3A_30, %scan3A_117 = %broadcast_in_dim3A_32, %scan3A_118 = %broadcast_in_dim3A_34, %scan3A_119 = %broadcast_in_dim3A_36, %scan3A_120 = %broadcast_in_dim3A_38, %scan3A_121 = %broadcast_in_dim3A_40, %scan3A_122 = %broadcast_in_dim3A_42, %scan3A_123 = %broadcast_in_dim3A_44, %scan3A_124 = %broadcast_in_dim3A_46, %scan3A_125 = %broadcast_in_dim3A_48, %scan3A_126 = %broadcast_in_dim3A_50, %scan3A_127 = %broadcast_in_dim3A_52, %scan3A_128 = %broadcast_in_dim3A_54, %scan3A_129 = %broadcast_in_dim3A_56, %scan3A_130 = %broadcast_in_dim3A_58, %scan3A_131 = %broadcast_in_dim3A_60, %scan3A_132 = %broadcast_in_dim3A_62, %scan3A_133 = %broadcast_in_dim3A_64, %scan3A_134 = %broadcast_in_dim3A_66, %scan3A_135 = %broadcast_in_dim3A_68, %scan3A_136 = %broadcast_in_dim3A_70, %scan3A_137 = %broadcast_in_dim3A_72, %scan3A_138 = %broadcast_in_dim3A_74, %scan3A_139 = %broadcast_in_dim3A_76, %scan3A_140 = %broadcast_in_dim3A_78, %scan3A_141 = %broadcast_in_dim3A_80, %scan3A_142 = %broadcast_in_dim3A_82, %scan3A_143 = %broadcast_in_dim3A_84) -> (vector<16xf32>, vector<16xf32>, vector<16xf32>, vector<16xf32>, vector<16xf32>, vector<16xf32>, vector<16xf32>, vector<16xf32>, vector<16xf32>, vector<16xf32>, vector<16xf32>, vector<16xf32>, vector<16xf32>, vector<16xf32>, vector<16xf32>, vector<16xf32>, vector<16xf32>, vector<16xf32>, vector<16xf32>, vector<16xf32>, vector<16xf32>, vector<16xf32>, vector<16xf32>, vector<16xf32>, vector<16xf32>, vector<16xf32>, vector<16xf32>, vector<16xf32>, vector<16xf32>, vector<16xf32>, vector<16xf32>, vector<16xf32>, vector<16xf32>, vector<16xf32>, vector<16xf32>, vector<16xf32>, vector<16xf32>, vector<16xf32>, vector<16xf32>, vector<16xf32>)  : i32 {
      %mul3A_144 = arith.constant 10 : i32
      %mul3A_145 = arith.muli %mul3A_144, %scan3A_103 : i32
      %add3A_146 = arith.constant 0 : i32
      %add3A_147 = arith.addi %mul3A_145, %add3A_146 : i32
      %dma_wait3A = arith.constant 0 : i32
      %dma_wait3A_148 = tpu.memref_slice %arg5[%add3A_147, %dma_wait3A] : memref<160x40xi32, #tpu.memory_space<vmem>> -> memref<1x40xi32, #tpu.memory_space<vmem>>
      %dma_wait3A_149 = tpu.memref_squeeze %dma_wait3A_148 : memref<1x40xi32, #tpu.memory_space<vmem>> -> memref<40xi32, #tpu.memory_space<vmem>>
      %dma_wait3A_150 = arith.constant 0 : i32
      %dma_wait3A_151 = arith.constant 0 : i32
      %dma_wait3A_152 = tpu.memref_slice %arg3[%dma_wait3A_150, %dma_wait3A_151] : memref<100000x640xf32, #tpu.memory_space<hbm>> -> memref<100000x640xf32, #tpu.memory_space<hbm>>
      tpu.wait_indirect_dma semaphore(%arg9 : memref<!tpu.dma_semaphore, #tpu.memory_space<semaphore_mem>>) src(%dma_wait3A_152 : memref<100000x640xf32, #tpu.memory_space<hbm>>) dst(%arg6 : memref<40x640xf32, #tpu.memory_space<vmem>>)
      %scan3A_153 = arith.constant 0 : i32
      %scan3A_154 = arith.constant 40 : i32
      %scan3A_155 = arith.addi %scan3A_153, %scan3A_154 : i32
      %scan3A_156 = arith.constant 1 : i32
      %scan3A_157:40 = scf.for %scan3A_759 = %scan3A_153 to %scan3A_155 step %scan3A_156 iter_args(%scan3A_760 = %scan3A_104, %scan3A_761 = %scan3A_105, %scan3A_762 = %scan3A_106, %scan3A_763 = %scan3A_107, %scan3A_764 = %scan3A_108, %scan3A_765 = %scan3A_109, %scan3A_766 = %scan3A_110, %scan3A_767 = %scan3A_111, %scan3A_768 = %scan3A_112, %scan3A_769 = %scan3A_113, %scan3A_770 = %scan3A_114, %scan3A_771 = %scan3A_115, %scan3A_772 = %scan3A_116, %scan3A_773 = %scan3A_117, %scan3A_774 = %scan3A_118, %scan3A_775 = %scan3A_119, %scan3A_776 = %scan3A_120, %scan3A_777 = %scan3A_121, %scan3A_778 = %scan3A_122, %scan3A_779 = %scan3A_123, %scan3A_780 = %scan3A_124, %scan3A_781 = %scan3A_125, %scan3A_782 = %scan3A_126, %scan3A_783 = %scan3A_127, %scan3A_784 = %scan3A_128, %scan3A_785 = %scan3A_129, %scan3A_786 = %scan3A_130, %scan3A_787 = %scan3A_131, %scan3A_788 = %scan3A_132, %scan3A_789 = %scan3A_133, %scan3A_790 = %scan3A_134, %scan3A_791 = %scan3A_135, %scan3A_792 = %scan3A_136, %scan3A_793 = %scan3A_137, %scan3A_794 = %scan3A_138, %scan3A_795 = %scan3A_139, %scan3A_796 = %scan3A_140, %scan3A_797 = %scan3A_141, %scan3A_798 = %scan3A_142, %scan3A_799 = %scan3A_143) -> (vector<16xf32>, vector<16xf32>, vector<16xf32>, vector<16xf32>, vector<16xf32>, vector<16xf32>, vector<16xf32>, vector<16xf32>, vector<16xf32>, vector<16xf32>, vector<16xf32>, vector<16xf32>, vector<16xf32>, vector<16xf32>, vector<16xf32>, vector<16xf32>, vector<16xf32>, vector<16xf32>, vector<16xf32>, vector<16xf32>, vector<16xf32>, vector<16xf32>, vector<16xf32>, vector<16xf32>, vector<16xf32>, vector<16xf32>, vector<16xf32>, vector<16xf32>, vector<16xf32>, vector<16xf32>, vector<16xf32>, vector<16xf32>, vector<16xf32>, vector<16xf32>, vector<16xf32>, vector<16xf32>, vector<16xf32>, vector<16xf32>, vector<16xf32>, vector<16xf32>)  : i32 {
        %get3A = arith.index_cast %scan3A_759 : i32 to index
        %get3A_800 = arith.constant 0 : index
        %get3A_801 = tpu.vector_load %arg6[%get3A, %get3A_800] {strides = array<i32>} : memref<40x640xf32, #tpu.memory_space<vmem>>, vector<1x16xf32>,
        %get3A_802 = vector.shape_cast %get3A_801 : vector<1x16xf32> to vector<16xf32>
        %add3A_803 = arith.addf %scan3A_760, %get3A_802 : vector<16xf32>
        %get3A_804 = arith.index_cast %scan3A_759 : i32 to index
        %get3A_805 = arith.constant 16 : index
        %get3A_806 = tpu.vector_load %arg6[%get3A_804, %get3A_805] {strides = array<i32>} : memref<40x640xf32, #tpu.memory_space<vmem>>, vector<1x16xf32>,
        %get3A_807 = vector.shape_cast %get3A_806 : vector<1x16xf32> to vector<16xf32>
        %add3A_808 = arith.addf %scan3A_761, %get3A_807 : vector<16xf32>
        %get3A_809 = arith.index_cast %scan3A_759 : i32 to index
        %get3A_810 = arith.constant 32 : index
        %get3A_811 = tpu.vector_load %arg6[%get3A_809, %get3A_810] {strides = array<i32>} : memref<40x640xf32, #tpu.memory_space<vmem>>, vector<1x16xf32>,
        %get3A_812 = vector.shape_cast %get3A_811 : vector<1x16xf32> to vector<16xf32>
        %add3A_813 = arith.addf %scan3A_762, %get3A_812 : vector<16xf32>
        %get3A_814 = arith.index_cast %scan3A_759 : i32 to index
        %get3A_815 = arith.constant 48 : index
        %get3A_816 = tpu.vector_load %arg6[%get3A_814, %get3A_815] {strides = array<i32>} : memref<40x640xf32, #tpu.memory_space<vmem>>, vector<1x16xf32>,
        %get3A_817 = vector.shape_cast %get3A_816 : vector<1x16xf32> to vector<16xf32>
        %add3A_818 = arith.addf %scan3A_763, %get3A_817 : vector<16xf32>
        %get3A_819 = arith.index_cast %scan3A_759 : i32 to index
        %get3A_820 = arith.constant 64 : index
        %get3A_821 = tpu.vector_load %arg6[%get3A_819, %get3A_820] {strides = array<i32>} : memref<40x640xf32, #tpu.memory_space<vmem>>, vector<1x16xf32>,
        %get3A_822 = vector.shape_cast %get3A_821 : vector<1x16xf32> to vector<16xf32>
        %add3A_823 = arith.addf %scan3A_764, %get3A_822 : vector<16xf32>
        %get3A_824 = arith.index_cast %scan3A_759 : i32 to index
        %get3A_825 = arith.constant 80 : index
        %get3A_826 = tpu.vector_load %arg6[%get3A_824, %get3A_825] {strides = array<i32>} : memref<40x640xf32, #tpu.memory_space<vmem>>, vector<1x16xf32>,
        %get3A_827 = vector.shape_cast %get3A_826 : vector<1x16xf32> to vector<16xf32>
        %add3A_828 = arith.addf %scan3A_765, %get3A_827 : vector<16xf32>
        %get3A_829 = arith.index_cast %scan3A_759 : i32 to index
        %get3A_830 = arith.constant 96 : index
        %get3A_831 = tpu.vector_load %arg6[%get3A_829, %get3A_830] {strides = array<i32>} : memref<40x640xf32, #tpu.memory_space<vmem>>, vector<1x16xf32>,
        %get3A_832 = vector.shape_cast %get3A_831 : vector<1x16xf32> to vector<16xf32>
        %add3A_833 = arith.addf %scan3A_766, %get3A_832 : vector<16xf32>
        %get3A_834 = arith.index_cast %scan3A_759 : i32 to index
        %get3A_835 = arith.constant 112 : index
        %get3A_836 = tpu.vector_load %arg6[%get3A_834, %get3A_835] {strides = array<i32>} : memref<40x640xf32, #tpu.memory_space<vmem>>, vector<1x16xf32>,
        %get3A_837 = vector.shape_cast %get3A_836 : vector<1x16xf32> to vector<16xf32>
        %add3A_838 = arith.addf %scan3A_767, %get3A_837 : vector<16xf32>
        %get3A_839 = arith.index_cast %scan3A_759 : i32 to index
        %get3A_840 = arith.constant 128 : index
        %get3A_841 = tpu.vector_load %arg6[%get3A_839, %get3A_840] {strides = array<i32>} : memref<40x640xf32, #tpu.memory_space<vmem>>, vector<1x16xf32>,
        %get3A_842 = vector.shape_cast %get3A_841 : vector<1x16xf32> to vector<16xf32>
        %add3A_843 = arith.addf %scan3A_768, %get3A_842 : vector<16xf32>
        %get3A_844 = arith.index_cast %scan3A_759 : i32 to index
        %get3A_845 = arith.constant 144 : index
        %get3A_846 = tpu.vector_load %arg6[%get3A_844, %get3A_845] {strides = array<i32>} : memref<40x640xf32, #tpu.memory_space<vmem>>, vector<1x16xf32>,
        %get3A_847 = vector.shape_cast %get3A_846 : vector<1x16xf32> to vector<16xf32>
        %add3A_848 = arith.addf %scan3A_769, %get3A_847 : vector<16xf32>
        %get3A_849 = arith.index_cast %scan3A_759 : i32 to index
        %get3A_850 = arith.constant 160 : index
        %get3A_851 = tpu.vector_load %arg6[%get3A_849, %get3A_850] {strides = array<i32>} : memref<40x640xf32, #tpu.memory_space<vmem>>, vector<1x16xf32>,
        %get3A_852 = vector.shape_cast %get3A_851 : vector<1x16xf32> to vector<16xf32>
        %add3A_853 = arith.addf %scan3A_770, %get3A_852 : vector<16xf32>
        %get3A_854 = arith.index_cast %scan3A_759 : i32 to index
        %get3A_855 = arith.constant 176 : index
        %get3A_856 = tpu.vector_load %arg6[%get3A_854, %get3A_855] {strides = array<i32>} : memref<40x640xf32, #tpu.memory_space<vmem>>, vector<1x16xf32>,
        %get3A_857 = vector.shape_cast %get3A_856 : vector<1x16xf32> to vector<16xf32>
        %add3A_858 = arith.addf %scan3A_771, %get3A_857 : vector<16xf32>
        %get3A_859 = arith.index_cast %scan3A_759 : i32 to index
        %get3A_860 = arith.constant 192 : index
        %get3A_861 = tpu.vector_load %arg6[%get3A_859, %get3A_860] {strides = array<i32>} : memref<40x640xf32, #tpu.memory_space<vmem>>, vector<1x16xf32>,
        %get3A_862 = vector.shape_cast %get3A_861 : vector<1x16xf32> to vector<16xf32>
        %add3A_863 = arith.addf %scan3A_772, %get3A_862 : vector<16xf32>
        %get3A_864 = arith.index_cast %scan3A_759 : i32 to index
        %get3A_865 = arith.constant 208 : index
        %get3A_866 = tpu.vector_load %arg6[%get3A_864, %get3A_865] {strides = array<i32>} : memref<40x640xf32, #tpu.memory_space<vmem>>, vector<1x16xf32>,
        %get3A_867 = vector.shape_cast %get3A_866 : vector<1x16xf32> to vector<16xf32>
        %add3A_868 = arith.addf %scan3A_773, %get3A_867 : vector<16xf32>
        %get3A_869 = arith.index_cast %scan3A_759 : i32 to index
        %get3A_870 = arith.constant 224 : index
        %get3A_871 = tpu.vector_load %arg6[%get3A_869, %get3A_870] {strides = array<i32>} : memref<40x640xf32, #tpu.memory_space<vmem>>, vector<1x16xf32>,
        %get3A_872 = vector.shape_cast %get3A_871 : vector<1x16xf32> to vector<16xf32>
        %add3A_873 = arith.addf %scan3A_774, %get3A_872 : vector<16xf32>
        %get3A_874 = arith.index_cast %scan3A_759 : i32 to index
        %get3A_875 = arith.constant 240 : index
        %get3A_876 = tpu.vector_load %arg6[%get3A_874, %get3A_875] {strides = array<i32>} : memref<40x640xf32, #tpu.memory_space<vmem>>, vector<1x16xf32>,
        %get3A_877 = vector.shape_cast %get3A_876 : vector<1x16xf32> to vector<16xf32>
        %add3A_878 = arith.addf %scan3A_775, %get3A_877 : vector<16xf32>
        %get3A_879 = arith.index_cast %scan3A_759 : i32 to index
        %get3A_880 = arith.constant 256 : index
        %get3A_881 = tpu.vector_load %arg6[%get3A_879, %get3A_880] {strides = array<i32>} : memref<40x640xf32, #tpu.memory_space<vmem>>, vector<1x16xf32>,
        %get3A_882 = vector.shape_cast %get3A_881 : vector<1x16xf32> to vector<16xf32>
        %add3A_883 = arith.addf %scan3A_776, %get3A_882 : vector<16xf32>
        %get3A_884 = arith.index_cast %scan3A_759 : i32 to index
        %get3A_885 = arith.constant 272 : index
        %get3A_886 = tpu.vector_load %arg6[%get3A_884, %get3A_885] {strides = array<i32>} : memref<40x640xf32, #tpu.memory_space<vmem>>, vector<1x16xf32>,
        %get3A_887 = vector.shape_cast %get3A_886 : vector<1x16xf32> to vector<16xf32>
        %add3A_888 = arith.addf %scan3A_777, %get3A_887 : vector<16xf32>
        %get3A_889 = arith.index_cast %scan3A_759 : i32 to index
        %get3A_890 = arith.constant 288 : index
        %get3A_891 = tpu.vector_load %arg6[%get3A_889, %get3A_890] {strides = array<i32>} : memref<40x640xf32, #tpu.memory_space<vmem>>, vector<1x16xf32>,
        %get3A_892 = vector.shape_cast %get3A_891 : vector<1x16xf32> to vector<16xf32>
        %add3A_893 = arith.addf %scan3A_778, %get3A_892 : vector<16xf32>
        %get3A_894 = arith.index_cast %scan3A_759 : i32 to index
        %get3A_895 = arith.constant 304 : index
        %get3A_896 = tpu.vector_load %arg6[%get3A_894, %get3A_895] {strides = array<i32>} : memref<40x640xf32, #tpu.memory_space<vmem>>, vector<1x16xf32>,
        %get3A_897 = vector.shape_cast %get3A_896 : vector<1x16xf32> to vector<16xf32>
        %add3A_898 = arith.addf %scan3A_779, %get3A_897 : vector<16xf32>
        %get3A_899 = arith.index_cast %scan3A_759 : i32 to index
        %get3A_900 = arith.constant 320 : index
        %get3A_901 = tpu.vector_load %arg6[%get3A_899, %get3A_900] {strides = array<i32>} : memref<40x640xf32, #tpu.memory_space<vmem>>, vector<1x16xf32>,
        %get3A_902 = vector.shape_cast %get3A_901 : vector<1x16xf32> to vector<16xf32>
        %add3A_903 = arith.addf %scan3A_780, %get3A_902 : vector<16xf32>
        %get3A_904 = arith.index_cast %scan3A_759 : i32 to index
        %get3A_905 = arith.constant 336 : index
        %get3A_906 = tpu.vector_load %arg6[%get3A_904, %get3A_905] {strides = array<i32>} : memref<40x640xf32, #tpu.memory_space<vmem>>, vector<1x16xf32>,
        %get3A_907 = vector.shape_cast %get3A_906 : vector<1x16xf32> to vector<16xf32>
        %add3A_908 = arith.addf %scan3A_781, %get3A_907 : vector<16xf32>
        %get3A_909 = arith.index_cast %scan3A_759 : i32 to index
        %get3A_910 = arith.constant 352 : index
        %get3A_911 = tpu.vector_load %arg6[%get3A_909, %get3A_910] {strides = array<i32>} : memref<40x640xf32, #tpu.memory_space<vmem>>, vector<1x16xf32>,
        %get3A_912 = vector.shape_cast %get3A_911 : vector<1x16xf32> to vector<16xf32>
        %add3A_913 = arith.addf %scan3A_782, %get3A_912 : vector<16xf32>
        %get3A_914 = arith.index_cast %scan3A_759 : i32 to index
        %get3A_915 = arith.constant 368 : index
        %get3A_916 = tpu.vector_load %arg6[%get3A_914, %get3A_915] {strides = array<i32>} : memref<40x640xf32, #tpu.memory_space<vmem>>, vector<1x16xf32>,
        %get3A_917 = vector.shape_cast %get3A_916 : vector<1x16xf32> to vector<16xf32>
        %add3A_918 = arith.addf %scan3A_783, %get3A_917 : vector<16xf32>
        %get3A_919 = arith.index_cast %scan3A_759 : i32 to index
        %get3A_920 = arith.constant 384 : index
        %get3A_921 = tpu.vector_load %arg6[%get3A_919, %get3A_920] {strides = array<i32>} : memref<40x640xf32, #tpu.memory_space<vmem>>, vector<1x16xf32>,
        %get3A_922 = vector.shape_cast %get3A_921 : vector<1x16xf32> to vector<16xf32>
        %add3A_923 = arith.addf %scan3A_784, %get3A_922 : vector<16xf32>
        %get3A_924 = arith.index_cast %scan3A_759 : i32 to index
        %get3A_925 = arith.constant 400 : index
        %get3A_926 = tpu.vector_load %arg6[%get3A_924, %get3A_925] {strides = array<i32>} : memref<40x640xf32, #tpu.memory_space<vmem>>, vector<1x16xf32>,
        %get3A_927 = vector.shape_cast %get3A_926 : vector<1x16xf32> to vector<16xf32>
        %add3A_928 = arith.addf %scan3A_785, %get3A_927 : vector<16xf32>
        %get3A_929 = arith.index_cast %scan3A_759 : i32 to index
        %get3A_930 = arith.constant 416 : index
        %get3A_931 = tpu.vector_load %arg6[%get3A_929, %get3A_930] {strides = array<i32>} : memref<40x640xf32, #tpu.memory_space<vmem>>, vector<1x16xf32>,
        %get3A_932 = vector.shape_cast %get3A_931 : vector<1x16xf32> to vector<16xf32>
        %add3A_933 = arith.addf %scan3A_786, %get3A_932 : vector<16xf32>
        %get3A_934 = arith.index_cast %scan3A_759 : i32 to index
        %get3A_935 = arith.constant 432 : index
        %get3A_936 = tpu.vector_load %arg6[%get3A_934, %get3A_935] {strides = array<i32>} : memref<40x640xf32, #tpu.memory_space<vmem>>, vector<1x16xf32>,
        %get3A_937 = vector.shape_cast %get3A_936 : vector<1x16xf32> to vector<16xf32>
        %add3A_938 = arith.addf %scan3A_787, %get3A_937 : vector<16xf32>
        %get3A_939 = arith.index_cast %scan3A_759 : i32 to index
        %get3A_940 = arith.constant 448 : index
        %get3A_941 = tpu.vector_load %arg6[%get3A_939, %get3A_940] {strides = array<i32>} : memref<40x640xf32, #tpu.memory_space<vmem>>, vector<1x16xf32>,
        %get3A_942 = vector.shape_cast %get3A_941 : vector<1x16xf32> to vector<16xf32>
        %add3A_943 = arith.addf %scan3A_788, %get3A_942 : vector<16xf32>
        %get3A_944 = arith.index_cast %scan3A_759 : i32 to index
        %get3A_945 = arith.constant 464 : index
        %get3A_946 = tpu.vector_load %arg6[%get3A_944, %get3A_945] {strides = array<i32>} : memref<40x640xf32, #tpu.memory_space<vmem>>, vector<1x16xf32>,
        %get3A_947 = vector.shape_cast %get3A_946 : vector<1x16xf32> to vector<16xf32>
        %add3A_948 = arith.addf %scan3A_789, %get3A_947 : vector<16xf32>
        %get3A_949 = arith.index_cast %scan3A_759 : i32 to index
        %get3A_950 = arith.constant 480 : index
        %get3A_951 = tpu.vector_load %arg6[%get3A_949, %get3A_950] {strides = array<i32>} : memref<40x640xf32, #tpu.memory_space<vmem>>, vector<1x16xf32>,
        %get3A_952 = vector.shape_cast %get3A_951 : vector<1x16xf32> to vector<16xf32>
        %add3A_953 = arith.addf %scan3A_790, %get3A_952 : vector<16xf32>
        %get3A_954 = arith.index_cast %scan3A_759 : i32 to index
        %get3A_955 = arith.constant 496 : index
        %get3A_956 = tpu.vector_load %arg6[%get3A_954, %get3A_955] {strides = array<i32>} : memref<40x640xf32, #tpu.memory_space<vmem>>, vector<1x16xf32>,
        %get3A_957 = vector.shape_cast %get3A_956 : vector<1x16xf32> to vector<16xf32>
        %add3A_958 = arith.addf %scan3A_791, %get3A_957 : vector<16xf32>
        %get3A_959 = arith.index_cast %scan3A_759 : i32 to index
        %get3A_960 = arith.constant 512 : index
        %get3A_961 = tpu.vector_load %arg6[%get3A_959, %get3A_960] {strides = array<i32>} : memref<40x640xf32, #tpu.memory_space<vmem>>, vector<1x16xf32>,
        %get3A_962 = vector.shape_cast %get3A_961 : vector<1x16xf32> to vector<16xf32>
        %add3A_963 = arith.addf %scan3A_792, %get3A_962 : vector<16xf32>
        %get3A_964 = arith.index_cast %scan3A_759 : i32 to index
        %get3A_965 = arith.constant 528 : index
        %get3A_966 = tpu.vector_load %arg6[%get3A_964, %get3A_965] {strides = array<i32>} : memref<40x640xf32, #tpu.memory_space<vmem>>, vector<1x16xf32>,
        %get3A_967 = vector.shape_cast %get3A_966 : vector<1x16xf32> to vector<16xf32>
        %add3A_968 = arith.addf %scan3A_793, %get3A_967 : vector<16xf32>
        %get3A_969 = arith.index_cast %scan3A_759 : i32 to index
        %get3A_970 = arith.constant 544 : index
        %get3A_971 = tpu.vector_load %arg6[%get3A_969, %get3A_970] {strides = array<i32>} : memref<40x640xf32, #tpu.memory_space<vmem>>, vector<1x16xf32>,
        %get3A_972 = vector.shape_cast %get3A_971 : vector<1x16xf32> to vector<16xf32>
        %add3A_973 = arith.addf %scan3A_794, %get3A_972 : vector<16xf32>
        %get3A_974 = arith.index_cast %scan3A_759 : i32 to index
        %get3A_975 = arith.constant 560 : index
        %get3A_976 = tpu.vector_load %arg6[%get3A_974, %get3A_975] {strides = array<i32>} : memref<40x640xf32, #tpu.memory_space<vmem>>, vector<1x16xf32>,
        %get3A_977 = vector.shape_cast %get3A_976 : vector<1x16xf32> to vector<16xf32>
        %add3A_978 = arith.addf %scan3A_795, %get3A_977 : vector<16xf32>
        %get3A_979 = arith.index_cast %scan3A_759 : i32 to index
        %get3A_980 = arith.constant 576 : index
        %get3A_981 = tpu.vector_load %arg6[%get3A_979, %get3A_980] {strides = array<i32>} : memref<40x640xf32, #tpu.memory_space<vmem>>, vector<1x16xf32>,
        %get3A_982 = vector.shape_cast %get3A_981 : vector<1x16xf32> to vector<16xf32>
        %add3A_983 = arith.addf %scan3A_796, %get3A_982 : vector<16xf32>
        %get3A_984 = arith.index_cast %scan3A_759 : i32 to index
        %get3A_985 = arith.constant 592 : index
        %get3A_986 = tpu.vector_load %arg6[%get3A_984, %get3A_985] {strides = array<i32>} : memref<40x640xf32, #tpu.memory_space<vmem>>, vector<1x16xf32>,
        %get3A_987 = vector.shape_cast %get3A_986 : vector<1x16xf32> to vector<16xf32>
        %add3A_988 = arith.addf %scan3A_797, %get3A_987 : vector<16xf32>
        %get3A_989 = arith.index_cast %scan3A_759 : i32 to index
        %get3A_990 = arith.constant 608 : index
        %get3A_991 = tpu.vector_load %arg6[%get3A_989, %get3A_990] {strides = array<i32>} : memref<40x640xf32, #tpu.memory_space<vmem>>, vector<1x16xf32>,
        %get3A_992 = vector.shape_cast %get3A_991 : vector<1x16xf32> to vector<16xf32>
        %add3A_993 = arith.addf %scan3A_798, %get3A_992 : vector<16xf32>
        %get3A_994 = arith.index_cast %scan3A_759 : i32 to index
        %get3A_995 = arith.constant 624 : index
        %get3A_996 = tpu.vector_load %arg6[%get3A_994, %get3A_995] {strides = array<i32>} : memref<40x640xf32, #tpu.memory_space<vmem>>, vector<1x16xf32>,
        %get3A_997 = vector.shape_cast %get3A_996 : vector<1x16xf32> to vector<16xf32>
        %add3A_998 = arith.addf %scan3A_799, %get3A_997 : vector<16xf32>
        scf.yield %add3A_803, %add3A_808, %add3A_813, %add3A_818, %add3A_823, %add3A_828, %add3A_833, %add3A_838, %add3A_843, %add3A_848, %add3A_853, %add3A_858, %add3A_863, %add3A_868, %add3A_873, %add3A_878, %add3A_883, %add3A_888, %add3A_893, %add3A_898, %add3A_903, %add3A_908, %add3A_913, %add3A_918, %add3A_923, %add3A_928, %add3A_933, %add3A_938, %add3A_943, %add3A_948, %add3A_953, %add3A_958, %add3A_963, %add3A_968, %add3A_973, %add3A_978, %add3A_983, %add3A_988, %add3A_993, %add3A_998 : vector<16xf32>, vector<16xf32>, vector<16xf32>, vector<16xf32>, vector<16xf32>, vector<16xf32>, vector<16xf32>, vector<16xf32>, vector<16xf32>, vector<16xf32>, vector<16xf32>, vector<16xf32>, vector<16xf32>, vector<16xf32>, vector<16xf32>, vector<16xf32>, vector<16xf32>, vector<16xf32>, vector<16xf32>, vector<16xf32>, vector<16xf32>, vector<16xf32>, vector<16xf32>, vector<16xf32>, vector<16xf32>, vector<16xf32>, vector<16xf32>, vector<16xf32>, vector<16xf32>, vector<16xf32>, vector<16xf32>, vector<16xf32>, vector<16xf32>, vector<16xf32>, vector<16xf32>, vector<16xf32>, vector<16xf32>, vector<16xf32>, vector<16xf32>, vector<16xf32>
      }
      %scan3A_158 = arith.constant 40 : i32
      %add3A_159 = arith.constant 2 : i32
      %add3A_160 = arith.addi %add3A_147, %add3A_159 : i32
      %lt3A = arith.constant 160 : i32
      %lt3A_161 = arith.cmpi slt, %add3A_160, %lt3A : i32
      %convert_element_type3A = arith.extui %lt3A_161 : i1 to i32
      %cond3A = arith.constant 0 : i32
      %cond3A_162 = arith.cmpi ne, %convert_element_type3A, %cond3A : i32
      scf.if %cond3A_162 {
        %add3A_759 = arith.constant 2 : i32
        %add3A_760 = arith.addi %add3A_147, %add3A_759 : i32
        %dma_start3A_761 = arith.constant 0 : i32
        %dma_start3A_762 = tpu.memref_slice %arg5[%add3A_760, %dma_start3A_761] : memref<160x40xi32, #tpu.memory_space<vmem>> -> memref<1x40xi32, #tpu.memory_space<vmem>>
        %dma_start3A_763 = tpu.memref_squeeze %dma_start3A_762 : memref<1x40xi32, #tpu.memory_space<vmem>> -> memref<40xi32, #tpu.memory_space<vmem>>
        %dma_start3A_764 = arith.constant 0 : i32
        %dma_start3A_765 = arith.constant 0 : i32
        %dma_start3A_766 = tpu.memref_slice %arg3[%dma_start3A_764, %dma_start3A_765] : memref<100000x640xf32, #tpu.memory_space<hbm>> -> memref<100000x640xf32, #tpu.memory_space<hbm>>
        tpu.enqueue_indirect_dma source(%dma_start3A_766 : memref<100000x640xf32, #tpu.memory_space<hbm>>) target(%arg6 : memref<40x640xf32, #tpu.memory_space<vmem>>) offsets(%dma_start3A_763 : memref<40xi32, #tpu.memory_space<vmem>>) semaphore(%arg9 : memref<!tpu.dma_semaphore, #tpu.memory_space<semaphore_mem>>)
      } else {
      }
      %add3A_163 = arith.constant 1 : i32
      %add3A_164 = arith.addi %mul3A_145, %add3A_163 : i32
      %dma_wait3A_165 = arith.constant 0 : i32
      %dma_wait3A_166 = tpu.memref_slice %arg5[%add3A_164, %dma_wait3A_165] : memref<160x40xi32, #tpu.memory_space<vmem>> -> memref<1x40xi32, #tpu.memory_space<vmem>>
      %dma_wait3A_167 = tpu.memref_squeeze %dma_wait3A_166 : memref<1x40xi32, #tpu.memory_space<vmem>> -> memref<40xi32, #tpu.memory_space<vmem>>
      %dma_wait3A_168 = arith.constant 0 : i32
      %dma_wait3A_169 = arith.constant 0 : i32
      %dma_wait3A_170 = tpu.memref_slice %arg3[%dma_wait3A_168, %dma_wait3A_169] : memref<100000x640xf32, #tpu.memory_space<hbm>> -> memref<100000x640xf32, #tpu.memory_space<hbm>>
      tpu.wait_indirect_dma semaphore(%arg10 : memref<!tpu.dma_semaphore, #tpu.memory_space<semaphore_mem>>) src(%dma_wait3A_170 : memref<100000x640xf32, #tpu.memory_space<hbm>>) dst(%arg7 : memref<40x640xf32, #tpu.memory_space<vmem>>)
      %scan3A_171 = arith.constant 0 : i32
      %scan3A_172 = arith.constant 40 : i32
      %scan3A_173 = arith.addi %scan3A_171, %scan3A_172 : i32
      %scan3A_174 = arith.constant 1 : i32
      %scan3A_175:40 = scf.for %scan3A_759 = %scan3A_171 to %scan3A_173 step %scan3A_174 iter_args(%scan3A_760 = %scan3A_157#0, %scan3A_761 = %scan3A_157#1, %scan3A_762 = %scan3A_157#2, %scan3A_763 = %scan3A_157#3, %scan3A_764 = %scan3A_157#4, %scan3A_765 = %scan3A_157#5, %scan3A_766 = %scan3A_157#6, %scan3A_767 = %scan3A_157#7, %scan3A_768 = %scan3A_157#8, %scan3A_769 = %scan3A_157#9, %scan3A_770 = %scan3A_157#10, %scan3A_771 = %scan3A_157#11, %scan3A_772 = %scan3A_157#12, %scan3A_773 = %scan3A_157#13, %scan3A_774 = %scan3A_157#14, %scan3A_775 = %scan3A_157#15, %scan3A_776 = %scan3A_157#16, %scan3A_777 = %scan3A_157#17, %scan3A_778 = %scan3A_157#18, %scan3A_779 = %scan3A_157#19, %scan3A_780 = %scan3A_157#20, %scan3A_781 = %scan3A_157#21, %scan3A_782 = %scan3A_157#22, %scan3A_783 = %scan3A_157#23, %scan3A_784 = %scan3A_157#24, %scan3A_785 = %scan3A_157#25, %scan3A_786 = %scan3A_157#26, %scan3A_787 = %scan3A_157#27, %scan3A_788 = %scan3A_157#28, %scan3A_789 = %scan3A_157#29, %scan3A_790 = %scan3A_157#30, %scan3A_791 = %scan3A_157#31, %scan3A_792 = %scan3A_157#32, %scan3A_793 = %scan3A_157#33, %scan3A_794 = %scan3A_157#34, %scan3A_795 = %scan3A_157#35, %scan3A_796 = %scan3A_157#36, %scan3A_797 = %scan3A_157#37, %scan3A_798 = %scan3A_157#38, %scan3A_799 = %scan3A_157#39) -> (vector<16xf32>, vector<16xf32>, vector<16xf32>, vector<16xf32>, vector<16xf32>, vector<16xf32>, vector<16xf32>, vector<16xf32>, vector<16xf32>, vector<16xf32>, vector<16xf32>, vector<16xf32>, vector<16xf32>, vector<16xf32>, vector<16xf32>, vector<16xf32>, vector<16xf32>, vector<16xf32>, vector<16xf32>, vector<16xf32>, vector<16xf32>, vector<16xf32>, vector<16xf32>, vector<16xf32>, vector<16xf32>, vector<16xf32>, vector<16xf32>, vector<16xf32>, vector<16xf32>, vector<16xf32>, vector<16xf32>, vector<16xf32>, vector<16xf32>, vector<16xf32>, vector<16xf32>, vector<16xf32>, vector<16xf32>, vector<16xf32>, vector<16xf32>, vector<16xf32>)  : i32 {
        %get3A = arith.index_cast %scan3A_759 : i32 to index
        %get3A_800 = arith.constant 0 : index
        %get3A_801 = tpu.vector_load %arg7[%get3A, %get3A_800] {strides = array<i32>} : memref<40x640xf32, #tpu.memory_space<vmem>>, vector<1x16xf32>,
        %get3A_802 = vector.shape_cast %get3A_801 : vector<1x16xf32> to vector<16xf32>
        %add3A_803 = arith.addf %scan3A_760, %get3A_802 : vector<16xf32>
        %get3A_804 = arith.index_cast %scan3A_759 : i32 to index
        %get3A_805 = arith.constant 16 : index
        %get3A_806 = tpu.vector_load %arg7[%get3A_804, %get3A_805] {strides = array<i32>} : memref<40x640xf32, #tpu.memory_space<vmem>>, vector<1x16xf32>,
        %get3A_807 = vector.shape_cast %get3A_806 : vector<1x16xf32> to vector<16xf32>
        %add3A_808 = arith.addf %scan3A_761, %get3A_807 : vector<16xf32>
        %get3A_809 = arith.index_cast %scan3A_759 : i32 to index
        %get3A_810 = arith.constant 32 : index
        %get3A_811 = tpu.vector_load %arg7[%get3A_809, %get3A_810] {strides = array<i32>} : memref<40x640xf32, #tpu.memory_space<vmem>>, vector<1x16xf32>,
        %get3A_812 = vector.shape_cast %get3A_811 : vector<1x16xf32> to vector<16xf32>
        %add3A_813 = arith.addf %scan3A_762, %get3A_812 : vector<16xf32>
        %get3A_814 = arith.index_cast %scan3A_759 : i32 to index
        %get3A_815 = arith.constant 48 : index
        %get3A_816 = tpu.vector_load %arg7[%get3A_814, %get3A_815] {strides = array<i32>} : memref<40x640xf32, #tpu.memory_space<vmem>>, vector<1x16xf32>,
        %get3A_817 = vector.shape_cast %get3A_816 : vector<1x16xf32> to vector<16xf32>
        %add3A_818 = arith.addf %scan3A_763, %get3A_817 : vector<16xf32>
        %get3A_819 = arith.index_cast %scan3A_759 : i32 to index
        %get3A_820 = arith.constant 64 : index
        %get3A_821 = tpu.vector_load %arg7[%get3A_819, %get3A_820] {strides = array<i32>} : memref<40x640xf32, #tpu.memory_space<vmem>>, vector<1x16xf32>,
        %get3A_822 = vector.shape_cast %get3A_821 : vector<1x16xf32> to vector<16xf32>
        %add3A_823 = arith.addf %scan3A_764, %get3A_822 : vector<16xf32>
        %get3A_824 = arith.index_cast %scan3A_759 : i32 to index
        %get3A_825 = arith.constant 80 : index
        %get3A_826 = tpu.vector_load %arg7[%get3A_824, %get3A_825] {strides = array<i32>} : memref<40x640xf32, #tpu.memory_space<vmem>>, vector<1x16xf32>,
        %get3A_827 = vector.shape_cast %get3A_826 : vector<1x16xf32> to vector<16xf32>
        %add3A_828 = arith.addf %scan3A_765, %get3A_827 : vector<16xf32>
        %get3A_829 = arith.index_cast %scan3A_759 : i32 to index
        %get3A_830 = arith.constant 96 : index
        %get3A_831 = tpu.vector_load %arg7[%get3A_829, %get3A_830] {strides = array<i32>} : memref<40x640xf32, #tpu.memory_space<vmem>>, vector<1x16xf32>,
        %get3A_832 = vector.shape_cast %get3A_831 : vector<1x16xf32> to vector<16xf32>
        %add3A_833 = arith.addf %scan3A_766, %get3A_832 : vector<16xf32>
        %get3A_834 = arith.index_cast %scan3A_759 : i32 to index
        %get3A_835 = arith.constant 112 : index
        %get3A_836 = tpu.vector_load %arg7[%get3A_834, %get3A_835] {strides = array<i32>} : memref<40x640xf32, #tpu.memory_space<vmem>>, vector<1x16xf32>,
        %get3A_837 = vector.shape_cast %get3A_836 : vector<1x16xf32> to vector<16xf32>
        %add3A_838 = arith.addf %scan3A_767, %get3A_837 : vector<16xf32>
        %get3A_839 = arith.index_cast %scan3A_759 : i32 to index
        %get3A_840 = arith.constant 128 : index
        %get3A_841 = tpu.vector_load %arg7[%get3A_839, %get3A_840] {strides = array<i32>} : memref<40x640xf32, #tpu.memory_space<vmem>>, vector<1x16xf32>,
        %get3A_842 = vector.shape_cast %get3A_841 : vector<1x16xf32> to vector<16xf32>
        %add3A_843 = arith.addf %scan3A_768, %get3A_842 : vector<16xf32>
        %get3A_844 = arith.index_cast %scan3A_759 : i32 to index
        %get3A_845 = arith.constant 144 : index
        %get3A_846 = tpu.vector_load %arg7[%get3A_844, %get3A_845] {strides = array<i32>} : memref<40x640xf32, #tpu.memory_space<vmem>>, vector<1x16xf32>,
        %get3A_847 = vector.shape_cast %get3A_846 : vector<1x16xf32> to vector<16xf32>
        %add3A_848 = arith.addf %scan3A_769, %get3A_847 : vector<16xf32>
        %get3A_849 = arith.index_cast %scan3A_759 : i32 to index
        %get3A_850 = arith.constant 160 : index
        %get3A_851 = tpu.vector_load %arg7[%get3A_849, %get3A_850] {strides = array<i32>} : memref<40x640xf32, #tpu.memory_space<vmem>>, vector<1x16xf32>,
        %get3A_852 = vector.shape_cast %get3A_851 : vector<1x16xf32> to vector<16xf32>
        %add3A_853 = arith.addf %scan3A_770, %get3A_852 : vector<16xf32>
        %get3A_854 = arith.index_cast %scan3A_759 : i32 to index
        %get3A_855 = arith.constant 176 : index
        %get3A_856 = tpu.vector_load %arg7[%get3A_854, %get3A_855] {strides = array<i32>} : memref<40x640xf32, #tpu.memory_space<vmem>>, vector<1x16xf32>,
        %get3A_857 = vector.shape_cast %get3A_856 : vector<1x16xf32> to vector<16xf32>
        %add3A_858 = arith.addf %scan3A_771, %get3A_857 : vector<16xf32>
        %get3A_859 = arith.index_cast %scan3A_759 : i32 to index
        %get3A_860 = arith.constant 192 : index
        %get3A_861 = tpu.vector_load %arg7[%get3A_859, %get3A_860] {strides = array<i32>} : memref<40x640xf32, #tpu.memory_space<vmem>>, vector<1x16xf32>,
        %get3A_862 = vector.shape_cast %get3A_861 : vector<1x16xf32> to vector<16xf32>
        %add3A_863 = arith.addf %scan3A_772, %get3A_862 : vector<16xf32>
        %get3A_864 = arith.index_cast %scan3A_759 : i32 to index
        %get3A_865 = arith.constant 208 : index
        %get3A_866 = tpu.vector_load %arg7[%get3A_864, %get3A_865] {strides = array<i32>} : memref<40x640xf32, #tpu.memory_space<vmem>>, vector<1x16xf32>,
        %get3A_867 = vector.shape_cast %get3A_866 : vector<1x16xf32> to vector<16xf32>
        %add3A_868 = arith.addf %scan3A_773, %get3A_867 : vector<16xf32>
        %get3A_869 = arith.index_cast %scan3A_759 : i32 to index
        %get3A_870 = arith.constant 224 : index
        %get3A_871 = tpu.vector_load %arg7[%get3A_869, %get3A_870] {strides = array<i32>} : memref<40x640xf32, #tpu.memory_space<vmem>>, vector<1x16xf32>,
        %get3A_872 = vector.shape_cast %get3A_871 : vector<1x16xf32> to vector<16xf32>
        %add3A_873 = arith.addf %scan3A_774, %get3A_872 : vector<16xf32>
        %get3A_874 = arith.index_cast %scan3A_759 : i32 to index
        %get3A_875 = arith.constant 240 : index
        %get3A_876 = tpu.vector_load %arg7[%get3A_874, %get3A_875] {strides = array<i32>} : memref<40x640xf32, #tpu.memory_space<vmem>>, vector<1x16xf32>,
        %get3A_877 = vector.shape_cast %get3A_876 : vector<1x16xf32> to vector<16xf32>
        %add3A_878 = arith.addf %scan3A_775, %get3A_877 : vector<16xf32>
        %get3A_879 = arith.index_cast %scan3A_759 : i32 to index
        %get3A_880 = arith.constant 256 : index
        %get3A_881 = tpu.vector_load %arg7[%get3A_879, %get3A_880] {strides = array<i32>} : memref<40x640xf32, #tpu.memory_space<vmem>>, vector<1x16xf32>,
        %get3A_882 = vector.shape_cast %get3A_881 : vector<1x16xf32> to vector<16xf32>
        %add3A_883 = arith.addf %scan3A_776, %get3A_882 : vector<16xf32>
        %get3A_884 = arith.index_cast %scan3A_759 : i32 to index
        %get3A_885 = arith.constant 272 : index
        %get3A_886 = tpu.vector_load %arg7[%get3A_884, %get3A_885] {strides = array<i32>} : memref<40x640xf32, #tpu.memory_space<vmem>>, vector<1x16xf32>,
        %get3A_887 = vector.shape_cast %get3A_886 : vector<1x16xf32> to vector<16xf32>
        %add3A_888 = arith.addf %scan3A_777, %get3A_887 : vector<16xf32>
        %get3A_889 = arith.index_cast %scan3A_759 : i32 to index
        %get3A_890 = arith.constant 288 : index
        %get3A_891 = tpu.vector_load %arg7[%get3A_889, %get3A_890] {strides = array<i32>} : memref<40x640xf32, #tpu.memory_space<vmem>>, vector<1x16xf32>,
        %get3A_892 = vector.shape_cast %get3A_891 : vector<1x16xf32> to vector<16xf32>
        %add3A_893 = arith.addf %scan3A_778, %get3A_892 : vector<16xf32>
        %get3A_894 = arith.index_cast %scan3A_759 : i32 to index
        %get3A_895 = arith.constant 304 : index
        %get3A_896 = tpu.vector_load %arg7[%get3A_894, %get3A_895] {strides = array<i32>} : memref<40x640xf32, #tpu.memory_space<vmem>>, vector<1x16xf32>,
        %get3A_897 = vector.shape_cast %get3A_896 : vector<1x16xf32> to vector<16xf32>
        %add3A_898 = arith.addf %scan3A_779, %get3A_897 : vector<16xf32>
        %get3A_899 = arith.index_cast %scan3A_759 : i32 to index
        %get3A_900 = arith.constant 320 : index
        %get3A_901 = tpu.vector_load %arg7[%get3A_899, %get3A_900] {strides = array<i32>} : memref<40x640xf32, #tpu.memory_space<vmem>>, vector<1x16xf32>,
        %get3A_902 = vector.shape_cast %get3A_901 : vector<1x16xf32> to vector<16xf32>
        %add3A_903 = arith.addf %scan3A_780, %get3A_902 : vector<16xf32>
        %get3A_904 = arith.index_cast %scan3A_759 : i32 to index
        %get3A_905 = arith.constant 336 : index
        %get3A_906 = tpu.vector_load %arg7[%get3A_904, %get3A_905] {strides = array<i32>} : memref<40x640xf32, #tpu.memory_space<vmem>>, vector<1x16xf32>,
        %get3A_907 = vector.shape_cast %get3A_906 : vector<1x16xf32> to vector<16xf32>
        %add3A_908 = arith.addf %scan3A_781, %get3A_907 : vector<16xf32>
        %get3A_909 = arith.index_cast %scan3A_759 : i32 to index
        %get3A_910 = arith.constant 352 : index
        %get3A_911 = tpu.vector_load %arg7[%get3A_909, %get3A_910] {strides = array<i32>} : memref<40x640xf32, #tpu.memory_space<vmem>>, vector<1x16xf32>,
        %get3A_912 = vector.shape_cast %get3A_911 : vector<1x16xf32> to vector<16xf32>
        %add3A_913 = arith.addf %scan3A_782, %get3A_912 : vector<16xf32>
        %get3A_914 = arith.index_cast %scan3A_759 : i32 to index
        %get3A_915 = arith.constant 368 : index
        %get3A_916 = tpu.vector_load %arg7[%get3A_914, %get3A_915] {strides = array<i32>} : memref<40x640xf32, #tpu.memory_space<vmem>>, vector<1x16xf32>,
        %get3A_917 = vector.shape_cast %get3A_916 : vector<1x16xf32> to vector<16xf32>
        %add3A_918 = arith.addf %scan3A_783, %get3A_917 : vector<16xf32>
        %get3A_919 = arith.index_cast %scan3A_759 : i32 to index
        %get3A_920 = arith.constant 384 : index
        %get3A_921 = tpu.vector_load %arg7[%get3A_919, %get3A_920] {strides = array<i32>} : memref<40x640xf32, #tpu.memory_space<vmem>>, vector<1x16xf32>,
        %get3A_922 = vector.shape_cast %get3A_921 : vector<1x16xf32> to vector<16xf32>
        %add3A_923 = arith.addf %scan3A_784, %get3A_922 : vector<16xf32>
        %get3A_924 = arith.index_cast %scan3A_759 : i32 to index
        %get3A_925 = arith.constant 400 : index
        %get3A_926 = tpu.vector_load %arg7[%get3A_924, %get3A_925] {strides = array<i32>} : memref<40x640xf32, #tpu.memory_space<vmem>>, vector<1x16xf32>,
        %get3A_927 = vector.shape_cast %get3A_926 : vector<1x16xf32> to vector<16xf32>
        %add3A_928 = arith.addf %scan3A_785, %get3A_927 : vector<16xf32>
        %get3A_929 = arith.index_cast %scan3A_759 : i32 to index
        %get3A_930 = arith.constant 416 : index
        %get3A_931 = tpu.vector_load %arg7[%get3A_929, %get3A_930] {strides = array<i32>} : memref<40x640xf32, #tpu.memory_space<vmem>>, vector<1x16xf32>,
        %get3A_932 = vector.shape_cast %get3A_931 : vector<1x16xf32> to vector<16xf32>
        %add3A_933 = arith.addf %scan3A_786, %get3A_932 : vector<16xf32>
        %get3A_934 = arith.index_cast %scan3A_759 : i32 to index
        %get3A_935 = arith.constant 432 : index
        %get3A_936 = tpu.vector_load %arg7[%get3A_934, %get3A_935] {strides = array<i32>} : memref<40x640xf32, #tpu.memory_space<vmem>>, vector<1x16xf32>,
        %get3A_937 = vector.shape_cast %get3A_936 : vector<1x16xf32> to vector<16xf32>
        %add3A_938 = arith.addf %scan3A_787, %get3A_937 : vector<16xf32>
        %get3A_939 = arith.index_cast %scan3A_759 : i32 to index
        %get3A_940 = arith.constant 448 : index
        %get3A_941 = tpu.vector_load %arg7[%get3A_939, %get3A_940] {strides = array<i32>} : memref<40x640xf32, #tpu.memory_space<vmem>>, vector<1x16xf32>,
        %get3A_942 = vector.shape_cast %get3A_941 : vector<1x16xf32> to vector<16xf32>
        %add3A_943 = arith.addf %scan3A_788, %get3A_942 : vector<16xf32>
        %get3A_944 = arith.index_cast %scan3A_759 : i32 to index
        %get3A_945 = arith.constant 464 : index
        %get3A_946 = tpu.vector_load %arg7[%get3A_944, %get3A_945] {strides = array<i32>} : memref<40x640xf32, #tpu.memory_space<vmem>>, vector<1x16xf32>,
        %get3A_947 = vector.shape_cast %get3A_946 : vector<1x16xf32> to vector<16xf32>
        %add3A_948 = arith.addf %scan3A_789, %get3A_947 : vector<16xf32>
        %get3A_949 = arith.index_cast %scan3A_759 : i32 to index
        %get3A_950 = arith.constant 480 : index
        %get3A_951 = tpu.vector_load %arg7[%get3A_949, %get3A_950] {strides = array<i32>} : memref<40x640xf32, #tpu.memory_space<vmem>>, vector<1x16xf32>,
        %get3A_952 = vector.shape_cast %get3A_951 : vector<1x16xf32> to vector<16xf32>
        %add3A_953 = arith.addf %scan3A_790, %get3A_952 : vector<16xf32>
        %get3A_954 = arith.index_cast %scan3A_759 : i32 to index
        %get3A_955 = arith.constant 496 : index
        %get3A_956 = tpu.vector_load %arg7[%get3A_954, %get3A_955] {strides = array<i32>} : memref<40x640xf32, #tpu.memory_space<vmem>>, vector<1x16xf32>,
        %get3A_957 = vector.shape_cast %get3A_956 : vector<1x16xf32> to vector<16xf32>
        %add3A_958 = arith.addf %scan3A_791, %get3A_957 : vector<16xf32>
        %get3A_959 = arith.index_cast %scan3A_759 : i32 to index
        %get3A_960 = arith.constant 512 : index
        %get3A_961 = tpu.vector_load %arg7[%get3A_959, %get3A_960] {strides = array<i32>} : memref<40x640xf32, #tpu.memory_space<vmem>>, vector<1x16xf32>,
        %get3A_962 = vector.shape_cast %get3A_961 : vector<1x16xf32> to vector<16xf32>
        %add3A_963 = arith.addf %scan3A_792, %get3A_962 : vector<16xf32>
        %get3A_964 = arith.index_cast %scan3A_759 : i32 to index
        %get3A_965 = arith.constant 528 : index
        %get3A_966 = tpu.vector_load %arg7[%get3A_964, %get3A_965] {strides = array<i32>} : memref<40x640xf32, #tpu.memory_space<vmem>>, vector<1x16xf32>,
        %get3A_967 = vector.shape_cast %get3A_966 : vector<1x16xf32> to vector<16xf32>
        %add3A_968 = arith.addf %scan3A_793, %get3A_967 : vector<16xf32>
        %get3A_969 = arith.index_cast %scan3A_759 : i32 to index
        %get3A_970 = arith.constant 544 : index
        %get3A_971 = tpu.vector_load %arg7[%get3A_969, %get3A_970] {strides = array<i32>} : memref<40x640xf32, #tpu.memory_space<vmem>>, vector<1x16xf32>,
        %get3A_972 = vector.shape_cast %get3A_971 : vector<1x16xf32> to vector<16xf32>
        %add3A_973 = arith.addf %scan3A_794, %get3A_972 : vector<16xf32>
        %get3A_974 = arith.index_cast %scan3A_759 : i32 to index
        %get3A_975 = arith.constant 560 : index
        %get3A_976 = tpu.vector_load %arg7[%get3A_974, %get3A_975] {strides = array<i32>} : memref<40x640xf32, #tpu.memory_space<vmem>>, vector<1x16xf32>,
        %get3A_977 = vector.shape_cast %get3A_976 : vector<1x16xf32> to vector<16xf32>
        %add3A_978 = arith.addf %scan3A_795, %get3A_977 : vector<16xf32>
        %get3A_979 = arith.index_cast %scan3A_759 : i32 to index
        %get3A_980 = arith.constant 576 : index
        %get3A_981 = tpu.vector_load %arg7[%get3A_979, %get3A_980] {strides = array<i32>} : memref<40x640xf32, #tpu.memory_space<vmem>>, vector<1x16xf32>,
        %get3A_982 = vector.shape_cast %get3A_981 : vector<1x16xf32> to vector<16xf32>
        %add3A_983 = arith.addf %scan3A_796, %get3A_982 : vector<16xf32>
        %get3A_984 = arith.index_cast %scan3A_759 : i32 to index
        %get3A_985 = arith.constant 592 : index
        %get3A_986 = tpu.vector_load %arg7[%get3A_984, %get3A_985] {strides = array<i32>} : memref<40x640xf32, #tpu.memory_space<vmem>>, vector<1x16xf32>,
        %get3A_987 = vector.shape_cast %get3A_986 : vector<1x16xf32> to vector<16xf32>
        %add3A_988 = arith.addf %scan3A_797, %get3A_987 : vector<16xf32>
        %get3A_989 = arith.index_cast %scan3A_759 : i32 to index
        %get3A_990 = arith.constant 608 : index
        %get3A_991 = tpu.vector_load %arg7[%get3A_989, %get3A_990] {strides = array<i32>} : memref<40x640xf32, #tpu.memory_space<vmem>>, vector<1x16xf32>,
        %get3A_992 = vector.shape_cast %get3A_991 : vector<1x16xf32> to vector<16xf32>
        %add3A_993 = arith.addf %scan3A_798, %get3A_992 : vector<16xf32>
        %get3A_994 = arith.index_cast %scan3A_759 : i32 to index
        %get3A_995 = arith.constant 624 : index
        %get3A_996 = tpu.vector_load %arg7[%get3A_994, %get3A_995] {strides = array<i32>} : memref<40x640xf32, #tpu.memory_space<vmem>>, vector<1x16xf32>,
        %get3A_997 = vector.shape_cast %get3A_996 : vector<1x16xf32> to vector<16xf32>
        %add3A_998 = arith.addf %scan3A_799, %get3A_997 : vector<16xf32>
        scf.yield %add3A_803, %add3A_808, %add3A_813, %add3A_818, %add3A_823, %add3A_828, %add3A_833, %add3A_838, %add3A_843, %add3A_848, %add3A_853, %add3A_858, %add3A_863, %add3A_868, %add3A_873, %add3A_878, %add3A_883, %add3A_888, %add3A_893, %add3A_898, %add3A_903, %add3A_908, %add3A_913, %add3A_918, %add3A_923, %add3A_928, %add3A_933, %add3A_938, %add3A_943, %add3A_948, %add3A_953, %add3A_958, %add3A_963, %add3A_968, %add3A_973, %add3A_978, %add3A_983, %add3A_988, %add3A_993, %add3A_998 : vector<16xf32>, vector<16xf32>, vector<16xf32>, vector<16xf32>, vector<16xf32>, vector<16xf32>, vector<16xf32>, vector<16xf32>, vector<16xf32>, vector<16xf32>, vector<16xf32>, vector<16xf32>, vector<16xf32>, vector<16xf32>, vector<16xf32>, vector<16xf32>, vector<16xf32>, vector<16xf32>, vector<16xf32>, vector<16xf32>, vector<16xf32>, vector<16xf32>, vector<16xf32>, vector<16xf32>, vector<16xf32>, vector<16xf32>, vector<16xf32>, vector<16xf32>, vector<16xf32>, vector<16xf32>, vector<16xf32>, vector<16xf32>, vector<16xf32>, vector<16xf32>, vector<16xf32>, vector<16xf32>, vector<16xf32>, vector<16xf32>, vector<16xf32>, vector<16xf32>
      }
      %scan3A_176 = arith.constant 40 : i32
      %add3A_177 = arith.constant 2 : i32
      %add3A_178 = arith.addi %add3A_164, %add3A_177 : i32
      %lt3A_179 = arith.constant 160 : i32
      %lt3A_180 = arith.cmpi slt, %add3A_178, %lt3A_179 : i32
      %convert_element_type3A_181 = arith.extui %lt3A_180 : i1 to i32
      %cond3A_182 = arith.constant 0 : i32
      %cond3A_183 = arith.cmpi ne, %convert_element_type3A_181, %cond3A_182 : i32
      scf.if %cond3A_183 {
        %add3A_759 = arith.constant 2 : i32
        %add3A_760 = arith.addi %add3A_164, %add3A_759 : i32
        %dma_start3A_761 = arith.constant 0 : i32
        %dma_start3A_762 = tpu.memref_slice %arg5[%add3A_760, %dma_start3A_761] : memref<160x40xi32, #tpu.memory_space<vmem>> -> memref<1x40xi32, #tpu.memory_space<vmem>>
        %dma_start3A_763 = tpu.memref_squeeze %dma_start3A_762 : memref<1x40xi32, #tpu.memory_space<vmem>> -> memref<40xi32, #tpu.memory_space<vmem>>
        %dma_start3A_764 = arith.constant 0 : i32
        %dma_start3A_765 = arith.constant 0 : i32
        %dma_start3A_766 = tpu.memref_slice %arg3[%dma_start3A_764, %dma_start3A_765] : memref<100000x640xf32, #tpu.memory_space<hbm>> -> memref<100000x640xf32, #tpu.memory_space<hbm>>
        tpu.enqueue_indirect_dma source(%dma_start3A_766 : memref<100000x640xf32, #tpu.memory_space<hbm>>) target(%arg7 : memref<40x640xf32, #tpu.memory_space<vmem>>) offsets(%dma_start3A_763 : memref<40xi32, #tpu.memory_space<vmem>>) semaphore(%arg10 : memref<!tpu.dma_semaphore, #tpu.memory_space<semaphore_mem>>)
      } else {
      }
      %add3A_184 = arith.constant 2 : i32
      %add3A_185 = arith.addi %mul3A_145, %add3A_184 : i32
      %dma_wait3A_186 = arith.constant 0 : i32
      %dma_wait3A_187 = tpu.memref_slice %arg5[%add3A_185, %dma_wait3A_186] : memref<160x40xi32, #tpu.memory_space<vmem>> -> memref<1x40xi32, #tpu.memory_space<vmem>>
      %dma_wait3A_188 = tpu.memref_squeeze %dma_wait3A_187 : memref<1x40xi32, #tpu.memory_space<vmem>> -> memref<40xi32, #tpu.memory_space<vmem>>
      %dma_wait3A_189 = arith.constant 0 : i32
      %dma_wait3A_190 = arith.constant 0 : i32
      %dma_wait3A_191 = tpu.memref_slice %arg3[%dma_wait3A_189, %dma_wait3A_190] : memref<100000x640xf32, #tpu.memory_space<hbm>> -> memref<100000x640xf32, #tpu.memory_space<hbm>>
      tpu.wait_indirect_dma semaphore(%arg9 : memref<!tpu.dma_semaphore, #tpu.memory_space<semaphore_mem>>) src(%dma_wait3A_191 : memref<100000x640xf32, #tpu.memory_space<hbm>>) dst(%arg6 : memref<40x640xf32, #tpu.memory_space<vmem>>)
      %scan3A_192 = arith.constant 0 : i32
      %scan3A_193 = arith.constant 40 : i32
      %scan3A_194 = arith.addi %scan3A_192, %scan3A_193 : i32
      %scan3A_195 = arith.constant 1 : i32
      %scan3A_196:40 = scf.for %scan3A_759 = %scan3A_192 to %scan3A_194 step %scan3A_195 iter_args(%scan3A_760 = %scan3A_175#0, %scan3A_761 = %scan3A_175#1, %scan3A_762 = %scan3A_175#2, %scan3A_763 = %scan3A_175#3, %scan3A_764 = %scan3A_175#4, %scan3A_765 = %scan3A_175#5, %scan3A_766 = %scan3A_175#6, %scan3A_767 = %scan3A_175#7, %scan3A_768 = %scan3A_175#8, %scan3A_769 = %scan3A_175#9, %scan3A_770 = %scan3A_175#10, %scan3A_771 = %scan3A_175#11, %scan3A_772 = %scan3A_175#12, %scan3A_773 = %scan3A_175#13, %scan3A_774 = %scan3A_175#14, %scan3A_775 = %scan3A_175#15, %scan3A_776 = %scan3A_175#16, %scan3A_777 = %scan3A_175#17, %scan3A_778 = %scan3A_175#18, %scan3A_779 = %scan3A_175#19, %scan3A_780 = %scan3A_175#20, %scan3A_781 = %scan3A_175#21, %scan3A_782 = %scan3A_175#22, %scan3A_783 = %scan3A_175#23, %scan3A_784 = %scan3A_175#24, %scan3A_785 = %scan3A_175#25, %scan3A_786 = %scan3A_175#26, %scan3A_787 = %scan3A_175#27, %scan3A_788 = %scan3A_175#28, %scan3A_789 = %scan3A_175#29, %scan3A_790 = %scan3A_175#30, %scan3A_791 = %scan3A_175#31, %scan3A_792 = %scan3A_175#32, %scan3A_793 = %scan3A_175#33, %scan3A_794 = %scan3A_175#34, %scan3A_795 = %scan3A_175#35, %scan3A_796 = %scan3A_175#36, %scan3A_797 = %scan3A_175#37, %scan3A_798 = %scan3A_175#38, %scan3A_799 = %scan3A_175#39) -> (vector<16xf32>, vector<16xf32>, vector<16xf32>, vector<16xf32>, vector<16xf32>, vector<16xf32>, vector<16xf32>, vector<16xf32>, vector<16xf32>, vector<16xf32>, vector<16xf32>, vector<16xf32>, vector<16xf32>, vector<16xf32>, vector<16xf32>, vector<16xf32>, vector<16xf32>, vector<16xf32>, vector<16xf32>, vector<16xf32>, vector<16xf32>, vector<16xf32>, vector<16xf32>, vector<16xf32>, vector<16xf32>, vector<16xf32>, vector<16xf32>, vector<16xf32>, vector<16xf32>, vector<16xf32>, vector<16xf32>, vector<16xf32>, vector<16xf32>, vector<16xf32>, vector<16xf32>, vector<16xf32>, vector<16xf32>, vector<16xf32>, vector<16xf32>, vector<16xf32>)  : i32 {
        %get3A = arith.index_cast %scan3A_759 : i32 to index
        %get3A_800 = arith.constant 0 : index
        %get3A_801 = tpu.vector_load %arg6[%get3A, %get3A_800] {strides = array<i32>} : memref<40x640xf32, #tpu.memory_space<vmem>>, vector<1x16xf32>,
        %get3A_802 = vector.shape_cast %get3A_801 : vector<1x16xf32> to vector<16xf32>
        %add3A_803 = arith.addf %scan3A_760, %get3A_802 : vector<16xf32>
        %get3A_804 = arith.index_cast %scan3A_759 : i32 to index
        %get3A_805 = arith.constant 16 : index
        %get3A_806 = tpu.vector_load %arg6[%get3A_804, %get3A_805] {strides = array<i32>} : memref<40x640xf32, #tpu.memory_space<vmem>>, vector<1x16xf32>,
        %get3A_807 = vector.shape_cast %get3A_806 : vector<1x16xf32> to vector<16xf32>
        %add3A_808 = arith.addf %scan3A_761, %get3A_807 : vector<16xf32>
        %get3A_809 = arith.index_cast %scan3A_759 : i32 to index
        %get3A_810 = arith.constant 32 : index
        %get3A_811 = tpu.vector_load %arg6[%get3A_809, %get3A_810] {strides = array<i32>} : memref<40x640xf32, #tpu.memory_space<vmem>>, vector<1x16xf32>,
        %get3A_812 = vector.shape_cast %get3A_811 : vector<1x16xf32> to vector<16xf32>
        %add3A_813 = arith.addf %scan3A_762, %get3A_812 : vector<16xf32>
        %get3A_814 = arith.index_cast %scan3A_759 : i32 to index
        %get3A_815 = arith.constant 48 : index
        %get3A_816 = tpu.vector_load %arg6[%get3A_814, %get3A_815] {strides = array<i32>} : memref<40x640xf32, #tpu.memory_space<vmem>>, vector<1x16xf32>,
        %get3A_817 = vector.shape_cast %get3A_816 : vector<1x16xf32> to vector<16xf32>
        %add3A_818 = arith.addf %scan3A_763, %get3A_817 : vector<16xf32>
        %get3A_819 = arith.index_cast %scan3A_759 : i32 to index
        %get3A_820 = arith.constant 64 : index
        %get3A_821 = tpu.vector_load %arg6[%get3A_819, %get3A_820] {strides = array<i32>} : memref<40x640xf32, #tpu.memory_space<vmem>>, vector<1x16xf32>,
        %get3A_822 = vector.shape_cast %get3A_821 : vector<1x16xf32> to vector<16xf32>
        %add3A_823 = arith.addf %scan3A_764, %get3A_822 : vector<16xf32>
        %get3A_824 = arith.index_cast %scan3A_759 : i32 to index
        %get3A_825 = arith.constant 80 : index
        %get3A_826 = tpu.vector_load %arg6[%get3A_824, %get3A_825] {strides = array<i32>} : memref<40x640xf32, #tpu.memory_space<vmem>>, vector<1x16xf32>,
        %get3A_827 = vector.shape_cast %get3A_826 : vector<1x16xf32> to vector<16xf32>
        %add3A_828 = arith.addf %scan3A_765, %get3A_827 : vector<16xf32>
        %get3A_829 = arith.index_cast %scan3A_759 : i32 to index
        %get3A_830 = arith.constant 96 : index
        %get3A_831 = tpu.vector_load %arg6[%get3A_829, %get3A_830] {strides = array<i32>} : memref<40x640xf32, #tpu.memory_space<vmem>>, vector<1x16xf32>,
        %get3A_832 = vector.shape_cast %get3A_831 : vector<1x16xf32> to vector<16xf32>
        %add3A_833 = arith.addf %scan3A_766, %get3A_832 : vector<16xf32>
        %get3A_834 = arith.index_cast %scan3A_759 : i32 to index
        %get3A_835 = arith.constant 112 : index
        %get3A_836 = tpu.vector_load %arg6[%get3A_834, %get3A_835] {strides = array<i32>} : memref<40x640xf32, #tpu.memory_space<vmem>>, vector<1x16xf32>,
        %get3A_837 = vector.shape_cast %get3A_836 : vector<1x16xf32> to vector<16xf32>
        %add3A_838 = arith.addf %scan3A_767, %get3A_837 : vector<16xf32>
        %get3A_839 = arith.index_cast %scan3A_759 : i32 to index
        %get3A_840 = arith.constant 128 : index
        %get3A_841 = tpu.vector_load %arg6[%get3A_839, %get3A_840] {strides = array<i32>} : memref<40x640xf32, #tpu.memory_space<vmem>>, vector<1x16xf32>,
        %get3A_842 = vector.shape_cast %get3A_841 : vector<1x16xf32> to vector<16xf32>
        %add3A_843 = arith.addf %scan3A_768, %get3A_842 : vector<16xf32>
        %get3A_844 = arith.index_cast %scan3A_759 : i32 to index
        %get3A_845 = arith.constant 144 : index
        %get3A_846 = tpu.vector_load %arg6[%get3A_844, %get3A_845] {strides = array<i32>} : memref<40x640xf32, #tpu.memory_space<vmem>>, vector<1x16xf32>,
        %get3A_847 = vector.shape_cast %get3A_846 : vector<1x16xf32> to vector<16xf32>
        %add3A_848 = arith.addf %scan3A_769, %get3A_847 : vector<16xf32>
        %get3A_849 = arith.index_cast %scan3A_759 : i32 to index
        %get3A_850 = arith.constant 160 : index
        %get3A_851 = tpu.vector_load %arg6[%get3A_849, %get3A_850] {strides = array<i32>} : memref<40x640xf32, #tpu.memory_space<vmem>>, vector<1x16xf32>,
        %get3A_852 = vector.shape_cast %get3A_851 : vector<1x16xf32> to vector<16xf32>
        %add3A_853 = arith.addf %scan3A_770, %get3A_852 : vector<16xf32>
        %get3A_854 = arith.index_cast %scan3A_759 : i32 to index
        %get3A_855 = arith.constant 176 : index
        %get3A_856 = tpu.vector_load %arg6[%get3A_854, %get3A_855] {strides = array<i32>} : memref<40x640xf32, #tpu.memory_space<vmem>>, vector<1x16xf32>,
        %get3A_857 = vector.shape_cast %get3A_856 : vector<1x16xf32> to vector<16xf32>
        %add3A_858 = arith.addf %scan3A_771, %get3A_857 : vector<16xf32>
        %get3A_859 = arith.index_cast %scan3A_759 : i32 to index
        %get3A_860 = arith.constant 192 : index
        %get3A_861 = tpu.vector_load %arg6[%get3A_859, %get3A_860] {strides = array<i32>} : memref<40x640xf32, #tpu.memory_space<vmem>>, vector<1x16xf32>,
        %get3A_862 = vector.shape_cast %get3A_861 : vector<1x16xf32> to vector<16xf32>
        %add3A_863 = arith.addf %scan3A_772, %get3A_862 : vector<16xf32>
        %get3A_864 = arith.index_cast %scan3A_759 : i32 to index
        %get3A_865 = arith.constant 208 : index
        %get3A_866 = tpu.vector_load %arg6[%get3A_864, %get3A_865] {strides = array<i32>} : memref<40x640xf32, #tpu.memory_space<vmem>>, vector<1x16xf32>,
        %get3A_867 = vector.shape_cast %get3A_866 : vector<1x16xf32> to vector<16xf32>
        %add3A_868 = arith.addf %scan3A_773, %get3A_867 : vector<16xf32>
        %get3A_869 = arith.index_cast %scan3A_759 : i32 to index
        %get3A_870 = arith.constant 224 : index
        %get3A_871 = tpu.vector_load %arg6[%get3A_869, %get3A_870] {strides = array<i32>} : memref<40x640xf32, #tpu.memory_space<vmem>>, vector<1x16xf32>,
        %get3A_872 = vector.shape_cast %get3A_871 : vector<1x16xf32> to vector<16xf32>
        %add3A_873 = arith.addf %scan3A_774, %get3A_872 : vector<16xf32>
        %get3A_874 = arith.index_cast %scan3A_759 : i32 to index
        %get3A_875 = arith.constant 240 : index
        %get3A_876 = tpu.vector_load %arg6[%get3A_874, %get3A_875] {strides = array<i32>} : memref<40x640xf32, #tpu.memory_space<vmem>>, vector<1x16xf32>,
        %get3A_877 = vector.shape_cast %get3A_876 : vector<1x16xf32> to vector<16xf32>
        %add3A_878 = arith.addf %scan3A_775, %get3A_877 : vector<16xf32>
        %get3A_879 = arith.index_cast %scan3A_759 : i32 to index
        %get3A_880 = arith.constant 256 : index
        %get3A_881 = tpu.vector_load %arg6[%get3A_879, %get3A_880] {strides = array<i32>} : memref<40x640xf32, #tpu.memory_space<vmem>>, vector<1x16xf32>,
        %get3A_882 = vector.shape_cast %get3A_881 : vector<1x16xf32> to vector<16xf32>
        %add3A_883 = arith.addf %scan3A_776, %get3A_882 : vector<16xf32>
        %get3A_884 = arith.index_cast %scan3A_759 : i32 to index
        %get3A_885 = arith.constant 272 : index
        %get3A_886 = tpu.vector_load %arg6[%get3A_884, %get3A_885] {strides = array<i32>} : memref<40x640xf32, #tpu.memory_space<vmem>>, vector<1x16xf32>,
        %get3A_887 = vector.shape_cast %get3A_886 : vector<1x16xf32> to vector<16xf32>
        %add3A_888 = arith.addf %scan3A_777, %get3A_887 : vector<16xf32>
        %get3A_889 = arith.index_cast %scan3A_759 : i32 to index
        %get3A_890 = arith.constant 288 : index
        %get3A_891 = tpu.vector_load %arg6[%get3A_889, %get3A_890] {strides = array<i32>} : memref<40x640xf32, #tpu.memory_space<vmem>>, vector<1x16xf32>,
        %get3A_892 = vector.shape_cast %get3A_891 : vector<1x16xf32> to vector<16xf32>
        %add3A_893 = arith.addf %scan3A_778, %get3A_892 : vector<16xf32>
        %get3A_894 = arith.index_cast %scan3A_759 : i32 to index
        %get3A_895 = arith.constant 304 : index
        %get3A_896 = tpu.vector_load %arg6[%get3A_894, %get3A_895] {strides = array<i32>} : memref<40x640xf32, #tpu.memory_space<vmem>>, vector<1x16xf32>,
        %get3A_897 = vector.shape_cast %get3A_896 : vector<1x16xf32> to vector<16xf32>
        %add3A_898 = arith.addf %scan3A_779, %get3A_897 : vector<16xf32>
        %get3A_899 = arith.index_cast %scan3A_759 : i32 to index
        %get3A_900 = arith.constant 320 : index
        %get3A_901 = tpu.vector_load %arg6[%get3A_899, %get3A_900] {strides = array<i32>} : memref<40x640xf32, #tpu.memory_space<vmem>>, vector<1x16xf32>,
        %get3A_902 = vector.shape_cast %get3A_901 : vector<1x16xf32> to vector<16xf32>
        %add3A_903 = arith.addf %scan3A_780, %get3A_902 : vector<16xf32>
        %get3A_904 = arith.index_cast %scan3A_759 : i32 to index
        %get3A_905 = arith.constant 336 : index
        %get3A_906 = tpu.vector_load %arg6[%get3A_904, %get3A_905] {strides = array<i32>} : memref<40x640xf32, #tpu.memory_space<vmem>>, vector<1x16xf32>,
        %get3A_907 = vector.shape_cast %get3A_906 : vector<1x16xf32> to vector<16xf32>
        %add3A_908 = arith.addf %scan3A_781, %get3A_907 : vector<16xf32>
        %get3A_909 = arith.index_cast %scan3A_759 : i32 to index
        %get3A_910 = arith.constant 352 : index
        %get3A_911 = tpu.vector_load %arg6[%get3A_909, %get3A_910] {strides = array<i32>} : memref<40x640xf32, #tpu.memory_space<vmem>>, vector<1x16xf32>,
        %get3A_912 = vector.shape_cast %get3A_911 : vector<1x16xf32> to vector<16xf32>
        %add3A_913 = arith.addf %scan3A_782, %get3A_912 : vector<16xf32>
        %get3A_914 = arith.index_cast %scan3A_759 : i32 to index
        %get3A_915 = arith.constant 368 : index
        %get3A_916 = tpu.vector_load %arg6[%get3A_914, %get3A_915] {strides = array<i32>} : memref<40x640xf32, #tpu.memory_space<vmem>>, vector<1x16xf32>,
        %get3A_917 = vector.shape_cast %get3A_916 : vector<1x16xf32> to vector<16xf32>
        %add3A_918 = arith.addf %scan3A_783, %get3A_917 : vector<16xf32>
        %get3A_919 = arith.index_cast %scan3A_759 : i32 to index
        %get3A_920 = arith.constant 384 : index
        %get3A_921 = tpu.vector_load %arg6[%get3A_919, %get3A_920] {strides = array<i32>} : memref<40x640xf32, #tpu.memory_space<vmem>>, vector<1x16xf32>,
        %get3A_922 = vector.shape_cast %get3A_921 : vector<1x16xf32> to vector<16xf32>
        %add3A_923 = arith.addf %scan3A_784, %get3A_922 : vector<16xf32>
        %get3A_924 = arith.index_cast %scan3A_759 : i32 to index
        %get3A_925 = arith.constant 400 : index
        %get3A_926 = tpu.vector_load %arg6[%get3A_924, %get3A_925] {strides = array<i32>} : memref<40x640xf32, #tpu.memory_space<vmem>>, vector<1x16xf32>,
        %get3A_927 = vector.shape_cast %get3A_926 : vector<1x16xf32> to vector<16xf32>
        %add3A_928 = arith.addf %scan3A_785, %get3A_927 : vector<16xf32>
        %get3A_929 = arith.index_cast %scan3A_759 : i32 to index
        %get3A_930 = arith.constant 416 : index
        %get3A_931 = tpu.vector_load %arg6[%get3A_929, %get3A_930] {strides = array<i32>} : memref<40x640xf32, #tpu.memory_space<vmem>>, vector<1x16xf32>,
        %get3A_932 = vector.shape_cast %get3A_931 : vector<1x16xf32> to vector<16xf32>
        %add3A_933 = arith.addf %scan3A_786, %get3A_932 : vector<16xf32>
        %get3A_934 = arith.index_cast %scan3A_759 : i32 to index
        %get3A_935 = arith.constant 432 : index
        %get3A_936 = tpu.vector_load %arg6[%get3A_934, %get3A_935] {strides = array<i32>} : memref<40x640xf32, #tpu.memory_space<vmem>>, vector<1x16xf32>,
        %get3A_937 = vector.shape_cast %get3A_936 : vector<1x16xf32> to vector<16xf32>
        %add3A_938 = arith.addf %scan3A_787, %get3A_937 : vector<16xf32>
        %get3A_939 = arith.index_cast %scan3A_759 : i32 to index
        %get3A_940 = arith.constant 448 : index
        %get3A_941 = tpu.vector_load %arg6[%get3A_939, %get3A_940] {strides = array<i32>} : memref<40x640xf32, #tpu.memory_space<vmem>>, vector<1x16xf32>,
        %get3A_942 = vector.shape_cast %get3A_941 : vector<1x16xf32> to vector<16xf32>
        %add3A_943 = arith.addf %scan3A_788, %get3A_942 : vector<16xf32>
        %get3A_944 = arith.index_cast %scan3A_759 : i32 to index
        %get3A_945 = arith.constant 464 : index
        %get3A_946 = tpu.vector_load %arg6[%get3A_944, %get3A_945] {strides = array<i32>} : memref<40x640xf32, #tpu.memory_space<vmem>>, vector<1x16xf32>,
        %get3A_947 = vector.shape_cast %get3A_946 : vector<1x16xf32> to vector<16xf32>
        %add3A_948 = arith.addf %scan3A_789, %get3A_947 : vector<16xf32>
        %get3A_949 = arith.index_cast %scan3A_759 : i32 to index
        %get3A_950 = arith.constant 480 : index
        %get3A_951 = tpu.vector_load %arg6[%get3A_949, %get3A_950] {strides = array<i32>} : memref<40x640xf32, #tpu.memory_space<vmem>>, vector<1x16xf32>,
        %get3A_952 = vector.shape_cast %get3A_951 : vector<1x16xf32> to vector<16xf32>
        %add3A_953 = arith.addf %scan3A_790, %get3A_952 : vector<16xf32>
        %get3A_954 = arith.index_cast %scan3A_759 : i32 to index
        %get3A_955 = arith.constant 496 : index
        %get3A_956 = tpu.vector_load %arg6[%get3A_954, %get3A_955] {strides = array<i32>} : memref<40x640xf32, #tpu.memory_space<vmem>>, vector<1x16xf32>,
        %get3A_957 = vector.shape_cast %get3A_956 : vector<1x16xf32> to vector<16xf32>
        %add3A_958 = arith.addf %scan3A_791, %get3A_957 : vector<16xf32>
        %get3A_959 = arith.index_cast %scan3A_759 : i32 to index
        %get3A_960 = arith.constant 512 : index
        %get3A_961 = tpu.vector_load %arg6[%get3A_959, %get3A_960] {strides = array<i32>} : memref<40x640xf32, #tpu.memory_space<vmem>>, vector<1x16xf32>,
        %get3A_962 = vector.shape_cast %get3A_961 : vector<1x16xf32> to vector<16xf32>
        %add3A_963 = arith.addf %scan3A_792, %get3A_962 : vector<16xf32>
        %get3A_964 = arith.index_cast %scan3A_759 : i32 to index
        %get3A_965 = arith.constant 528 : index
        %get3A_966 = tpu.vector_load %arg6[%get3A_964, %get3A_965] {strides = array<i32>} : memref<40x640xf32, #tpu.memory_space<vmem>>, vector<1x16xf32>,
        %get3A_967 = vector.shape_cast %get3A_966 : vector<1x16xf32> to vector<16xf32>
        %add3A_968 = arith.addf %scan3A_793, %get3A_967 : vector<16xf32>
        %get3A_969 = arith.index_cast %scan3A_759 : i32 to index
        %get3A_970 = arith.constant 544 : index
        %get3A_971 = tpu.vector_load %arg6[%get3A_969, %get3A_970] {strides = array<i32>} : memref<40x640xf32, #tpu.memory_space<vmem>>, vector<1x16xf32>,
        %get3A_972 = vector.shape_cast %get3A_971 : vector<1x16xf32> to vector<16xf32>
        %add3A_973 = arith.addf %scan3A_794, %get3A_972 : vector<16xf32>
        %get3A_974 = arith.index_cast %scan3A_759 : i32 to index
        %get3A_975 = arith.constant 560 : index
        %get3A_976 = tpu.vector_load %arg6[%get3A_974, %get3A_975] {strides = array<i32>} : memref<40x640xf32, #tpu.memory_space<vmem>>, vector<1x16xf32>,
        %get3A_977 = vector.shape_cast %get3A_976 : vector<1x16xf32> to vector<16xf32>
        %add3A_978 = arith.addf %scan3A_795, %get3A_977 : vector<16xf32>
        %get3A_979 = arith.index_cast %scan3A_759 : i32 to index
        %get3A_980 = arith.constant 576 : index
        %get3A_981 = tpu.vector_load %arg6[%get3A_979, %get3A_980] {strides = array<i32>} : memref<40x640xf32, #tpu.memory_space<vmem>>, vector<1x16xf32>,
        %get3A_982 = vector.shape_cast %get3A_981 : vector<1x16xf32> to vector<16xf32>
        %add3A_983 = arith.addf %scan3A_796, %get3A_982 : vector<16xf32>
        %get3A_984 = arith.index_cast %scan3A_759 : i32 to index
        %get3A_985 = arith.constant 592 : index
        %get3A_986 = tpu.vector_load %arg6[%get3A_984, %get3A_985] {strides = array<i32>} : memref<40x640xf32, #tpu.memory_space<vmem>>, vector<1x16xf32>,
        %get3A_987 = vector.shape_cast %get3A_986 : vector<1x16xf32> to vector<16xf32>
        %add3A_988 = arith.addf %scan3A_797, %get3A_987 : vector<16xf32>
        %get3A_989 = arith.index_cast %scan3A_759 : i32 to index
        %get3A_990 = arith.constant 608 : index
        %get3A_991 = tpu.vector_load %arg6[%get3A_989, %get3A_990] {strides = array<i32>} : memref<40x640xf32, #tpu.memory_space<vmem>>, vector<1x16xf32>,
        %get3A_992 = vector.shape_cast %get3A_991 : vector<1x16xf32> to vector<16xf32>
        %add3A_993 = arith.addf %scan3A_798, %get3A_992 : vector<16xf32>
        %get3A_994 = arith.index_cast %scan3A_759 : i32 to index
        %get3A_995 = arith.constant 624 : index
        %get3A_996 = tpu.vector_load %arg6[%get3A_994, %get3A_995] {strides = array<i32>} : memref<40x640xf32, #tpu.memory_space<vmem>>, vector<1x16xf32>,
        %get3A_997 = vector.shape_cast %get3A_996 : vector<1x16xf32> to vector<16xf32>
        %add3A_998 = arith.addf %scan3A_799, %get3A_997 : vector<16xf32>
        scf.yield %add3A_803, %add3A_808, %add3A_813, %add3A_818, %add3A_823, %add3A_828, %add3A_833, %add3A_838, %add3A_843, %add3A_848, %add3A_853, %add3A_858, %add3A_863, %add3A_868, %add3A_873, %add3A_878, %add3A_883, %add3A_888, %add3A_893, %add3A_898, %add3A_903, %add3A_908, %add3A_913, %add3A_918, %add3A_923, %add3A_928, %add3A_933, %add3A_938, %add3A_943, %add3A_948, %add3A_953, %add3A_958, %add3A_963, %add3A_968, %add3A_973, %add3A_978, %add3A_983, %add3A_988, %add3A_993, %add3A_998 : vector<16xf32>, vector<16xf32>, vector<16xf32>, vector<16xf32>, vector<16xf32>, vector<16xf32>, vector<16xf32>, vector<16xf32>, vector<16xf32>, vector<16xf32>, vector<16xf32>, vector<16xf32>, vector<16xf32>, vector<16xf32>, vector<16xf32>, vector<16xf32>, vector<16xf32>, vector<16xf32>, vector<16xf32>, vector<16xf32>, vector<16xf32>, vector<16xf32>, vector<16xf32>, vector<16xf32>, vector<16xf32>, vector<16xf32>, vector<16xf32>, vector<16xf32>, vector<16xf32>, vector<16xf32>, vector<16xf32>, vector<16xf32>, vector<16xf32>, vector<16xf32>, vector<16xf32>, vector<16xf32>, vector<16xf32>, vector<16xf32>, vector<16xf32>, vector<16xf32>
      }
      %scan3A_197 = arith.constant 40 : i32
      %add3A_198 = arith.constant 2 : i32
      %add3A_199 = arith.addi %add3A_185, %add3A_198 : i32
      %lt3A_200 = arith.constant 160 : i32
      %lt3A_201 = arith.cmpi slt, %add3A_199, %lt3A_200 : i32
      %convert_element_type3A_202 = arith.extui %lt3A_201 : i1 to i32
      %cond3A_203 = arith.constant 0 : i32
      %cond3A_204 = arith.cmpi ne, %convert_element_type3A_202, %cond3A_203 : i32
      scf.if %cond3A_204 {
        %add3A_759 = arith.constant 2 : i32
        %add3A_760 = arith.addi %add3A_185, %add3A_759 : i32
        %dma_start3A_761 = arith.constant 0 : i32
        %dma_start3A_762 = tpu.memref_slice %arg5[%add3A_760, %dma_start3A_761] : memref<160x40xi32, #tpu.memory_space<vmem>> -> memref<1x40xi32, #tpu.memory_space<vmem>>
        %dma_start3A_763 = tpu.memref_squeeze %dma_start3A_762 : memref<1x40xi32, #tpu.memory_space<vmem>> -> memref<40xi32, #tpu.memory_space<vmem>>
        %dma_start3A_764 = arith.constant 0 : i32
        %dma_start3A_765 = arith.constant 0 : i32
        %dma_start3A_766 = tpu.memref_slice %arg3[%dma_start3A_764, %dma_start3A_765] : memref<100000x640xf32, #tpu.memory_space<hbm>> -> memref<100000x640xf32, #tpu.memory_space<hbm>>
        tpu.enqueue_indirect_dma source(%dma_start3A_766 : memref<100000x640xf32, #tpu.memory_space<hbm>>) target(%arg6 : memref<40x640xf32, #tpu.memory_space<vmem>>) offsets(%dma_start3A_763 : memref<40xi32, #tpu.memory_space<vmem>>) semaphore(%arg9 : memref<!tpu.dma_semaphore, #tpu.memory_space<semaphore_mem>>)
      } else {
      }
      %add3A_205 = arith.constant 3 : i32
      %add3A_206 = arith.addi %mul3A_145, %add3A_205 : i32
      %dma_wait3A_207 = arith.constant 0 : i32
      %dma_wait3A_208 = tpu.memref_slice %arg5[%add3A_206, %dma_wait3A_207] : memref<160x40xi32, #tpu.memory_space<vmem>> -> memref<1x40xi32, #tpu.memory_space<vmem>>
      %dma_wait3A_209 = tpu.memref_squeeze %dma_wait3A_208 : memref<1x40xi32, #tpu.memory_space<vmem>> -> memref<40xi32, #tpu.memory_space<vmem>>
      %dma_wait3A_210 = arith.constant 0 : i32
      %dma_wait3A_211 = arith.constant 0 : i32
      %dma_wait3A_212 = tpu.memref_slice %arg3[%dma_wait3A_210, %dma_wait3A_211] : memref<100000x640xf32, #tpu.memory_space<hbm>> -> memref<100000x640xf32, #tpu.memory_space<hbm>>
      tpu.wait_indirect_dma semaphore(%arg10 : memref<!tpu.dma_semaphore, #tpu.memory_space<semaphore_mem>>) src(%dma_wait3A_212 : memref<100000x640xf32, #tpu.memory_space<hbm>>) dst(%arg7 : memref<40x640xf32, #tpu.memory_space<vmem>>)
      %scan3A_213 = arith.constant 0 : i32
      %scan3A_214 = arith.constant 40 : i32
      %scan3A_215 = arith.addi %scan3A_213, %scan3A_214 : i32
      %scan3A_216 = arith.constant 1 : i32
      %scan3A_217:40 = scf.for %scan3A_759 = %scan3A_213 to %scan3A_215 step %scan3A_216 iter_args(%scan3A_760 = %scan3A_196#0, %scan3A_761 = %scan3A_196#1, %scan3A_762 = %scan3A_196#2, %scan3A_763 = %scan3A_196#3, %scan3A_764 = %scan3A_196#4, %scan3A_765 = %scan3A_196#5, %scan3A_766 = %scan3A_196#6, %scan3A_767 = %scan3A_196#7, %scan3A_768 = %scan3A_196#8, %scan3A_769 = %scan3A_196#9, %scan3A_770 = %scan3A_196#10, %scan3A_771 = %scan3A_196#11, %scan3A_772 = %scan3A_196#12, %scan3A_773 = %scan3A_196#13, %scan3A_774 = %scan3A_196#14, %scan3A_775 = %scan3A_196#15, %scan3A_776 = %scan3A_196#16, %scan3A_777 = %scan3A_196#17, %scan3A_778 = %scan3A_196#18, %scan3A_779 = %scan3A_196#19, %scan3A_780 = %scan3A_196#20, %scan3A_781 = %scan3A_196#21, %scan3A_782 = %scan3A_196#22, %scan3A_783 = %scan3A_196#23, %scan3A_784 = %scan3A_196#24, %scan3A_785 = %scan3A_196#25, %scan3A_786 = %scan3A_196#26, %scan3A_787 = %scan3A_196#27, %scan3A_788 = %scan3A_196#28, %scan3A_789 = %scan3A_196#29, %scan3A_790 = %scan3A_196#30, %scan3A_791 = %scan3A_196#31, %scan3A_792 = %scan3A_196#32, %scan3A_793 = %scan3A_196#33, %scan3A_794 = %scan3A_196#34, %scan3A_795 = %scan3A_196#35, %scan3A_796 = %scan3A_196#36, %scan3A_797 = %scan3A_196#37, %scan3A_798 = %scan3A_196#38, %scan3A_799 = %scan3A_196#39) -> (vector<16xf32>, vector<16xf32>, vector<16xf32>, vector<16xf32>, vector<16xf32>, vector<16xf32>, vector<16xf32>, vector<16xf32>, vector<16xf32>, vector<16xf32>, vector<16xf32>, vector<16xf32>, vector<16xf32>, vector<16xf32>, vector<16xf32>, vector<16xf32>, vector<16xf32>, vector<16xf32>, vector<16xf32>, vector<16xf32>, vector<16xf32>, vector<16xf32>, vector<16xf32>, vector<16xf32>, vector<16xf32>, vector<16xf32>, vector<16xf32>, vector<16xf32>, vector<16xf32>, vector<16xf32>, vector<16xf32>, vector<16xf32>, vector<16xf32>, vector<16xf32>, vector<16xf32>, vector<16xf32>, vector<16xf32>, vector<16xf32>, vector<16xf32>, vector<16xf32>)  : i32 {
        %get3A = arith.index_cast %scan3A_759 : i32 to index
        %get3A_800 = arith.constant 0 : index
        %get3A_801 = tpu.vector_load %arg7[%get3A, %get3A_800] {strides = array<i32>} : memref<40x640xf32, #tpu.memory_space<vmem>>, vector<1x16xf32>,
        %get3A_802 = vector.shape_cast %get3A_801 : vector<1x16xf32> to vector<16xf32>
        %add3A_803 = arith.addf %scan3A_760, %get3A_802 : vector<16xf32>
        %get3A_804 = arith.index_cast %scan3A_759 : i32 to index
        %get3A_805 = arith.constant 16 : index
        %get3A_806 = tpu.vector_load %arg7[%get3A_804, %get3A_805] {strides = array<i32>} : memref<40x640xf32, #tpu.memory_space<vmem>>, vector<1x16xf32>,
        %get3A_807 = vector.shape_cast %get3A_806 : vector<1x16xf32> to vector<16xf32>
        %add3A_808 = arith.addf %scan3A_761, %get3A_807 : vector<16xf32>
        %get3A_809 = arith.index_cast %scan3A_759 : i32 to index
        %get3A_810 = arith.constant 32 : index
        %get3A_811 = tpu.vector_load %arg7[%get3A_809, %get3A_810] {strides = array<i32>} : memref<40x640xf32, #tpu.memory_space<vmem>>, vector<1x16xf32>,
        %get3A_812 = vector.shape_cast %get3A_811 : vector<1x16xf32> to vector<16xf32>
        %add3A_813 = arith.addf %scan3A_762, %get3A_812 : vector<16xf32>
        %get3A_814 = arith.index_cast %scan3A_759 : i32 to index
        %get3A_815 = arith.constant 48 : index
        %get3A_816 = tpu.vector_load %arg7[%get3A_814, %get3A_815] {strides = array<i32>} : memref<40x640xf32, #tpu.memory_space<vmem>>, vector<1x16xf32>,
        %get3A_817 = vector.shape_cast %get3A_816 : vector<1x16xf32> to vector<16xf32>
        %add3A_818 = arith.addf %scan3A_763, %get3A_817 : vector<16xf32>
        %get3A_819 = arith.index_cast %scan3A_759 : i32 to index
        %get3A_820 = arith.constant 64 : index
        %get3A_821 = tpu.vector_load %arg7[%get3A_819, %get3A_820] {strides = array<i32>} : memref<40x640xf32, #tpu.memory_space<vmem>>, vector<1x16xf32>,
        %get3A_822 = vector.shape_cast %get3A_821 : vector<1x16xf32> to vector<16xf32>
        %add3A_823 = arith.addf %scan3A_764, %get3A_822 : vector<16xf32>
        %get3A_824 = arith.index_cast %scan3A_759 : i32 to index
        %get3A_825 = arith.constant 80 : index
        %get3A_826 = tpu.vector_load %arg7[%get3A_824, %get3A_825] {strides = array<i32>} : memref<40x640xf32, #tpu.memory_space<vmem>>, vector<1x16xf32>,
        %get3A_827 = vector.shape_cast %get3A_826 : vector<1x16xf32> to vector<16xf32>
        %add3A_828 = arith.addf %scan3A_765, %get3A_827 : vector<16xf32>
        %get3A_829 = arith.index_cast %scan3A_759 : i32 to index
        %get3A_830 = arith.constant 96 : index
        %get3A_831 = tpu.vector_load %arg7[%get3A_829, %get3A_830] {strides = array<i32>} : memref<40x640xf32, #tpu.memory_space<vmem>>, vector<1x16xf32>,
        %get3A_832 = vector.shape_cast %get3A_831 : vector<1x16xf32> to vector<16xf32>
        %add3A_833 = arith.addf %scan3A_766, %get3A_832 : vector<16xf32>
        %get3A_834 = arith.index_cast %scan3A_759 : i32 to index
        %get3A_835 = arith.constant 112 : index
        %get3A_836 = tpu.vector_load %arg7[%get3A_834, %get3A_835] {strides = array<i32>} : memref<40x640xf32, #tpu.memory_space<vmem>>, vector<1x16xf32>,
        %get3A_837 = vector.shape_cast %get3A_836 : vector<1x16xf32> to vector<16xf32>
        %add3A_838 = arith.addf %scan3A_767, %get3A_837 : vector<16xf32>
        %get3A_839 = arith.index_cast %scan3A_759 : i32 to index
        %get3A_840 = arith.constant 128 : index
        %get3A_841 = tpu.vector_load %arg7[%get3A_839, %get3A_840] {strides = array<i32>} : memref<40x640xf32, #tpu.memory_space<vmem>>, vector<1x16xf32>,
        %get3A_842 = vector.shape_cast %get3A_841 : vector<1x16xf32> to vector<16xf32>
        %add3A_843 = arith.addf %scan3A_768, %get3A_842 : vector<16xf32>
        %get3A_844 = arith.index_cast %scan3A_759 : i32 to index
        %get3A_845 = arith.constant 144 : index
        %get3A_846 = tpu.vector_load %arg7[%get3A_844, %get3A_845] {strides = array<i32>} : memref<40x640xf32, #tpu.memory_space<vmem>>, vector<1x16xf32>,
        %get3A_847 = vector.shape_cast %get3A_846 : vector<1x16xf32> to vector<16xf32>
        %add3A_848 = arith.addf %scan3A_769, %get3A_847 : vector<16xf32>
        %get3A_849 = arith.index_cast %scan3A_759 : i32 to index
        %get3A_850 = arith.constant 160 : index
        %get3A_851 = tpu.vector_load %arg7[%get3A_849, %get3A_850] {strides = array<i32>} : memref<40x640xf32, #tpu.memory_space<vmem>>, vector<1x16xf32>,
        %get3A_852 = vector.shape_cast %get3A_851 : vector<1x16xf32> to vector<16xf32>
        %add3A_853 = arith.addf %scan3A_770, %get3A_852 : vector<16xf32>
        %get3A_854 = arith.index_cast %scan3A_759 : i32 to index
        %get3A_855 = arith.constant 176 : index
        %get3A_856 = tpu.vector_load %arg7[%get3A_854, %get3A_855] {strides = array<i32>} : memref<40x640xf32, #tpu.memory_space<vmem>>, vector<1x16xf32>,
        %get3A_857 = vector.shape_cast %get3A_856 : vector<1x16xf32> to vector<16xf32>
        %add3A_858 = arith.addf %scan3A_771, %get3A_857 : vector<16xf32>
        %get3A_859 = arith.index_cast %scan3A_759 : i32 to index
        %get3A_860 = arith.constant 192 : index
        %get3A_861 = tpu.vector_load %arg7[%get3A_859, %get3A_860] {strides = array<i32>} : memref<40x640xf32, #tpu.memory_space<vmem>>, vector<1x16xf32>,
        %get3A_862 = vector.shape_cast %get3A_861 : vector<1x16xf32> to vector<16xf32>
        %add3A_863 = arith.addf %scan3A_772, %get3A_862 : vector<16xf32>
        %get3A_864 = arith.index_cast %scan3A_759 : i32 to index
        %get3A_865 = arith.constant 208 : index
        %get3A_866 = tpu.vector_load %arg7[%get3A_864, %get3A_865] {strides = array<i32>} : memref<40x640xf32, #tpu.memory_space<vmem>>, vector<1x16xf32>,
        %get3A_867 = vector.shape_cast %get3A_866 : vector<1x16xf32> to vector<16xf32>
        %add3A_868 = arith.addf %scan3A_773, %get3A_867 : vector<16xf32>
        %get3A_869 = arith.index_cast %scan3A_759 : i32 to index
        %get3A_870 = arith.constant 224 : index
        %get3A_871 = tpu.vector_load %arg7[%get3A_869, %get3A_870] {strides = array<i32>} : memref<40x640xf32, #tpu.memory_space<vmem>>, vector<1x16xf32>,
        %get3A_872 = vector.shape_cast %get3A_871 : vector<1x16xf32> to vector<16xf32>
        %add3A_873 = arith.addf %scan3A_774, %get3A_872 : vector<16xf32>
        %get3A_874 = arith.index_cast %scan3A_759 : i32 to index
        %get3A_875 = arith.constant 240 : index
        %get3A_876 = tpu.vector_load %arg7[%get3A_874, %get3A_875] {strides = array<i32>} : memref<40x640xf32, #tpu.memory_space<vmem>>, vector<1x16xf32>,
        %get3A_877 = vector.shape_cast %get3A_876 : vector<1x16xf32> to vector<16xf32>
        %add3A_878 = arith.addf %scan3A_775, %get3A_877 : vector<16xf32>
        %get3A_879 = arith.index_cast %scan3A_759 : i32 to index
        %get3A_880 = arith.constant 256 : index
        %get3A_881 = tpu.vector_load %arg7[%get3A_879, %get3A_880] {strides = array<i32>} : memref<40x640xf32, #tpu.memory_space<vmem>>, vector<1x16xf32>,
        %get3A_882 = vector.shape_cast %get3A_881 : vector<1x16xf32> to vector<16xf32>
        %add3A_883 = arith.addf %scan3A_776, %get3A_882 : vector<16xf32>
        %get3A_884 = arith.index_cast %scan3A_759 : i32 to index
        %get3A_885 = arith.constant 272 : index
        %get3A_886 = tpu.vector_load %arg7[%get3A_884, %get3A_885] {strides = array<i32>} : memref<40x640xf32, #tpu.memory_space<vmem>>, vector<1x16xf32>,
        %get3A_887 = vector.shape_cast %get3A_886 : vector<1x16xf32> to vector<16xf32>
        %add3A_888 = arith.addf %scan3A_777, %get3A_887 : vector<16xf32>
        %get3A_889 = arith.index_cast %scan3A_759 : i32 to index
        %get3A_890 = arith.constant 288 : index
        %get3A_891 = tpu.vector_load %arg7[%get3A_889, %get3A_890] {strides = array<i32>} : memref<40x640xf32, #tpu.memory_space<vmem>>, vector<1x16xf32>,
        %get3A_892 = vector.shape_cast %get3A_891 : vector<1x16xf32> to vector<16xf32>
        %add3A_893 = arith.addf %scan3A_778, %get3A_892 : vector<16xf32>
        %get3A_894 = arith.index_cast %scan3A_759 : i32 to index
        %get3A_895 = arith.constant 304 : index
        %get3A_896 = tpu.vector_load %arg7[%get3A_894, %get3A_895] {strides = array<i32>} : memref<40x640xf32, #tpu.memory_space<vmem>>, vector<1x16xf32>,
        %get3A_897 = vector.shape_cast %get3A_896 : vector<1x16xf32> to vector<16xf32>
        %add3A_898 = arith.addf %scan3A_779, %get3A_897 : vector<16xf32>
        %get3A_899 = arith.index_cast %scan3A_759 : i32 to index
        %get3A_900 = arith.constant 320 : index
        %get3A_901 = tpu.vector_load %arg7[%get3A_899, %get3A_900] {strides = array<i32>} : memref<40x640xf32, #tpu.memory_space<vmem>>, vector<1x16xf32>,
        %get3A_902 = vector.shape_cast %get3A_901 : vector<1x16xf32> to vector<16xf32>
        %add3A_903 = arith.addf %scan3A_780, %get3A_902 : vector<16xf32>
        %get3A_904 = arith.index_cast %scan3A_759 : i32 to index
        %get3A_905 = arith.constant 336 : index
        %get3A_906 = tpu.vector_load %arg7[%get3A_904, %get3A_905] {strides = array<i32>} : memref<40x640xf32, #tpu.memory_space<vmem>>, vector<1x16xf32>,
        %get3A_907 = vector.shape_cast %get3A_906 : vector<1x16xf32> to vector<16xf32>
        %add3A_908 = arith.addf %scan3A_781, %get3A_907 : vector<16xf32>
        %get3A_909 = arith.index_cast %scan3A_759 : i32 to index
        %get3A_910 = arith.constant 352 : index
        %get3A_911 = tpu.vector_load %arg7[%get3A_909, %get3A_910] {strides = array<i32>} : memref<40x640xf32, #tpu.memory_space<vmem>>, vector<1x16xf32>,
        %get3A_912 = vector.shape_cast %get3A_911 : vector<1x16xf32> to vector<16xf32>
        %add3A_913 = arith.addf %scan3A_782, %get3A_912 : vector<16xf32>
        %get3A_914 = arith.index_cast %scan3A_759 : i32 to index
        %get3A_915 = arith.constant 368 : index
        %get3A_916 = tpu.vector_load %arg7[%get3A_914, %get3A_915] {strides = array<i32>} : memref<40x640xf32, #tpu.memory_space<vmem>>, vector<1x16xf32>,
        %get3A_917 = vector.shape_cast %get3A_916 : vector<1x16xf32> to vector<16xf32>
        %add3A_918 = arith.addf %scan3A_783, %get3A_917 : vector<16xf32>
        %get3A_919 = arith.index_cast %scan3A_759 : i32 to index
        %get3A_920 = arith.constant 384 : index
        %get3A_921 = tpu.vector_load %arg7[%get3A_919, %get3A_920] {strides = array<i32>} : memref<40x640xf32, #tpu.memory_space<vmem>>, vector<1x16xf32>,
        %get3A_922 = vector.shape_cast %get3A_921 : vector<1x16xf32> to vector<16xf32>
        %add3A_923 = arith.addf %scan3A_784, %get3A_922 : vector<16xf32>
        %get3A_924 = arith.index_cast %scan3A_759 : i32 to index
        %get3A_925 = arith.constant 400 : index
        %get3A_926 = tpu.vector_load %arg7[%get3A_924, %get3A_925] {strides = array<i32>} : memref<40x640xf32, #tpu.memory_space<vmem>>, vector<1x16xf32>,
        %get3A_927 = vector.shape_cast %get3A_926 : vector<1x16xf32> to vector<16xf32>
        %add3A_928 = arith.addf %scan3A_785, %get3A_927 : vector<16xf32>
        %get3A_929 = arith.index_cast %scan3A_759 : i32 to index
        %get3A_930 = arith.constant 416 : index
        %get3A_931 = tpu.vector_load %arg7[%get3A_929, %get3A_930] {strides = array<i32>} : memref<40x640xf32, #tpu.memory_space<vmem>>, vector<1x16xf32>,
        %get3A_932 = vector.shape_cast %get3A_931 : vector<1x16xf32> to vector<16xf32>
        %add3A_933 = arith.addf %scan3A_786, %get3A_932 : vector<16xf32>
        %get3A_934 = arith.index_cast %scan3A_759 : i32 to index
        %get3A_935 = arith.constant 432 : index
        %get3A_936 = tpu.vector_load %arg7[%get3A_934, %get3A_935] {strides = array<i32>} : memref<40x640xf32, #tpu.memory_space<vmem>>, vector<1x16xf32>,
        %get3A_937 = vector.shape_cast %get3A_936 : vector<1x16xf32> to vector<16xf32>
        %add3A_938 = arith.addf %scan3A_787, %get3A_937 : vector<16xf32>
        %get3A_939 = arith.index_cast %scan3A_759 : i32 to index
        %get3A_940 = arith.constant 448 : index
        %get3A_941 = tpu.vector_load %arg7[%get3A_939, %get3A_940] {strides = array<i32>} : memref<40x640xf32, #tpu.memory_space<vmem>>, vector<1x16xf32>,
        %get3A_942 = vector.shape_cast %get3A_941 : vector<1x16xf32> to vector<16xf32>
        %add3A_943 = arith.addf %scan3A_788, %get3A_942 : vector<16xf32>
        %get3A_944 = arith.index_cast %scan3A_759 : i32 to index
        %get3A_945 = arith.constant 464 : index
        %get3A_946 = tpu.vector_load %arg7[%get3A_944, %get3A_945] {strides = array<i32>} : memref<40x640xf32, #tpu.memory_space<vmem>>, vector<1x16xf32>,
        %get3A_947 = vector.shape_cast %get3A_946 : vector<1x16xf32> to vector<16xf32>
        %add3A_948 = arith.addf %scan3A_789, %get3A_947 : vector<16xf32>
        %get3A_949 = arith.index_cast %scan3A_759 : i32 to index
        %get3A_950 = arith.constant 480 : index
        %get3A_951 = tpu.vector_load %arg7[%get3A_949, %get3A_950] {strides = array<i32>} : memref<40x640xf32, #tpu.memory_space<vmem>>, vector<1x16xf32>,
        %get3A_952 = vector.shape_cast %get3A_951 : vector<1x16xf32> to vector<16xf32>
        %add3A_953 = arith.addf %scan3A_790, %get3A_952 : vector<16xf32>
        %get3A_954 = arith.index_cast %scan3A_759 : i32 to index
        %get3A_955 = arith.constant 496 : index
        %get3A_956 = tpu.vector_load %arg7[%get3A_954, %get3A_955] {strides = array<i32>} : memref<40x640xf32, #tpu.memory_space<vmem>>, vector<1x16xf32>,
        %get3A_957 = vector.shape_cast %get3A_956 : vector<1x16xf32> to vector<16xf32>
        %add3A_958 = arith.addf %scan3A_791, %get3A_957 : vector<16xf32>
        %get3A_959 = arith.index_cast %scan3A_759 : i32 to index
        %get3A_960 = arith.constant 512 : index
        %get3A_961 = tpu.vector_load %arg7[%get3A_959, %get3A_960] {strides = array<i32>} : memref<40x640xf32, #tpu.memory_space<vmem>>, vector<1x16xf32>,
        %get3A_962 = vector.shape_cast %get3A_961 : vector<1x16xf32> to vector<16xf32>
        %add3A_963 = arith.addf %scan3A_792, %get3A_962 : vector<16xf32>
        %get3A_964 = arith.index_cast %scan3A_759 : i32 to index
        %get3A_965 = arith.constant 528 : index
        %get3A_966 = tpu.vector_load %arg7[%get3A_964, %get3A_965] {strides = array<i32>} : memref<40x640xf32, #tpu.memory_space<vmem>>, vector<1x16xf32>,
        %get3A_967 = vector.shape_cast %get3A_966 : vector<1x16xf32> to vector<16xf32>
        %add3A_968 = arith.addf %scan3A_793, %get3A_967 : vector<16xf32>
        %get3A_969 = arith.index_cast %scan3A_759 : i32 to index
        %get3A_970 = arith.constant 544 : index
        %get3A_971 = tpu.vector_load %arg7[%get3A_969, %get3A_970] {strides = array<i32>} : memref<40x640xf32, #tpu.memory_space<vmem>>, vector<1x16xf32>,
        %get3A_972 = vector.shape_cast %get3A_971 : vector<1x16xf32> to vector<16xf32>
        %add3A_973 = arith.addf %scan3A_794, %get3A_972 : vector<16xf32>
        %get3A_974 = arith.index_cast %scan3A_759 : i32 to index
        %get3A_975 = arith.constant 560 : index
        %get3A_976 = tpu.vector_load %arg7[%get3A_974, %get3A_975] {strides = array<i32>} : memref<40x640xf32, #tpu.memory_space<vmem>>, vector<1x16xf32>,
        %get3A_977 = vector.shape_cast %get3A_976 : vector<1x16xf32> to vector<16xf32>
        %add3A_978 = arith.addf %scan3A_795, %get3A_977 : vector<16xf32>
        %get3A_979 = arith.index_cast %scan3A_759 : i32 to index
        %get3A_980 = arith.constant 576 : index
        %get3A_981 = tpu.vector_load %arg7[%get3A_979, %get3A_980] {strides = array<i32>} : memref<40x640xf32, #tpu.memory_space<vmem>>, vector<1x16xf32>,
        %get3A_982 = vector.shape_cast %get3A_981 : vector<1x16xf32> to vector<16xf32>
        %add3A_983 = arith.addf %scan3A_796, %get3A_982 : vector<16xf32>
        %get3A_984 = arith.index_cast %scan3A_759 : i32 to index
        %get3A_985 = arith.constant 592 : index
        %get3A_986 = tpu.vector_load %arg7[%get3A_984, %get3A_985] {strides = array<i32>} : memref<40x640xf32, #tpu.memory_space<vmem>>, vector<1x16xf32>,
        %get3A_987 = vector.shape_cast %get3A_986 : vector<1x16xf32> to vector<16xf32>
        %add3A_988 = arith.addf %scan3A_797, %get3A_987 : vector<16xf32>
        %get3A_989 = arith.index_cast %scan3A_759 : i32 to index
        %get3A_990 = arith.constant 608 : index
        %get3A_991 = tpu.vector_load %arg7[%get3A_989, %get3A_990] {strides = array<i32>} : memref<40x640xf32, #tpu.memory_space<vmem>>, vector<1x16xf32>,
        %get3A_992 = vector.shape_cast %get3A_991 : vector<1x16xf32> to vector<16xf32>
        %add3A_993 = arith.addf %scan3A_798, %get3A_992 : vector<16xf32>
        %get3A_994 = arith.index_cast %scan3A_759 : i32 to index
        %get3A_995 = arith.constant 624 : index
        %get3A_996 = tpu.vector_load %arg7[%get3A_994, %get3A_995] {strides = array<i32>} : memref<40x640xf32, #tpu.memory_space<vmem>>, vector<1x16xf32>,
        %get3A_997 = vector.shape_cast %get3A_996 : vector<1x16xf32> to vector<16xf32>
        %add3A_998 = arith.addf %scan3A_799, %get3A_997 : vector<16xf32>
        scf.yield %add3A_803, %add3A_808, %add3A_813, %add3A_818, %add3A_823, %add3A_828, %add3A_833, %add3A_838, %add3A_843, %add3A_848, %add3A_853, %add3A_858, %add3A_863, %add3A_868, %add3A_873, %add3A_878, %add3A_883, %add3A_888, %add3A_893, %add3A_898, %add3A_903, %add3A_908, %add3A_913, %add3A_918, %add3A_923, %add3A_928, %add3A_933, %add3A_938, %add3A_943, %add3A_948, %add3A_953, %add3A_958, %add3A_963, %add3A_968, %add3A_973, %add3A_978, %add3A_983, %add3A_988, %add3A_993, %add3A_998 : vector<16xf32>, vector<16xf32>, vector<16xf32>, vector<16xf32>, vector<16xf32>, vector<16xf32>, vector<16xf32>, vector<16xf32>, vector<16xf32>, vector<16xf32>, vector<16xf32>, vector<16xf32>, vector<16xf32>, vector<16xf32>, vector<16xf32>, vector<16xf32>, vector<16xf32>, vector<16xf32>, vector<16xf32>, vector<16xf32>, vector<16xf32>, vector<16xf32>, vector<16xf32>, vector<16xf32>, vector<16xf32>, vector<16xf32>, vector<16xf32>, vector<16xf32>, vector<16xf32>, vector<16xf32>, vector<16xf32>, vector<16xf32>, vector<16xf32>, vector<16xf32>, vector<16xf32>, vector<16xf32>, vector<16xf32>, vector<16xf32>, vector<16xf32>, vector<16xf32>
      }
      %scan3A_218 = arith.constant 40 : i32
      %add3A_219 = arith.constant 2 : i32
      %add3A_220 = arith.addi %add3A_206, %add3A_219 : i32
      %lt3A_221 = arith.constant 160 : i32
      %lt3A_222 = arith.cmpi slt, %add3A_220, %lt3A_221 : i32
      %convert_element_type3A_223 = arith.extui %lt3A_222 : i1 to i32
      %cond3A_224 = arith.constant 0 : i32
      %cond3A_225 = arith.cmpi ne, %convert_element_type3A_223, %cond3A_224 : i32
      scf.if %cond3A_225 {
        %add3A_759 = arith.constant 2 : i32
        %add3A_760 = arith.addi %add3A_206, %add3A_759 : i32
        %dma_start3A_761 = arith.constant 0 : i32
        %dma_start3A_762 = tpu.memref_slice %arg5[%add3A_760, %dma_start3A_761] : memref<160x40xi32, #tpu.memory_space<vmem>> -> memref<1x40xi32, #tpu.memory_space<vmem>>
        %dma_start3A_763 = tpu.memref_squeeze %dma_start3A_762 : memref<1x40xi32, #tpu.memory_space<vmem>> -> memref<40xi32, #tpu.memory_space<vmem>>
        %dma_start3A_764 = arith.constant 0 : i32
        %dma_start3A_765 = arith.constant 0 : i32
        %dma_start3A_766 = tpu.memref_slice %arg3[%dma_start3A_764, %dma_start3A_765] : memref<100000x640xf32, #tpu.memory_space<hbm>> -> memref<100000x640xf32, #tpu.memory_space<hbm>>
        tpu.enqueue_indirect_dma source(%dma_start3A_766 : memref<100000x640xf32, #tpu.memory_space<hbm>>) target(%arg7 : memref<40x640xf32, #tpu.memory_space<vmem>>) offsets(%dma_start3A_763 : memref<40xi32, #tpu.memory_space<vmem>>) semaphore(%arg10 : memref<!tpu.dma_semaphore, #tpu.memory_space<semaphore_mem>>)
      } else {
      }
      %add3A_226 = arith.constant 4 : i32
      %add3A_227 = arith.addi %mul3A_145, %add3A_226 : i32
      %dma_wait3A_228 = arith.constant 0 : i32
      %dma_wait3A_229 = tpu.memref_slice %arg5[%add3A_227, %dma_wait3A_228] : memref<160x40xi32, #tpu.memory_space<vmem>> -> memref<1x40xi32, #tpu.memory_space<vmem>>
      %dma_wait3A_230 = tpu.memref_squeeze %dma_wait3A_229 : memref<1x40xi32, #tpu.memory_space<vmem>> -> memref<40xi32, #tpu.memory_space<vmem>>
      %dma_wait3A_231 = arith.constant 0 : i32
      %dma_wait3A_232 = arith.constant 0 : i32
      %dma_wait3A_233 = tpu.memref_slice %arg3[%dma_wait3A_231, %dma_wait3A_232] : memref<100000x640xf32, #tpu.memory_space<hbm>> -> memref<100000x640xf32, #tpu.memory_space<hbm>>
      tpu.wait_indirect_dma semaphore(%arg9 : memref<!tpu.dma_semaphore, #tpu.memory_space<semaphore_mem>>) src(%dma_wait3A_233 : memref<100000x640xf32, #tpu.memory_space<hbm>>) dst(%arg6 : memref<40x640xf32, #tpu.memory_space<vmem>>)
      %scan3A_234 = arith.constant 0 : i32
      %scan3A_235 = arith.constant 40 : i32
      %scan3A_236 = arith.addi %scan3A_234, %scan3A_235 : i32
      %scan3A_237 = arith.constant 1 : i32
      %scan3A_238:40 = scf.for %scan3A_759 = %scan3A_234 to %scan3A_236 step %scan3A_237 iter_args(%scan3A_760 = %scan3A_217#0, %scan3A_761 = %scan3A_217#1, %scan3A_762 = %scan3A_217#2, %scan3A_763 = %scan3A_217#3, %scan3A_764 = %scan3A_217#4, %scan3A_765 = %scan3A_217#5, %scan3A_766 = %scan3A_217#6, %scan3A_767 = %scan3A_217#7, %scan3A_768 = %scan3A_217#8, %scan3A_769 = %scan3A_217#9, %scan3A_770 = %scan3A_217#10, %scan3A_771 = %scan3A_217#11, %scan3A_772 = %scan3A_217#12, %scan3A_773 = %scan3A_217#13, %scan3A_774 = %scan3A_217#14, %scan3A_775 = %scan3A_217#15, %scan3A_776 = %scan3A_217#16, %scan3A_777 = %scan3A_217#17, %scan3A_778 = %scan3A_217#18, %scan3A_779 = %scan3A_217#19, %scan3A_780 = %scan3A_217#20, %scan3A_781 = %scan3A_217#21, %scan3A_782 = %scan3A_217#22, %scan3A_783 = %scan3A_217#23, %scan3A_784 = %scan3A_217#24, %scan3A_785 = %scan3A_217#25, %scan3A_786 = %scan3A_217#26, %scan3A_787 = %scan3A_217#27, %scan3A_788 = %scan3A_217#28, %scan3A_789 = %scan3A_217#29, %scan3A_790 = %scan3A_217#30, %scan3A_791 = %scan3A_217#31, %scan3A_792 = %scan3A_217#32, %scan3A_793 = %scan3A_217#33, %scan3A_794 = %scan3A_217#34, %scan3A_795 = %scan3A_217#35, %scan3A_796 = %scan3A_217#36, %scan3A_797 = %scan3A_217#37, %scan3A_798 = %scan3A_217#38, %scan3A_799 = %scan3A_217#39) -> (vector<16xf32>, vector<16xf32>, vector<16xf32>, vector<16xf32>, vector<16xf32>, vector<16xf32>, vector<16xf32>, vector<16xf32>, vector<16xf32>, vector<16xf32>, vector<16xf32>, vector<16xf32>, vector<16xf32>, vector<16xf32>, vector<16xf32>, vector<16xf32>, vector<16xf32>, vector<16xf32>, vector<16xf32>, vector<16xf32>, vector<16xf32>, vector<16xf32>, vector<16xf32>, vector<16xf32>, vector<16xf32>, vector<16xf32>, vector<16xf32>, vector<16xf32>, vector<16xf32>, vector<16xf32>, vector<16xf32>, vector<16xf32>, vector<16xf32>, vector<16xf32>, vector<16xf32>, vector<16xf32>, vector<16xf32>, vector<16xf32>, vector<16xf32>, vector<16xf32>)  : i32 {
        %get3A = arith.index_cast %scan3A_759 : i32 to index
        %get3A_800 = arith.constant 0 : index
        %get3A_801 = tpu.vector_load %arg6[%get3A, %get3A_800] {strides = array<i32>} : memref<40x640xf32, #tpu.memory_space<vmem>>, vector<1x16xf32>,
        %get3A_802 = vector.shape_cast %get3A_801 : vector<1x16xf32> to vector<16xf32>
        %add3A_803 = arith.addf %scan3A_760, %get3A_802 : vector<16xf32>
        %get3A_804 = arith.index_cast %scan3A_759 : i32 to index
        %get3A_805 = arith.constant 16 : index
        %get3A_806 = tpu.vector_load %arg6[%get3A_804, %get3A_805] {strides = array<i32>} : memref<40x640xf32, #tpu.memory_space<vmem>>, vector<1x16xf32>,
        %get3A_807 = vector.shape_cast %get3A_806 : vector<1x16xf32> to vector<16xf32>
        %add3A_808 = arith.addf %scan3A_761, %get3A_807 : vector<16xf32>
        %get3A_809 = arith.index_cast %scan3A_759 : i32 to index
        %get3A_810 = arith.constant 32 : index
        %get3A_811 = tpu.vector_load %arg6[%get3A_809, %get3A_810] {strides = array<i32>} : memref<40x640xf32, #tpu.memory_space<vmem>>, vector<1x16xf32>,
        %get3A_812 = vector.shape_cast %get3A_811 : vector<1x16xf32> to vector<16xf32>
        %add3A_813 = arith.addf %scan3A_762, %get3A_812 : vector<16xf32>
        %get3A_814 = arith.index_cast %scan3A_759 : i32 to index
        %get3A_815 = arith.constant 48 : index
        %get3A_816 = tpu.vector_load %arg6[%get3A_814, %get3A_815] {strides = array<i32>} : memref<40x640xf32, #tpu.memory_space<vmem>>, vector<1x16xf32>,
        %get3A_817 = vector.shape_cast %get3A_816 : vector<1x16xf32> to vector<16xf32>
        %add3A_818 = arith.addf %scan3A_763, %get3A_817 : vector<16xf32>
        %get3A_819 = arith.index_cast %scan3A_759 : i32 to index
        %get3A_820 = arith.constant 64 : index
        %get3A_821 = tpu.vector_load %arg6[%get3A_819, %get3A_820] {strides = array<i32>} : memref<40x640xf32, #tpu.memory_space<vmem>>, vector<1x16xf32>,
        %get3A_822 = vector.shape_cast %get3A_821 : vector<1x16xf32> to vector<16xf32>
        %add3A_823 = arith.addf %scan3A_764, %get3A_822 : vector<16xf32>
        %get3A_824 = arith.index_cast %scan3A_759 : i32 to index
        %get3A_825 = arith.constant 80 : index
        %get3A_826 = tpu.vector_load %arg6[%get3A_824, %get3A_825] {strides = array<i32>} : memref<40x640xf32, #tpu.memory_space<vmem>>, vector<1x16xf32>,
        %get3A_827 = vector.shape_cast %get3A_826 : vector<1x16xf32> to vector<16xf32>
        %add3A_828 = arith.addf %scan3A_765, %get3A_827 : vector<16xf32>
        %get3A_829 = arith.index_cast %scan3A_759 : i32 to index
        %get3A_830 = arith.constant 96 : index
        %get3A_831 = tpu.vector_load %arg6[%get3A_829, %get3A_830] {strides = array<i32>} : memref<40x640xf32, #tpu.memory_space<vmem>>, vector<1x16xf32>,
        %get3A_832 = vector.shape_cast %get3A_831 : vector<1x16xf32> to vector<16xf32>
        %add3A_833 = arith.addf %scan3A_766, %get3A_832 : vector<16xf32>
        %get3A_834 = arith.index_cast %scan3A_759 : i32 to index
        %get3A_835 = arith.constant 112 : index
        %get3A_836 = tpu.vector_load %arg6[%get3A_834, %get3A_835] {strides = array<i32>} : memref<40x640xf32, #tpu.memory_space<vmem>>, vector<1x16xf32>,
        %get3A_837 = vector.shape_cast %get3A_836 : vector<1x16xf32> to vector<16xf32>
        %add3A_838 = arith.addf %scan3A_767, %get3A_837 : vector<16xf32>
        %get3A_839 = arith.index_cast %scan3A_759 : i32 to index
        %get3A_840 = arith.constant 128 : index
        %get3A_841 = tpu.vector_load %arg6[%get3A_839, %get3A_840] {strides = array<i32>} : memref<40x640xf32, #tpu.memory_space<vmem>>, vector<1x16xf32>,
        %get3A_842 = vector.shape_cast %get3A_841 : vector<1x16xf32> to vector<16xf32>
        %add3A_843 = arith.addf %scan3A_768, %get3A_842 : vector<16xf32>
        %get3A_844 = arith.index_cast %scan3A_759 : i32 to index
        %get3A_845 = arith.constant 144 : index
        %get3A_846 = tpu.vector_load %arg6[%get3A_844, %get3A_845] {strides = array<i32>} : memref<40x640xf32, #tpu.memory_space<vmem>>, vector<1x16xf32>,
        %get3A_847 = vector.shape_cast %get3A_846 : vector<1x16xf32> to vector<16xf32>
        %add3A_848 = arith.addf %scan3A_769, %get3A_847 : vector<16xf32>
        %get3A_849 = arith.index_cast %scan3A_759 : i32 to index
        %get3A_850 = arith.constant 160 : index
        %get3A_851 = tpu.vector_load %arg6[%get3A_849, %get3A_850] {strides = array<i32>} : memref<40x640xf32, #tpu.memory_space<vmem>>, vector<1x16xf32>,
        %get3A_852 = vector.shape_cast %get3A_851 : vector<1x16xf32> to vector<16xf32>
        %add3A_853 = arith.addf %scan3A_770, %get3A_852 : vector<16xf32>
        %get3A_854 = arith.index_cast %scan3A_759 : i32 to index
        %get3A_855 = arith.constant 176 : index
        %get3A_856 = tpu.vector_load %arg6[%get3A_854, %get3A_855] {strides = array<i32>} : memref<40x640xf32, #tpu.memory_space<vmem>>, vector<1x16xf32>,
        %get3A_857 = vector.shape_cast %get3A_856 : vector<1x16xf32> to vector<16xf32>
        %add3A_858 = arith.addf %scan3A_771, %get3A_857 : vector<16xf32>
        %get3A_859 = arith.index_cast %scan3A_759 : i32 to index
        %get3A_860 = arith.constant 192 : index
        %get3A_861 = tpu.vector_load %arg6[%get3A_859, %get3A_860] {strides = array<i32>} : memref<40x640xf32, #tpu.memory_space<vmem>>, vector<1x16xf32>,
        %get3A_862 = vector.shape_cast %get3A_861 : vector<1x16xf32> to vector<16xf32>
        %add3A_863 = arith.addf %scan3A_772, %get3A_862 : vector<16xf32>
        %get3A_864 = arith.index_cast %scan3A_759 : i32 to index
        %get3A_865 = arith.constant 208 : index
        %get3A_866 = tpu.vector_load %arg6[%get3A_864, %get3A_865] {strides = array<i32>} : memref<40x640xf32, #tpu.memory_space<vmem>>, vector<1x16xf32>,
        %get3A_867 = vector.shape_cast %get3A_866 : vector<1x16xf32> to vector<16xf32>
        %add3A_868 = arith.addf %scan3A_773, %get3A_867 : vector<16xf32>
        %get3A_869 = arith.index_cast %scan3A_759 : i32 to index
        %get3A_870 = arith.constant 224 : index
        %get3A_871 = tpu.vector_load %arg6[%get3A_869, %get3A_870] {strides = array<i32>} : memref<40x640xf32, #tpu.memory_space<vmem>>, vector<1x16xf32>,
        %get3A_872 = vector.shape_cast %get3A_871 : vector<1x16xf32> to vector<16xf32>
        %add3A_873 = arith.addf %scan3A_774, %get3A_872 : vector<16xf32>
        %get3A_874 = arith.index_cast %scan3A_759 : i32 to index
        %get3A_875 = arith.constant 240 : index
        %get3A_876 = tpu.vector_load %arg6[%get3A_874, %get3A_875] {strides = array<i32>} : memref<40x640xf32, #tpu.memory_space<vmem>>, vector<1x16xf32>,
        %get3A_877 = vector.shape_cast %get3A_876 : vector<1x16xf32> to vector<16xf32>
        %add3A_878 = arith.addf %scan3A_775, %get3A_877 : vector<16xf32>
        %get3A_879 = arith.index_cast %scan3A_759 : i32 to index
        %get3A_880 = arith.constant 256 : index
        %get3A_881 = tpu.vector_load %arg6[%get3A_879, %get3A_880] {strides = array<i32>} : memref<40x640xf32, #tpu.memory_space<vmem>>, vector<1x16xf32>,
        %get3A_882 = vector.shape_cast %get3A_881 : vector<1x16xf32> to vector<16xf32>
        %add3A_883 = arith.addf %scan3A_776, %get3A_882 : vector<16xf32>
        %get3A_884 = arith.index_cast %scan3A_759 : i32 to index
        %get3A_885 = arith.constant 272 : index
        %get3A_886 = tpu.vector_load %arg6[%get3A_884, %get3A_885] {strides = array<i32>} : memref<40x640xf32, #tpu.memory_space<vmem>>, vector<1x16xf32>,
        %get3A_887 = vector.shape_cast %get3A_886 : vector<1x16xf32> to vector<16xf32>
        %add3A_888 = arith.addf %scan3A_777, %get3A_887 : vector<16xf32>
        %get3A_889 = arith.index_cast %scan3A_759 : i32 to index
        %get3A_890 = arith.constant 288 : index
        %get3A_891 = tpu.vector_load %arg6[%get3A_889, %get3A_890] {strides = array<i32>} : memref<40x640xf32, #tpu.memory_space<vmem>>, vector<1x16xf32>,
        %get3A_892 = vector.shape_cast %get3A_891 : vector<1x16xf32> to vector<16xf32>
        %add3A_893 = arith.addf %scan3A_778, %get3A_892 : vector<16xf32>
        %get3A_894 = arith.index_cast %scan3A_759 : i32 to index
        %get3A_895 = arith.constant 304 : index
        %get3A_896 = tpu.vector_load %arg6[%get3A_894, %get3A_895] {strides = array<i32>} : memref<40x640xf32, #tpu.memory_space<vmem>>, vector<1x16xf32>,
        %get3A_897 = vector.shape_cast %get3A_896 : vector<1x16xf32> to vector<16xf32>
        %add3A_898 = arith.addf %scan3A_779, %get3A_897 : vector<16xf32>
        %get3A_899 = arith.index_cast %scan3A_759 : i32 to index
        %get3A_900 = arith.constant 320 : index
        %get3A_901 = tpu.vector_load %arg6[%get3A_899, %get3A_900] {strides = array<i32>} : memref<40x640xf32, #tpu.memory_space<vmem>>, vector<1x16xf32>,
        %get3A_902 = vector.shape_cast %get3A_901 : vector<1x16xf32> to vector<16xf32>
        %add3A_903 = arith.addf %scan3A_780, %get3A_902 : vector<16xf32>
        %get3A_904 = arith.index_cast %scan3A_759 : i32 to index
        %get3A_905 = arith.constant 336 : index
        %get3A_906 = tpu.vector_load %arg6[%get3A_904, %get3A_905] {strides = array<i32>} : memref<40x640xf32, #tpu.memory_space<vmem>>, vector<1x16xf32>,
        %get3A_907 = vector.shape_cast %get3A_906 : vector<1x16xf32> to vector<16xf32>
        %add3A_908 = arith.addf %scan3A_781, %get3A_907 : vector<16xf32>
        %get3A_909 = arith.index_cast %scan3A_759 : i32 to index
        %get3A_910 = arith.constant 352 : index
        %get3A_911 = tpu.vector_load %arg6[%get3A_909, %get3A_910] {strides = array<i32>} : memref<40x640xf32, #tpu.memory_space<vmem>>, vector<1x16xf32>,
        %get3A_912 = vector.shape_cast %get3A_911 : vector<1x16xf32> to vector<16xf32>
        %add3A_913 = arith.addf %scan3A_782, %get3A_912 : vector<16xf32>
        %get3A_914 = arith.index_cast %scan3A_759 : i32 to index
        %get3A_915 = arith.constant 368 : index
        %get3A_916 = tpu.vector_load %arg6[%get3A_914, %get3A_915] {strides = array<i32>} : memref<40x640xf32, #tpu.memory_space<vmem>>, vector<1x16xf32>,
        %get3A_917 = vector.shape_cast %get3A_916 : vector<1x16xf32> to vector<16xf32>
        %add3A_918 = arith.addf %scan3A_783, %get3A_917 : vector<16xf32>
        %get3A_919 = arith.index_cast %scan3A_759 : i32 to index
        %get3A_920 = arith.constant 384 : index
        %get3A_921 = tpu.vector_load %arg6[%get3A_919, %get3A_920] {strides = array<i32>} : memref<40x640xf32, #tpu.memory_space<vmem>>, vector<1x16xf32>,
        %get3A_922 = vector.shape_cast %get3A_921 : vector<1x16xf32> to vector<16xf32>
        %add3A_923 = arith.addf %scan3A_784, %get3A_922 : vector<16xf32>
        %get3A_924 = arith.index_cast %scan3A_759 : i32 to index
        %get3A_925 = arith.constant 400 : index
        %get3A_926 = tpu.vector_load %arg6[%get3A_924, %get3A_925] {strides = array<i32>} : memref<40x640xf32, #tpu.memory_space<vmem>>, vector<1x16xf32>,
        %get3A_927 = vector.shape_cast %get3A_926 : vector<1x16xf32> to vector<16xf32>
        %add3A_928 = arith.addf %scan3A_785, %get3A_927 : vector<16xf32>
        %get3A_929 = arith.index_cast %scan3A_759 : i32 to index
        %get3A_930 = arith.constant 416 : index
        %get3A_931 = tpu.vector_load %arg6[%get3A_929, %get3A_930] {strides = array<i32>} : memref<40x640xf32, #tpu.memory_space<vmem>>, vector<1x16xf32>,
        %get3A_932 = vector.shape_cast %get3A_931 : vector<1x16xf32> to vector<16xf32>
        %add3A_933 = arith.addf %scan3A_786, %get3A_932 : vector<16xf32>
        %get3A_934 = arith.index_cast %scan3A_759 : i32 to index
        %get3A_935 = arith.constant 432 : index
        %get3A_936 = tpu.vector_load %arg6[%get3A_934, %get3A_935] {strides = array<i32>} : memref<40x640xf32, #tpu.memory_space<vmem>>, vector<1x16xf32>,
        %get3A_937 = vector.shape_cast %get3A_936 : vector<1x16xf32> to vector<16xf32>
        %add3A_938 = arith.addf %scan3A_787, %get3A_937 : vector<16xf32>
        %get3A_939 = arith.index_cast %scan3A_759 : i32 to index
        %get3A_940 = arith.constant 448 : index
        %get3A_941 = tpu.vector_load %arg6[%get3A_939, %get3A_940] {strides = array<i32>} : memref<40x640xf32, #tpu.memory_space<vmem>>, vector<1x16xf32>,
        %get3A_942 = vector.shape_cast %get3A_941 : vector<1x16xf32> to vector<16xf32>
        %add3A_943 = arith.addf %scan3A_788, %get3A_942 : vector<16xf32>
        %get3A_944 = arith.index_cast %scan3A_759 : i32 to index
        %get3A_945 = arith.constant 464 : index
        %get3A_946 = tpu.vector_load %arg6[%get3A_944, %get3A_945] {strides = array<i32>} : memref<40x640xf32, #tpu.memory_space<vmem>>, vector<1x16xf32>,
        %get3A_947 = vector.shape_cast %get3A_946 : vector<1x16xf32> to vector<16xf32>
        %add3A_948 = arith.addf %scan3A_789, %get3A_947 : vector<16xf32>
        %get3A_949 = arith.index_cast %scan3A_759 : i32 to index
        %get3A_950 = arith.constant 480 : index
        %get3A_951 = tpu.vector_load %arg6[%get3A_949, %get3A_950] {strides = array<i32>} : memref<40x640xf32, #tpu.memory_space<vmem>>, vector<1x16xf32>,
        %get3A_952 = vector.shape_cast %get3A_951 : vector<1x16xf32> to vector<16xf32>
        %add3A_953 = arith.addf %scan3A_790, %get3A_952 : vector<16xf32>
        %get3A_954 = arith.index_cast %scan3A_759 : i32 to index
        %get3A_955 = arith.constant 496 : index
        %get3A_956 = tpu.vector_load %arg6[%get3A_954, %get3A_955] {strides = array<i32>} : memref<40x640xf32, #tpu.memory_space<vmem>>, vector<1x16xf32>,
        %get3A_957 = vector.shape_cast %get3A_956 : vector<1x16xf32> to vector<16xf32>
        %add3A_958 = arith.addf %scan3A_791, %get3A_957 : vector<16xf32>
        %get3A_959 = arith.index_cast %scan3A_759 : i32 to index
        %get3A_960 = arith.constant 512 : index
        %get3A_961 = tpu.vector_load %arg6[%get3A_959, %get3A_960] {strides = array<i32>} : memref<40x640xf32, #tpu.memory_space<vmem>>, vector<1x16xf32>,
        %get3A_962 = vector.shape_cast %get3A_961 : vector<1x16xf32> to vector<16xf32>
        %add3A_963 = arith.addf %scan3A_792, %get3A_962 : vector<16xf32>
        %get3A_964 = arith.index_cast %scan3A_759 : i32 to index
        %get3A_965 = arith.constant 528 : index
        %get3A_966 = tpu.vector_load %arg6[%get3A_964, %get3A_965] {strides = array<i32>} : memref<40x640xf32, #tpu.memory_space<vmem>>, vector<1x16xf32>,
        %get3A_967 = vector.shape_cast %get3A_966 : vector<1x16xf32> to vector<16xf32>
        %add3A_968 = arith.addf %scan3A_793, %get3A_967 : vector<16xf32>
        %get3A_969 = arith.index_cast %scan3A_759 : i32 to index
        %get3A_970 = arith.constant 544 : index
        %get3A_971 = tpu.vector_load %arg6[%get3A_969, %get3A_970] {strides = array<i32>} : memref<40x640xf32, #tpu.memory_space<vmem>>, vector<1x16xf32>,
        %get3A_972 = vector.shape_cast %get3A_971 : vector<1x16xf32> to vector<16xf32>
        %add3A_973 = arith.addf %scan3A_794, %get3A_972 : vector<16xf32>
        %get3A_974 = arith.index_cast %scan3A_759 : i32 to index
        %get3A_975 = arith.constant 560 : index
        %get3A_976 = tpu.vector_load %arg6[%get3A_974, %get3A_975] {strides = array<i32>} : memref<40x640xf32, #tpu.memory_space<vmem>>, vector<1x16xf32>,
        %get3A_977 = vector.shape_cast %get3A_976 : vector<1x16xf32> to vector<16xf32>
        %add3A_978 = arith.addf %scan3A_795, %get3A_977 : vector<16xf32>
        %get3A_979 = arith.index_cast %scan3A_759 : i32 to index
        %get3A_980 = arith.constant 576 : index
        %get3A_981 = tpu.vector_load %arg6[%get3A_979, %get3A_980] {strides = array<i32>} : memref<40x640xf32, #tpu.memory_space<vmem>>, vector<1x16xf32>,
        %get3A_982 = vector.shape_cast %get3A_981 : vector<1x16xf32> to vector<16xf32>
        %add3A_983 = arith.addf %scan3A_796, %get3A_982 : vector<16xf32>
        %get3A_984 = arith.index_cast %scan3A_759 : i32 to index
        %get3A_985 = arith.constant 592 : index
        %get3A_986 = tpu.vector_load %arg6[%get3A_984, %get3A_985] {strides = array<i32>} : memref<40x640xf32, #tpu.memory_space<vmem>>, vector<1x16xf32>,
        %get3A_987 = vector.shape_cast %get3A_986 : vector<1x16xf32> to vector<16xf32>
        %add3A_988 = arith.addf %scan3A_797, %get3A_987 : vector<16xf32>
        %get3A_989 = arith.index_cast %scan3A_759 : i32 to index
        %get3A_990 = arith.constant 608 : index
        %get3A_991 = tpu.vector_load %arg6[%get3A_989, %get3A_990] {strides = array<i32>} : memref<40x640xf32, #tpu.memory_space<vmem>>, vector<1x16xf32>,
        %get3A_992 = vector.shape_cast %get3A_991 : vector<1x16xf32> to vector<16xf32>
        %add3A_993 = arith.addf %scan3A_798, %get3A_992 : vector<16xf32>
        %get3A_994 = arith.index_cast %scan3A_759 : i32 to index
        %get3A_995 = arith.constant 624 : index
        %get3A_996 = tpu.vector_load %arg6[%get3A_994, %get3A_995] {strides = array<i32>} : memref<40x640xf32, #tpu.memory_space<vmem>>, vector<1x16xf32>,
        %get3A_997 = vector.shape_cast %get3A_996 : vector<1x16xf32> to vector<16xf32>
        %add3A_998 = arith.addf %scan3A_799, %get3A_997 : vector<16xf32>
        scf.yield %add3A_803, %add3A_808, %add3A_813, %add3A_818, %add3A_823, %add3A_828, %add3A_833, %add3A_838, %add3A_843, %add3A_848, %add3A_853, %add3A_858, %add3A_863, %add3A_868, %add3A_873, %add3A_878, %add3A_883, %add3A_888, %add3A_893, %add3A_898, %add3A_903, %add3A_908, %add3A_913, %add3A_918, %add3A_923, %add3A_928, %add3A_933, %add3A_938, %add3A_943, %add3A_948, %add3A_953, %add3A_958, %add3A_963, %add3A_968, %add3A_973, %add3A_978, %add3A_983, %add3A_988, %add3A_993, %add3A_998 : vector<16xf32>, vector<16xf32>, vector<16xf32>, vector<16xf32>, vector<16xf32>, vector<16xf32>, vector<16xf32>, vector<16xf32>, vector<16xf32>, vector<16xf32>, vector<16xf32>, vector<16xf32>, vector<16xf32>, vector<16xf32>, vector<16xf32>, vector<16xf32>, vector<16xf32>, vector<16xf32>, vector<16xf32>, vector<16xf32>, vector<16xf32>, vector<16xf32>, vector<16xf32>, vector<16xf32>, vector<16xf32>, vector<16xf32>, vector<16xf32>, vector<16xf32>, vector<16xf32>, vector<16xf32>, vector<16xf32>, vector<16xf32>, vector<16xf32>, vector<16xf32>, vector<16xf32>, vector<16xf32>, vector<16xf32>, vector<16xf32>, vector<16xf32>, vector<16xf32>
      }
      %scan3A_239 = arith.constant 40 : i32
      %add3A_240 = arith.constant 2 : i32
      %add3A_241 = arith.addi %add3A_227, %add3A_240 : i32
      %lt3A_242 = arith.constant 160 : i32
      %lt3A_243 = arith.cmpi slt, %add3A_241, %lt3A_242 : i32
      %convert_element_type3A_244 = arith.extui %lt3A_243 : i1 to i32
      %cond3A_245 = arith.constant 0 : i32
      %cond3A_246 = arith.cmpi ne, %convert_element_type3A_244, %cond3A_245 : i32
      scf.if %cond3A_246 {
        %add3A_759 = arith.constant 2 : i32
        %add3A_760 = arith.addi %add3A_227, %add3A_759 : i32
        %dma_start3A_761 = arith.constant 0 : i32
        %dma_start3A_762 = tpu.memref_slice %arg5[%add3A_760, %dma_start3A_761] : memref<160x40xi32, #tpu.memory_space<vmem>> -> memref<1x40xi32, #tpu.memory_space<vmem>>
        %dma_start3A_763 = tpu.memref_squeeze %dma_start3A_762 : memref<1x40xi32, #tpu.memory_space<vmem>> -> memref<40xi32, #tpu.memory_space<vmem>>
        %dma_start3A_764 = arith.constant 0 : i32
        %dma_start3A_765 = arith.constant 0 : i32
        %dma_start3A_766 = tpu.memref_slice %arg3[%dma_start3A_764, %dma_start3A_765] : memref<100000x640xf32, #tpu.memory_space<hbm>> -> memref<100000x640xf32, #tpu.memory_space<hbm>>
        tpu.enqueue_indirect_dma source(%dma_start3A_766 : memref<100000x640xf32, #tpu.memory_space<hbm>>) target(%arg6 : memref<40x640xf32, #tpu.memory_space<vmem>>) offsets(%dma_start3A_763 : memref<40xi32, #tpu.memory_space<vmem>>) semaphore(%arg9 : memref<!tpu.dma_semaphore, #tpu.memory_space<semaphore_mem>>)
      } else {
      }
      %mul3A_247 = arith.constant 2 : i32
      %mul3A_248 = arith.muli %mul3A_247, %scan3A_103 : i32
      %add3A_249 = arith.constant 0 : i32
      %add3A_250 = arith.addi %mul3A_248, %add3A_249 : i32
      %swap3A = arith.index_cast %add3A_250 : i32 to index
      %swap3A_251 = arith.constant 0 : index
      %swap3A_252 = tpu.vector_load %arg8[%swap3A, %swap3A_251] {strides = array<i32>} : memref<32x640xf32, #tpu.memory_space<vmem>>, vector<1x16xf32>,
      %swap3A_253 = vector.shape_cast %swap3A_252 : vector<1x16xf32> to vector<16xf32>
      %swap3A_254 = vector.shape_cast %scan3A_238#0 : vector<16xf32> to vector<1x16xf32>
      tpu.vector_store %arg8[%swap3A, %swap3A_251], %swap3A_254 {strides = array<i32>} : memref<32x640xf32, #tpu.memory_space<vmem>>, vector<1x16xf32>,
      %swap3A_255 = arith.index_cast %add3A_250 : i32 to index
      %swap3A_256 = arith.constant 16 : index
      %swap3A_257 = tpu.vector_load %arg8[%swap3A_255, %swap3A_256] {strides = array<i32>} : memref<32x640xf32, #tpu.memory_space<vmem>>, vector<1x16xf32>,
      %swap3A_258 = vector.shape_cast %swap3A_257 : vector<1x16xf32> to vector<16xf32>
      %swap3A_259 = vector.shape_cast %scan3A_238#1 : vector<16xf32> to vector<1x16xf32>
      tpu.vector_store %arg8[%swap3A_255, %swap3A_256], %swap3A_259 {strides = array<i32>} : memref<32x640xf32, #tpu.memory_space<vmem>>, vector<1x16xf32>,
      %swap3A_260 = arith.index_cast %add3A_250 : i32 to index
      %swap3A_261 = arith.constant 32 : index
      %swap3A_262 = tpu.vector_load %arg8[%swap3A_260, %swap3A_261] {strides = array<i32>} : memref<32x640xf32, #tpu.memory_space<vmem>>, vector<1x16xf32>,
      %swap3A_263 = vector.shape_cast %swap3A_262 : vector<1x16xf32> to vector<16xf32>
      %swap3A_264 = vector.shape_cast %scan3A_238#2 : vector<16xf32> to vector<1x16xf32>
      tpu.vector_store %arg8[%swap3A_260, %swap3A_261], %swap3A_264 {strides = array<i32>} : memref<32x640xf32, #tpu.memory_space<vmem>>, vector<1x16xf32>,
      %swap3A_265 = arith.index_cast %add3A_250 : i32 to index
      %swap3A_266 = arith.constant 48 : index
      %swap3A_267 = tpu.vector_load %arg8[%swap3A_265, %swap3A_266] {strides = array<i32>} : memref<32x640xf32, #tpu.memory_space<vmem>>, vector<1x16xf32>,
      %swap3A_268 = vector.shape_cast %swap3A_267 : vector<1x16xf32> to vector<16xf32>
      %swap3A_269 = vector.shape_cast %scan3A_238#3 : vector<16xf32> to vector<1x16xf32>
      tpu.vector_store %arg8[%swap3A_265, %swap3A_266], %swap3A_269 {strides = array<i32>} : memref<32x640xf32, #tpu.memory_space<vmem>>, vector<1x16xf32>,
      %swap3A_270 = arith.index_cast %add3A_250 : i32 to index
      %swap3A_271 = arith.constant 64 : index
      %swap3A_272 = tpu.vector_load %arg8[%swap3A_270, %swap3A_271] {strides = array<i32>} : memref<32x640xf32, #tpu.memory_space<vmem>>, vector<1x16xf32>,
      %swap3A_273 = vector.shape_cast %swap3A_272 : vector<1x16xf32> to vector<16xf32>
      %swap3A_274 = vector.shape_cast %scan3A_238#4 : vector<16xf32> to vector<1x16xf32>
      tpu.vector_store %arg8[%swap3A_270, %swap3A_271], %swap3A_274 {strides = array<i32>} : memref<32x640xf32, #tpu.memory_space<vmem>>, vector<1x16xf32>,
      %swap3A_275 = arith.index_cast %add3A_250 : i32 to index
      %swap3A_276 = arith.constant 80 : index
      %swap3A_277 = tpu.vector_load %arg8[%swap3A_275, %swap3A_276] {strides = array<i32>} : memref<32x640xf32, #tpu.memory_space<vmem>>, vector<1x16xf32>,
      %swap3A_278 = vector.shape_cast %swap3A_277 : vector<1x16xf32> to vector<16xf32>
      %swap3A_279 = vector.shape_cast %scan3A_238#5 : vector<16xf32> to vector<1x16xf32>
      tpu.vector_store %arg8[%swap3A_275, %swap3A_276], %swap3A_279 {strides = array<i32>} : memref<32x640xf32, #tpu.memory_space<vmem>>, vector<1x16xf32>,
      %swap3A_280 = arith.index_cast %add3A_250 : i32 to index
      %swap3A_281 = arith.constant 96 : index
      %swap3A_282 = tpu.vector_load %arg8[%swap3A_280, %swap3A_281] {strides = array<i32>} : memref<32x640xf32, #tpu.memory_space<vmem>>, vector<1x16xf32>,
      %swap3A_283 = vector.shape_cast %swap3A_282 : vector<1x16xf32> to vector<16xf32>
      %swap3A_284 = vector.shape_cast %scan3A_238#6 : vector<16xf32> to vector<1x16xf32>
      tpu.vector_store %arg8[%swap3A_280, %swap3A_281], %swap3A_284 {strides = array<i32>} : memref<32x640xf32, #tpu.memory_space<vmem>>, vector<1x16xf32>,
      %swap3A_285 = arith.index_cast %add3A_250 : i32 to index
      %swap3A_286 = arith.constant 112 : index
      %swap3A_287 = tpu.vector_load %arg8[%swap3A_285, %swap3A_286] {strides = array<i32>} : memref<32x640xf32, #tpu.memory_space<vmem>>, vector<1x16xf32>,
      %swap3A_288 = vector.shape_cast %swap3A_287 : vector<1x16xf32> to vector<16xf32>
      %swap3A_289 = vector.shape_cast %scan3A_238#7 : vector<16xf32> to vector<1x16xf32>
      tpu.vector_store %arg8[%swap3A_285, %swap3A_286], %swap3A_289 {strides = array<i32>} : memref<32x640xf32, #tpu.memory_space<vmem>>, vector<1x16xf32>,
      %swap3A_290 = arith.index_cast %add3A_250 : i32 to index
      %swap3A_291 = arith.constant 128 : index
      %swap3A_292 = tpu.vector_load %arg8[%swap3A_290, %swap3A_291] {strides = array<i32>} : memref<32x640xf32, #tpu.memory_space<vmem>>, vector<1x16xf32>,
      %swap3A_293 = vector.shape_cast %swap3A_292 : vector<1x16xf32> to vector<16xf32>
      %swap3A_294 = vector.shape_cast %scan3A_238#8 : vector<16xf32> to vector<1x16xf32>
      tpu.vector_store %arg8[%swap3A_290, %swap3A_291], %swap3A_294 {strides = array<i32>} : memref<32x640xf32, #tpu.memory_space<vmem>>, vector<1x16xf32>,
      %swap3A_295 = arith.index_cast %add3A_250 : i32 to index
      %swap3A_296 = arith.constant 144 : index
      %swap3A_297 = tpu.vector_load %arg8[%swap3A_295, %swap3A_296] {strides = array<i32>} : memref<32x640xf32, #tpu.memory_space<vmem>>, vector<1x16xf32>,
      %swap3A_298 = vector.shape_cast %swap3A_297 : vector<1x16xf32> to vector<16xf32>
      %swap3A_299 = vector.shape_cast %scan3A_238#9 : vector<16xf32> to vector<1x16xf32>
      tpu.vector_store %arg8[%swap3A_295, %swap3A_296], %swap3A_299 {strides = array<i32>} : memref<32x640xf32, #tpu.memory_space<vmem>>, vector<1x16xf32>,
      %swap3A_300 = arith.index_cast %add3A_250 : i32 to index
      %swap3A_301 = arith.constant 160 : index
      %swap3A_302 = tpu.vector_load %arg8[%swap3A_300, %swap3A_301] {strides = array<i32>} : memref<32x640xf32, #tpu.memory_space<vmem>>, vector<1x16xf32>,
      %swap3A_303 = vector.shape_cast %swap3A_302 : vector<1x16xf32> to vector<16xf32>
      %swap3A_304 = vector.shape_cast %scan3A_238#10 : vector<16xf32> to vector<1x16xf32>
      tpu.vector_store %arg8[%swap3A_300, %swap3A_301], %swap3A_304 {strides = array<i32>} : memref<32x640xf32, #tpu.memory_space<vmem>>, vector<1x16xf32>,
      %swap3A_305 = arith.index_cast %add3A_250 : i32 to index
      %swap3A_306 = arith.constant 176 : index
      %swap3A_307 = tpu.vector_load %arg8[%swap3A_305, %swap3A_306] {strides = array<i32>} : memref<32x640xf32, #tpu.memory_space<vmem>>, vector<1x16xf32>,
      %swap3A_308 = vector.shape_cast %swap3A_307 : vector<1x16xf32> to vector<16xf32>
      %swap3A_309 = vector.shape_cast %scan3A_238#11 : vector<16xf32> to vector<1x16xf32>
      tpu.vector_store %arg8[%swap3A_305, %swap3A_306], %swap3A_309 {strides = array<i32>} : memref<32x640xf32, #tpu.memory_space<vmem>>, vector<1x16xf32>,
      %swap3A_310 = arith.index_cast %add3A_250 : i32 to index
      %swap3A_311 = arith.constant 192 : index
      %swap3A_312 = tpu.vector_load %arg8[%swap3A_310, %swap3A_311] {strides = array<i32>} : memref<32x640xf32, #tpu.memory_space<vmem>>, vector<1x16xf32>,
      %swap3A_313 = vector.shape_cast %swap3A_312 : vector<1x16xf32> to vector<16xf32>
      %swap3A_314 = vector.shape_cast %scan3A_238#12 : vector<16xf32> to vector<1x16xf32>
      tpu.vector_store %arg8[%swap3A_310, %swap3A_311], %swap3A_314 {strides = array<i32>} : memref<32x640xf32, #tpu.memory_space<vmem>>, vector<1x16xf32>,
      %swap3A_315 = arith.index_cast %add3A_250 : i32 to index
      %swap3A_316 = arith.constant 208 : index
      %swap3A_317 = tpu.vector_load %arg8[%swap3A_315, %swap3A_316] {strides = array<i32>} : memref<32x640xf32, #tpu.memory_space<vmem>>, vector<1x16xf32>,
      %swap3A_318 = vector.shape_cast %swap3A_317 : vector<1x16xf32> to vector<16xf32>
      %swap3A_319 = vector.shape_cast %scan3A_238#13 : vector<16xf32> to vector<1x16xf32>
      tpu.vector_store %arg8[%swap3A_315, %swap3A_316], %swap3A_319 {strides = array<i32>} : memref<32x640xf32, #tpu.memory_space<vmem>>, vector<1x16xf32>,
      %swap3A_320 = arith.index_cast %add3A_250 : i32 to index
      %swap3A_321 = arith.constant 224 : index
      %swap3A_322 = tpu.vector_load %arg8[%swap3A_320, %swap3A_321] {strides = array<i32>} : memref<32x640xf32, #tpu.memory_space<vmem>>, vector<1x16xf32>,
      %swap3A_323 = vector.shape_cast %swap3A_322 : vector<1x16xf32> to vector<16xf32>
      %swap3A_324 = vector.shape_cast %scan3A_238#14 : vector<16xf32> to vector<1x16xf32>
      tpu.vector_store %arg8[%swap3A_320, %swap3A_321], %swap3A_324 {strides = array<i32>} : memref<32x640xf32, #tpu.memory_space<vmem>>, vector<1x16xf32>,
      %swap3A_325 = arith.index_cast %add3A_250 : i32 to index
      %swap3A_326 = arith.constant 240 : index
      %swap3A_327 = tpu.vector_load %arg8[%swap3A_325, %swap3A_326] {strides = array<i32>} : memref<32x640xf32, #tpu.memory_space<vmem>>, vector<1x16xf32>,
      %swap3A_328 = vector.shape_cast %swap3A_327 : vector<1x16xf32> to vector<16xf32>
      %swap3A_329 = vector.shape_cast %scan3A_238#15 : vector<16xf32> to vector<1x16xf32>
      tpu.vector_store %arg8[%swap3A_325, %swap3A_326], %swap3A_329 {strides = array<i32>} : memref<32x640xf32, #tpu.memory_space<vmem>>, vector<1x16xf32>,
      %swap3A_330 = arith.index_cast %add3A_250 : i32 to index
      %swap3A_331 = arith.constant 256 : index
      %swap3A_332 = tpu.vector_load %arg8[%swap3A_330, %swap3A_331] {strides = array<i32>} : memref<32x640xf32, #tpu.memory_space<vmem>>, vector<1x16xf32>,
      %swap3A_333 = vector.shape_cast %swap3A_332 : vector<1x16xf32> to vector<16xf32>
      %swap3A_334 = vector.shape_cast %scan3A_238#16 : vector<16xf32> to vector<1x16xf32>
      tpu.vector_store %arg8[%swap3A_330, %swap3A_331], %swap3A_334 {strides = array<i32>} : memref<32x640xf32, #tpu.memory_space<vmem>>, vector<1x16xf32>,
      %swap3A_335 = arith.index_cast %add3A_250 : i32 to index
      %swap3A_336 = arith.constant 272 : index
      %swap3A_337 = tpu.vector_load %arg8[%swap3A_335, %swap3A_336] {strides = array<i32>} : memref<32x640xf32, #tpu.memory_space<vmem>>, vector<1x16xf32>,
      %swap3A_338 = vector.shape_cast %swap3A_337 : vector<1x16xf32> to vector<16xf32>
      %swap3A_339 = vector.shape_cast %scan3A_238#17 : vector<16xf32> to vector<1x16xf32>
      tpu.vector_store %arg8[%swap3A_335, %swap3A_336], %swap3A_339 {strides = array<i32>} : memref<32x640xf32, #tpu.memory_space<vmem>>, vector<1x16xf32>,
      %swap3A_340 = arith.index_cast %add3A_250 : i32 to index
      %swap3A_341 = arith.constant 288 : index
      %swap3A_342 = tpu.vector_load %arg8[%swap3A_340, %swap3A_341] {strides = array<i32>} : memref<32x640xf32, #tpu.memory_space<vmem>>, vector<1x16xf32>,
      %swap3A_343 = vector.shape_cast %swap3A_342 : vector<1x16xf32> to vector<16xf32>
      %swap3A_344 = vector.shape_cast %scan3A_238#18 : vector<16xf32> to vector<1x16xf32>
      tpu.vector_store %arg8[%swap3A_340, %swap3A_341], %swap3A_344 {strides = array<i32>} : memref<32x640xf32, #tpu.memory_space<vmem>>, vector<1x16xf32>,
      %swap3A_345 = arith.index_cast %add3A_250 : i32 to index
      %swap3A_346 = arith.constant 304 : index
      %swap3A_347 = tpu.vector_load %arg8[%swap3A_345, %swap3A_346] {strides = array<i32>} : memref<32x640xf32, #tpu.memory_space<vmem>>, vector<1x16xf32>,
      %swap3A_348 = vector.shape_cast %swap3A_347 : vector<1x16xf32> to vector<16xf32>
      %swap3A_349 = vector.shape_cast %scan3A_238#19 : vector<16xf32> to vector<1x16xf32>
      tpu.vector_store %arg8[%swap3A_345, %swap3A_346], %swap3A_349 {strides = array<i32>} : memref<32x640xf32, #tpu.memory_space<vmem>>, vector<1x16xf32>,
      %swap3A_350 = arith.index_cast %add3A_250 : i32 to index
      %swap3A_351 = arith.constant 320 : index
      %swap3A_352 = tpu.vector_load %arg8[%swap3A_350, %swap3A_351] {strides = array<i32>} : memref<32x640xf32, #tpu.memory_space<vmem>>, vector<1x16xf32>,
      %swap3A_353 = vector.shape_cast %swap3A_352 : vector<1x16xf32> to vector<16xf32>
      %swap3A_354 = vector.shape_cast %scan3A_238#20 : vector<16xf32> to vector<1x16xf32>
      tpu.vector_store %arg8[%swap3A_350, %swap3A_351], %swap3A_354 {strides = array<i32>} : memref<32x640xf32, #tpu.memory_space<vmem>>, vector<1x16xf32>,
      %swap3A_355 = arith.index_cast %add3A_250 : i32 to index
      %swap3A_356 = arith.constant 336 : index
      %swap3A_357 = tpu.vector_load %arg8[%swap3A_355, %swap3A_356] {strides = array<i32>} : memref<32x640xf32, #tpu.memory_space<vmem>>, vector<1x16xf32>,
      %swap3A_358 = vector.shape_cast %swap3A_357 : vector<1x16xf32> to vector<16xf32>
      %swap3A_359 = vector.shape_cast %scan3A_238#21 : vector<16xf32> to vector<1x16xf32>
      tpu.vector_store %arg8[%swap3A_355, %swap3A_356], %swap3A_359 {strides = array<i32>} : memref<32x640xf32, #tpu.memory_space<vmem>>, vector<1x16xf32>,
      %swap3A_360 = arith.index_cast %add3A_250 : i32 to index
      %swap3A_361 = arith.constant 352 : index
      %swap3A_362 = tpu.vector_load %arg8[%swap3A_360, %swap3A_361] {strides = array<i32>} : memref<32x640xf32, #tpu.memory_space<vmem>>, vector<1x16xf32>,
      %swap3A_363 = vector.shape_cast %swap3A_362 : vector<1x16xf32> to vector<16xf32>
      %swap3A_364 = vector.shape_cast %scan3A_238#22 : vector<16xf32> to vector<1x16xf32>
      tpu.vector_store %arg8[%swap3A_360, %swap3A_361], %swap3A_364 {strides = array<i32>} : memref<32x640xf32, #tpu.memory_space<vmem>>, vector<1x16xf32>,
      %swap3A_365 = arith.index_cast %add3A_250 : i32 to index
      %swap3A_366 = arith.constant 368 : index
      %swap3A_367 = tpu.vector_load %arg8[%swap3A_365, %swap3A_366] {strides = array<i32>} : memref<32x640xf32, #tpu.memory_space<vmem>>, vector<1x16xf32>,
      %swap3A_368 = vector.shape_cast %swap3A_367 : vector<1x16xf32> to vector<16xf32>
      %swap3A_369 = vector.shape_cast %scan3A_238#23 : vector<16xf32> to vector<1x16xf32>
      tpu.vector_store %arg8[%swap3A_365, %swap3A_366], %swap3A_369 {strides = array<i32>} : memref<32x640xf32, #tpu.memory_space<vmem>>, vector<1x16xf32>,
      %swap3A_370 = arith.index_cast %add3A_250 : i32 to index
      %swap3A_371 = arith.constant 384 : index
      %swap3A_372 = tpu.vector_load %arg8[%swap3A_370, %swap3A_371] {strides = array<i32>} : memref<32x640xf32, #tpu.memory_space<vmem>>, vector<1x16xf32>,
      %swap3A_373 = vector.shape_cast %swap3A_372 : vector<1x16xf32> to vector<16xf32>
      %swap3A_374 = vector.shape_cast %scan3A_238#24 : vector<16xf32> to vector<1x16xf32>
      tpu.vector_store %arg8[%swap3A_370, %swap3A_371], %swap3A_374 {strides = array<i32>} : memref<32x640xf32, #tpu.memory_space<vmem>>, vector<1x16xf32>,
      %swap3A_375 = arith.index_cast %add3A_250 : i32 to index
      %swap3A_376 = arith.constant 400 : index
      %swap3A_377 = tpu.vector_load %arg8[%swap3A_375, %swap3A_376] {strides = array<i32>} : memref<32x640xf32, #tpu.memory_space<vmem>>, vector<1x16xf32>,
      %swap3A_378 = vector.shape_cast %swap3A_377 : vector<1x16xf32> to vector<16xf32>
      %swap3A_379 = vector.shape_cast %scan3A_238#25 : vector<16xf32> to vector<1x16xf32>
      tpu.vector_store %arg8[%swap3A_375, %swap3A_376], %swap3A_379 {strides = array<i32>} : memref<32x640xf32, #tpu.memory_space<vmem>>, vector<1x16xf32>,
      %swap3A_380 = arith.index_cast %add3A_250 : i32 to index
      %swap3A_381 = arith.constant 416 : index
      %swap3A_382 = tpu.vector_load %arg8[%swap3A_380, %swap3A_381] {strides = array<i32>} : memref<32x640xf32, #tpu.memory_space<vmem>>, vector<1x16xf32>,
      %swap3A_383 = vector.shape_cast %swap3A_382 : vector<1x16xf32> to vector<16xf32>
      %swap3A_384 = vector.shape_cast %scan3A_238#26 : vector<16xf32> to vector<1x16xf32>
      tpu.vector_store %arg8[%swap3A_380, %swap3A_381], %swap3A_384 {strides = array<i32>} : memref<32x640xf32, #tpu.memory_space<vmem>>, vector<1x16xf32>,
      %swap3A_385 = arith.index_cast %add3A_250 : i32 to index
      %swap3A_386 = arith.constant 432 : index
      %swap3A_387 = tpu.vector_load %arg8[%swap3A_385, %swap3A_386] {strides = array<i32>} : memref<32x640xf32, #tpu.memory_space<vmem>>, vector<1x16xf32>,
      %swap3A_388 = vector.shape_cast %swap3A_387 : vector<1x16xf32> to vector<16xf32>
      %swap3A_389 = vector.shape_cast %scan3A_238#27 : vector<16xf32> to vector<1x16xf32>
      tpu.vector_store %arg8[%swap3A_385, %swap3A_386], %swap3A_389 {strides = array<i32>} : memref<32x640xf32, #tpu.memory_space<vmem>>, vector<1x16xf32>,
      %swap3A_390 = arith.index_cast %add3A_250 : i32 to index
      %swap3A_391 = arith.constant 448 : index
      %swap3A_392 = tpu.vector_load %arg8[%swap3A_390, %swap3A_391] {strides = array<i32>} : memref<32x640xf32, #tpu.memory_space<vmem>>, vector<1x16xf32>,
      %swap3A_393 = vector.shape_cast %swap3A_392 : vector<1x16xf32> to vector<16xf32>
      %swap3A_394 = vector.shape_cast %scan3A_238#28 : vector<16xf32> to vector<1x16xf32>
      tpu.vector_store %arg8[%swap3A_390, %swap3A_391], %swap3A_394 {strides = array<i32>} : memref<32x640xf32, #tpu.memory_space<vmem>>, vector<1x16xf32>,
      %swap3A_395 = arith.index_cast %add3A_250 : i32 to index
      %swap3A_396 = arith.constant 464 : index
      %swap3A_397 = tpu.vector_load %arg8[%swap3A_395, %swap3A_396] {strides = array<i32>} : memref<32x640xf32, #tpu.memory_space<vmem>>, vector<1x16xf32>,
      %swap3A_398 = vector.shape_cast %swap3A_397 : vector<1x16xf32> to vector<16xf32>
      %swap3A_399 = vector.shape_cast %scan3A_238#29 : vector<16xf32> to vector<1x16xf32>
      tpu.vector_store %arg8[%swap3A_395, %swap3A_396], %swap3A_399 {strides = array<i32>} : memref<32x640xf32, #tpu.memory_space<vmem>>, vector<1x16xf32>,
      %swap3A_400 = arith.index_cast %add3A_250 : i32 to index
      %swap3A_401 = arith.constant 480 : index
      %swap3A_402 = tpu.vector_load %arg8[%swap3A_400, %swap3A_401] {strides = array<i32>} : memref<32x640xf32, #tpu.memory_space<vmem>>, vector<1x16xf32>,
      %swap3A_403 = vector.shape_cast %swap3A_402 : vector<1x16xf32> to vector<16xf32>
      %swap3A_404 = vector.shape_cast %scan3A_238#30 : vector<16xf32> to vector<1x16xf32>
      tpu.vector_store %arg8[%swap3A_400, %swap3A_401], %swap3A_404 {strides = array<i32>} : memref<32x640xf32, #tpu.memory_space<vmem>>, vector<1x16xf32>,
      %swap3A_405 = arith.index_cast %add3A_250 : i32 to index
      %swap3A_406 = arith.constant 496 : index
      %swap3A_407 = tpu.vector_load %arg8[%swap3A_405, %swap3A_406] {strides = array<i32>} : memref<32x640xf32, #tpu.memory_space<vmem>>, vector<1x16xf32>,
      %swap3A_408 = vector.shape_cast %swap3A_407 : vector<1x16xf32> to vector<16xf32>
      %swap3A_409 = vector.shape_cast %scan3A_238#31 : vector<16xf32> to vector<1x16xf32>
      tpu.vector_store %arg8[%swap3A_405, %swap3A_406], %swap3A_409 {strides = array<i32>} : memref<32x640xf32, #tpu.memory_space<vmem>>, vector<1x16xf32>,
      %swap3A_410 = arith.index_cast %add3A_250 : i32 to index
      %swap3A_411 = arith.constant 512 : index
      %swap3A_412 = tpu.vector_load %arg8[%swap3A_410, %swap3A_411] {strides = array<i32>} : memref<32x640xf32, #tpu.memory_space<vmem>>, vector<1x16xf32>,
      %swap3A_413 = vector.shape_cast %swap3A_412 : vector<1x16xf32> to vector<16xf32>
      %swap3A_414 = vector.shape_cast %scan3A_238#32 : vector<16xf32> to vector<1x16xf32>
      tpu.vector_store %arg8[%swap3A_410, %swap3A_411], %swap3A_414 {strides = array<i32>} : memref<32x640xf32, #tpu.memory_space<vmem>>, vector<1x16xf32>,
      %swap3A_415 = arith.index_cast %add3A_250 : i32 to index
      %swap3A_416 = arith.constant 528 : index
      %swap3A_417 = tpu.vector_load %arg8[%swap3A_415, %swap3A_416] {strides = array<i32>} : memref<32x640xf32, #tpu.memory_space<vmem>>, vector<1x16xf32>,
      %swap3A_418 = vector.shape_cast %swap3A_417 : vector<1x16xf32> to vector<16xf32>
      %swap3A_419 = vector.shape_cast %scan3A_238#33 : vector<16xf32> to vector<1x16xf32>
      tpu.vector_store %arg8[%swap3A_415, %swap3A_416], %swap3A_419 {strides = array<i32>} : memref<32x640xf32, #tpu.memory_space<vmem>>, vector<1x16xf32>,
      %swap3A_420 = arith.index_cast %add3A_250 : i32 to index
      %swap3A_421 = arith.constant 544 : index
      %swap3A_422 = tpu.vector_load %arg8[%swap3A_420, %swap3A_421] {strides = array<i32>} : memref<32x640xf32, #tpu.memory_space<vmem>>, vector<1x16xf32>,
      %swap3A_423 = vector.shape_cast %swap3A_422 : vector<1x16xf32> to vector<16xf32>
      %swap3A_424 = vector.shape_cast %scan3A_238#34 : vector<16xf32> to vector<1x16xf32>
      tpu.vector_store %arg8[%swap3A_420, %swap3A_421], %swap3A_424 {strides = array<i32>} : memref<32x640xf32, #tpu.memory_space<vmem>>, vector<1x16xf32>,
      %swap3A_425 = arith.index_cast %add3A_250 : i32 to index
      %swap3A_426 = arith.constant 560 : index
      %swap3A_427 = tpu.vector_load %arg8[%swap3A_425, %swap3A_426] {strides = array<i32>} : memref<32x640xf32, #tpu.memory_space<vmem>>, vector<1x16xf32>,
      %swap3A_428 = vector.shape_cast %swap3A_427 : vector<1x16xf32> to vector<16xf32>
      %swap3A_429 = vector.shape_cast %scan3A_238#35 : vector<16xf32> to vector<1x16xf32>
      tpu.vector_store %arg8[%swap3A_425, %swap3A_426], %swap3A_429 {strides = array<i32>} : memref<32x640xf32, #tpu.memory_space<vmem>>, vector<1x16xf32>,
      %swap3A_430 = arith.index_cast %add3A_250 : i32 to index
      %swap3A_431 = arith.constant 576 : index
      %swap3A_432 = tpu.vector_load %arg8[%swap3A_430, %swap3A_431] {strides = array<i32>} : memref<32x640xf32, #tpu.memory_space<vmem>>, vector<1x16xf32>,
      %swap3A_433 = vector.shape_cast %swap3A_432 : vector<1x16xf32> to vector<16xf32>
      %swap3A_434 = vector.shape_cast %scan3A_238#36 : vector<16xf32> to vector<1x16xf32>
      tpu.vector_store %arg8[%swap3A_430, %swap3A_431], %swap3A_434 {strides = array<i32>} : memref<32x640xf32, #tpu.memory_space<vmem>>, vector<1x16xf32>,
      %swap3A_435 = arith.index_cast %add3A_250 : i32 to index
      %swap3A_436 = arith.constant 592 : index
      %swap3A_437 = tpu.vector_load %arg8[%swap3A_435, %swap3A_436] {strides = array<i32>} : memref<32x640xf32, #tpu.memory_space<vmem>>, vector<1x16xf32>,
      %swap3A_438 = vector.shape_cast %swap3A_437 : vector<1x16xf32> to vector<16xf32>
      %swap3A_439 = vector.shape_cast %scan3A_238#37 : vector<16xf32> to vector<1x16xf32>
      tpu.vector_store %arg8[%swap3A_435, %swap3A_436], %swap3A_439 {strides = array<i32>} : memref<32x640xf32, #tpu.memory_space<vmem>>, vector<1x16xf32>,
      %swap3A_440 = arith.index_cast %add3A_250 : i32 to index
      %swap3A_441 = arith.constant 608 : index
      %swap3A_442 = tpu.vector_load %arg8[%swap3A_440, %swap3A_441] {strides = array<i32>} : memref<32x640xf32, #tpu.memory_space<vmem>>, vector<1x16xf32>,
      %swap3A_443 = vector.shape_cast %swap3A_442 : vector<1x16xf32> to vector<16xf32>
      %swap3A_444 = vector.shape_cast %scan3A_238#38 : vector<16xf32> to vector<1x16xf32>
      tpu.vector_store %arg8[%swap3A_440, %swap3A_441], %swap3A_444 {strides = array<i32>} : memref<32x640xf32, #tpu.memory_space<vmem>>, vector<1x16xf32>,
      %swap3A_445 = arith.index_cast %add3A_250 : i32 to index
      %swap3A_446 = arith.constant 624 : index
      %swap3A_447 = tpu.vector_load %arg8[%swap3A_445, %swap3A_446] {strides = array<i32>} : memref<32x640xf32, #tpu.memory_space<vmem>>, vector<1x16xf32>,
      %swap3A_448 = vector.shape_cast %swap3A_447 : vector<1x16xf32> to vector<16xf32>
      %swap3A_449 = vector.shape_cast %scan3A_238#39 : vector<16xf32> to vector<1x16xf32>
      tpu.vector_store %arg8[%swap3A_445, %swap3A_446], %swap3A_449 {strides = array<i32>} : memref<32x640xf32, #tpu.memory_space<vmem>>, vector<1x16xf32>,
      %add3A_450 = arith.constant 5 : i32
      %add3A_451 = arith.addi %mul3A_145, %add3A_450 : i32
      %dma_wait3A_452 = arith.constant 0 : i32
      %dma_wait3A_453 = tpu.memref_slice %arg5[%add3A_451, %dma_wait3A_452] : memref<160x40xi32, #tpu.memory_space<vmem>> -> memref<1x40xi32, #tpu.memory_space<vmem>>
      %dma_wait3A_454 = tpu.memref_squeeze %dma_wait3A_453 : memref<1x40xi32, #tpu.memory_space<vmem>> -> memref<40xi32, #tpu.memory_space<vmem>>
      %dma_wait3A_455 = arith.constant 0 : i32
      %dma_wait3A_456 = arith.constant 0 : i32
      %dma_wait3A_457 = tpu.memref_slice %arg3[%dma_wait3A_455, %dma_wait3A_456] : memref<100000x640xf32, #tpu.memory_space<hbm>> -> memref<100000x640xf32, #tpu.memory_space<hbm>>
      tpu.wait_indirect_dma semaphore(%arg10 : memref<!tpu.dma_semaphore, #tpu.memory_space<semaphore_mem>>) src(%dma_wait3A_457 : memref<100000x640xf32, #tpu.memory_space<hbm>>) dst(%arg7 : memref<40x640xf32, #tpu.memory_space<vmem>>)
      %scan3A_458 = arith.constant 0 : i32
      %scan3A_459 = arith.constant 40 : i32
      %scan3A_460 = arith.addi %scan3A_458, %scan3A_459 : i32
      %scan3A_461 = arith.constant 1 : i32
      %scan3A_462:40 = scf.for %scan3A_759 = %scan3A_458 to %scan3A_460 step %scan3A_461 iter_args(%scan3A_760 = %broadcast_in_dim3A_6, %scan3A_761 = %broadcast_in_dim3A_8, %scan3A_762 = %broadcast_in_dim3A_10, %scan3A_763 = %broadcast_in_dim3A_12, %scan3A_764 = %broadcast_in_dim3A_14, %scan3A_765 = %broadcast_in_dim3A_16, %scan3A_766 = %broadcast_in_dim3A_18, %scan3A_767 = %broadcast_in_dim3A_20, %scan3A_768 = %broadcast_in_dim3A_22, %scan3A_769 = %broadcast_in_dim3A_24, %scan3A_770 = %broadcast_in_dim3A_26, %scan3A_771 = %broadcast_in_dim3A_28, %scan3A_772 = %broadcast_in_dim3A_30, %scan3A_773 = %broadcast_in_dim3A_32, %scan3A_774 = %broadcast_in_dim3A_34, %scan3A_775 = %broadcast_in_dim3A_36, %scan3A_776 = %broadcast_in_dim3A_38, %scan3A_777 = %broadcast_in_dim3A_40, %scan3A_778 = %broadcast_in_dim3A_42, %scan3A_779 = %broadcast_in_dim3A_44, %scan3A_780 = %broadcast_in_dim3A_46, %scan3A_781 = %broadcast_in_dim3A_48, %scan3A_782 = %broadcast_in_dim3A_50, %scan3A_783 = %broadcast_in_dim3A_52, %scan3A_784 = %broadcast_in_dim3A_54, %scan3A_785 = %broadcast_in_dim3A_56, %scan3A_786 = %broadcast_in_dim3A_58, %scan3A_787 = %broadcast_in_dim3A_60, %scan3A_788 = %broadcast_in_dim3A_62, %scan3A_789 = %broadcast_in_dim3A_64, %scan3A_790 = %broadcast_in_dim3A_66, %scan3A_791 = %broadcast_in_dim3A_68, %scan3A_792 = %broadcast_in_dim3A_70, %scan3A_793 = %broadcast_in_dim3A_72, %scan3A_794 = %broadcast_in_dim3A_74, %scan3A_795 = %broadcast_in_dim3A_76, %scan3A_796 = %broadcast_in_dim3A_78, %scan3A_797 = %broadcast_in_dim3A_80, %scan3A_798 = %broadcast_in_dim3A_82, %scan3A_799 = %broadcast_in_dim3A_84) -> (vector<16xf32>, vector<16xf32>, vector<16xf32>, vector<16xf32>, vector<16xf32>, vector<16xf32>, vector<16xf32>, vector<16xf32>, vector<16xf32>, vector<16xf32>, vector<16xf32>, vector<16xf32>, vector<16xf32>, vector<16xf32>, vector<16xf32>, vector<16xf32>, vector<16xf32>, vector<16xf32>, vector<16xf32>, vector<16xf32>, vector<16xf32>, vector<16xf32>, vector<16xf32>, vector<16xf32>, vector<16xf32>, vector<16xf32>, vector<16xf32>, vector<16xf32>, vector<16xf32>, vector<16xf32>, vector<16xf32>, vector<16xf32>, vector<16xf32>, vector<16xf32>, vector<16xf32>, vector<16xf32>, vector<16xf32>, vector<16xf32>, vector<16xf32>, vector<16xf32>)  : i32 {
        %get3A = arith.index_cast %scan3A_759 : i32 to index
        %get3A_800 = arith.constant 0 : index
        %get3A_801 = tpu.vector_load %arg7[%get3A, %get3A_800] {strides = array<i32>} : memref<40x640xf32, #tpu.memory_space<vmem>>, vector<1x16xf32>,
        %get3A_802 = vector.shape_cast %get3A_801 : vector<1x16xf32> to vector<16xf32>
        %add3A_803 = arith.addf %scan3A_760, %get3A_802 : vector<16xf32>
        %get3A_804 = arith.index_cast %scan3A_759 : i32 to index
        %get3A_805 = arith.constant 16 : index
        %get3A_806 = tpu.vector_load %arg7[%get3A_804, %get3A_805] {strides = array<i32>} : memref<40x640xf32, #tpu.memory_space<vmem>>, vector<1x16xf32>,
        %get3A_807 = vector.shape_cast %get3A_806 : vector<1x16xf32> to vector<16xf32>
        %add3A_808 = arith.addf %scan3A_761, %get3A_807 : vector<16xf32>
        %get3A_809 = arith.index_cast %scan3A_759 : i32 to index
        %get3A_810 = arith.constant 32 : index
        %get3A_811 = tpu.vector_load %arg7[%get3A_809, %get3A_810] {strides = array<i32>} : memref<40x640xf32, #tpu.memory_space<vmem>>, vector<1x16xf32>,
        %get3A_812 = vector.shape_cast %get3A_811 : vector<1x16xf32> to vector<16xf32>
        %add3A_813 = arith.addf %scan3A_762, %get3A_812 : vector<16xf32>
        %get3A_814 = arith.index_cast %scan3A_759 : i32 to index
        %get3A_815 = arith.constant 48 : index
        %get3A_816 = tpu.vector_load %arg7[%get3A_814, %get3A_815] {strides = array<i32>} : memref<40x640xf32, #tpu.memory_space<vmem>>, vector<1x16xf32>,
        %get3A_817 = vector.shape_cast %get3A_816 : vector<1x16xf32> to vector<16xf32>
        %add3A_818 = arith.addf %scan3A_763, %get3A_817 : vector<16xf32>
        %get3A_819 = arith.index_cast %scan3A_759 : i32 to index
        %get3A_820 = arith.constant 64 : index
        %get3A_821 = tpu.vector_load %arg7[%get3A_819, %get3A_820] {strides = array<i32>} : memref<40x640xf32, #tpu.memory_space<vmem>>, vector<1x16xf32>,
        %get3A_822 = vector.shape_cast %get3A_821 : vector<1x16xf32> to vector<16xf32>
        %add3A_823 = arith.addf %scan3A_764, %get3A_822 : vector<16xf32>
        %get3A_824 = arith.index_cast %scan3A_759 : i32 to index
        %get3A_825 = arith.constant 80 : index
        %get3A_826 = tpu.vector_load %arg7[%get3A_824, %get3A_825] {strides = array<i32>} : memref<40x640xf32, #tpu.memory_space<vmem>>, vector<1x16xf32>,
        %get3A_827 = vector.shape_cast %get3A_826 : vector<1x16xf32> to vector<16xf32>
        %add3A_828 = arith.addf %scan3A_765, %get3A_827 : vector<16xf32>
        %get3A_829 = arith.index_cast %scan3A_759 : i32 to index
        %get3A_830 = arith.constant 96 : index
        %get3A_831 = tpu.vector_load %arg7[%get3A_829, %get3A_830] {strides = array<i32>} : memref<40x640xf32, #tpu.memory_space<vmem>>, vector<1x16xf32>,
        %get3A_832 = vector.shape_cast %get3A_831 : vector<1x16xf32> to vector<16xf32>
        %add3A_833 = arith.addf %scan3A_766, %get3A_832 : vector<16xf32>
        %get3A_834 = arith.index_cast %scan3A_759 : i32 to index
        %get3A_835 = arith.constant 112 : index
        %get3A_836 = tpu.vector_load %arg7[%get3A_834, %get3A_835] {strides = array<i32>} : memref<40x640xf32, #tpu.memory_space<vmem>>, vector<1x16xf32>,
        %get3A_837 = vector.shape_cast %get3A_836 : vector<1x16xf32> to vector<16xf32>
        %add3A_838 = arith.addf %scan3A_767, %get3A_837 : vector<16xf32>
        %get3A_839 = arith.index_cast %scan3A_759 : i32 to index
        %get3A_840 = arith.constant 128 : index
        %get3A_841 = tpu.vector_load %arg7[%get3A_839, %get3A_840] {strides = array<i32>} : memref<40x640xf32, #tpu.memory_space<vmem>>, vector<1x16xf32>,
        %get3A_842 = vector.shape_cast %get3A_841 : vector<1x16xf32> to vector<16xf32>
        %add3A_843 = arith.addf %scan3A_768, %get3A_842 : vector<16xf32>
        %get3A_844 = arith.index_cast %scan3A_759 : i32 to index
        %get3A_845 = arith.constant 144 : index
        %get3A_846 = tpu.vector_load %arg7[%get3A_844, %get3A_845] {strides = array<i32>} : memref<40x640xf32, #tpu.memory_space<vmem>>, vector<1x16xf32>,
        %get3A_847 = vector.shape_cast %get3A_846 : vector<1x16xf32> to vector<16xf32>
        %add3A_848 = arith.addf %scan3A_769, %get3A_847 : vector<16xf32>
        %get3A_849 = arith.index_cast %scan3A_759 : i32 to index
        %get3A_850 = arith.constant 160 : index
        %get3A_851 = tpu.vector_load %arg7[%get3A_849, %get3A_850] {strides = array<i32>} : memref<40x640xf32, #tpu.memory_space<vmem>>, vector<1x16xf32>,
        %get3A_852 = vector.shape_cast %get3A_851 : vector<1x16xf32> to vector<16xf32>
        %add3A_853 = arith.addf %scan3A_770, %get3A_852 : vector<16xf32>
        %get3A_854 = arith.index_cast %scan3A_759 : i32 to index
        %get3A_855 = arith.constant 176 : index
        %get3A_856 = tpu.vector_load %arg7[%get3A_854, %get3A_855] {strides = array<i32>} : memref<40x640xf32, #tpu.memory_space<vmem>>, vector<1x16xf32>,
        %get3A_857 = vector.shape_cast %get3A_856 : vector<1x16xf32> to vector<16xf32>
        %add3A_858 = arith.addf %scan3A_771, %get3A_857 : vector<16xf32>
        %get3A_859 = arith.index_cast %scan3A_759 : i32 to index
        %get3A_860 = arith.constant 192 : index
        %get3A_861 = tpu.vector_load %arg7[%get3A_859, %get3A_860] {strides = array<i32>} : memref<40x640xf32, #tpu.memory_space<vmem>>, vector<1x16xf32>,
        %get3A_862 = vector.shape_cast %get3A_861 : vector<1x16xf32> to vector<16xf32>
        %add3A_863 = arith.addf %scan3A_772, %get3A_862 : vector<16xf32>
        %get3A_864 = arith.index_cast %scan3A_759 : i32 to index
        %get3A_865 = arith.constant 208 : index
        %get3A_866 = tpu.vector_load %arg7[%get3A_864, %get3A_865] {strides = array<i32>} : memref<40x640xf32, #tpu.memory_space<vmem>>, vector<1x16xf32>,
        %get3A_867 = vector.shape_cast %get3A_866 : vector<1x16xf32> to vector<16xf32>
        %add3A_868 = arith.addf %scan3A_773, %get3A_867 : vector<16xf32>
        %get3A_869 = arith.index_cast %scan3A_759 : i32 to index
        %get3A_870 = arith.constant 224 : index
        %get3A_871 = tpu.vector_load %arg7[%get3A_869, %get3A_870] {strides = array<i32>} : memref<40x640xf32, #tpu.memory_space<vmem>>, vector<1x16xf32>,
        %get3A_872 = vector.shape_cast %get3A_871 : vector<1x16xf32> to vector<16xf32>
        %add3A_873 = arith.addf %scan3A_774, %get3A_872 : vector<16xf32>
        %get3A_874 = arith.index_cast %scan3A_759 : i32 to index
        %get3A_875 = arith.constant 240 : index
        %get3A_876 = tpu.vector_load %arg7[%get3A_874, %get3A_875] {strides = array<i32>} : memref<40x640xf32, #tpu.memory_space<vmem>>, vector<1x16xf32>,
        %get3A_877 = vector.shape_cast %get3A_876 : vector<1x16xf32> to vector<16xf32>
        %add3A_878 = arith.addf %scan3A_775, %get3A_877 : vector<16xf32>
        %get3A_879 = arith.index_cast %scan3A_759 : i32 to index
        %get3A_880 = arith.constant 256 : index
        %get3A_881 = tpu.vector_load %arg7[%get3A_879, %get3A_880] {strides = array<i32>} : memref<40x640xf32, #tpu.memory_space<vmem>>, vector<1x16xf32>,
        %get3A_882 = vector.shape_cast %get3A_881 : vector<1x16xf32> to vector<16xf32>
        %add3A_883 = arith.addf %scan3A_776, %get3A_882 : vector<16xf32>
        %get3A_884 = arith.index_cast %scan3A_759 : i32 to index
        %get3A_885 = arith.constant 272 : index
        %get3A_886 = tpu.vector_load %arg7[%get3A_884, %get3A_885] {strides = array<i32>} : memref<40x640xf32, #tpu.memory_space<vmem>>, vector<1x16xf32>,
        %get3A_887 = vector.shape_cast %get3A_886 : vector<1x16xf32> to vector<16xf32>
        %add3A_888 = arith.addf %scan3A_777, %get3A_887 : vector<16xf32>
        %get3A_889 = arith.index_cast %scan3A_759 : i32 to index
        %get3A_890 = arith.constant 288 : index
        %get3A_891 = tpu.vector_load %arg7[%get3A_889, %get3A_890] {strides = array<i32>} : memref<40x640xf32, #tpu.memory_space<vmem>>, vector<1x16xf32>,
        %get3A_892 = vector.shape_cast %get3A_891 : vector<1x16xf32> to vector<16xf32>
        %add3A_893 = arith.addf %scan3A_778, %get3A_892 : vector<16xf32>
        %get3A_894 = arith.index_cast %scan3A_759 : i32 to index
        %get3A_895 = arith.constant 304 : index
        %get3A_896 = tpu.vector_load %arg7[%get3A_894, %get3A_895] {strides = array<i32>} : memref<40x640xf32, #tpu.memory_space<vmem>>, vector<1x16xf32>,
        %get3A_897 = vector.shape_cast %get3A_896 : vector<1x16xf32> to vector<16xf32>
        %add3A_898 = arith.addf %scan3A_779, %get3A_897 : vector<16xf32>
        %get3A_899 = arith.index_cast %scan3A_759 : i32 to index
        %get3A_900 = arith.constant 320 : index
        %get3A_901 = tpu.vector_load %arg7[%get3A_899, %get3A_900] {strides = array<i32>} : memref<40x640xf32, #tpu.memory_space<vmem>>, vector<1x16xf32>,
        %get3A_902 = vector.shape_cast %get3A_901 : vector<1x16xf32> to vector<16xf32>
        %add3A_903 = arith.addf %scan3A_780, %get3A_902 : vector<16xf32>
        %get3A_904 = arith.index_cast %scan3A_759 : i32 to index
        %get3A_905 = arith.constant 336 : index
        %get3A_906 = tpu.vector_load %arg7[%get3A_904, %get3A_905] {strides = array<i32>} : memref<40x640xf32, #tpu.memory_space<vmem>>, vector<1x16xf32>,
        %get3A_907 = vector.shape_cast %get3A_906 : vector<1x16xf32> to vector<16xf32>
        %add3A_908 = arith.addf %scan3A_781, %get3A_907 : vector<16xf32>
        %get3A_909 = arith.index_cast %scan3A_759 : i32 to index
        %get3A_910 = arith.constant 352 : index
        %get3A_911 = tpu.vector_load %arg7[%get3A_909, %get3A_910] {strides = array<i32>} : memref<40x640xf32, #tpu.memory_space<vmem>>, vector<1x16xf32>,
        %get3A_912 = vector.shape_cast %get3A_911 : vector<1x16xf32> to vector<16xf32>
        %add3A_913 = arith.addf %scan3A_782, %get3A_912 : vector<16xf32>
        %get3A_914 = arith.index_cast %scan3A_759 : i32 to index
        %get3A_915 = arith.constant 368 : index
        %get3A_916 = tpu.vector_load %arg7[%get3A_914, %get3A_915] {strides = array<i32>} : memref<40x640xf32, #tpu.memory_space<vmem>>, vector<1x16xf32>,
        %get3A_917 = vector.shape_cast %get3A_916 : vector<1x16xf32> to vector<16xf32>
        %add3A_918 = arith.addf %scan3A_783, %get3A_917 : vector<16xf32>
        %get3A_919 = arith.index_cast %scan3A_759 : i32 to index
        %get3A_920 = arith.constant 384 : index
        %get3A_921 = tpu.vector_load %arg7[%get3A_919, %get3A_920] {strides = array<i32>} : memref<40x640xf32, #tpu.memory_space<vmem>>, vector<1x16xf32>,
        %get3A_922 = vector.shape_cast %get3A_921 : vector<1x16xf32> to vector<16xf32>
        %add3A_923 = arith.addf %scan3A_784, %get3A_922 : vector<16xf32>
        %get3A_924 = arith.index_cast %scan3A_759 : i32 to index
        %get3A_925 = arith.constant 400 : index
        %get3A_926 = tpu.vector_load %arg7[%get3A_924, %get3A_925] {strides = array<i32>} : memref<40x640xf32, #tpu.memory_space<vmem>>, vector<1x16xf32>,
        %get3A_927 = vector.shape_cast %get3A_926 : vector<1x16xf32> to vector<16xf32>
        %add3A_928 = arith.addf %scan3A_785, %get3A_927 : vector<16xf32>
        %get3A_929 = arith.index_cast %scan3A_759 : i32 to index
        %get3A_930 = arith.constant 416 : index
        %get3A_931 = tpu.vector_load %arg7[%get3A_929, %get3A_930] {strides = array<i32>} : memref<40x640xf32, #tpu.memory_space<vmem>>, vector<1x16xf32>,
        %get3A_932 = vector.shape_cast %get3A_931 : vector<1x16xf32> to vector<16xf32>
        %add3A_933 = arith.addf %scan3A_786, %get3A_932 : vector<16xf32>
        %get3A_934 = arith.index_cast %scan3A_759 : i32 to index
        %get3A_935 = arith.constant 432 : index
        %get3A_936 = tpu.vector_load %arg7[%get3A_934, %get3A_935] {strides = array<i32>} : memref<40x640xf32, #tpu.memory_space<vmem>>, vector<1x16xf32>,
        %get3A_937 = vector.shape_cast %get3A_936 : vector<1x16xf32> to vector<16xf32>
        %add3A_938 = arith.addf %scan3A_787, %get3A_937 : vector<16xf32>
        %get3A_939 = arith.index_cast %scan3A_759 : i32 to index
        %get3A_940 = arith.constant 448 : index
        %get3A_941 = tpu.vector_load %arg7[%get3A_939, %get3A_940] {strides = array<i32>} : memref<40x640xf32, #tpu.memory_space<vmem>>, vector<1x16xf32>,
        %get3A_942 = vector.shape_cast %get3A_941 : vector<1x16xf32> to vector<16xf32>
        %add3A_943 = arith.addf %scan3A_788, %get3A_942 : vector<16xf32>
        %get3A_944 = arith.index_cast %scan3A_759 : i32 to index
        %get3A_945 = arith.constant 464 : index
        %get3A_946 = tpu.vector_load %arg7[%get3A_944, %get3A_945] {strides = array<i32>} : memref<40x640xf32, #tpu.memory_space<vmem>>, vector<1x16xf32>,
        %get3A_947 = vector.shape_cast %get3A_946 : vector<1x16xf32> to vector<16xf32>
        %add3A_948 = arith.addf %scan3A_789, %get3A_947 : vector<16xf32>
        %get3A_949 = arith.index_cast %scan3A_759 : i32 to index
        %get3A_950 = arith.constant 480 : index
        %get3A_951 = tpu.vector_load %arg7[%get3A_949, %get3A_950] {strides = array<i32>} : memref<40x640xf32, #tpu.memory_space<vmem>>, vector<1x16xf32>,
        %get3A_952 = vector.shape_cast %get3A_951 : vector<1x16xf32> to vector<16xf32>
        %add3A_953 = arith.addf %scan3A_790, %get3A_952 : vector<16xf32>
        %get3A_954 = arith.index_cast %scan3A_759 : i32 to index
        %get3A_955 = arith.constant 496 : index
        %get3A_956 = tpu.vector_load %arg7[%get3A_954, %get3A_955] {strides = array<i32>} : memref<40x640xf32, #tpu.memory_space<vmem>>, vector<1x16xf32>,
        %get3A_957 = vector.shape_cast %get3A_956 : vector<1x16xf32> to vector<16xf32>
        %add3A_958 = arith.addf %scan3A_791, %get3A_957 : vector<16xf32>
        %get3A_959 = arith.index_cast %scan3A_759 : i32 to index
        %get3A_960 = arith.constant 512 : index
        %get3A_961 = tpu.vector_load %arg7[%get3A_959, %get3A_960] {strides = array<i32>} : memref<40x640xf32, #tpu.memory_space<vmem>>, vector<1x16xf32>,
        %get3A_962 = vector.shape_cast %get3A_961 : vector<1x16xf32> to vector<16xf32>
        %add3A_963 = arith.addf %scan3A_792, %get3A_962 : vector<16xf32>
        %get3A_964 = arith.index_cast %scan3A_759 : i32 to index
        %get3A_965 = arith.constant 528 : index
        %get3A_966 = tpu.vector_load %arg7[%get3A_964, %get3A_965] {strides = array<i32>} : memref<40x640xf32, #tpu.memory_space<vmem>>, vector<1x16xf32>,
        %get3A_967 = vector.shape_cast %get3A_966 : vector<1x16xf32> to vector<16xf32>
        %add3A_968 = arith.addf %scan3A_793, %get3A_967 : vector<16xf32>
        %get3A_969 = arith.index_cast %scan3A_759 : i32 to index
        %get3A_970 = arith.constant 544 : index
        %get3A_971 = tpu.vector_load %arg7[%get3A_969, %get3A_970] {strides = array<i32>} : memref<40x640xf32, #tpu.memory_space<vmem>>, vector<1x16xf32>,
        %get3A_972 = vector.shape_cast %get3A_971 : vector<1x16xf32> to vector<16xf32>
        %add3A_973 = arith.addf %scan3A_794, %get3A_972 : vector<16xf32>
        %get3A_974 = arith.index_cast %scan3A_759 : i32 to index
        %get3A_975 = arith.constant 560 : index
        %get3A_976 = tpu.vector_load %arg7[%get3A_974, %get3A_975] {strides = array<i32>} : memref<40x640xf32, #tpu.memory_space<vmem>>, vector<1x16xf32>,
        %get3A_977 = vector.shape_cast %get3A_976 : vector<1x16xf32> to vector<16xf32>
        %add3A_978 = arith.addf %scan3A_795, %get3A_977 : vector<16xf32>
        %get3A_979 = arith.index_cast %scan3A_759 : i32 to index
        %get3A_980 = arith.constant 576 : index
        %get3A_981 = tpu.vector_load %arg7[%get3A_979, %get3A_980] {strides = array<i32>} : memref<40x640xf32, #tpu.memory_space<vmem>>, vector<1x16xf32>,
        %get3A_982 = vector.shape_cast %get3A_981 : vector<1x16xf32> to vector<16xf32>
        %add3A_983 = arith.addf %scan3A_796, %get3A_982 : vector<16xf32>
        %get3A_984 = arith.index_cast %scan3A_759 : i32 to index
        %get3A_985 = arith.constant 592 : index
        %get3A_986 = tpu.vector_load %arg7[%get3A_984, %get3A_985] {strides = array<i32>} : memref<40x640xf32, #tpu.memory_space<vmem>>, vector<1x16xf32>,
        %get3A_987 = vector.shape_cast %get3A_986 : vector<1x16xf32> to vector<16xf32>
        %add3A_988 = arith.addf %scan3A_797, %get3A_987 : vector<16xf32>
        %get3A_989 = arith.index_cast %scan3A_759 : i32 to index
        %get3A_990 = arith.constant 608 : index
        %get3A_991 = tpu.vector_load %arg7[%get3A_989, %get3A_990] {strides = array<i32>} : memref<40x640xf32, #tpu.memory_space<vmem>>, vector<1x16xf32>,
        %get3A_992 = vector.shape_cast %get3A_991 : vector<1x16xf32> to vector<16xf32>
        %add3A_993 = arith.addf %scan3A_798, %get3A_992 : vector<16xf32>
        %get3A_994 = arith.index_cast %scan3A_759 : i32 to index
        %get3A_995 = arith.constant 624 : index
        %get3A_996 = tpu.vector_load %arg7[%get3A_994, %get3A_995] {strides = array<i32>} : memref<40x640xf32, #tpu.memory_space<vmem>>, vector<1x16xf32>,
        %get3A_997 = vector.shape_cast %get3A_996 : vector<1x16xf32> to vector<16xf32>
        %add3A_998 = arith.addf %scan3A_799, %get3A_997 : vector<16xf32>
        scf.yield %add3A_803, %add3A_808, %add3A_813, %add3A_818, %add3A_823, %add3A_828, %add3A_833, %add3A_838, %add3A_843, %add3A_848, %add3A_853, %add3A_858, %add3A_863, %add3A_868, %add3A_873, %add3A_878, %add3A_883, %add3A_888, %add3A_893, %add3A_898, %add3A_903, %add3A_908, %add3A_913, %add3A_918, %add3A_923, %add3A_928, %add3A_933, %add3A_938, %add3A_943, %add3A_948, %add3A_953, %add3A_958, %add3A_963, %add3A_968, %add3A_973, %add3A_978, %add3A_983, %add3A_988, %add3A_993, %add3A_998 : vector<16xf32>, vector<16xf32>, vector<16xf32>, vector<16xf32>, vector<16xf32>, vector<16xf32>, vector<16xf32>, vector<16xf32>, vector<16xf32>, vector<16xf32>, vector<16xf32>, vector<16xf32>, vector<16xf32>, vector<16xf32>, vector<16xf32>, vector<16xf32>, vector<16xf32>, vector<16xf32>, vector<16xf32>, vector<16xf32>, vector<16xf32>, vector<16xf32>, vector<16xf32>, vector<16xf32>, vector<16xf32>, vector<16xf32>, vector<16xf32>, vector<16xf32>, vector<16xf32>, vector<16xf32>, vector<16xf32>, vector<16xf32>, vector<16xf32>, vector<16xf32>, vector<16xf32>, vector<16xf32>, vector<16xf32>, vector<16xf32>, vector<16xf32>, vector<16xf32>
      }
      %scan3A_463 = arith.constant 40 : i32
      %add3A_464 = arith.constant 2 : i32
      %add3A_465 = arith.addi %add3A_451, %add3A_464 : i32
      %lt3A_466 = arith.constant 160 : i32
      %lt3A_467 = arith.cmpi slt, %add3A_465, %lt3A_466 : i32
      %convert_element_type3A_468 = arith.extui %lt3A_467 : i1 to i32
      %cond3A_469 = arith.constant 0 : i32
      %cond3A_470 = arith.cmpi ne, %convert_element_type3A_468, %cond3A_469 : i32
      scf.if %cond3A_470 {
        %add3A_759 = arith.constant 2 : i32
        %add3A_760 = arith.addi %add3A_451, %add3A_759 : i32
        %dma_start3A_761 = arith.constant 0 : i32
        %dma_start3A_762 = tpu.memref_slice %arg5[%add3A_760, %dma_start3A_761] : memref<160x40xi32, #tpu.memory_space<vmem>> -> memref<1x40xi32, #tpu.memory_space<vmem>>
        %dma_start3A_763 = tpu.memref_squeeze %dma_start3A_762 : memref<1x40xi32, #tpu.memory_space<vmem>> -> memref<40xi32, #tpu.memory_space<vmem>>
        %dma_start3A_764 = arith.constant 0 : i32
        %dma_start3A_765 = arith.constant 0 : i32
        %dma_start3A_766 = tpu.memref_slice %arg3[%dma_start3A_764, %dma_start3A_765] : memref<100000x640xf32, #tpu.memory_space<hbm>> -> memref<100000x640xf32, #tpu.memory_space<hbm>>
        tpu.enqueue_indirect_dma source(%dma_start3A_766 : memref<100000x640xf32, #tpu.memory_space<hbm>>) target(%arg7 : memref<40x640xf32, #tpu.memory_space<vmem>>) offsets(%dma_start3A_763 : memref<40xi32, #tpu.memory_space<vmem>>) semaphore(%arg10 : memref<!tpu.dma_semaphore, #tpu.memory_space<semaphore_mem>>)
      } else {
      }
      %add3A_471 = arith.constant 6 : i32
      %add3A_472 = arith.addi %mul3A_145, %add3A_471 : i32
      %dma_wait3A_473 = arith.constant 0 : i32
      %dma_wait3A_474 = tpu.memref_slice %arg5[%add3A_472, %dma_wait3A_473] : memref<160x40xi32, #tpu.memory_space<vmem>> -> memref<1x40xi32, #tpu.memory_space<vmem>>
      %dma_wait3A_475 = tpu.memref_squeeze %dma_wait3A_474 : memref<1x40xi32, #tpu.memory_space<vmem>> -> memref<40xi32, #tpu.memory_space<vmem>>
      %dma_wait3A_476 = arith.constant 0 : i32
      %dma_wait3A_477 = arith.constant 0 : i32
      %dma_wait3A_478 = tpu.memref_slice %arg3[%dma_wait3A_476, %dma_wait3A_477] : memref<100000x640xf32, #tpu.memory_space<hbm>> -> memref<100000x640xf32, #tpu.memory_space<hbm>>
      tpu.wait_indirect_dma semaphore(%arg9 : memref<!tpu.dma_semaphore, #tpu.memory_space<semaphore_mem>>) src(%dma_wait3A_478 : memref<100000x640xf32, #tpu.memory_space<hbm>>) dst(%arg6 : memref<40x640xf32, #tpu.memory_space<vmem>>)
      %scan3A_479 = arith.constant 0 : i32
      %scan3A_480 = arith.constant 40 : i32
      %scan3A_481 = arith.addi %scan3A_479, %scan3A_480 : i32
      %scan3A_482 = arith.constant 1 : i32
      %scan3A_483:40 = scf.for %scan3A_759 = %scan3A_479 to %scan3A_481 step %scan3A_482 iter_args(%scan3A_760 = %scan3A_462#0, %scan3A_761 = %scan3A_462#1, %scan3A_762 = %scan3A_462#2, %scan3A_763 = %scan3A_462#3, %scan3A_764 = %scan3A_462#4, %scan3A_765 = %scan3A_462#5, %scan3A_766 = %scan3A_462#6, %scan3A_767 = %scan3A_462#7, %scan3A_768 = %scan3A_462#8, %scan3A_769 = %scan3A_462#9, %scan3A_770 = %scan3A_462#10, %scan3A_771 = %scan3A_462#11, %scan3A_772 = %scan3A_462#12, %scan3A_773 = %scan3A_462#13, %scan3A_774 = %scan3A_462#14, %scan3A_775 = %scan3A_462#15, %scan3A_776 = %scan3A_462#16, %scan3A_777 = %scan3A_462#17, %scan3A_778 = %scan3A_462#18, %scan3A_779 = %scan3A_462#19, %scan3A_780 = %scan3A_462#20, %scan3A_781 = %scan3A_462#21, %scan3A_782 = %scan3A_462#22, %scan3A_783 = %scan3A_462#23, %scan3A_784 = %scan3A_462#24, %scan3A_785 = %scan3A_462#25, %scan3A_786 = %scan3A_462#26, %scan3A_787 = %scan3A_462#27, %scan3A_788 = %scan3A_462#28, %scan3A_789 = %scan3A_462#29, %scan3A_790 = %scan3A_462#30, %scan3A_791 = %scan3A_462#31, %scan3A_792 = %scan3A_462#32, %scan3A_793 = %scan3A_462#33, %scan3A_794 = %scan3A_462#34, %scan3A_795 = %scan3A_462#35, %scan3A_796 = %scan3A_462#36, %scan3A_797 = %scan3A_462#37, %scan3A_798 = %scan3A_462#38, %scan3A_799 = %scan3A_462#39) -> (vector<16xf32>, vector<16xf32>, vector<16xf32>, vector<16xf32>, vector<16xf32>, vector<16xf32>, vector<16xf32>, vector<16xf32>, vector<16xf32>, vector<16xf32>, vector<16xf32>, vector<16xf32>, vector<16xf32>, vector<16xf32>, vector<16xf32>, vector<16xf32>, vector<16xf32>, vector<16xf32>, vector<16xf32>, vector<16xf32>, vector<16xf32>, vector<16xf32>, vector<16xf32>, vector<16xf32>, vector<16xf32>, vector<16xf32>, vector<16xf32>, vector<16xf32>, vector<16xf32>, vector<16xf32>, vector<16xf32>, vector<16xf32>, vector<16xf32>, vector<16xf32>, vector<16xf32>, vector<16xf32>, vector<16xf32>, vector<16xf32>, vector<16xf32>, vector<16xf32>)  : i32 {
        %get3A = arith.index_cast %scan3A_759 : i32 to index
        %get3A_800 = arith.constant 0 : index
        %get3A_801 = tpu.vector_load %arg6[%get3A, %get3A_800] {strides = array<i32>} : memref<40x640xf32, #tpu.memory_space<vmem>>, vector<1x16xf32>,
        %get3A_802 = vector.shape_cast %get3A_801 : vector<1x16xf32> to vector<16xf32>
        %add3A_803 = arith.addf %scan3A_760, %get3A_802 : vector<16xf32>
        %get3A_804 = arith.index_cast %scan3A_759 : i32 to index
        %get3A_805 = arith.constant 16 : index
        %get3A_806 = tpu.vector_load %arg6[%get3A_804, %get3A_805] {strides = array<i32>} : memref<40x640xf32, #tpu.memory_space<vmem>>, vector<1x16xf32>,
        %get3A_807 = vector.shape_cast %get3A_806 : vector<1x16xf32> to vector<16xf32>
        %add3A_808 = arith.addf %scan3A_761, %get3A_807 : vector<16xf32>
        %get3A_809 = arith.index_cast %scan3A_759 : i32 to index
        %get3A_810 = arith.constant 32 : index
        %get3A_811 = tpu.vector_load %arg6[%get3A_809, %get3A_810] {strides = array<i32>} : memref<40x640xf32, #tpu.memory_space<vmem>>, vector<1x16xf32>,
        %get3A_812 = vector.shape_cast %get3A_811 : vector<1x16xf32> to vector<16xf32>
        %add3A_813 = arith.addf %scan3A_762, %get3A_812 : vector<16xf32>
        %get3A_814 = arith.index_cast %scan3A_759 : i32 to index
        %get3A_815 = arith.constant 48 : index
        %get3A_816 = tpu.vector_load %arg6[%get3A_814, %get3A_815] {strides = array<i32>} : memref<40x640xf32, #tpu.memory_space<vmem>>, vector<1x16xf32>,
        %get3A_817 = vector.shape_cast %get3A_816 : vector<1x16xf32> to vector<16xf32>
        %add3A_818 = arith.addf %scan3A_763, %get3A_817 : vector<16xf32>
        %get3A_819 = arith.index_cast %scan3A_759 : i32 to index
        %get3A_820 = arith.constant 64 : index
        %get3A_821 = tpu.vector_load %arg6[%get3A_819, %get3A_820] {strides = array<i32>} : memref<40x640xf32, #tpu.memory_space<vmem>>, vector<1x16xf32>,
        %get3A_822 = vector.shape_cast %get3A_821 : vector<1x16xf32> to vector<16xf32>
        %add3A_823 = arith.addf %scan3A_764, %get3A_822 : vector<16xf32>
        %get3A_824 = arith.index_cast %scan3A_759 : i32 to index
        %get3A_825 = arith.constant 80 : index
        %get3A_826 = tpu.vector_load %arg6[%get3A_824, %get3A_825] {strides = array<i32>} : memref<40x640xf32, #tpu.memory_space<vmem>>, vector<1x16xf32>,
        %get3A_827 = vector.shape_cast %get3A_826 : vector<1x16xf32> to vector<16xf32>
        %add3A_828 = arith.addf %scan3A_765, %get3A_827 : vector<16xf32>
        %get3A_829 = arith.index_cast %scan3A_759 : i32 to index
        %get3A_830 = arith.constant 96 : index
        %get3A_831 = tpu.vector_load %arg6[%get3A_829, %get3A_830] {strides = array<i32>} : memref<40x640xf32, #tpu.memory_space<vmem>>, vector<1x16xf32>,
        %get3A_832 = vector.shape_cast %get3A_831 : vector<1x16xf32> to vector<16xf32>
        %add3A_833 = arith.addf %scan3A_766, %get3A_832 : vector<16xf32>
        %get3A_834 = arith.index_cast %scan3A_759 : i32 to index
        %get3A_835 = arith.constant 112 : index
        %get3A_836 = tpu.vector_load %arg6[%get3A_834, %get3A_835] {strides = array<i32>} : memref<40x640xf32, #tpu.memory_space<vmem>>, vector<1x16xf32>,
        %get3A_837 = vector.shape_cast %get3A_836 : vector<1x16xf32> to vector<16xf32>
        %add3A_838 = arith.addf %scan3A_767, %get3A_837 : vector<16xf32>
        %get3A_839 = arith.index_cast %scan3A_759 : i32 to index
        %get3A_840 = arith.constant 128 : index
        %get3A_841 = tpu.vector_load %arg6[%get3A_839, %get3A_840] {strides = array<i32>} : memref<40x640xf32, #tpu.memory_space<vmem>>, vector<1x16xf32>,
        %get3A_842 = vector.shape_cast %get3A_841 : vector<1x16xf32> to vector<16xf32>
        %add3A_843 = arith.addf %scan3A_768, %get3A_842 : vector<16xf32>
        %get3A_844 = arith.index_cast %scan3A_759 : i32 to index
        %get3A_845 = arith.constant 144 : index
        %get3A_846 = tpu.vector_load %arg6[%get3A_844, %get3A_845] {strides = array<i32>} : memref<40x640xf32, #tpu.memory_space<vmem>>, vector<1x16xf32>,
        %get3A_847 = vector.shape_cast %get3A_846 : vector<1x16xf32> to vector<16xf32>
        %add3A_848 = arith.addf %scan3A_769, %get3A_847 : vector<16xf32>
        %get3A_849 = arith.index_cast %scan3A_759 : i32 to index
        %get3A_850 = arith.constant 160 : index
        %get3A_851 = tpu.vector_load %arg6[%get3A_849, %get3A_850] {strides = array<i32>} : memref<40x640xf32, #tpu.memory_space<vmem>>, vector<1x16xf32>,
        %get3A_852 = vector.shape_cast %get3A_851 : vector<1x16xf32> to vector<16xf32>
        %add3A_853 = arith.addf %scan3A_770, %get3A_852 : vector<16xf32>
        %get3A_854 = arith.index_cast %scan3A_759 : i32 to index
        %get3A_855 = arith.constant 176 : index
        %get3A_856 = tpu.vector_load %arg6[%get3A_854, %get3A_855] {strides = array<i32>} : memref<40x640xf32, #tpu.memory_space<vmem>>, vector<1x16xf32>,
        %get3A_857 = vector.shape_cast %get3A_856 : vector<1x16xf32> to vector<16xf32>
        %add3A_858 = arith.addf %scan3A_771, %get3A_857 : vector<16xf32>
        %get3A_859 = arith.index_cast %scan3A_759 : i32 to index
        %get3A_860 = arith.constant 192 : index
        %get3A_861 = tpu.vector_load %arg6[%get3A_859, %get3A_860] {strides = array<i32>} : memref<40x640xf32, #tpu.memory_space<vmem>>, vector<1x16xf32>,
        %get3A_862 = vector.shape_cast %get3A_861 : vector<1x16xf32> to vector<16xf32>
        %add3A_863 = arith.addf %scan3A_772, %get3A_862 : vector<16xf32>
        %get3A_864 = arith.index_cast %scan3A_759 : i32 to index
        %get3A_865 = arith.constant 208 : index
        %get3A_866 = tpu.vector_load %arg6[%get3A_864, %get3A_865] {strides = array<i32>} : memref<40x640xf32, #tpu.memory_space<vmem>>, vector<1x16xf32>,
        %get3A_867 = vector.shape_cast %get3A_866 : vector<1x16xf32> to vector<16xf32>
        %add3A_868 = arith.addf %scan3A_773, %get3A_867 : vector<16xf32>
        %get3A_869 = arith.index_cast %scan3A_759 : i32 to index
        %get3A_870 = arith.constant 224 : index
        %get3A_871 = tpu.vector_load %arg6[%get3A_869, %get3A_870] {strides = array<i32>} : memref<40x640xf32, #tpu.memory_space<vmem>>, vector<1x16xf32>,
        %get3A_872 = vector.shape_cast %get3A_871 : vector<1x16xf32> to vector<16xf32>
        %add3A_873 = arith.addf %scan3A_774, %get3A_872 : vector<16xf32>
        %get3A_874 = arith.index_cast %scan3A_759 : i32 to index
        %get3A_875 = arith.constant 240 : index
        %get3A_876 = tpu.vector_load %arg6[%get3A_874, %get3A_875] {strides = array<i32>} : memref<40x640xf32, #tpu.memory_space<vmem>>, vector<1x16xf32>,
        %get3A_877 = vector.shape_cast %get3A_876 : vector<1x16xf32> to vector<16xf32>
        %add3A_878 = arith.addf %scan3A_775, %get3A_877 : vector<16xf32>
        %get3A_879 = arith.index_cast %scan3A_759 : i32 to index
        %get3A_880 = arith.constant 256 : index
        %get3A_881 = tpu.vector_load %arg6[%get3A_879, %get3A_880] {strides = array<i32>} : memref<40x640xf32, #tpu.memory_space<vmem>>, vector<1x16xf32>,
        %get3A_882 = vector.shape_cast %get3A_881 : vector<1x16xf32> to vector<16xf32>
        %add3A_883 = arith.addf %scan3A_776, %get3A_882 : vector<16xf32>
        %get3A_884 = arith.index_cast %scan3A_759 : i32 to index
        %get3A_885 = arith.constant 272 : index
        %get3A_886 = tpu.vector_load %arg6[%get3A_884, %get3A_885] {strides = array<i32>} : memref<40x640xf32, #tpu.memory_space<vmem>>, vector<1x16xf32>,
        %get3A_887 = vector.shape_cast %get3A_886 : vector<1x16xf32> to vector<16xf32>
        %add3A_888 = arith.addf %scan3A_777, %get3A_887 : vector<16xf32>
        %get3A_889 = arith.index_cast %scan3A_759 : i32 to index
        %get3A_890 = arith.constant 288 : index
        %get3A_891 = tpu.vector_load %arg6[%get3A_889, %get3A_890] {strides = array<i32>} : memref<40x640xf32, #tpu.memory_space<vmem>>, vector<1x16xf32>,
        %get3A_892 = vector.shape_cast %get3A_891 : vector<1x16xf32> to vector<16xf32>
        %add3A_893 = arith.addf %scan3A_778, %get3A_892 : vector<16xf32>
        %get3A_894 = arith.index_cast %scan3A_759 : i32 to index
        %get3A_895 = arith.constant 304 : index
        %get3A_896 = tpu.vector_load %arg6[%get3A_894, %get3A_895] {strides = array<i32>} : memref<40x640xf32, #tpu.memory_space<vmem>>, vector<1x16xf32>,
        %get3A_897 = vector.shape_cast %get3A_896 : vector<1x16xf32> to vector<16xf32>
        %add3A_898 = arith.addf %scan3A_779, %get3A_897 : vector<16xf32>
        %get3A_899 = arith.index_cast %scan3A_759 : i32 to index
        %get3A_900 = arith.constant 320 : index
        %get3A_901 = tpu.vector_load %arg6[%get3A_899, %get3A_900] {strides = array<i32>} : memref<40x640xf32, #tpu.memory_space<vmem>>, vector<1x16xf32>,
        %get3A_902 = vector.shape_cast %get3A_901 : vector<1x16xf32> to vector<16xf32>
        %add3A_903 = arith.addf %scan3A_780, %get3A_902 : vector<16xf32>
        %get3A_904 = arith.index_cast %scan3A_759 : i32 to index
        %get3A_905 = arith.constant 336 : index
        %get3A_906 = tpu.vector_load %arg6[%get3A_904, %get3A_905] {strides = array<i32>} : memref<40x640xf32, #tpu.memory_space<vmem>>, vector<1x16xf32>,
        %get3A_907 = vector.shape_cast %get3A_906 : vector<1x16xf32> to vector<16xf32>
        %add3A_908 = arith.addf %scan3A_781, %get3A_907 : vector<16xf32>
        %get3A_909 = arith.index_cast %scan3A_759 : i32 to index
        %get3A_910 = arith.constant 352 : index
        %get3A_911 = tpu.vector_load %arg6[%get3A_909, %get3A_910] {strides = array<i32>} : memref<40x640xf32, #tpu.memory_space<vmem>>, vector<1x16xf32>,
        %get3A_912 = vector.shape_cast %get3A_911 : vector<1x16xf32> to vector<16xf32>
        %add3A_913 = arith.addf %scan3A_782, %get3A_912 : vector<16xf32>
        %get3A_914 = arith.index_cast %scan3A_759 : i32 to index
        %get3A_915 = arith.constant 368 : index
        %get3A_916 = tpu.vector_load %arg6[%get3A_914, %get3A_915] {strides = array<i32>} : memref<40x640xf32, #tpu.memory_space<vmem>>, vector<1x16xf32>,
        %get3A_917 = vector.shape_cast %get3A_916 : vector<1x16xf32> to vector<16xf32>
        %add3A_918 = arith.addf %scan3A_783, %get3A_917 : vector<16xf32>
        %get3A_919 = arith.index_cast %scan3A_759 : i32 to index
        %get3A_920 = arith.constant 384 : index
        %get3A_921 = tpu.vector_load %arg6[%get3A_919, %get3A_920] {strides = array<i32>} : memref<40x640xf32, #tpu.memory_space<vmem>>, vector<1x16xf32>,
        %get3A_922 = vector.shape_cast %get3A_921 : vector<1x16xf32> to vector<16xf32>
        %add3A_923 = arith.addf %scan3A_784, %get3A_922 : vector<16xf32>
        %get3A_924 = arith.index_cast %scan3A_759 : i32 to index
        %get3A_925 = arith.constant 400 : index
        %get3A_926 = tpu.vector_load %arg6[%get3A_924, %get3A_925] {strides = array<i32>} : memref<40x640xf32, #tpu.memory_space<vmem>>, vector<1x16xf32>,
        %get3A_927 = vector.shape_cast %get3A_926 : vector<1x16xf32> to vector<16xf32>
        %add3A_928 = arith.addf %scan3A_785, %get3A_927 : vector<16xf32>
        %get3A_929 = arith.index_cast %scan3A_759 : i32 to index
        %get3A_930 = arith.constant 416 : index
        %get3A_931 = tpu.vector_load %arg6[%get3A_929, %get3A_930] {strides = array<i32>} : memref<40x640xf32, #tpu.memory_space<vmem>>, vector<1x16xf32>,
        %get3A_932 = vector.shape_cast %get3A_931 : vector<1x16xf32> to vector<16xf32>
        %add3A_933 = arith.addf %scan3A_786, %get3A_932 : vector<16xf32>
        %get3A_934 = arith.index_cast %scan3A_759 : i32 to index
        %get3A_935 = arith.constant 432 : index
        %get3A_936 = tpu.vector_load %arg6[%get3A_934, %get3A_935] {strides = array<i32>} : memref<40x640xf32, #tpu.memory_space<vmem>>, vector<1x16xf32>,
        %get3A_937 = vector.shape_cast %get3A_936 : vector<1x16xf32> to vector<16xf32>
        %add3A_938 = arith.addf %scan3A_787, %get3A_937 : vector<16xf32>
        %get3A_939 = arith.index_cast %scan3A_759 : i32 to index
        %get3A_940 = arith.constant 448 : index
        %get3A_941 = tpu.vector_load %arg6[%get3A_939, %get3A_940] {strides = array<i32>} : memref<40x640xf32, #tpu.memory_space<vmem>>, vector<1x16xf32>,
        %get3A_942 = vector.shape_cast %get3A_941 : vector<1x16xf32> to vector<16xf32>
        %add3A_943 = arith.addf %scan3A_788, %get3A_942 : vector<16xf32>
        %get3A_944 = arith.index_cast %scan3A_759 : i32 to index
        %get3A_945 = arith.constant 464 : index
        %get3A_946 = tpu.vector_load %arg6[%get3A_944, %get3A_945] {strides = array<i32>} : memref<40x640xf32, #tpu.memory_space<vmem>>, vector<1x16xf32>,
        %get3A_947 = vector.shape_cast %get3A_946 : vector<1x16xf32> to vector<16xf32>
        %add3A_948 = arith.addf %scan3A_789, %get3A_947 : vector<16xf32>
        %get3A_949 = arith.index_cast %scan3A_759 : i32 to index
        %get3A_950 = arith.constant 480 : index
        %get3A_951 = tpu.vector_load %arg6[%get3A_949, %get3A_950] {strides = array<i32>} : memref<40x640xf32, #tpu.memory_space<vmem>>, vector<1x16xf32>,
        %get3A_952 = vector.shape_cast %get3A_951 : vector<1x16xf32> to vector<16xf32>
        %add3A_953 = arith.addf %scan3A_790, %get3A_952 : vector<16xf32>
        %get3A_954 = arith.index_cast %scan3A_759 : i32 to index
        %get3A_955 = arith.constant 496 : index
        %get3A_956 = tpu.vector_load %arg6[%get3A_954, %get3A_955] {strides = array<i32>} : memref<40x640xf32, #tpu.memory_space<vmem>>, vector<1x16xf32>,
        %get3A_957 = vector.shape_cast %get3A_956 : vector<1x16xf32> to vector<16xf32>
        %add3A_958 = arith.addf %scan3A_791, %get3A_957 : vector<16xf32>
        %get3A_959 = arith.index_cast %scan3A_759 : i32 to index
        %get3A_960 = arith.constant 512 : index
        %get3A_961 = tpu.vector_load %arg6[%get3A_959, %get3A_960] {strides = array<i32>} : memref<40x640xf32, #tpu.memory_space<vmem>>, vector<1x16xf32>,
        %get3A_962 = vector.shape_cast %get3A_961 : vector<1x16xf32> to vector<16xf32>
        %add3A_963 = arith.addf %scan3A_792, %get3A_962 : vector<16xf32>
        %get3A_964 = arith.index_cast %scan3A_759 : i32 to index
        %get3A_965 = arith.constant 528 : index
        %get3A_966 = tpu.vector_load %arg6[%get3A_964, %get3A_965] {strides = array<i32>} : memref<40x640xf32, #tpu.memory_space<vmem>>, vector<1x16xf32>,
        %get3A_967 = vector.shape_cast %get3A_966 : vector<1x16xf32> to vector<16xf32>
        %add3A_968 = arith.addf %scan3A_793, %get3A_967 : vector<16xf32>
        %get3A_969 = arith.index_cast %scan3A_759 : i32 to index
        %get3A_970 = arith.constant 544 : index
        %get3A_971 = tpu.vector_load %arg6[%get3A_969, %get3A_970] {strides = array<i32>} : memref<40x640xf32, #tpu.memory_space<vmem>>, vector<1x16xf32>,
        %get3A_972 = vector.shape_cast %get3A_971 : vector<1x16xf32> to vector<16xf32>
        %add3A_973 = arith.addf %scan3A_794, %get3A_972 : vector<16xf32>
        %get3A_974 = arith.index_cast %scan3A_759 : i32 to index
        %get3A_975 = arith.constant 560 : index
        %get3A_976 = tpu.vector_load %arg6[%get3A_974, %get3A_975] {strides = array<i32>} : memref<40x640xf32, #tpu.memory_space<vmem>>, vector<1x16xf32>,
        %get3A_977 = vector.shape_cast %get3A_976 : vector<1x16xf32> to vector<16xf32>
        %add3A_978 = arith.addf %scan3A_795, %get3A_977 : vector<16xf32>
        %get3A_979 = arith.index_cast %scan3A_759 : i32 to index
        %get3A_980 = arith.constant 576 : index
        %get3A_981 = tpu.vector_load %arg6[%get3A_979, %get3A_980] {strides = array<i32>} : memref<40x640xf32, #tpu.memory_space<vmem>>, vector<1x16xf32>,
        %get3A_982 = vector.shape_cast %get3A_981 : vector<1x16xf32> to vector<16xf32>
        %add3A_983 = arith.addf %scan3A_796, %get3A_982 : vector<16xf32>
        %get3A_984 = arith.index_cast %scan3A_759 : i32 to index
        %get3A_985 = arith.constant 592 : index
        %get3A_986 = tpu.vector_load %arg6[%get3A_984, %get3A_985] {strides = array<i32>} : memref<40x640xf32, #tpu.memory_space<vmem>>, vector<1x16xf32>,
        %get3A_987 = vector.shape_cast %get3A_986 : vector<1x16xf32> to vector<16xf32>
        %add3A_988 = arith.addf %scan3A_797, %get3A_987 : vector<16xf32>
        %get3A_989 = arith.index_cast %scan3A_759 : i32 to index
        %get3A_990 = arith.constant 608 : index
        %get3A_991 = tpu.vector_load %arg6[%get3A_989, %get3A_990] {strides = array<i32>} : memref<40x640xf32, #tpu.memory_space<vmem>>, vector<1x16xf32>,
        %get3A_992 = vector.shape_cast %get3A_991 : vector<1x16xf32> to vector<16xf32>
        %add3A_993 = arith.addf %scan3A_798, %get3A_992 : vector<16xf32>
        %get3A_994 = arith.index_cast %scan3A_759 : i32 to index
        %get3A_995 = arith.constant 624 : index
        %get3A_996 = tpu.vector_load %arg6[%get3A_994, %get3A_995] {strides = array<i32>} : memref<40x640xf32, #tpu.memory_space<vmem>>, vector<1x16xf32>,
        %get3A_997 = vector.shape_cast %get3A_996 : vector<1x16xf32> to vector<16xf32>
        %add3A_998 = arith.addf %scan3A_799, %get3A_997 : vector<16xf32>
        scf.yield %add3A_803, %add3A_808, %add3A_813, %add3A_818, %add3A_823, %add3A_828, %add3A_833, %add3A_838, %add3A_843, %add3A_848, %add3A_853, %add3A_858, %add3A_863, %add3A_868, %add3A_873, %add3A_878, %add3A_883, %add3A_888, %add3A_893, %add3A_898, %add3A_903, %add3A_908, %add3A_913, %add3A_918, %add3A_923, %add3A_928, %add3A_933, %add3A_938, %add3A_943, %add3A_948, %add3A_953, %add3A_958, %add3A_963, %add3A_968, %add3A_973, %add3A_978, %add3A_983, %add3A_988, %add3A_993, %add3A_998 : vector<16xf32>, vector<16xf32>, vector<16xf32>, vector<16xf32>, vector<16xf32>, vector<16xf32>, vector<16xf32>, vector<16xf32>, vector<16xf32>, vector<16xf32>, vector<16xf32>, vector<16xf32>, vector<16xf32>, vector<16xf32>, vector<16xf32>, vector<16xf32>, vector<16xf32>, vector<16xf32>, vector<16xf32>, vector<16xf32>, vector<16xf32>, vector<16xf32>, vector<16xf32>, vector<16xf32>, vector<16xf32>, vector<16xf32>, vector<16xf32>, vector<16xf32>, vector<16xf32>, vector<16xf32>, vector<16xf32>, vector<16xf32>, vector<16xf32>, vector<16xf32>, vector<16xf32>, vector<16xf32>, vector<16xf32>, vector<16xf32>, vector<16xf32>, vector<16xf32>
      }
      %scan3A_484 = arith.constant 40 : i32
      %add3A_485 = arith.constant 2 : i32
      %add3A_486 = arith.addi %add3A_472, %add3A_485 : i32
      %lt3A_487 = arith.constant 160 : i32
      %lt3A_488 = arith.cmpi slt, %add3A_486, %lt3A_487 : i32
      %convert_element_type3A_489 = arith.extui %lt3A_488 : i1 to i32
      %cond3A_490 = arith.constant 0 : i32
      %cond3A_491 = arith.cmpi ne, %convert_element_type3A_489, %cond3A_490 : i32
      scf.if %cond3A_491 {
        %add3A_759 = arith.constant 2 : i32
        %add3A_760 = arith.addi %add3A_472, %add3A_759 : i32
        %dma_start3A_761 = arith.constant 0 : i32
        %dma_start3A_762 = tpu.memref_slice %arg5[%add3A_760, %dma_start3A_761] : memref<160x40xi32, #tpu.memory_space<vmem>> -> memref<1x40xi32, #tpu.memory_space<vmem>>
        %dma_start3A_763 = tpu.memref_squeeze %dma_start3A_762 : memref<1x40xi32, #tpu.memory_space<vmem>> -> memref<40xi32, #tpu.memory_space<vmem>>
        %dma_start3A_764 = arith.constant 0 : i32
        %dma_start3A_765 = arith.constant 0 : i32
        %dma_start3A_766 = tpu.memref_slice %arg3[%dma_start3A_764, %dma_start3A_765] : memref<100000x640xf32, #tpu.memory_space<hbm>> -> memref<100000x640xf32, #tpu.memory_space<hbm>>
        tpu.enqueue_indirect_dma source(%dma_start3A_766 : memref<100000x640xf32, #tpu.memory_space<hbm>>) target(%arg6 : memref<40x640xf32, #tpu.memory_space<vmem>>) offsets(%dma_start3A_763 : memref<40xi32, #tpu.memory_space<vmem>>) semaphore(%arg9 : memref<!tpu.dma_semaphore, #tpu.memory_space<semaphore_mem>>)
      } else {
      }
      %add3A_492 = arith.constant 7 : i32
      %add3A_493 = arith.addi %mul3A_145, %add3A_492 : i32
      %dma_wait3A_494 = arith.constant 0 : i32
      %dma_wait3A_495 = tpu.memref_slice %arg5[%add3A_493, %dma_wait3A_494] : memref<160x40xi32, #tpu.memory_space<vmem>> -> memref<1x40xi32, #tpu.memory_space<vmem>>
      %dma_wait3A_496 = tpu.memref_squeeze %dma_wait3A_495 : memref<1x40xi32, #tpu.memory_space<vmem>> -> memref<40xi32, #tpu.memory_space<vmem>>
      %dma_wait3A_497 = arith.constant 0 : i32
      %dma_wait3A_498 = arith.constant 0 : i32
      %dma_wait3A_499 = tpu.memref_slice %arg3[%dma_wait3A_497, %dma_wait3A_498] : memref<100000x640xf32, #tpu.memory_space<hbm>> -> memref<100000x640xf32, #tpu.memory_space<hbm>>
      tpu.wait_indirect_dma semaphore(%arg10 : memref<!tpu.dma_semaphore, #tpu.memory_space<semaphore_mem>>) src(%dma_wait3A_499 : memref<100000x640xf32, #tpu.memory_space<hbm>>) dst(%arg7 : memref<40x640xf32, #tpu.memory_space<vmem>>)
      %scan3A_500 = arith.constant 0 : i32
      %scan3A_501 = arith.constant 40 : i32
      %scan3A_502 = arith.addi %scan3A_500, %scan3A_501 : i32
      %scan3A_503 = arith.constant 1 : i32
      %scan3A_504:40 = scf.for %scan3A_759 = %scan3A_500 to %scan3A_502 step %scan3A_503 iter_args(%scan3A_760 = %scan3A_483#0, %scan3A_761 = %scan3A_483#1, %scan3A_762 = %scan3A_483#2, %scan3A_763 = %scan3A_483#3, %scan3A_764 = %scan3A_483#4, %scan3A_765 = %scan3A_483#5, %scan3A_766 = %scan3A_483#6, %scan3A_767 = %scan3A_483#7, %scan3A_768 = %scan3A_483#8, %scan3A_769 = %scan3A_483#9, %scan3A_770 = %scan3A_483#10, %scan3A_771 = %scan3A_483#11, %scan3A_772 = %scan3A_483#12, %scan3A_773 = %scan3A_483#13, %scan3A_774 = %scan3A_483#14, %scan3A_775 = %scan3A_483#15, %scan3A_776 = %scan3A_483#16, %scan3A_777 = %scan3A_483#17, %scan3A_778 = %scan3A_483#18, %scan3A_779 = %scan3A_483#19, %scan3A_780 = %scan3A_483#20, %scan3A_781 = %scan3A_483#21, %scan3A_782 = %scan3A_483#22, %scan3A_783 = %scan3A_483#23, %scan3A_784 = %scan3A_483#24, %scan3A_785 = %scan3A_483#25, %scan3A_786 = %scan3A_483#26, %scan3A_787 = %scan3A_483#27, %scan3A_788 = %scan3A_483#28, %scan3A_789 = %scan3A_483#29, %scan3A_790 = %scan3A_483#30, %scan3A_791 = %scan3A_483#31, %scan3A_792 = %scan3A_483#32, %scan3A_793 = %scan3A_483#33, %scan3A_794 = %scan3A_483#34, %scan3A_795 = %scan3A_483#35, %scan3A_796 = %scan3A_483#36, %scan3A_797 = %scan3A_483#37, %scan3A_798 = %scan3A_483#38, %scan3A_799 = %scan3A_483#39) -> (vector<16xf32>, vector<16xf32>, vector<16xf32>, vector<16xf32>, vector<16xf32>, vector<16xf32>, vector<16xf32>, vector<16xf32>, vector<16xf32>, vector<16xf32>, vector<16xf32>, vector<16xf32>, vector<16xf32>, vector<16xf32>, vector<16xf32>, vector<16xf32>, vector<16xf32>, vector<16xf32>, vector<16xf32>, vector<16xf32>, vector<16xf32>, vector<16xf32>, vector<16xf32>, vector<16xf32>, vector<16xf32>, vector<16xf32>, vector<16xf32>, vector<16xf32>, vector<16xf32>, vector<16xf32>, vector<16xf32>, vector<16xf32>, vector<16xf32>, vector<16xf32>, vector<16xf32>, vector<16xf32>, vector<16xf32>, vector<16xf32>, vector<16xf32>, vector<16xf32>)  : i32 {
        %get3A = arith.index_cast %scan3A_759 : i32 to index
        %get3A_800 = arith.constant 0 : index
        %get3A_801 = tpu.vector_load %arg7[%get3A, %get3A_800] {strides = array<i32>} : memref<40x640xf32, #tpu.memory_space<vmem>>, vector<1x16xf32>,
        %get3A_802 = vector.shape_cast %get3A_801 : vector<1x16xf32> to vector<16xf32>
        %add3A_803 = arith.addf %scan3A_760, %get3A_802 : vector<16xf32>
        %get3A_804 = arith.index_cast %scan3A_759 : i32 to index
        %get3A_805 = arith.constant 16 : index
        %get3A_806 = tpu.vector_load %arg7[%get3A_804, %get3A_805] {strides = array<i32>} : memref<40x640xf32, #tpu.memory_space<vmem>>, vector<1x16xf32>,
        %get3A_807 = vector.shape_cast %get3A_806 : vector<1x16xf32> to vector<16xf32>
        %add3A_808 = arith.addf %scan3A_761, %get3A_807 : vector<16xf32>
        %get3A_809 = arith.index_cast %scan3A_759 : i32 to index
        %get3A_810 = arith.constant 32 : index
        %get3A_811 = tpu.vector_load %arg7[%get3A_809, %get3A_810] {strides = array<i32>} : memref<40x640xf32, #tpu.memory_space<vmem>>, vector<1x16xf32>,
        %get3A_812 = vector.shape_cast %get3A_811 : vector<1x16xf32> to vector<16xf32>
        %add3A_813 = arith.addf %scan3A_762, %get3A_812 : vector<16xf32>
        %get3A_814 = arith.index_cast %scan3A_759 : i32 to index
        %get3A_815 = arith.constant 48 : index
        %get3A_816 = tpu.vector_load %arg7[%get3A_814, %get3A_815] {strides = array<i32>} : memref<40x640xf32, #tpu.memory_space<vmem>>, vector<1x16xf32>,
        %get3A_817 = vector.shape_cast %get3A_816 : vector<1x16xf32> to vector<16xf32>
        %add3A_818 = arith.addf %scan3A_763, %get3A_817 : vector<16xf32>
        %get3A_819 = arith.index_cast %scan3A_759 : i32 to index
        %get3A_820 = arith.constant 64 : index
        %get3A_821 = tpu.vector_load %arg7[%get3A_819, %get3A_820] {strides = array<i32>} : memref<40x640xf32, #tpu.memory_space<vmem>>, vector<1x16xf32>,
        %get3A_822 = vector.shape_cast %get3A_821 : vector<1x16xf32> to vector<16xf32>
        %add3A_823 = arith.addf %scan3A_764, %get3A_822 : vector<16xf32>
        %get3A_824 = arith.index_cast %scan3A_759 : i32 to index
        %get3A_825 = arith.constant 80 : index
        %get3A_826 = tpu.vector_load %arg7[%get3A_824, %get3A_825] {strides = array<i32>} : memref<40x640xf32, #tpu.memory_space<vmem>>, vector<1x16xf32>,
        %get3A_827 = vector.shape_cast %get3A_826 : vector<1x16xf32> to vector<16xf32>
        %add3A_828 = arith.addf %scan3A_765, %get3A_827 : vector<16xf32>
        %get3A_829 = arith.index_cast %scan3A_759 : i32 to index
        %get3A_830 = arith.constant 96 : index
        %get3A_831 = tpu.vector_load %arg7[%get3A_829, %get3A_830] {strides = array<i32>} : memref<40x640xf32, #tpu.memory_space<vmem>>, vector<1x16xf32>,
        %get3A_832 = vector.shape_cast %get3A_831 : vector<1x16xf32> to vector<16xf32>
        %add3A_833 = arith.addf %scan3A_766, %get3A_832 : vector<16xf32>
        %get3A_834 = arith.index_cast %scan3A_759 : i32 to index
        %get3A_835 = arith.constant 112 : index
        %get3A_836 = tpu.vector_load %arg7[%get3A_834, %get3A_835] {strides = array<i32>} : memref<40x640xf32, #tpu.memory_space<vmem>>, vector<1x16xf32>,
        %get3A_837 = vector.shape_cast %get3A_836 : vector<1x16xf32> to vector<16xf32>
        %add3A_838 = arith.addf %scan3A_767, %get3A_837 : vector<16xf32>
        %get3A_839 = arith.index_cast %scan3A_759 : i32 to index
        %get3A_840 = arith.constant 128 : index
        %get3A_841 = tpu.vector_load %arg7[%get3A_839, %get3A_840] {strides = array<i32>} : memref<40x640xf32, #tpu.memory_space<vmem>>, vector<1x16xf32>,
        %get3A_842 = vector.shape_cast %get3A_841 : vector<1x16xf32> to vector<16xf32>
        %add3A_843 = arith.addf %scan3A_768, %get3A_842 : vector<16xf32>
        %get3A_844 = arith.index_cast %scan3A_759 : i32 to index
        %get3A_845 = arith.constant 144 : index
        %get3A_846 = tpu.vector_load %arg7[%get3A_844, %get3A_845] {strides = array<i32>} : memref<40x640xf32, #tpu.memory_space<vmem>>, vector<1x16xf32>,
        %get3A_847 = vector.shape_cast %get3A_846 : vector<1x16xf32> to vector<16xf32>
        %add3A_848 = arith.addf %scan3A_769, %get3A_847 : vector<16xf32>
        %get3A_849 = arith.index_cast %scan3A_759 : i32 to index
        %get3A_850 = arith.constant 160 : index
        %get3A_851 = tpu.vector_load %arg7[%get3A_849, %get3A_850] {strides = array<i32>} : memref<40x640xf32, #tpu.memory_space<vmem>>, vector<1x16xf32>,
        %get3A_852 = vector.shape_cast %get3A_851 : vector<1x16xf32> to vector<16xf32>
        %add3A_853 = arith.addf %scan3A_770, %get3A_852 : vector<16xf32>
        %get3A_854 = arith.index_cast %scan3A_759 : i32 to index
        %get3A_855 = arith.constant 176 : index
        %get3A_856 = tpu.vector_load %arg7[%get3A_854, %get3A_855] {strides = array<i32>} : memref<40x640xf32, #tpu.memory_space<vmem>>, vector<1x16xf32>,
        %get3A_857 = vector.shape_cast %get3A_856 : vector<1x16xf32> to vector<16xf32>
        %add3A_858 = arith.addf %scan3A_771, %get3A_857 : vector<16xf32>
        %get3A_859 = arith.index_cast %scan3A_759 : i32 to index
        %get3A_860 = arith.constant 192 : index
        %get3A_861 = tpu.vector_load %arg7[%get3A_859, %get3A_860] {strides = array<i32>} : memref<40x640xf32, #tpu.memory_space<vmem>>, vector<1x16xf32>,
        %get3A_862 = vector.shape_cast %get3A_861 : vector<1x16xf32> to vector<16xf32>
        %add3A_863 = arith.addf %scan3A_772, %get3A_862 : vector<16xf32>
        %get3A_864 = arith.index_cast %scan3A_759 : i32 to index
        %get3A_865 = arith.constant 208 : index
        %get3A_866 = tpu.vector_load %arg7[%get3A_864, %get3A_865] {strides = array<i32>} : memref<40x640xf32, #tpu.memory_space<vmem>>, vector<1x16xf32>,
        %get3A_867 = vector.shape_cast %get3A_866 : vector<1x16xf32> to vector<16xf32>
        %add3A_868 = arith.addf %scan3A_773, %get3A_867 : vector<16xf32>
        %get3A_869 = arith.index_cast %scan3A_759 : i32 to index
        %get3A_870 = arith.constant 224 : index
        %get3A_871 = tpu.vector_load %arg7[%get3A_869, %get3A_870] {strides = array<i32>} : memref<40x640xf32, #tpu.memory_space<vmem>>, vector<1x16xf32>,
        %get3A_872 = vector.shape_cast %get3A_871 : vector<1x16xf32> to vector<16xf32>
        %add3A_873 = arith.addf %scan3A_774, %get3A_872 : vector<16xf32>
        %get3A_874 = arith.index_cast %scan3A_759 : i32 to index
        %get3A_875 = arith.constant 240 : index
        %get3A_876 = tpu.vector_load %arg7[%get3A_874, %get3A_875] {strides = array<i32>} : memref<40x640xf32, #tpu.memory_space<vmem>>, vector<1x16xf32>,
        %get3A_877 = vector.shape_cast %get3A_876 : vector<1x16xf32> to vector<16xf32>
        %add3A_878 = arith.addf %scan3A_775, %get3A_877 : vector<16xf32>
        %get3A_879 = arith.index_cast %scan3A_759 : i32 to index
        %get3A_880 = arith.constant 256 : index
        %get3A_881 = tpu.vector_load %arg7[%get3A_879, %get3A_880] {strides = array<i32>} : memref<40x640xf32, #tpu.memory_space<vmem>>, vector<1x16xf32>,
        %get3A_882 = vector.shape_cast %get3A_881 : vector<1x16xf32> to vector<16xf32>
        %add3A_883 = arith.addf %scan3A_776, %get3A_882 : vector<16xf32>
        %get3A_884 = arith.index_cast %scan3A_759 : i32 to index
        %get3A_885 = arith.constant 272 : index
        %get3A_886 = tpu.vector_load %arg7[%get3A_884, %get3A_885] {strides = array<i32>} : memref<40x640xf32, #tpu.memory_space<vmem>>, vector<1x16xf32>,
        %get3A_887 = vector.shape_cast %get3A_886 : vector<1x16xf32> to vector<16xf32>
        %add3A_888 = arith.addf %scan3A_777, %get3A_887 : vector<16xf32>
        %get3A_889 = arith.index_cast %scan3A_759 : i32 to index
        %get3A_890 = arith.constant 288 : index
        %get3A_891 = tpu.vector_load %arg7[%get3A_889, %get3A_890] {strides = array<i32>} : memref<40x640xf32, #tpu.memory_space<vmem>>, vector<1x16xf32>,
        %get3A_892 = vector.shape_cast %get3A_891 : vector<1x16xf32> to vector<16xf32>
        %add3A_893 = arith.addf %scan3A_778, %get3A_892 : vector<16xf32>
        %get3A_894 = arith.index_cast %scan3A_759 : i32 to index
        %get3A_895 = arith.constant 304 : index
        %get3A_896 = tpu.vector_load %arg7[%get3A_894, %get3A_895] {strides = array<i32>} : memref<40x640xf32, #tpu.memory_space<vmem>>, vector<1x16xf32>,
        %get3A_897 = vector.shape_cast %get3A_896 : vector<1x16xf32> to vector<16xf32>
        %add3A_898 = arith.addf %scan3A_779, %get3A_897 : vector<16xf32>
        %get3A_899 = arith.index_cast %scan3A_759 : i32 to index
        %get3A_900 = arith.constant 320 : index
        %get3A_901 = tpu.vector_load %arg7[%get3A_899, %get3A_900] {strides = array<i32>} : memref<40x640xf32, #tpu.memory_space<vmem>>, vector<1x16xf32>,
        %get3A_902 = vector.shape_cast %get3A_901 : vector<1x16xf32> to vector<16xf32>
        %add3A_903 = arith.addf %scan3A_780, %get3A_902 : vector<16xf32>
        %get3A_904 = arith.index_cast %scan3A_759 : i32 to index
        %get3A_905 = arith.constant 336 : index
        %get3A_906 = tpu.vector_load %arg7[%get3A_904, %get3A_905] {strides = array<i32>} : memref<40x640xf32, #tpu.memory_space<vmem>>, vector<1x16xf32>,
        %get3A_907 = vector.shape_cast %get3A_906 : vector<1x16xf32> to vector<16xf32>
        %add3A_908 = arith.addf %scan3A_781, %get3A_907 : vector<16xf32>
        %get3A_909 = arith.index_cast %scan3A_759 : i32 to index
        %get3A_910 = arith.constant 352 : index
        %get3A_911 = tpu.vector_load %arg7[%get3A_909, %get3A_910] {strides = array<i32>} : memref<40x640xf32, #tpu.memory_space<vmem>>, vector<1x16xf32>,
        %get3A_912 = vector.shape_cast %get3A_911 : vector<1x16xf32> to vector<16xf32>
        %add3A_913 = arith.addf %scan3A_782, %get3A_912 : vector<16xf32>
        %get3A_914 = arith.index_cast %scan3A_759 : i32 to index
        %get3A_915 = arith.constant 368 : index
        %get3A_916 = tpu.vector_load %arg7[%get3A_914, %get3A_915] {strides = array<i32>} : memref<40x640xf32, #tpu.memory_space<vmem>>, vector<1x16xf32>,
        %get3A_917 = vector.shape_cast %get3A_916 : vector<1x16xf32> to vector<16xf32>
        %add3A_918 = arith.addf %scan3A_783, %get3A_917 : vector<16xf32>
        %get3A_919 = arith.index_cast %scan3A_759 : i32 to index
        %get3A_920 = arith.constant 384 : index
        %get3A_921 = tpu.vector_load %arg7[%get3A_919, %get3A_920] {strides = array<i32>} : memref<40x640xf32, #tpu.memory_space<vmem>>, vector<1x16xf32>,
        %get3A_922 = vector.shape_cast %get3A_921 : vector<1x16xf32> to vector<16xf32>
        %add3A_923 = arith.addf %scan3A_784, %get3A_922 : vector<16xf32>
        %get3A_924 = arith.index_cast %scan3A_759 : i32 to index
        %get3A_925 = arith.constant 400 : index
        %get3A_926 = tpu.vector_load %arg7[%get3A_924, %get3A_925] {strides = array<i32>} : memref<40x640xf32, #tpu.memory_space<vmem>>, vector<1x16xf32>,
        %get3A_927 = vector.shape_cast %get3A_926 : vector<1x16xf32> to vector<16xf32>
        %add3A_928 = arith.addf %scan3A_785, %get3A_927 : vector<16xf32>
        %get3A_929 = arith.index_cast %scan3A_759 : i32 to index
        %get3A_930 = arith.constant 416 : index
        %get3A_931 = tpu.vector_load %arg7[%get3A_929, %get3A_930] {strides = array<i32>} : memref<40x640xf32, #tpu.memory_space<vmem>>, vector<1x16xf32>,
        %get3A_932 = vector.shape_cast %get3A_931 : vector<1x16xf32> to vector<16xf32>
        %add3A_933 = arith.addf %scan3A_786, %get3A_932 : vector<16xf32>
        %get3A_934 = arith.index_cast %scan3A_759 : i32 to index
        %get3A_935 = arith.constant 432 : index
        %get3A_936 = tpu.vector_load %arg7[%get3A_934, %get3A_935] {strides = array<i32>} : memref<40x640xf32, #tpu.memory_space<vmem>>, vector<1x16xf32>,
        %get3A_937 = vector.shape_cast %get3A_936 : vector<1x16xf32> to vector<16xf32>
        %add3A_938 = arith.addf %scan3A_787, %get3A_937 : vector<16xf32>
        %get3A_939 = arith.index_cast %scan3A_759 : i32 to index
        %get3A_940 = arith.constant 448 : index
        %get3A_941 = tpu.vector_load %arg7[%get3A_939, %get3A_940] {strides = array<i32>} : memref<40x640xf32, #tpu.memory_space<vmem>>, vector<1x16xf32>,
        %get3A_942 = vector.shape_cast %get3A_941 : vector<1x16xf32> to vector<16xf32>
        %add3A_943 = arith.addf %scan3A_788, %get3A_942 : vector<16xf32>
        %get3A_944 = arith.index_cast %scan3A_759 : i32 to index
        %get3A_945 = arith.constant 464 : index
        %get3A_946 = tpu.vector_load %arg7[%get3A_944, %get3A_945] {strides = array<i32>} : memref<40x640xf32, #tpu.memory_space<vmem>>, vector<1x16xf32>,
        %get3A_947 = vector.shape_cast %get3A_946 : vector<1x16xf32> to vector<16xf32>
        %add3A_948 = arith.addf %scan3A_789, %get3A_947 : vector<16xf32>
        %get3A_949 = arith.index_cast %scan3A_759 : i32 to index
        %get3A_950 = arith.constant 480 : index
        %get3A_951 = tpu.vector_load %arg7[%get3A_949, %get3A_950] {strides = array<i32>} : memref<40x640xf32, #tpu.memory_space<vmem>>, vector<1x16xf32>,
        %get3A_952 = vector.shape_cast %get3A_951 : vector<1x16xf32> to vector<16xf32>
        %add3A_953 = arith.addf %scan3A_790, %get3A_952 : vector<16xf32>
        %get3A_954 = arith.index_cast %scan3A_759 : i32 to index
        %get3A_955 = arith.constant 496 : index
        %get3A_956 = tpu.vector_load %arg7[%get3A_954, %get3A_955] {strides = array<i32>} : memref<40x640xf32, #tpu.memory_space<vmem>>, vector<1x16xf32>,
        %get3A_957 = vector.shape_cast %get3A_956 : vector<1x16xf32> to vector<16xf32>
        %add3A_958 = arith.addf %scan3A_791, %get3A_957 : vector<16xf32>
        %get3A_959 = arith.index_cast %scan3A_759 : i32 to index
        %get3A_960 = arith.constant 512 : index
        %get3A_961 = tpu.vector_load %arg7[%get3A_959, %get3A_960] {strides = array<i32>} : memref<40x640xf32, #tpu.memory_space<vmem>>, vector<1x16xf32>,
        %get3A_962 = vector.shape_cast %get3A_961 : vector<1x16xf32> to vector<16xf32>
        %add3A_963 = arith.addf %scan3A_792, %get3A_962 : vector<16xf32>
        %get3A_964 = arith.index_cast %scan3A_759 : i32 to index
        %get3A_965 = arith.constant 528 : index
        %get3A_966 = tpu.vector_load %arg7[%get3A_964, %get3A_965] {strides = array<i32>} : memref<40x640xf32, #tpu.memory_space<vmem>>, vector<1x16xf32>,
        %get3A_967 = vector.shape_cast %get3A_966 : vector<1x16xf32> to vector<16xf32>
        %add3A_968 = arith.addf %scan3A_793, %get3A_967 : vector<16xf32>
        %get3A_969 = arith.index_cast %scan3A_759 : i32 to index
        %get3A_970 = arith.constant 544 : index
        %get3A_971 = tpu.vector_load %arg7[%get3A_969, %get3A_970] {strides = array<i32>} : memref<40x640xf32, #tpu.memory_space<vmem>>, vector<1x16xf32>,
        %get3A_972 = vector.shape_cast %get3A_971 : vector<1x16xf32> to vector<16xf32>
        %add3A_973 = arith.addf %scan3A_794, %get3A_972 : vector<16xf32>
        %get3A_974 = arith.index_cast %scan3A_759 : i32 to index
        %get3A_975 = arith.constant 560 : index
        %get3A_976 = tpu.vector_load %arg7[%get3A_974, %get3A_975] {strides = array<i32>} : memref<40x640xf32, #tpu.memory_space<vmem>>, vector<1x16xf32>,
        %get3A_977 = vector.shape_cast %get3A_976 : vector<1x16xf32> to vector<16xf32>
        %add3A_978 = arith.addf %scan3A_795, %get3A_977 : vector<16xf32>
        %get3A_979 = arith.index_cast %scan3A_759 : i32 to index
        %get3A_980 = arith.constant 576 : index
        %get3A_981 = tpu.vector_load %arg7[%get3A_979, %get3A_980] {strides = array<i32>} : memref<40x640xf32, #tpu.memory_space<vmem>>, vector<1x16xf32>,
        %get3A_982 = vector.shape_cast %get3A_981 : vector<1x16xf32> to vector<16xf32>
        %add3A_983 = arith.addf %scan3A_796, %get3A_982 : vector<16xf32>
        %get3A_984 = arith.index_cast %scan3A_759 : i32 to index
        %get3A_985 = arith.constant 592 : index
        %get3A_986 = tpu.vector_load %arg7[%get3A_984, %get3A_985] {strides = array<i32>} : memref<40x640xf32, #tpu.memory_space<vmem>>, vector<1x16xf32>,
        %get3A_987 = vector.shape_cast %get3A_986 : vector<1x16xf32> to vector<16xf32>
        %add3A_988 = arith.addf %scan3A_797, %get3A_987 : vector<16xf32>
        %get3A_989 = arith.index_cast %scan3A_759 : i32 to index
        %get3A_990 = arith.constant 608 : index
        %get3A_991 = tpu.vector_load %arg7[%get3A_989, %get3A_990] {strides = array<i32>} : memref<40x640xf32, #tpu.memory_space<vmem>>, vector<1x16xf32>,
        %get3A_992 = vector.shape_cast %get3A_991 : vector<1x16xf32> to vector<16xf32>
        %add3A_993 = arith.addf %scan3A_798, %get3A_992 : vector<16xf32>
        %get3A_994 = arith.index_cast %scan3A_759 : i32 to index
        %get3A_995 = arith.constant 624 : index
        %get3A_996 = tpu.vector_load %arg7[%get3A_994, %get3A_995] {strides = array<i32>} : memref<40x640xf32, #tpu.memory_space<vmem>>, vector<1x16xf32>,
        %get3A_997 = vector.shape_cast %get3A_996 : vector<1x16xf32> to vector<16xf32>
        %add3A_998 = arith.addf %scan3A_799, %get3A_997 : vector<16xf32>
        scf.yield %add3A_803, %add3A_808, %add3A_813, %add3A_818, %add3A_823, %add3A_828, %add3A_833, %add3A_838, %add3A_843, %add3A_848, %add3A_853, %add3A_858, %add3A_863, %add3A_868, %add3A_873, %add3A_878, %add3A_883, %add3A_888, %add3A_893, %add3A_898, %add3A_903, %add3A_908, %add3A_913, %add3A_918, %add3A_923, %add3A_928, %add3A_933, %add3A_938, %add3A_943, %add3A_948, %add3A_953, %add3A_958, %add3A_963, %add3A_968, %add3A_973, %add3A_978, %add3A_983, %add3A_988, %add3A_993, %add3A_998 : vector<16xf32>, vector<16xf32>, vector<16xf32>, vector<16xf32>, vector<16xf32>, vector<16xf32>, vector<16xf32>, vector<16xf32>, vector<16xf32>, vector<16xf32>, vector<16xf32>, vector<16xf32>, vector<16xf32>, vector<16xf32>, vector<16xf32>, vector<16xf32>, vector<16xf32>, vector<16xf32>, vector<16xf32>, vector<16xf32>, vector<16xf32>, vector<16xf32>, vector<16xf32>, vector<16xf32>, vector<16xf32>, vector<16xf32>, vector<16xf32>, vector<16xf32>, vector<16xf32>, vector<16xf32>, vector<16xf32>, vector<16xf32>, vector<16xf32>, vector<16xf32>, vector<16xf32>, vector<16xf32>, vector<16xf32>, vector<16xf32>, vector<16xf32>, vector<16xf32>
      }
      %scan3A_505 = arith.constant 40 : i32
      %add3A_506 = arith.constant 2 : i32
      %add3A_507 = arith.addi %add3A_493, %add3A_506 : i32
      %lt3A_508 = arith.constant 160 : i32
      %lt3A_509 = arith.cmpi slt, %add3A_507, %lt3A_508 : i32
      %convert_element_type3A_510 = arith.extui %lt3A_509 : i1 to i32
      %cond3A_511 = arith.constant 0 : i32
      %cond3A_512 = arith.cmpi ne, %convert_element_type3A_510, %cond3A_511 : i32
      scf.if %cond3A_512 {
        %add3A_759 = arith.constant 2 : i32
        %add3A_760 = arith.addi %add3A_493, %add3A_759 : i32
        %dma_start3A_761 = arith.constant 0 : i32
        %dma_start3A_762 = tpu.memref_slice %arg5[%add3A_760, %dma_start3A_761] : memref<160x40xi32, #tpu.memory_space<vmem>> -> memref<1x40xi32, #tpu.memory_space<vmem>>
        %dma_start3A_763 = tpu.memref_squeeze %dma_start3A_762 : memref<1x40xi32, #tpu.memory_space<vmem>> -> memref<40xi32, #tpu.memory_space<vmem>>
        %dma_start3A_764 = arith.constant 0 : i32
        %dma_start3A_765 = arith.constant 0 : i32
        %dma_start3A_766 = tpu.memref_slice %arg3[%dma_start3A_764, %dma_start3A_765] : memref<100000x640xf32, #tpu.memory_space<hbm>> -> memref<100000x640xf32, #tpu.memory_space<hbm>>
        tpu.enqueue_indirect_dma source(%dma_start3A_766 : memref<100000x640xf32, #tpu.memory_space<hbm>>) target(%arg7 : memref<40x640xf32, #tpu.memory_space<vmem>>) offsets(%dma_start3A_763 : memref<40xi32, #tpu.memory_space<vmem>>) semaphore(%arg10 : memref<!tpu.dma_semaphore, #tpu.memory_space<semaphore_mem>>)
      } else {
      }
      %add3A_513 = arith.constant 8 : i32
      %add3A_514 = arith.addi %mul3A_145, %add3A_513 : i32
      %dma_wait3A_515 = arith.constant 0 : i32
      %dma_wait3A_516 = tpu.memref_slice %arg5[%add3A_514, %dma_wait3A_515] : memref<160x40xi32, #tpu.memory_space<vmem>> -> memref<1x40xi32, #tpu.memory_space<vmem>>
      %dma_wait3A_517 = tpu.memref_squeeze %dma_wait3A_516 : memref<1x40xi32, #tpu.memory_space<vmem>> -> memref<40xi32, #tpu.memory_space<vmem>>
      %dma_wait3A_518 = arith.constant 0 : i32
      %dma_wait3A_519 = arith.constant 0 : i32
      %dma_wait3A_520 = tpu.memref_slice %arg3[%dma_wait3A_518, %dma_wait3A_519] : memref<100000x640xf32, #tpu.memory_space<hbm>> -> memref<100000x640xf32, #tpu.memory_space<hbm>>
      tpu.wait_indirect_dma semaphore(%arg9 : memref<!tpu.dma_semaphore, #tpu.memory_space<semaphore_mem>>) src(%dma_wait3A_520 : memref<100000x640xf32, #tpu.memory_space<hbm>>) dst(%arg6 : memref<40x640xf32, #tpu.memory_space<vmem>>)
      %scan3A_521 = arith.constant 0 : i32
      %scan3A_522 = arith.constant 40 : i32
      %scan3A_523 = arith.addi %scan3A_521, %scan3A_522 : i32
      %scan3A_524 = arith.constant 1 : i32
      %scan3A_525:40 = scf.for %scan3A_759 = %scan3A_521 to %scan3A_523 step %scan3A_524 iter_args(%scan3A_760 = %scan3A_504#0, %scan3A_761 = %scan3A_504#1, %scan3A_762 = %scan3A_504#2, %scan3A_763 = %scan3A_504#3, %scan3A_764 = %scan3A_504#4, %scan3A_765 = %scan3A_504#5, %scan3A_766 = %scan3A_504#6, %scan3A_767 = %scan3A_504#7, %scan3A_768 = %scan3A_504#8, %scan3A_769 = %scan3A_504#9, %scan3A_770 = %scan3A_504#10, %scan3A_771 = %scan3A_504#11, %scan3A_772 = %scan3A_504#12, %scan3A_773 = %scan3A_504#13, %scan3A_774 = %scan3A_504#14, %scan3A_775 = %scan3A_504#15, %scan3A_776 = %scan3A_504#16, %scan3A_777 = %scan3A_504#17, %scan3A_778 = %scan3A_504#18, %scan3A_779 = %scan3A_504#19, %scan3A_780 = %scan3A_504#20, %scan3A_781 = %scan3A_504#21, %scan3A_782 = %scan3A_504#22, %scan3A_783 = %scan3A_504#23, %scan3A_784 = %scan3A_504#24, %scan3A_785 = %scan3A_504#25, %scan3A_786 = %scan3A_504#26, %scan3A_787 = %scan3A_504#27, %scan3A_788 = %scan3A_504#28, %scan3A_789 = %scan3A_504#29, %scan3A_790 = %scan3A_504#30, %scan3A_791 = %scan3A_504#31, %scan3A_792 = %scan3A_504#32, %scan3A_793 = %scan3A_504#33, %scan3A_794 = %scan3A_504#34, %scan3A_795 = %scan3A_504#35, %scan3A_796 = %scan3A_504#36, %scan3A_797 = %scan3A_504#37, %scan3A_798 = %scan3A_504#38, %scan3A_799 = %scan3A_504#39) -> (vector<16xf32>, vector<16xf32>, vector<16xf32>, vector<16xf32>, vector<16xf32>, vector<16xf32>, vector<16xf32>, vector<16xf32>, vector<16xf32>, vector<16xf32>, vector<16xf32>, vector<16xf32>, vector<16xf32>, vector<16xf32>, vector<16xf32>, vector<16xf32>, vector<16xf32>, vector<16xf32>, vector<16xf32>, vector<16xf32>, vector<16xf32>, vector<16xf32>, vector<16xf32>, vector<16xf32>, vector<16xf32>, vector<16xf32>, vector<16xf32>, vector<16xf32>, vector<16xf32>, vector<16xf32>, vector<16xf32>, vector<16xf32>, vector<16xf32>, vector<16xf32>, vector<16xf32>, vector<16xf32>, vector<16xf32>, vector<16xf32>, vector<16xf32>, vector<16xf32>)  : i32 {
        %get3A = arith.index_cast %scan3A_759 : i32 to index
        %get3A_800 = arith.constant 0 : index
        %get3A_801 = tpu.vector_load %arg6[%get3A, %get3A_800] {strides = array<i32>} : memref<40x640xf32, #tpu.memory_space<vmem>>, vector<1x16xf32>,
        %get3A_802 = vector.shape_cast %get3A_801 : vector<1x16xf32> to vector<16xf32>
        %add3A_803 = arith.addf %scan3A_760, %get3A_802 : vector<16xf32>
        %get3A_804 = arith.index_cast %scan3A_759 : i32 to index
        %get3A_805 = arith.constant 16 : index
        %get3A_806 = tpu.vector_load %arg6[%get3A_804, %get3A_805] {strides = array<i32>} : memref<40x640xf32, #tpu.memory_space<vmem>>, vector<1x16xf32>,
        %get3A_807 = vector.shape_cast %get3A_806 : vector<1x16xf32> to vector<16xf32>
        %add3A_808 = arith.addf %scan3A_761, %get3A_807 : vector<16xf32>
        %get3A_809 = arith.index_cast %scan3A_759 : i32 to index
        %get3A_810 = arith.constant 32 : index
        %get3A_811 = tpu.vector_load %arg6[%get3A_809, %get3A_810] {strides = array<i32>} : memref<40x640xf32, #tpu.memory_space<vmem>>, vector<1x16xf32>,
        %get3A_812 = vector.shape_cast %get3A_811 : vector<1x16xf32> to vector<16xf32>
        %add3A_813 = arith.addf %scan3A_762, %get3A_812 : vector<16xf32>
        %get3A_814 = arith.index_cast %scan3A_759 : i32 to index
        %get3A_815 = arith.constant 48 : index
        %get3A_816 = tpu.vector_load %arg6[%get3A_814, %get3A_815] {strides = array<i32>} : memref<40x640xf32, #tpu.memory_space<vmem>>, vector<1x16xf32>,
        %get3A_817 = vector.shape_cast %get3A_816 : vector<1x16xf32> to vector<16xf32>
        %add3A_818 = arith.addf %scan3A_763, %get3A_817 : vector<16xf32>
        %get3A_819 = arith.index_cast %scan3A_759 : i32 to index
        %get3A_820 = arith.constant 64 : index
        %get3A_821 = tpu.vector_load %arg6[%get3A_819, %get3A_820] {strides = array<i32>} : memref<40x640xf32, #tpu.memory_space<vmem>>, vector<1x16xf32>,
        %get3A_822 = vector.shape_cast %get3A_821 : vector<1x16xf32> to vector<16xf32>
        %add3A_823 = arith.addf %scan3A_764, %get3A_822 : vector<16xf32>
        %get3A_824 = arith.index_cast %scan3A_759 : i32 to index
        %get3A_825 = arith.constant 80 : index
        %get3A_826 = tpu.vector_load %arg6[%get3A_824, %get3A_825] {strides = array<i32>} : memref<40x640xf32, #tpu.memory_space<vmem>>, vector<1x16xf32>,
        %get3A_827 = vector.shape_cast %get3A_826 : vector<1x16xf32> to vector<16xf32>
        %add3A_828 = arith.addf %scan3A_765, %get3A_827 : vector<16xf32>
        %get3A_829 = arith.index_cast %scan3A_759 : i32 to index
        %get3A_830 = arith.constant 96 : index
        %get3A_831 = tpu.vector_load %arg6[%get3A_829, %get3A_830] {strides = array<i32>} : memref<40x640xf32, #tpu.memory_space<vmem>>, vector<1x16xf32>,
        %get3A_832 = vector.shape_cast %get3A_831 : vector<1x16xf32> to vector<16xf32>
        %add3A_833 = arith.addf %scan3A_766, %get3A_832 : vector<16xf32>
        %get3A_834 = arith.index_cast %scan3A_759 : i32 to index
        %get3A_835 = arith.constant 112 : index
        %get3A_836 = tpu.vector_load %arg6[%get3A_834, %get3A_835] {strides = array<i32>} : memref<40x640xf32, #tpu.memory_space<vmem>>, vector<1x16xf32>,
        %get3A_837 = vector.shape_cast %get3A_836 : vector<1x16xf32> to vector<16xf32>
        %add3A_838 = arith.addf %scan3A_767, %get3A_837 : vector<16xf32>
        %get3A_839 = arith.index_cast %scan3A_759 : i32 to index
        %get3A_840 = arith.constant 128 : index
        %get3A_841 = tpu.vector_load %arg6[%get3A_839, %get3A_840] {strides = array<i32>} : memref<40x640xf32, #tpu.memory_space<vmem>>, vector<1x16xf32>,
        %get3A_842 = vector.shape_cast %get3A_841 : vector<1x16xf32> to vector<16xf32>
        %add3A_843 = arith.addf %scan3A_768, %get3A_842 : vector<16xf32>
        %get3A_844 = arith.index_cast %scan3A_759 : i32 to index
        %get3A_845 = arith.constant 144 : index
        %get3A_846 = tpu.vector_load %arg6[%get3A_844, %get3A_845] {strides = array<i32>} : memref<40x640xf32, #tpu.memory_space<vmem>>, vector<1x16xf32>,
        %get3A_847 = vector.shape_cast %get3A_846 : vector<1x16xf32> to vector<16xf32>
        %add3A_848 = arith.addf %scan3A_769, %get3A_847 : vector<16xf32>
        %get3A_849 = arith.index_cast %scan3A_759 : i32 to index
        %get3A_850 = arith.constant 160 : index
        %get3A_851 = tpu.vector_load %arg6[%get3A_849, %get3A_850] {strides = array<i32>} : memref<40x640xf32, #tpu.memory_space<vmem>>, vector<1x16xf32>,
        %get3A_852 = vector.shape_cast %get3A_851 : vector<1x16xf32> to vector<16xf32>
        %add3A_853 = arith.addf %scan3A_770, %get3A_852 : vector<16xf32>
        %get3A_854 = arith.index_cast %scan3A_759 : i32 to index
        %get3A_855 = arith.constant 176 : index
        %get3A_856 = tpu.vector_load %arg6[%get3A_854, %get3A_855] {strides = array<i32>} : memref<40x640xf32, #tpu.memory_space<vmem>>, vector<1x16xf32>,
        %get3A_857 = vector.shape_cast %get3A_856 : vector<1x16xf32> to vector<16xf32>
        %add3A_858 = arith.addf %scan3A_771, %get3A_857 : vector<16xf32>
        %get3A_859 = arith.index_cast %scan3A_759 : i32 to index
        %get3A_860 = arith.constant 192 : index
        %get3A_861 = tpu.vector_load %arg6[%get3A_859, %get3A_860] {strides = array<i32>} : memref<40x640xf32, #tpu.memory_space<vmem>>, vector<1x16xf32>,
        %get3A_862 = vector.shape_cast %get3A_861 : vector<1x16xf32> to vector<16xf32>
        %add3A_863 = arith.addf %scan3A_772, %get3A_862 : vector<16xf32>
        %get3A_864 = arith.index_cast %scan3A_759 : i32 to index
        %get3A_865 = arith.constant 208 : index
        %get3A_866 = tpu.vector_load %arg6[%get3A_864, %get3A_865] {strides = array<i32>} : memref<40x640xf32, #tpu.memory_space<vmem>>, vector<1x16xf32>,
        %get3A_867 = vector.shape_cast %get3A_866 : vector<1x16xf32> to vector<16xf32>
        %add3A_868 = arith.addf %scan3A_773, %get3A_867 : vector<16xf32>
        %get3A_869 = arith.index_cast %scan3A_759 : i32 to index
        %get3A_870 = arith.constant 224 : index
        %get3A_871 = tpu.vector_load %arg6[%get3A_869, %get3A_870] {strides = array<i32>} : memref<40x640xf32, #tpu.memory_space<vmem>>, vector<1x16xf32>,
        %get3A_872 = vector.shape_cast %get3A_871 : vector<1x16xf32> to vector<16xf32>
        %add3A_873 = arith.addf %scan3A_774, %get3A_872 : vector<16xf32>
        %get3A_874 = arith.index_cast %scan3A_759 : i32 to index
        %get3A_875 = arith.constant 240 : index
        %get3A_876 = tpu.vector_load %arg6[%get3A_874, %get3A_875] {strides = array<i32>} : memref<40x640xf32, #tpu.memory_space<vmem>>, vector<1x16xf32>,
        %get3A_877 = vector.shape_cast %get3A_876 : vector<1x16xf32> to vector<16xf32>
        %add3A_878 = arith.addf %scan3A_775, %get3A_877 : vector<16xf32>
        %get3A_879 = arith.index_cast %scan3A_759 : i32 to index
        %get3A_880 = arith.constant 256 : index
        %get3A_881 = tpu.vector_load %arg6[%get3A_879, %get3A_880] {strides = array<i32>} : memref<40x640xf32, #tpu.memory_space<vmem>>, vector<1x16xf32>,
        %get3A_882 = vector.shape_cast %get3A_881 : vector<1x16xf32> to vector<16xf32>
        %add3A_883 = arith.addf %scan3A_776, %get3A_882 : vector<16xf32>
        %get3A_884 = arith.index_cast %scan3A_759 : i32 to index
        %get3A_885 = arith.constant 272 : index
        %get3A_886 = tpu.vector_load %arg6[%get3A_884, %get3A_885] {strides = array<i32>} : memref<40x640xf32, #tpu.memory_space<vmem>>, vector<1x16xf32>,
        %get3A_887 = vector.shape_cast %get3A_886 : vector<1x16xf32> to vector<16xf32>
        %add3A_888 = arith.addf %scan3A_777, %get3A_887 : vector<16xf32>
        %get3A_889 = arith.index_cast %scan3A_759 : i32 to index
        %get3A_890 = arith.constant 288 : index
        %get3A_891 = tpu.vector_load %arg6[%get3A_889, %get3A_890] {strides = array<i32>} : memref<40x640xf32, #tpu.memory_space<vmem>>, vector<1x16xf32>,
        %get3A_892 = vector.shape_cast %get3A_891 : vector<1x16xf32> to vector<16xf32>
        %add3A_893 = arith.addf %scan3A_778, %get3A_892 : vector<16xf32>
        %get3A_894 = arith.index_cast %scan3A_759 : i32 to index
        %get3A_895 = arith.constant 304 : index
        %get3A_896 = tpu.vector_load %arg6[%get3A_894, %get3A_895] {strides = array<i32>} : memref<40x640xf32, #tpu.memory_space<vmem>>, vector<1x16xf32>,
        %get3A_897 = vector.shape_cast %get3A_896 : vector<1x16xf32> to vector<16xf32>
        %add3A_898 = arith.addf %scan3A_779, %get3A_897 : vector<16xf32>
        %get3A_899 = arith.index_cast %scan3A_759 : i32 to index
        %get3A_900 = arith.constant 320 : index
        %get3A_901 = tpu.vector_load %arg6[%get3A_899, %get3A_900] {strides = array<i32>} : memref<40x640xf32, #tpu.memory_space<vmem>>, vector<1x16xf32>,
        %get3A_902 = vector.shape_cast %get3A_901 : vector<1x16xf32> to vector<16xf32>
        %add3A_903 = arith.addf %scan3A_780, %get3A_902 : vector<16xf32>
        %get3A_904 = arith.index_cast %scan3A_759 : i32 to index
        %get3A_905 = arith.constant 336 : index
        %get3A_906 = tpu.vector_load %arg6[%get3A_904, %get3A_905] {strides = array<i32>} : memref<40x640xf32, #tpu.memory_space<vmem>>, vector<1x16xf32>,
        %get3A_907 = vector.shape_cast %get3A_906 : vector<1x16xf32> to vector<16xf32>
        %add3A_908 = arith.addf %scan3A_781, %get3A_907 : vector<16xf32>
        %get3A_909 = arith.index_cast %scan3A_759 : i32 to index
        %get3A_910 = arith.constant 352 : index
        %get3A_911 = tpu.vector_load %arg6[%get3A_909, %get3A_910] {strides = array<i32>} : memref<40x640xf32, #tpu.memory_space<vmem>>, vector<1x16xf32>,
        %get3A_912 = vector.shape_cast %get3A_911 : vector<1x16xf32> to vector<16xf32>
        %add3A_913 = arith.addf %scan3A_782, %get3A_912 : vector<16xf32>
        %get3A_914 = arith.index_cast %scan3A_759 : i32 to index
        %get3A_915 = arith.constant 368 : index
        %get3A_916 = tpu.vector_load %arg6[%get3A_914, %get3A_915] {strides = array<i32>} : memref<40x640xf32, #tpu.memory_space<vmem>>, vector<1x16xf32>,
        %get3A_917 = vector.shape_cast %get3A_916 : vector<1x16xf32> to vector<16xf32>
        %add3A_918 = arith.addf %scan3A_783, %get3A_917 : vector<16xf32>
        %get3A_919 = arith.index_cast %scan3A_759 : i32 to index
        %get3A_920 = arith.constant 384 : index
        %get3A_921 = tpu.vector_load %arg6[%get3A_919, %get3A_920] {strides = array<i32>} : memref<40x640xf32, #tpu.memory_space<vmem>>, vector<1x16xf32>,
        %get3A_922 = vector.shape_cast %get3A_921 : vector<1x16xf32> to vector<16xf32>
        %add3A_923 = arith.addf %scan3A_784, %get3A_922 : vector<16xf32>
        %get3A_924 = arith.index_cast %scan3A_759 : i32 to index
        %get3A_925 = arith.constant 400 : index
        %get3A_926 = tpu.vector_load %arg6[%get3A_924, %get3A_925] {strides = array<i32>} : memref<40x640xf32, #tpu.memory_space<vmem>>, vector<1x16xf32>,
        %get3A_927 = vector.shape_cast %get3A_926 : vector<1x16xf32> to vector<16xf32>
        %add3A_928 = arith.addf %scan3A_785, %get3A_927 : vector<16xf32>
        %get3A_929 = arith.index_cast %scan3A_759 : i32 to index
        %get3A_930 = arith.constant 416 : index
        %get3A_931 = tpu.vector_load %arg6[%get3A_929, %get3A_930] {strides = array<i32>} : memref<40x640xf32, #tpu.memory_space<vmem>>, vector<1x16xf32>,
        %get3A_932 = vector.shape_cast %get3A_931 : vector<1x16xf32> to vector<16xf32>
        %add3A_933 = arith.addf %scan3A_786, %get3A_932 : vector<16xf32>
        %get3A_934 = arith.index_cast %scan3A_759 : i32 to index
        %get3A_935 = arith.constant 432 : index
        %get3A_936 = tpu.vector_load %arg6[%get3A_934, %get3A_935] {strides = array<i32>} : memref<40x640xf32, #tpu.memory_space<vmem>>, vector<1x16xf32>,
        %get3A_937 = vector.shape_cast %get3A_936 : vector<1x16xf32> to vector<16xf32>
        %add3A_938 = arith.addf %scan3A_787, %get3A_937 : vector<16xf32>
        %get3A_939 = arith.index_cast %scan3A_759 : i32 to index
        %get3A_940 = arith.constant 448 : index
        %get3A_941 = tpu.vector_load %arg6[%get3A_939, %get3A_940] {strides = array<i32>} : memref<40x640xf32, #tpu.memory_space<vmem>>, vector<1x16xf32>,
        %get3A_942 = vector.shape_cast %get3A_941 : vector<1x16xf32> to vector<16xf32>
        %add3A_943 = arith.addf %scan3A_788, %get3A_942 : vector<16xf32>
        %get3A_944 = arith.index_cast %scan3A_759 : i32 to index
        %get3A_945 = arith.constant 464 : index
        %get3A_946 = tpu.vector_load %arg6[%get3A_944, %get3A_945] {strides = array<i32>} : memref<40x640xf32, #tpu.memory_space<vmem>>, vector<1x16xf32>,
        %get3A_947 = vector.shape_cast %get3A_946 : vector<1x16xf32> to vector<16xf32>
        %add3A_948 = arith.addf %scan3A_789, %get3A_947 : vector<16xf32>
        %get3A_949 = arith.index_cast %scan3A_759 : i32 to index
        %get3A_950 = arith.constant 480 : index
        %get3A_951 = tpu.vector_load %arg6[%get3A_949, %get3A_950] {strides = array<i32>} : memref<40x640xf32, #tpu.memory_space<vmem>>, vector<1x16xf32>,
        %get3A_952 = vector.shape_cast %get3A_951 : vector<1x16xf32> to vector<16xf32>
        %add3A_953 = arith.addf %scan3A_790, %get3A_952 : vector<16xf32>
        %get3A_954 = arith.index_cast %scan3A_759 : i32 to index
        %get3A_955 = arith.constant 496 : index
        %get3A_956 = tpu.vector_load %arg6[%get3A_954, %get3A_955] {strides = array<i32>} : memref<40x640xf32, #tpu.memory_space<vmem>>, vector<1x16xf32>,
        %get3A_957 = vector.shape_cast %get3A_956 : vector<1x16xf32> to vector<16xf32>
        %add3A_958 = arith.addf %scan3A_791, %get3A_957 : vector<16xf32>
        %get3A_959 = arith.index_cast %scan3A_759 : i32 to index
        %get3A_960 = arith.constant 512 : index
        %get3A_961 = tpu.vector_load %arg6[%get3A_959, %get3A_960] {strides = array<i32>} : memref<40x640xf32, #tpu.memory_space<vmem>>, vector<1x16xf32>,
        %get3A_962 = vector.shape_cast %get3A_961 : vector<1x16xf32> to vector<16xf32>
        %add3A_963 = arith.addf %scan3A_792, %get3A_962 : vector<16xf32>
        %get3A_964 = arith.index_cast %scan3A_759 : i32 to index
        %get3A_965 = arith.constant 528 : index
        %get3A_966 = tpu.vector_load %arg6[%get3A_964, %get3A_965] {strides = array<i32>} : memref<40x640xf32, #tpu.memory_space<vmem>>, vector<1x16xf32>,
        %get3A_967 = vector.shape_cast %get3A_966 : vector<1x16xf32> to vector<16xf32>
        %add3A_968 = arith.addf %scan3A_793, %get3A_967 : vector<16xf32>
        %get3A_969 = arith.index_cast %scan3A_759 : i32 to index
        %get3A_970 = arith.constant 544 : index
        %get3A_971 = tpu.vector_load %arg6[%get3A_969, %get3A_970] {strides = array<i32>} : memref<40x640xf32, #tpu.memory_space<vmem>>, vector<1x16xf32>,
        %get3A_972 = vector.shape_cast %get3A_971 : vector<1x16xf32> to vector<16xf32>
        %add3A_973 = arith.addf %scan3A_794, %get3A_972 : vector<16xf32>
        %get3A_974 = arith.index_cast %scan3A_759 : i32 to index
        %get3A_975 = arith.constant 560 : index
        %get3A_976 = tpu.vector_load %arg6[%get3A_974, %get3A_975] {strides = array<i32>} : memref<40x640xf32, #tpu.memory_space<vmem>>, vector<1x16xf32>,
        %get3A_977 = vector.shape_cast %get3A_976 : vector<1x16xf32> to vector<16xf32>
        %add3A_978 = arith.addf %scan3A_795, %get3A_977 : vector<16xf32>
        %get3A_979 = arith.index_cast %scan3A_759 : i32 to index
        %get3A_980 = arith.constant 576 : index
        %get3A_981 = tpu.vector_load %arg6[%get3A_979, %get3A_980] {strides = array<i32>} : memref<40x640xf32, #tpu.memory_space<vmem>>, vector<1x16xf32>,
        %get3A_982 = vector.shape_cast %get3A_981 : vector<1x16xf32> to vector<16xf32>
        %add3A_983 = arith.addf %scan3A_796, %get3A_982 : vector<16xf32>
        %get3A_984 = arith.index_cast %scan3A_759 : i32 to index
        %get3A_985 = arith.constant 592 : index
        %get3A_986 = tpu.vector_load %arg6[%get3A_984, %get3A_985] {strides = array<i32>} : memref<40x640xf32, #tpu.memory_space<vmem>>, vector<1x16xf32>,
        %get3A_987 = vector.shape_cast %get3A_986 : vector<1x16xf32> to vector<16xf32>
        %add3A_988 = arith.addf %scan3A_797, %get3A_987 : vector<16xf32>
        %get3A_989 = arith.index_cast %scan3A_759 : i32 to index
        %get3A_990 = arith.constant 608 : index
        %get3A_991 = tpu.vector_load %arg6[%get3A_989, %get3A_990] {strides = array<i32>} : memref<40x640xf32, #tpu.memory_space<vmem>>, vector<1x16xf32>,
        %get3A_992 = vector.shape_cast %get3A_991 : vector<1x16xf32> to vector<16xf32>
        %add3A_993 = arith.addf %scan3A_798, %get3A_992 : vector<16xf32>
        %get3A_994 = arith.index_cast %scan3A_759 : i32 to index
        %get3A_995 = arith.constant 624 : index
        %get3A_996 = tpu.vector_load %arg6[%get3A_994, %get3A_995] {strides = array<i32>} : memref<40x640xf32, #tpu.memory_space<vmem>>, vector<1x16xf32>,
        %get3A_997 = vector.shape_cast %get3A_996 : vector<1x16xf32> to vector<16xf32>
        %add3A_998 = arith.addf %scan3A_799, %get3A_997 : vector<16xf32>
        scf.yield %add3A_803, %add3A_808, %add3A_813, %add3A_818, %add3A_823, %add3A_828, %add3A_833, %add3A_838, %add3A_843, %add3A_848, %add3A_853, %add3A_858, %add3A_863, %add3A_868, %add3A_873, %add3A_878, %add3A_883, %add3A_888, %add3A_893, %add3A_898, %add3A_903, %add3A_908, %add3A_913, %add3A_918, %add3A_923, %add3A_928, %add3A_933, %add3A_938, %add3A_943, %add3A_948, %add3A_953, %add3A_958, %add3A_963, %add3A_968, %add3A_973, %add3A_978, %add3A_983, %add3A_988, %add3A_993, %add3A_998 : vector<16xf32>, vector<16xf32>, vector<16xf32>, vector<16xf32>, vector<16xf32>, vector<16xf32>, vector<16xf32>, vector<16xf32>, vector<16xf32>, vector<16xf32>, vector<16xf32>, vector<16xf32>, vector<16xf32>, vector<16xf32>, vector<16xf32>, vector<16xf32>, vector<16xf32>, vector<16xf32>, vector<16xf32>, vector<16xf32>, vector<16xf32>, vector<16xf32>, vector<16xf32>, vector<16xf32>, vector<16xf32>, vector<16xf32>, vector<16xf32>, vector<16xf32>, vector<16xf32>, vector<16xf32>, vector<16xf32>, vector<16xf32>, vector<16xf32>, vector<16xf32>, vector<16xf32>, vector<16xf32>, vector<16xf32>, vector<16xf32>, vector<16xf32>, vector<16xf32>
      }
      %scan3A_526 = arith.constant 40 : i32
      %add3A_527 = arith.constant 2 : i32
      %add3A_528 = arith.addi %add3A_514, %add3A_527 : i32
      %lt3A_529 = arith.constant 160 : i32
      %lt3A_530 = arith.cmpi slt, %add3A_528, %lt3A_529 : i32
      %convert_element_type3A_531 = arith.extui %lt3A_530 : i1 to i32
      %cond3A_532 = arith.constant 0 : i32
      %cond3A_533 = arith.cmpi ne, %convert_element_type3A_531, %cond3A_532 : i32
      scf.if %cond3A_533 {
        %add3A_759 = arith.constant 2 : i32
        %add3A_760 = arith.addi %add3A_514, %add3A_759 : i32
        %dma_start3A_761 = arith.constant 0 : i32
        %dma_start3A_762 = tpu.memref_slice %arg5[%add3A_760, %dma_start3A_761] : memref<160x40xi32, #tpu.memory_space<vmem>> -> memref<1x40xi32, #tpu.memory_space<vmem>>
        %dma_start3A_763 = tpu.memref_squeeze %dma_start3A_762 : memref<1x40xi32, #tpu.memory_space<vmem>> -> memref<40xi32, #tpu.memory_space<vmem>>
        %dma_start3A_764 = arith.constant 0 : i32
        %dma_start3A_765 = arith.constant 0 : i32
        %dma_start3A_766 = tpu.memref_slice %arg3[%dma_start3A_764, %dma_start3A_765] : memref<100000x640xf32, #tpu.memory_space<hbm>> -> memref<100000x640xf32, #tpu.memory_space<hbm>>
        tpu.enqueue_indirect_dma source(%dma_start3A_766 : memref<100000x640xf32, #tpu.memory_space<hbm>>) target(%arg6 : memref<40x640xf32, #tpu.memory_space<vmem>>) offsets(%dma_start3A_763 : memref<40xi32, #tpu.memory_space<vmem>>) semaphore(%arg9 : memref<!tpu.dma_semaphore, #tpu.memory_space<semaphore_mem>>)
      } else {
      }
      %add3A_534 = arith.constant 9 : i32
      %add3A_535 = arith.addi %mul3A_145, %add3A_534 : i32
      %dma_wait3A_536 = arith.constant 0 : i32
      %dma_wait3A_537 = tpu.memref_slice %arg5[%add3A_535, %dma_wait3A_536] : memref<160x40xi32, #tpu.memory_space<vmem>> -> memref<1x40xi32, #tpu.memory_space<vmem>>
      %dma_wait3A_538 = tpu.memref_squeeze %dma_wait3A_537 : memref<1x40xi32, #tpu.memory_space<vmem>> -> memref<40xi32, #tpu.memory_space<vmem>>
      %dma_wait3A_539 = arith.constant 0 : i32
      %dma_wait3A_540 = arith.constant 0 : i32
      %dma_wait3A_541 = tpu.memref_slice %arg3[%dma_wait3A_539, %dma_wait3A_540] : memref<100000x640xf32, #tpu.memory_space<hbm>> -> memref<100000x640xf32, #tpu.memory_space<hbm>>
      tpu.wait_indirect_dma semaphore(%arg10 : memref<!tpu.dma_semaphore, #tpu.memory_space<semaphore_mem>>) src(%dma_wait3A_541 : memref<100000x640xf32, #tpu.memory_space<hbm>>) dst(%arg7 : memref<40x640xf32, #tpu.memory_space<vmem>>)
      %scan3A_542 = arith.constant 0 : i32
      %scan3A_543 = arith.constant 40 : i32
      %scan3A_544 = arith.addi %scan3A_542, %scan3A_543 : i32
      %scan3A_545 = arith.constant 1 : i32
      %scan3A_546:40 = scf.for %scan3A_759 = %scan3A_542 to %scan3A_544 step %scan3A_545 iter_args(%scan3A_760 = %scan3A_525#0, %scan3A_761 = %scan3A_525#1, %scan3A_762 = %scan3A_525#2, %scan3A_763 = %scan3A_525#3, %scan3A_764 = %scan3A_525#4, %scan3A_765 = %scan3A_525#5, %scan3A_766 = %scan3A_525#6, %scan3A_767 = %scan3A_525#7, %scan3A_768 = %scan3A_525#8, %scan3A_769 = %scan3A_525#9, %scan3A_770 = %scan3A_525#10, %scan3A_771 = %scan3A_525#11, %scan3A_772 = %scan3A_525#12, %scan3A_773 = %scan3A_525#13, %scan3A_774 = %scan3A_525#14, %scan3A_775 = %scan3A_525#15, %scan3A_776 = %scan3A_525#16, %scan3A_777 = %scan3A_525#17, %scan3A_778 = %scan3A_525#18, %scan3A_779 = %scan3A_525#19, %scan3A_780 = %scan3A_525#20, %scan3A_781 = %scan3A_525#21, %scan3A_782 = %scan3A_525#22, %scan3A_783 = %scan3A_525#23, %scan3A_784 = %scan3A_525#24, %scan3A_785 = %scan3A_525#25, %scan3A_786 = %scan3A_525#26, %scan3A_787 = %scan3A_525#27, %scan3A_788 = %scan3A_525#28, %scan3A_789 = %scan3A_525#29, %scan3A_790 = %scan3A_525#30, %scan3A_791 = %scan3A_525#31, %scan3A_792 = %scan3A_525#32, %scan3A_793 = %scan3A_525#33, %scan3A_794 = %scan3A_525#34, %scan3A_795 = %scan3A_525#35, %scan3A_796 = %scan3A_525#36, %scan3A_797 = %scan3A_525#37, %scan3A_798 = %scan3A_525#38, %scan3A_799 = %scan3A_525#39) -> (vector<16xf32>, vector<16xf32>, vector<16xf32>, vector<16xf32>, vector<16xf32>, vector<16xf32>, vector<16xf32>, vector<16xf32>, vector<16xf32>, vector<16xf32>, vector<16xf32>, vector<16xf32>, vector<16xf32>, vector<16xf32>, vector<16xf32>, vector<16xf32>, vector<16xf32>, vector<16xf32>, vector<16xf32>, vector<16xf32>, vector<16xf32>, vector<16xf32>, vector<16xf32>, vector<16xf32>, vector<16xf32>, vector<16xf32>, vector<16xf32>, vector<16xf32>, vector<16xf32>, vector<16xf32>, vector<16xf32>, vector<16xf32>, vector<16xf32>, vector<16xf32>, vector<16xf32>, vector<16xf32>, vector<16xf32>, vector<16xf32>, vector<16xf32>, vector<16xf32>)  : i32 {
        %get3A = arith.index_cast %scan3A_759 : i32 to index
        %get3A_800 = arith.constant 0 : index
        %get3A_801 = tpu.vector_load %arg7[%get3A, %get3A_800] {strides = array<i32>} : memref<40x640xf32, #tpu.memory_space<vmem>>, vector<1x16xf32>,
        %get3A_802 = vector.shape_cast %get3A_801 : vector<1x16xf32> to vector<16xf32>
        %add3A_803 = arith.addf %scan3A_760, %get3A_802 : vector<16xf32>
        %get3A_804 = arith.index_cast %scan3A_759 : i32 to index
        %get3A_805 = arith.constant 16 : index
        %get3A_806 = tpu.vector_load %arg7[%get3A_804, %get3A_805] {strides = array<i32>} : memref<40x640xf32, #tpu.memory_space<vmem>>, vector<1x16xf32>,
        %get3A_807 = vector.shape_cast %get3A_806 : vector<1x16xf32> to vector<16xf32>
        %add3A_808 = arith.addf %scan3A_761, %get3A_807 : vector<16xf32>
        %get3A_809 = arith.index_cast %scan3A_759 : i32 to index
        %get3A_810 = arith.constant 32 : index
        %get3A_811 = tpu.vector_load %arg7[%get3A_809, %get3A_810] {strides = array<i32>} : memref<40x640xf32, #tpu.memory_space<vmem>>, vector<1x16xf32>,
        %get3A_812 = vector.shape_cast %get3A_811 : vector<1x16xf32> to vector<16xf32>
        %add3A_813 = arith.addf %scan3A_762, %get3A_812 : vector<16xf32>
        %get3A_814 = arith.index_cast %scan3A_759 : i32 to index
        %get3A_815 = arith.constant 48 : index
        %get3A_816 = tpu.vector_load %arg7[%get3A_814, %get3A_815] {strides = array<i32>} : memref<40x640xf32, #tpu.memory_space<vmem>>, vector<1x16xf32>,
        %get3A_817 = vector.shape_cast %get3A_816 : vector<1x16xf32> to vector<16xf32>
        %add3A_818 = arith.addf %scan3A_763, %get3A_817 : vector<16xf32>
        %get3A_819 = arith.index_cast %scan3A_759 : i32 to index
        %get3A_820 = arith.constant 64 : index
        %get3A_821 = tpu.vector_load %arg7[%get3A_819, %get3A_820] {strides = array<i32>} : memref<40x640xf32, #tpu.memory_space<vmem>>, vector<1x16xf32>,
        %get3A_822 = vector.shape_cast %get3A_821 : vector<1x16xf32> to vector<16xf32>
        %add3A_823 = arith.addf %scan3A_764, %get3A_822 : vector<16xf32>
        %get3A_824 = arith.index_cast %scan3A_759 : i32 to index
        %get3A_825 = arith.constant 80 : index
        %get3A_826 = tpu.vector_load %arg7[%get3A_824, %get3A_825] {strides = array<i32>} : memref<40x640xf32, #tpu.memory_space<vmem>>, vector<1x16xf32>,
        %get3A_827 = vector.shape_cast %get3A_826 : vector<1x16xf32> to vector<16xf32>
        %add3A_828 = arith.addf %scan3A_765, %get3A_827 : vector<16xf32>
        %get3A_829 = arith.index_cast %scan3A_759 : i32 to index
        %get3A_830 = arith.constant 96 : index
        %get3A_831 = tpu.vector_load %arg7[%get3A_829, %get3A_830] {strides = array<i32>} : memref<40x640xf32, #tpu.memory_space<vmem>>, vector<1x16xf32>,
        %get3A_832 = vector.shape_cast %get3A_831 : vector<1x16xf32> to vector<16xf32>
        %add3A_833 = arith.addf %scan3A_766, %get3A_832 : vector<16xf32>
        %get3A_834 = arith.index_cast %scan3A_759 : i32 to index
        %get3A_835 = arith.constant 112 : index
        %get3A_836 = tpu.vector_load %arg7[%get3A_834, %get3A_835] {strides = array<i32>} : memref<40x640xf32, #tpu.memory_space<vmem>>, vector<1x16xf32>,
        %get3A_837 = vector.shape_cast %get3A_836 : vector<1x16xf32> to vector<16xf32>
        %add3A_838 = arith.addf %scan3A_767, %get3A_837 : vector<16xf32>
        %get3A_839 = arith.index_cast %scan3A_759 : i32 to index
        %get3A_840 = arith.constant 128 : index
        %get3A_841 = tpu.vector_load %arg7[%get3A_839, %get3A_840] {strides = array<i32>} : memref<40x640xf32, #tpu.memory_space<vmem>>, vector<1x16xf32>,
        %get3A_842 = vector.shape_cast %get3A_841 : vector<1x16xf32> to vector<16xf32>
        %add3A_843 = arith.addf %scan3A_768, %get3A_842 : vector<16xf32>
        %get3A_844 = arith.index_cast %scan3A_759 : i32 to index
        %get3A_845 = arith.constant 144 : index
        %get3A_846 = tpu.vector_load %arg7[%get3A_844, %get3A_845] {strides = array<i32>} : memref<40x640xf32, #tpu.memory_space<vmem>>, vector<1x16xf32>,
        %get3A_847 = vector.shape_cast %get3A_846 : vector<1x16xf32> to vector<16xf32>
        %add3A_848 = arith.addf %scan3A_769, %get3A_847 : vector<16xf32>
        %get3A_849 = arith.index_cast %scan3A_759 : i32 to index
        %get3A_850 = arith.constant 160 : index
        %get3A_851 = tpu.vector_load %arg7[%get3A_849, %get3A_850] {strides = array<i32>} : memref<40x640xf32, #tpu.memory_space<vmem>>, vector<1x16xf32>,
        %get3A_852 = vector.shape_cast %get3A_851 : vector<1x16xf32> to vector<16xf32>
        %add3A_853 = arith.addf %scan3A_770, %get3A_852 : vector<16xf32>
        %get3A_854 = arith.index_cast %scan3A_759 : i32 to index
        %get3A_855 = arith.constant 176 : index
        %get3A_856 = tpu.vector_load %arg7[%get3A_854, %get3A_855] {strides = array<i32>} : memref<40x640xf32, #tpu.memory_space<vmem>>, vector<1x16xf32>,
        %get3A_857 = vector.shape_cast %get3A_856 : vector<1x16xf32> to vector<16xf32>
        %add3A_858 = arith.addf %scan3A_771, %get3A_857 : vector<16xf32>
        %get3A_859 = arith.index_cast %scan3A_759 : i32 to index
        %get3A_860 = arith.constant 192 : index
        %get3A_861 = tpu.vector_load %arg7[%get3A_859, %get3A_860] {strides = array<i32>} : memref<40x640xf32, #tpu.memory_space<vmem>>, vector<1x16xf32>,
        %get3A_862 = vector.shape_cast %get3A_861 : vector<1x16xf32> to vector<16xf32>
        %add3A_863 = arith.addf %scan3A_772, %get3A_862 : vector<16xf32>
        %get3A_864 = arith.index_cast %scan3A_759 : i32 to index
        %get3A_865 = arith.constant 208 : index
        %get3A_866 = tpu.vector_load %arg7[%get3A_864, %get3A_865] {strides = array<i32>} : memref<40x640xf32, #tpu.memory_space<vmem>>, vector<1x16xf32>,
        %get3A_867 = vector.shape_cast %get3A_866 : vector<1x16xf32> to vector<16xf32>
        %add3A_868 = arith.addf %scan3A_773, %get3A_867 : vector<16xf32>
        %get3A_869 = arith.index_cast %scan3A_759 : i32 to index
        %get3A_870 = arith.constant 224 : index
        %get3A_871 = tpu.vector_load %arg7[%get3A_869, %get3A_870] {strides = array<i32>} : memref<40x640xf32, #tpu.memory_space<vmem>>, vector<1x16xf32>,
        %get3A_872 = vector.shape_cast %get3A_871 : vector<1x16xf32> to vector<16xf32>
        %add3A_873 = arith.addf %scan3A_774, %get3A_872 : vector<16xf32>
        %get3A_874 = arith.index_cast %scan3A_759 : i32 to index
        %get3A_875 = arith.constant 240 : index
        %get3A_876 = tpu.vector_load %arg7[%get3A_874, %get3A_875] {strides = array<i32>} : memref<40x640xf32, #tpu.memory_space<vmem>>, vector<1x16xf32>,
        %get3A_877 = vector.shape_cast %get3A_876 : vector<1x16xf32> to vector<16xf32>
        %add3A_878 = arith.addf %scan3A_775, %get3A_877 : vector<16xf32>
        %get3A_879 = arith.index_cast %scan3A_759 : i32 to index
        %get3A_880 = arith.constant 256 : index
        %get3A_881 = tpu.vector_load %arg7[%get3A_879, %get3A_880] {strides = array<i32>} : memref<40x640xf32, #tpu.memory_space<vmem>>, vector<1x16xf32>,
        %get3A_882 = vector.shape_cast %get3A_881 : vector<1x16xf32> to vector<16xf32>
        %add3A_883 = arith.addf %scan3A_776, %get3A_882 : vector<16xf32>
        %get3A_884 = arith.index_cast %scan3A_759 : i32 to index
        %get3A_885 = arith.constant 272 : index
        %get3A_886 = tpu.vector_load %arg7[%get3A_884, %get3A_885] {strides = array<i32>} : memref<40x640xf32, #tpu.memory_space<vmem>>, vector<1x16xf32>,
        %get3A_887 = vector.shape_cast %get3A_886 : vector<1x16xf32> to vector<16xf32>
        %add3A_888 = arith.addf %scan3A_777, %get3A_887 : vector<16xf32>
        %get3A_889 = arith.index_cast %scan3A_759 : i32 to index
        %get3A_890 = arith.constant 288 : index
        %get3A_891 = tpu.vector_load %arg7[%get3A_889, %get3A_890] {strides = array<i32>} : memref<40x640xf32, #tpu.memory_space<vmem>>, vector<1x16xf32>,
        %get3A_892 = vector.shape_cast %get3A_891 : vector<1x16xf32> to vector<16xf32>
        %add3A_893 = arith.addf %scan3A_778, %get3A_892 : vector<16xf32>
        %get3A_894 = arith.index_cast %scan3A_759 : i32 to index
        %get3A_895 = arith.constant 304 : index
        %get3A_896 = tpu.vector_load %arg7[%get3A_894, %get3A_895] {strides = array<i32>} : memref<40x640xf32, #tpu.memory_space<vmem>>, vector<1x16xf32>,
        %get3A_897 = vector.shape_cast %get3A_896 : vector<1x16xf32> to vector<16xf32>
        %add3A_898 = arith.addf %scan3A_779, %get3A_897 : vector<16xf32>
        %get3A_899 = arith.index_cast %scan3A_759 : i32 to index
        %get3A_900 = arith.constant 320 : index
        %get3A_901 = tpu.vector_load %arg7[%get3A_899, %get3A_900] {strides = array<i32>} : memref<40x640xf32, #tpu.memory_space<vmem>>, vector<1x16xf32>,
        %get3A_902 = vector.shape_cast %get3A_901 : vector<1x16xf32> to vector<16xf32>
        %add3A_903 = arith.addf %scan3A_780, %get3A_902 : vector<16xf32>
        %get3A_904 = arith.index_cast %scan3A_759 : i32 to index
        %get3A_905 = arith.constant 336 : index
        %get3A_906 = tpu.vector_load %arg7[%get3A_904, %get3A_905] {strides = array<i32>} : memref<40x640xf32, #tpu.memory_space<vmem>>, vector<1x16xf32>,
        %get3A_907 = vector.shape_cast %get3A_906 : vector<1x16xf32> to vector<16xf32>
        %add3A_908 = arith.addf %scan3A_781, %get3A_907 : vector<16xf32>
        %get3A_909 = arith.index_cast %scan3A_759 : i32 to index
        %get3A_910 = arith.constant 352 : index
        %get3A_911 = tpu.vector_load %arg7[%get3A_909, %get3A_910] {strides = array<i32>} : memref<40x640xf32, #tpu.memory_space<vmem>>, vector<1x16xf32>,
        %get3A_912 = vector.shape_cast %get3A_911 : vector<1x16xf32> to vector<16xf32>
        %add3A_913 = arith.addf %scan3A_782, %get3A_912 : vector<16xf32>
        %get3A_914 = arith.index_cast %scan3A_759 : i32 to index
        %get3A_915 = arith.constant 368 : index
        %get3A_916 = tpu.vector_load %arg7[%get3A_914, %get3A_915] {strides = array<i32>} : memref<40x640xf32, #tpu.memory_space<vmem>>, vector<1x16xf32>,
        %get3A_917 = vector.shape_cast %get3A_916 : vector<1x16xf32> to vector<16xf32>
        %add3A_918 = arith.addf %scan3A_783, %get3A_917 : vector<16xf32>
        %get3A_919 = arith.index_cast %scan3A_759 : i32 to index
        %get3A_920 = arith.constant 384 : index
        %get3A_921 = tpu.vector_load %arg7[%get3A_919, %get3A_920] {strides = array<i32>} : memref<40x640xf32, #tpu.memory_space<vmem>>, vector<1x16xf32>,
        %get3A_922 = vector.shape_cast %get3A_921 : vector<1x16xf32> to vector<16xf32>
        %add3A_923 = arith.addf %scan3A_784, %get3A_922 : vector<16xf32>
        %get3A_924 = arith.index_cast %scan3A_759 : i32 to index
        %get3A_925 = arith.constant 400 : index
        %get3A_926 = tpu.vector_load %arg7[%get3A_924, %get3A_925] {strides = array<i32>} : memref<40x640xf32, #tpu.memory_space<vmem>>, vector<1x16xf32>,
        %get3A_927 = vector.shape_cast %get3A_926 : vector<1x16xf32> to vector<16xf32>
        %add3A_928 = arith.addf %scan3A_785, %get3A_927 : vector<16xf32>
        %get3A_929 = arith.index_cast %scan3A_759 : i32 to index
        %get3A_930 = arith.constant 416 : index
        %get3A_931 = tpu.vector_load %arg7[%get3A_929, %get3A_930] {strides = array<i32>} : memref<40x640xf32, #tpu.memory_space<vmem>>, vector<1x16xf32>,
        %get3A_932 = vector.shape_cast %get3A_931 : vector<1x16xf32> to vector<16xf32>
        %add3A_933 = arith.addf %scan3A_786, %get3A_932 : vector<16xf32>
        %get3A_934 = arith.index_cast %scan3A_759 : i32 to index
        %get3A_935 = arith.constant 432 : index
        %get3A_936 = tpu.vector_load %arg7[%get3A_934, %get3A_935] {strides = array<i32>} : memref<40x640xf32, #tpu.memory_space<vmem>>, vector<1x16xf32>,
        %get3A_937 = vector.shape_cast %get3A_936 : vector<1x16xf32> to vector<16xf32>
        %add3A_938 = arith.addf %scan3A_787, %get3A_937 : vector<16xf32>
        %get3A_939 = arith.index_cast %scan3A_759 : i32 to index
        %get3A_940 = arith.constant 448 : index
        %get3A_941 = tpu.vector_load %arg7[%get3A_939, %get3A_940] {strides = array<i32>} : memref<40x640xf32, #tpu.memory_space<vmem>>, vector<1x16xf32>,
        %get3A_942 = vector.shape_cast %get3A_941 : vector<1x16xf32> to vector<16xf32>
        %add3A_943 = arith.addf %scan3A_788, %get3A_942 : vector<16xf32>
        %get3A_944 = arith.index_cast %scan3A_759 : i32 to index
        %get3A_945 = arith.constant 464 : index
        %get3A_946 = tpu.vector_load %arg7[%get3A_944, %get3A_945] {strides = array<i32>} : memref<40x640xf32, #tpu.memory_space<vmem>>, vector<1x16xf32>,
        %get3A_947 = vector.shape_cast %get3A_946 : vector<1x16xf32> to vector<16xf32>
        %add3A_948 = arith.addf %scan3A_789, %get3A_947 : vector<16xf32>
        %get3A_949 = arith.index_cast %scan3A_759 : i32 to index
        %get3A_950 = arith.constant 480 : index
        %get3A_951 = tpu.vector_load %arg7[%get3A_949, %get3A_950] {strides = array<i32>} : memref<40x640xf32, #tpu.memory_space<vmem>>, vector<1x16xf32>,
        %get3A_952 = vector.shape_cast %get3A_951 : vector<1x16xf32> to vector<16xf32>
        %add3A_953 = arith.addf %scan3A_790, %get3A_952 : vector<16xf32>
        %get3A_954 = arith.index_cast %scan3A_759 : i32 to index
        %get3A_955 = arith.constant 496 : index
        %get3A_956 = tpu.vector_load %arg7[%get3A_954, %get3A_955] {strides = array<i32>} : memref<40x640xf32, #tpu.memory_space<vmem>>, vector<1x16xf32>,
        %get3A_957 = vector.shape_cast %get3A_956 : vector<1x16xf32> to vector<16xf32>
        %add3A_958 = arith.addf %scan3A_791, %get3A_957 : vector<16xf32>
        %get3A_959 = arith.index_cast %scan3A_759 : i32 to index
        %get3A_960 = arith.constant 512 : index
        %get3A_961 = tpu.vector_load %arg7[%get3A_959, %get3A_960] {strides = array<i32>} : memref<40x640xf32, #tpu.memory_space<vmem>>, vector<1x16xf32>,
        %get3A_962 = vector.shape_cast %get3A_961 : vector<1x16xf32> to vector<16xf32>
        %add3A_963 = arith.addf %scan3A_792, %get3A_962 : vector<16xf32>
        %get3A_964 = arith.index_cast %scan3A_759 : i32 to index
        %get3A_965 = arith.constant 528 : index
        %get3A_966 = tpu.vector_load %arg7[%get3A_964, %get3A_965] {strides = array<i32>} : memref<40x640xf32, #tpu.memory_space<vmem>>, vector<1x16xf32>,
        %get3A_967 = vector.shape_cast %get3A_966 : vector<1x16xf32> to vector<16xf32>
        %add3A_968 = arith.addf %scan3A_793, %get3A_967 : vector<16xf32>
        %get3A_969 = arith.index_cast %scan3A_759 : i32 to index
        %get3A_970 = arith.constant 544 : index
        %get3A_971 = tpu.vector_load %arg7[%get3A_969, %get3A_970] {strides = array<i32>} : memref<40x640xf32, #tpu.memory_space<vmem>>, vector<1x16xf32>,
        %get3A_972 = vector.shape_cast %get3A_971 : vector<1x16xf32> to vector<16xf32>
        %add3A_973 = arith.addf %scan3A_794, %get3A_972 : vector<16xf32>
        %get3A_974 = arith.index_cast %scan3A_759 : i32 to index
        %get3A_975 = arith.constant 560 : index
        %get3A_976 = tpu.vector_load %arg7[%get3A_974, %get3A_975] {strides = array<i32>} : memref<40x640xf32, #tpu.memory_space<vmem>>, vector<1x16xf32>,
        %get3A_977 = vector.shape_cast %get3A_976 : vector<1x16xf32> to vector<16xf32>
        %add3A_978 = arith.addf %scan3A_795, %get3A_977 : vector<16xf32>
        %get3A_979 = arith.index_cast %scan3A_759 : i32 to index
        %get3A_980 = arith.constant 576 : index
        %get3A_981 = tpu.vector_load %arg7[%get3A_979, %get3A_980] {strides = array<i32>} : memref<40x640xf32, #tpu.memory_space<vmem>>, vector<1x16xf32>,
        %get3A_982 = vector.shape_cast %get3A_981 : vector<1x16xf32> to vector<16xf32>
        %add3A_983 = arith.addf %scan3A_796, %get3A_982 : vector<16xf32>
        %get3A_984 = arith.index_cast %scan3A_759 : i32 to index
        %get3A_985 = arith.constant 592 : index
        %get3A_986 = tpu.vector_load %arg7[%get3A_984, %get3A_985] {strides = array<i32>} : memref<40x640xf32, #tpu.memory_space<vmem>>, vector<1x16xf32>,
        %get3A_987 = vector.shape_cast %get3A_986 : vector<1x16xf32> to vector<16xf32>
        %add3A_988 = arith.addf %scan3A_797, %get3A_987 : vector<16xf32>
        %get3A_989 = arith.index_cast %scan3A_759 : i32 to index
        %get3A_990 = arith.constant 608 : index
        %get3A_991 = tpu.vector_load %arg7[%get3A_989, %get3A_990] {strides = array<i32>} : memref<40x640xf32, #tpu.memory_space<vmem>>, vector<1x16xf32>,
        %get3A_992 = vector.shape_cast %get3A_991 : vector<1x16xf32> to vector<16xf32>
        %add3A_993 = arith.addf %scan3A_798, %get3A_992 : vector<16xf32>
        %get3A_994 = arith.index_cast %scan3A_759 : i32 to index
        %get3A_995 = arith.constant 624 : index
        %get3A_996 = tpu.vector_load %arg7[%get3A_994, %get3A_995] {strides = array<i32>} : memref<40x640xf32, #tpu.memory_space<vmem>>, vector<1x16xf32>,
        %get3A_997 = vector.shape_cast %get3A_996 : vector<1x16xf32> to vector<16xf32>
        %add3A_998 = arith.addf %scan3A_799, %get3A_997 : vector<16xf32>
        scf.yield %add3A_803, %add3A_808, %add3A_813, %add3A_818, %add3A_823, %add3A_828, %add3A_833, %add3A_838, %add3A_843, %add3A_848, %add3A_853, %add3A_858, %add3A_863, %add3A_868, %add3A_873, %add3A_878, %add3A_883, %add3A_888, %add3A_893, %add3A_898, %add3A_903, %add3A_908, %add3A_913, %add3A_918, %add3A_923, %add3A_928, %add3A_933, %add3A_938, %add3A_943, %add3A_948, %add3A_953, %add3A_958, %add3A_963, %add3A_968, %add3A_973, %add3A_978, %add3A_983, %add3A_988, %add3A_993, %add3A_998 : vector<16xf32>, vector<16xf32>, vector<16xf32>, vector<16xf32>, vector<16xf32>, vector<16xf32>, vector<16xf32>, vector<16xf32>, vector<16xf32>, vector<16xf32>, vector<16xf32>, vector<16xf32>, vector<16xf32>, vector<16xf32>, vector<16xf32>, vector<16xf32>, vector<16xf32>, vector<16xf32>, vector<16xf32>, vector<16xf32>, vector<16xf32>, vector<16xf32>, vector<16xf32>, vector<16xf32>, vector<16xf32>, vector<16xf32>, vector<16xf32>, vector<16xf32>, vector<16xf32>, vector<16xf32>, vector<16xf32>, vector<16xf32>, vector<16xf32>, vector<16xf32>, vector<16xf32>, vector<16xf32>, vector<16xf32>, vector<16xf32>, vector<16xf32>, vector<16xf32>
      }
      %scan3A_547 = arith.constant 40 : i32
      %add3A_548 = arith.constant 2 : i32
      %add3A_549 = arith.addi %add3A_535, %add3A_548 : i32
      %lt3A_550 = arith.constant 160 : i32
      %lt3A_551 = arith.cmpi slt, %add3A_549, %lt3A_550 : i32
      %convert_element_type3A_552 = arith.extui %lt3A_551 : i1 to i32
      %cond3A_553 = arith.constant 0 : i32
      %cond3A_554 = arith.cmpi ne, %convert_element_type3A_552, %cond3A_553 : i32
      scf.if %cond3A_554 {
        %add3A_759 = arith.constant 2 : i32
        %add3A_760 = arith.addi %add3A_535, %add3A_759 : i32
        %dma_start3A_761 = arith.constant 0 : i32
        %dma_start3A_762 = tpu.memref_slice %arg5[%add3A_760, %dma_start3A_761] : memref<160x40xi32, #tpu.memory_space<vmem>> -> memref<1x40xi32, #tpu.memory_space<vmem>>
        %dma_start3A_763 = tpu.memref_squeeze %dma_start3A_762 : memref<1x40xi32, #tpu.memory_space<vmem>> -> memref<40xi32, #tpu.memory_space<vmem>>
        %dma_start3A_764 = arith.constant 0 : i32
        %dma_start3A_765 = arith.constant 0 : i32
        %dma_start3A_766 = tpu.memref_slice %arg3[%dma_start3A_764, %dma_start3A_765] : memref<100000x640xf32, #tpu.memory_space<hbm>> -> memref<100000x640xf32, #tpu.memory_space<hbm>>
        tpu.enqueue_indirect_dma source(%dma_start3A_766 : memref<100000x640xf32, #tpu.memory_space<hbm>>) target(%arg7 : memref<40x640xf32, #tpu.memory_space<vmem>>) offsets(%dma_start3A_763 : memref<40xi32, #tpu.memory_space<vmem>>) semaphore(%arg10 : memref<!tpu.dma_semaphore, #tpu.memory_space<semaphore_mem>>)
      } else {
      }
      %mul3A_555 = arith.constant 2 : i32
      %mul3A_556 = arith.muli %mul3A_555, %scan3A_103 : i32
      %add3A_557 = arith.constant 1 : i32
      %add3A_558 = arith.addi %mul3A_556, %add3A_557 : i32
      %swap3A_559 = arith.index_cast %add3A_558 : i32 to index
      %swap3A_560 = arith.constant 0 : index
      %swap3A_561 = tpu.vector_load %arg8[%swap3A_559, %swap3A_560] {strides = array<i32>} : memref<32x640xf32, #tpu.memory_space<vmem>>, vector<1x16xf32>,
      %swap3A_562 = vector.shape_cast %swap3A_561 : vector<1x16xf32> to vector<16xf32>
      %swap3A_563 = vector.shape_cast %scan3A_546#0 : vector<16xf32> to vector<1x16xf32>
      tpu.vector_store %arg8[%swap3A_559, %swap3A_560], %swap3A_563 {strides = array<i32>} : memref<32x640xf32, #tpu.memory_space<vmem>>, vector<1x16xf32>,
      %swap3A_564 = arith.index_cast %add3A_558 : i32 to index
      %swap3A_565 = arith.constant 16 : index
      %swap3A_566 = tpu.vector_load %arg8[%swap3A_564, %swap3A_565] {strides = array<i32>} : memref<32x640xf32, #tpu.memory_space<vmem>>, vector<1x16xf32>,
      %swap3A_567 = vector.shape_cast %swap3A_566 : vector<1x16xf32> to vector<16xf32>
      %swap3A_568 = vector.shape_cast %scan3A_546#1 : vector<16xf32> to vector<1x16xf32>
      tpu.vector_store %arg8[%swap3A_564, %swap3A_565], %swap3A_568 {strides = array<i32>} : memref<32x640xf32, #tpu.memory_space<vmem>>, vector<1x16xf32>,
      %swap3A_569 = arith.index_cast %add3A_558 : i32 to index
      %swap3A_570 = arith.constant 32 : index
      %swap3A_571 = tpu.vector_load %arg8[%swap3A_569, %swap3A_570] {strides = array<i32>} : memref<32x640xf32, #tpu.memory_space<vmem>>, vector<1x16xf32>,
      %swap3A_572 = vector.shape_cast %swap3A_571 : vector<1x16xf32> to vector<16xf32>
      %swap3A_573 = vector.shape_cast %scan3A_546#2 : vector<16xf32> to vector<1x16xf32>
      tpu.vector_store %arg8[%swap3A_569, %swap3A_570], %swap3A_573 {strides = array<i32>} : memref<32x640xf32, #tpu.memory_space<vmem>>, vector<1x16xf32>,
      %swap3A_574 = arith.index_cast %add3A_558 : i32 to index
      %swap3A_575 = arith.constant 48 : index
      %swap3A_576 = tpu.vector_load %arg8[%swap3A_574, %swap3A_575] {strides = array<i32>} : memref<32x640xf32, #tpu.memory_space<vmem>>, vector<1x16xf32>,
      %swap3A_577 = vector.shape_cast %swap3A_576 : vector<1x16xf32> to vector<16xf32>
      %swap3A_578 = vector.shape_cast %scan3A_546#3 : vector<16xf32> to vector<1x16xf32>
      tpu.vector_store %arg8[%swap3A_574, %swap3A_575], %swap3A_578 {strides = array<i32>} : memref<32x640xf32, #tpu.memory_space<vmem>>, vector<1x16xf32>,
      %swap3A_579 = arith.index_cast %add3A_558 : i32 to index
      %swap3A_580 = arith.constant 64 : index
      %swap3A_581 = tpu.vector_load %arg8[%swap3A_579, %swap3A_580] {strides = array<i32>} : memref<32x640xf32, #tpu.memory_space<vmem>>, vector<1x16xf32>,
      %swap3A_582 = vector.shape_cast %swap3A_581 : vector<1x16xf32> to vector<16xf32>
      %swap3A_583 = vector.shape_cast %scan3A_546#4 : vector<16xf32> to vector<1x16xf32>
      tpu.vector_store %arg8[%swap3A_579, %swap3A_580], %swap3A_583 {strides = array<i32>} : memref<32x640xf32, #tpu.memory_space<vmem>>, vector<1x16xf32>,
      %swap3A_584 = arith.index_cast %add3A_558 : i32 to index
      %swap3A_585 = arith.constant 80 : index
      %swap3A_586 = tpu.vector_load %arg8[%swap3A_584, %swap3A_585] {strides = array<i32>} : memref<32x640xf32, #tpu.memory_space<vmem>>, vector<1x16xf32>,
      %swap3A_587 = vector.shape_cast %swap3A_586 : vector<1x16xf32> to vector<16xf32>
      %swap3A_588 = vector.shape_cast %scan3A_546#5 : vector<16xf32> to vector<1x16xf32>
      tpu.vector_store %arg8[%swap3A_584, %swap3A_585], %swap3A_588 {strides = array<i32>} : memref<32x640xf32, #tpu.memory_space<vmem>>, vector<1x16xf32>,
      %swap3A_589 = arith.index_cast %add3A_558 : i32 to index
      %swap3A_590 = arith.constant 96 : index
      %swap3A_591 = tpu.vector_load %arg8[%swap3A_589, %swap3A_590] {strides = array<i32>} : memref<32x640xf32, #tpu.memory_space<vmem>>, vector<1x16xf32>,
      %swap3A_592 = vector.shape_cast %swap3A_591 : vector<1x16xf32> to vector<16xf32>
      %swap3A_593 = vector.shape_cast %scan3A_546#6 : vector<16xf32> to vector<1x16xf32>
      tpu.vector_store %arg8[%swap3A_589, %swap3A_590], %swap3A_593 {strides = array<i32>} : memref<32x640xf32, #tpu.memory_space<vmem>>, vector<1x16xf32>,
      %swap3A_594 = arith.index_cast %add3A_558 : i32 to index
      %swap3A_595 = arith.constant 112 : index
      %swap3A_596 = tpu.vector_load %arg8[%swap3A_594, %swap3A_595] {strides = array<i32>} : memref<32x640xf32, #tpu.memory_space<vmem>>, vector<1x16xf32>,
      %swap3A_597 = vector.shape_cast %swap3A_596 : vector<1x16xf32> to vector<16xf32>
      %swap3A_598 = vector.shape_cast %scan3A_546#7 : vector<16xf32> to vector<1x16xf32>
      tpu.vector_store %arg8[%swap3A_594, %swap3A_595], %swap3A_598 {strides = array<i32>} : memref<32x640xf32, #tpu.memory_space<vmem>>, vector<1x16xf32>,
      %swap3A_599 = arith.index_cast %add3A_558 : i32 to index
      %swap3A_600 = arith.constant 128 : index
      %swap3A_601 = tpu.vector_load %arg8[%swap3A_599, %swap3A_600] {strides = array<i32>} : memref<32x640xf32, #tpu.memory_space<vmem>>, vector<1x16xf32>,
      %swap3A_602 = vector.shape_cast %swap3A_601 : vector<1x16xf32> to vector<16xf32>
      %swap3A_603 = vector.shape_cast %scan3A_546#8 : vector<16xf32> to vector<1x16xf32>
      tpu.vector_store %arg8[%swap3A_599, %swap3A_600], %swap3A_603 {strides = array<i32>} : memref<32x640xf32, #tpu.memory_space<vmem>>, vector<1x16xf32>,
      %swap3A_604 = arith.index_cast %add3A_558 : i32 to index
      %swap3A_605 = arith.constant 144 : index
      %swap3A_606 = tpu.vector_load %arg8[%swap3A_604, %swap3A_605] {strides = array<i32>} : memref<32x640xf32, #tpu.memory_space<vmem>>, vector<1x16xf32>,
      %swap3A_607 = vector.shape_cast %swap3A_606 : vector<1x16xf32> to vector<16xf32>
      %swap3A_608 = vector.shape_cast %scan3A_546#9 : vector<16xf32> to vector<1x16xf32>
      tpu.vector_store %arg8[%swap3A_604, %swap3A_605], %swap3A_608 {strides = array<i32>} : memref<32x640xf32, #tpu.memory_space<vmem>>, vector<1x16xf32>,
      %swap3A_609 = arith.index_cast %add3A_558 : i32 to index
      %swap3A_610 = arith.constant 160 : index
      %swap3A_611 = tpu.vector_load %arg8[%swap3A_609, %swap3A_610] {strides = array<i32>} : memref<32x640xf32, #tpu.memory_space<vmem>>, vector<1x16xf32>,
      %swap3A_612 = vector.shape_cast %swap3A_611 : vector<1x16xf32> to vector<16xf32>
      %swap3A_613 = vector.shape_cast %scan3A_546#10 : vector<16xf32> to vector<1x16xf32>
      tpu.vector_store %arg8[%swap3A_609, %swap3A_610], %swap3A_613 {strides = array<i32>} : memref<32x640xf32, #tpu.memory_space<vmem>>, vector<1x16xf32>,
      %swap3A_614 = arith.index_cast %add3A_558 : i32 to index
      %swap3A_615 = arith.constant 176 : index
      %swap3A_616 = tpu.vector_load %arg8[%swap3A_614, %swap3A_615] {strides = array<i32>} : memref<32x640xf32, #tpu.memory_space<vmem>>, vector<1x16xf32>,
      %swap3A_617 = vector.shape_cast %swap3A_616 : vector<1x16xf32> to vector<16xf32>
      %swap3A_618 = vector.shape_cast %scan3A_546#11 : vector<16xf32> to vector<1x16xf32>
      tpu.vector_store %arg8[%swap3A_614, %swap3A_615], %swap3A_618 {strides = array<i32>} : memref<32x640xf32, #tpu.memory_space<vmem>>, vector<1x16xf32>,
      %swap3A_619 = arith.index_cast %add3A_558 : i32 to index
      %swap3A_620 = arith.constant 192 : index
      %swap3A_621 = tpu.vector_load %arg8[%swap3A_619, %swap3A_620] {strides = array<i32>} : memref<32x640xf32, #tpu.memory_space<vmem>>, vector<1x16xf32>,
      %swap3A_622 = vector.shape_cast %swap3A_621 : vector<1x16xf32> to vector<16xf32>
      %swap3A_623 = vector.shape_cast %scan3A_546#12 : vector<16xf32> to vector<1x16xf32>
      tpu.vector_store %arg8[%swap3A_619, %swap3A_620], %swap3A_623 {strides = array<i32>} : memref<32x640xf32, #tpu.memory_space<vmem>>, vector<1x16xf32>,
      %swap3A_624 = arith.index_cast %add3A_558 : i32 to index
      %swap3A_625 = arith.constant 208 : index
      %swap3A_626 = tpu.vector_load %arg8[%swap3A_624, %swap3A_625] {strides = array<i32>} : memref<32x640xf32, #tpu.memory_space<vmem>>, vector<1x16xf32>,
      %swap3A_627 = vector.shape_cast %swap3A_626 : vector<1x16xf32> to vector<16xf32>
      %swap3A_628 = vector.shape_cast %scan3A_546#13 : vector<16xf32> to vector<1x16xf32>
      tpu.vector_store %arg8[%swap3A_624, %swap3A_625], %swap3A_628 {strides = array<i32>} : memref<32x640xf32, #tpu.memory_space<vmem>>, vector<1x16xf32>,
      %swap3A_629 = arith.index_cast %add3A_558 : i32 to index
      %swap3A_630 = arith.constant 224 : index
      %swap3A_631 = tpu.vector_load %arg8[%swap3A_629, %swap3A_630] {strides = array<i32>} : memref<32x640xf32, #tpu.memory_space<vmem>>, vector<1x16xf32>,
      %swap3A_632 = vector.shape_cast %swap3A_631 : vector<1x16xf32> to vector<16xf32>
      %swap3A_633 = vector.shape_cast %scan3A_546#14 : vector<16xf32> to vector<1x16xf32>
      tpu.vector_store %arg8[%swap3A_629, %swap3A_630], %swap3A_633 {strides = array<i32>} : memref<32x640xf32, #tpu.memory_space<vmem>>, vector<1x16xf32>,
      %swap3A_634 = arith.index_cast %add3A_558 : i32 to index
      %swap3A_635 = arith.constant 240 : index
      %swap3A_636 = tpu.vector_load %arg8[%swap3A_634, %swap3A_635] {strides = array<i32>} : memref<32x640xf32, #tpu.memory_space<vmem>>, vector<1x16xf32>,
      %swap3A_637 = vector.shape_cast %swap3A_636 : vector<1x16xf32> to vector<16xf32>
      %swap3A_638 = vector.shape_cast %scan3A_546#15 : vector<16xf32> to vector<1x16xf32>
      tpu.vector_store %arg8[%swap3A_634, %swap3A_635], %swap3A_638 {strides = array<i32>} : memref<32x640xf32, #tpu.memory_space<vmem>>, vector<1x16xf32>,
      %swap3A_639 = arith.index_cast %add3A_558 : i32 to index
      %swap3A_640 = arith.constant 256 : index
      %swap3A_641 = tpu.vector_load %arg8[%swap3A_639, %swap3A_640] {strides = array<i32>} : memref<32x640xf32, #tpu.memory_space<vmem>>, vector<1x16xf32>,
      %swap3A_642 = vector.shape_cast %swap3A_641 : vector<1x16xf32> to vector<16xf32>
      %swap3A_643 = vector.shape_cast %scan3A_546#16 : vector<16xf32> to vector<1x16xf32>
      tpu.vector_store %arg8[%swap3A_639, %swap3A_640], %swap3A_643 {strides = array<i32>} : memref<32x640xf32, #tpu.memory_space<vmem>>, vector<1x16xf32>,
      %swap3A_644 = arith.index_cast %add3A_558 : i32 to index
      %swap3A_645 = arith.constant 272 : index
      %swap3A_646 = tpu.vector_load %arg8[%swap3A_644, %swap3A_645] {strides = array<i32>} : memref<32x640xf32, #tpu.memory_space<vmem>>, vector<1x16xf32>,
      %swap3A_647 = vector.shape_cast %swap3A_646 : vector<1x16xf32> to vector<16xf32>
      %swap3A_648 = vector.shape_cast %scan3A_546#17 : vector<16xf32> to vector<1x16xf32>
      tpu.vector_store %arg8[%swap3A_644, %swap3A_645], %swap3A_648 {strides = array<i32>} : memref<32x640xf32, #tpu.memory_space<vmem>>, vector<1x16xf32>,
      %swap3A_649 = arith.index_cast %add3A_558 : i32 to index
      %swap3A_650 = arith.constant 288 : index
      %swap3A_651 = tpu.vector_load %arg8[%swap3A_649, %swap3A_650] {strides = array<i32>} : memref<32x640xf32, #tpu.memory_space<vmem>>, vector<1x16xf32>,
      %swap3A_652 = vector.shape_cast %swap3A_651 : vector<1x16xf32> to vector<16xf32>
      %swap3A_653 = vector.shape_cast %scan3A_546#18 : vector<16xf32> to vector<1x16xf32>
      tpu.vector_store %arg8[%swap3A_649, %swap3A_650], %swap3A_653 {strides = array<i32>} : memref<32x640xf32, #tpu.memory_space<vmem>>, vector<1x16xf32>,
      %swap3A_654 = arith.index_cast %add3A_558 : i32 to index
      %swap3A_655 = arith.constant 304 : index
      %swap3A_656 = tpu.vector_load %arg8[%swap3A_654, %swap3A_655] {strides = array<i32>} : memref<32x640xf32, #tpu.memory_space<vmem>>, vector<1x16xf32>,
      %swap3A_657 = vector.shape_cast %swap3A_656 : vector<1x16xf32> to vector<16xf32>
      %swap3A_658 = vector.shape_cast %scan3A_546#19 : vector<16xf32> to vector<1x16xf32>
      tpu.vector_store %arg8[%swap3A_654, %swap3A_655], %swap3A_658 {strides = array<i32>} : memref<32x640xf32, #tpu.memory_space<vmem>>, vector<1x16xf32>,
      %swap3A_659 = arith.index_cast %add3A_558 : i32 to index
      %swap3A_660 = arith.constant 320 : index
      %swap3A_661 = tpu.vector_load %arg8[%swap3A_659, %swap3A_660] {strides = array<i32>} : memref<32x640xf32, #tpu.memory_space<vmem>>, vector<1x16xf32>,
      %swap3A_662 = vector.shape_cast %swap3A_661 : vector<1x16xf32> to vector<16xf32>
      %swap3A_663 = vector.shape_cast %scan3A_546#20 : vector<16xf32> to vector<1x16xf32>
      tpu.vector_store %arg8[%swap3A_659, %swap3A_660], %swap3A_663 {strides = array<i32>} : memref<32x640xf32, #tpu.memory_space<vmem>>, vector<1x16xf32>,
      %swap3A_664 = arith.index_cast %add3A_558 : i32 to index
      %swap3A_665 = arith.constant 336 : index
      %swap3A_666 = tpu.vector_load %arg8[%swap3A_664, %swap3A_665] {strides = array<i32>} : memref<32x640xf32, #tpu.memory_space<vmem>>, vector<1x16xf32>,
      %swap3A_667 = vector.shape_cast %swap3A_666 : vector<1x16xf32> to vector<16xf32>
      %swap3A_668 = vector.shape_cast %scan3A_546#21 : vector<16xf32> to vector<1x16xf32>
      tpu.vector_store %arg8[%swap3A_664, %swap3A_665], %swap3A_668 {strides = array<i32>} : memref<32x640xf32, #tpu.memory_space<vmem>>, vector<1x16xf32>,
      %swap3A_669 = arith.index_cast %add3A_558 : i32 to index
      %swap3A_670 = arith.constant 352 : index
      %swap3A_671 = tpu.vector_load %arg8[%swap3A_669, %swap3A_670] {strides = array<i32>} : memref<32x640xf32, #tpu.memory_space<vmem>>, vector<1x16xf32>,
      %swap3A_672 = vector.shape_cast %swap3A_671 : vector<1x16xf32> to vector<16xf32>
      %swap3A_673 = vector.shape_cast %scan3A_546#22 : vector<16xf32> to vector<1x16xf32>
      tpu.vector_store %arg8[%swap3A_669, %swap3A_670], %swap3A_673 {strides = array<i32>} : memref<32x640xf32, #tpu.memory_space<vmem>>, vector<1x16xf32>,
      %swap3A_674 = arith.index_cast %add3A_558 : i32 to index
      %swap3A_675 = arith.constant 368 : index
      %swap3A_676 = tpu.vector_load %arg8[%swap3A_674, %swap3A_675] {strides = array<i32>} : memref<32x640xf32, #tpu.memory_space<vmem>>, vector<1x16xf32>,
      %swap3A_677 = vector.shape_cast %swap3A_676 : vector<1x16xf32> to vector<16xf32>
      %swap3A_678 = vector.shape_cast %scan3A_546#23 : vector<16xf32> to vector<1x16xf32>
      tpu.vector_store %arg8[%swap3A_674, %swap3A_675], %swap3A_678 {strides = array<i32>} : memref<32x640xf32, #tpu.memory_space<vmem>>, vector<1x16xf32>,
      %swap3A_679 = arith.index_cast %add3A_558 : i32 to index
      %swap3A_680 = arith.constant 384 : index
      %swap3A_681 = tpu.vector_load %arg8[%swap3A_679, %swap3A_680] {strides = array<i32>} : memref<32x640xf32, #tpu.memory_space<vmem>>, vector<1x16xf32>,
      %swap3A_682 = vector.shape_cast %swap3A_681 : vector<1x16xf32> to vector<16xf32>
      %swap3A_683 = vector.shape_cast %scan3A_546#24 : vector<16xf32> to vector<1x16xf32>
      tpu.vector_store %arg8[%swap3A_679, %swap3A_680], %swap3A_683 {strides = array<i32>} : memref<32x640xf32, #tpu.memory_space<vmem>>, vector<1x16xf32>,
      %swap3A_684 = arith.index_cast %add3A_558 : i32 to index
      %swap3A_685 = arith.constant 400 : index
      %swap3A_686 = tpu.vector_load %arg8[%swap3A_684, %swap3A_685] {strides = array<i32>} : memref<32x640xf32, #tpu.memory_space<vmem>>, vector<1x16xf32>,
      %swap3A_687 = vector.shape_cast %swap3A_686 : vector<1x16xf32> to vector<16xf32>
      %swap3A_688 = vector.shape_cast %scan3A_546#25 : vector<16xf32> to vector<1x16xf32>
      tpu.vector_store %arg8[%swap3A_684, %swap3A_685], %swap3A_688 {strides = array<i32>} : memref<32x640xf32, #tpu.memory_space<vmem>>, vector<1x16xf32>,
      %swap3A_689 = arith.index_cast %add3A_558 : i32 to index
      %swap3A_690 = arith.constant 416 : index
      %swap3A_691 = tpu.vector_load %arg8[%swap3A_689, %swap3A_690] {strides = array<i32>} : memref<32x640xf32, #tpu.memory_space<vmem>>, vector<1x16xf32>,
      %swap3A_692 = vector.shape_cast %swap3A_691 : vector<1x16xf32> to vector<16xf32>
      %swap3A_693 = vector.shape_cast %scan3A_546#26 : vector<16xf32> to vector<1x16xf32>
      tpu.vector_store %arg8[%swap3A_689, %swap3A_690], %swap3A_693 {strides = array<i32>} : memref<32x640xf32, #tpu.memory_space<vmem>>, vector<1x16xf32>,
      %swap3A_694 = arith.index_cast %add3A_558 : i32 to index
      %swap3A_695 = arith.constant 432 : index
      %swap3A_696 = tpu.vector_load %arg8[%swap3A_694, %swap3A_695] {strides = array<i32>} : memref<32x640xf32, #tpu.memory_space<vmem>>, vector<1x16xf32>,
      %swap3A_697 = vector.shape_cast %swap3A_696 : vector<1x16xf32> to vector<16xf32>
      %swap3A_698 = vector.shape_cast %scan3A_546#27 : vector<16xf32> to vector<1x16xf32>
      tpu.vector_store %arg8[%swap3A_694, %swap3A_695], %swap3A_698 {strides = array<i32>} : memref<32x640xf32, #tpu.memory_space<vmem>>, vector<1x16xf32>,
      %swap3A_699 = arith.index_cast %add3A_558 : i32 to index
      %swap3A_700 = arith.constant 448 : index
      %swap3A_701 = tpu.vector_load %arg8[%swap3A_699, %swap3A_700] {strides = array<i32>} : memref<32x640xf32, #tpu.memory_space<vmem>>, vector<1x16xf32>,
      %swap3A_702 = vector.shape_cast %swap3A_701 : vector<1x16xf32> to vector<16xf32>
      %swap3A_703 = vector.shape_cast %scan3A_546#28 : vector<16xf32> to vector<1x16xf32>
      tpu.vector_store %arg8[%swap3A_699, %swap3A_700], %swap3A_703 {strides = array<i32>} : memref<32x640xf32, #tpu.memory_space<vmem>>, vector<1x16xf32>,
      %swap3A_704 = arith.index_cast %add3A_558 : i32 to index
      %swap3A_705 = arith.constant 464 : index
      %swap3A_706 = tpu.vector_load %arg8[%swap3A_704, %swap3A_705] {strides = array<i32>} : memref<32x640xf32, #tpu.memory_space<vmem>>, vector<1x16xf32>,
      %swap3A_707 = vector.shape_cast %swap3A_706 : vector<1x16xf32> to vector<16xf32>
      %swap3A_708 = vector.shape_cast %scan3A_546#29 : vector<16xf32> to vector<1x16xf32>
      tpu.vector_store %arg8[%swap3A_704, %swap3A_705], %swap3A_708 {strides = array<i32>} : memref<32x640xf32, #tpu.memory_space<vmem>>, vector<1x16xf32>,
      %swap3A_709 = arith.index_cast %add3A_558 : i32 to index
      %swap3A_710 = arith.constant 480 : index
      %swap3A_711 = tpu.vector_load %arg8[%swap3A_709, %swap3A_710] {strides = array<i32>} : memref<32x640xf32, #tpu.memory_space<vmem>>, vector<1x16xf32>,
      %swap3A_712 = vector.shape_cast %swap3A_711 : vector<1x16xf32> to vector<16xf32>
      %swap3A_713 = vector.shape_cast %scan3A_546#30 : vector<16xf32> to vector<1x16xf32>
      tpu.vector_store %arg8[%swap3A_709, %swap3A_710], %swap3A_713 {strides = array<i32>} : memref<32x640xf32, #tpu.memory_space<vmem>>, vector<1x16xf32>,
      %swap3A_714 = arith.index_cast %add3A_558 : i32 to index
      %swap3A_715 = arith.constant 496 : index
      %swap3A_716 = tpu.vector_load %arg8[%swap3A_714, %swap3A_715] {strides = array<i32>} : memref<32x640xf32, #tpu.memory_space<vmem>>, vector<1x16xf32>,
      %swap3A_717 = vector.shape_cast %swap3A_716 : vector<1x16xf32> to vector<16xf32>
      %swap3A_718 = vector.shape_cast %scan3A_546#31 : vector<16xf32> to vector<1x16xf32>
      tpu.vector_store %arg8[%swap3A_714, %swap3A_715], %swap3A_718 {strides = array<i32>} : memref<32x640xf32, #tpu.memory_space<vmem>>, vector<1x16xf32>,
      %swap3A_719 = arith.index_cast %add3A_558 : i32 to index
      %swap3A_720 = arith.constant 512 : index
      %swap3A_721 = tpu.vector_load %arg8[%swap3A_719, %swap3A_720] {strides = array<i32>} : memref<32x640xf32, #tpu.memory_space<vmem>>, vector<1x16xf32>,
      %swap3A_722 = vector.shape_cast %swap3A_721 : vector<1x16xf32> to vector<16xf32>
      %swap3A_723 = vector.shape_cast %scan3A_546#32 : vector<16xf32> to vector<1x16xf32>
      tpu.vector_store %arg8[%swap3A_719, %swap3A_720], %swap3A_723 {strides = array<i32>} : memref<32x640xf32, #tpu.memory_space<vmem>>, vector<1x16xf32>,
      %swap3A_724 = arith.index_cast %add3A_558 : i32 to index
      %swap3A_725 = arith.constant 528 : index
      %swap3A_726 = tpu.vector_load %arg8[%swap3A_724, %swap3A_725] {strides = array<i32>} : memref<32x640xf32, #tpu.memory_space<vmem>>, vector<1x16xf32>,
      %swap3A_727 = vector.shape_cast %swap3A_726 : vector<1x16xf32> to vector<16xf32>
      %swap3A_728 = vector.shape_cast %scan3A_546#33 : vector<16xf32> to vector<1x16xf32>
      tpu.vector_store %arg8[%swap3A_724, %swap3A_725], %swap3A_728 {strides = array<i32>} : memref<32x640xf32, #tpu.memory_space<vmem>>, vector<1x16xf32>,
      %swap3A_729 = arith.index_cast %add3A_558 : i32 to index
      %swap3A_730 = arith.constant 544 : index
      %swap3A_731 = tpu.vector_load %arg8[%swap3A_729, %swap3A_730] {strides = array<i32>} : memref<32x640xf32, #tpu.memory_space<vmem>>, vector<1x16xf32>,
      %swap3A_732 = vector.shape_cast %swap3A_731 : vector<1x16xf32> to vector<16xf32>
      %swap3A_733 = vector.shape_cast %scan3A_546#34 : vector<16xf32> to vector<1x16xf32>
      tpu.vector_store %arg8[%swap3A_729, %swap3A_730], %swap3A_733 {strides = array<i32>} : memref<32x640xf32, #tpu.memory_space<vmem>>, vector<1x16xf32>,
      %swap3A_734 = arith.index_cast %add3A_558 : i32 to index
      %swap3A_735 = arith.constant 560 : index
      %swap3A_736 = tpu.vector_load %arg8[%swap3A_734, %swap3A_735] {strides = array<i32>} : memref<32x640xf32, #tpu.memory_space<vmem>>, vector<1x16xf32>,
      %swap3A_737 = vector.shape_cast %swap3A_736 : vector<1x16xf32> to vector<16xf32>
      %swap3A_738 = vector.shape_cast %scan3A_546#35 : vector<16xf32> to vector<1x16xf32>
      tpu.vector_store %arg8[%swap3A_734, %swap3A_735], %swap3A_738 {strides = array<i32>} : memref<32x640xf32, #tpu.memory_space<vmem>>, vector<1x16xf32>,
      %swap3A_739 = arith.index_cast %add3A_558 : i32 to index
      %swap3A_740 = arith.constant 576 : index
      %swap3A_741 = tpu.vector_load %arg8[%swap3A_739, %swap3A_740] {strides = array<i32>} : memref<32x640xf32, #tpu.memory_space<vmem>>, vector<1x16xf32>,
      %swap3A_742 = vector.shape_cast %swap3A_741 : vector<1x16xf32> to vector<16xf32>
      %swap3A_743 = vector.shape_cast %scan3A_546#36 : vector<16xf32> to vector<1x16xf32>
      tpu.vector_store %arg8[%swap3A_739, %swap3A_740], %swap3A_743 {strides = array<i32>} : memref<32x640xf32, #tpu.memory_space<vmem>>, vector<1x16xf32>,
      %swap3A_744 = arith.index_cast %add3A_558 : i32 to index
      %swap3A_745 = arith.constant 592 : index
      %swap3A_746 = tpu.vector_load %arg8[%swap3A_744, %swap3A_745] {strides = array<i32>} : memref<32x640xf32, #tpu.memory_space<vmem>>, vector<1x16xf32>,
      %swap3A_747 = vector.shape_cast %swap3A_746 : vector<1x16xf32> to vector<16xf32>
      %swap3A_748 = vector.shape_cast %scan3A_546#37 : vector<16xf32> to vector<1x16xf32>
      tpu.vector_store %arg8[%swap3A_744, %swap3A_745], %swap3A_748 {strides = array<i32>} : memref<32x640xf32, #tpu.memory_space<vmem>>, vector<1x16xf32>,
      %swap3A_749 = arith.index_cast %add3A_558 : i32 to index
      %swap3A_750 = arith.constant 608 : index
      %swap3A_751 = tpu.vector_load %arg8[%swap3A_749, %swap3A_750] {strides = array<i32>} : memref<32x640xf32, #tpu.memory_space<vmem>>, vector<1x16xf32>,
      %swap3A_752 = vector.shape_cast %swap3A_751 : vector<1x16xf32> to vector<16xf32>
      %swap3A_753 = vector.shape_cast %scan3A_546#38 : vector<16xf32> to vector<1x16xf32>
      tpu.vector_store %arg8[%swap3A_749, %swap3A_750], %swap3A_753 {strides = array<i32>} : memref<32x640xf32, #tpu.memory_space<vmem>>, vector<1x16xf32>,
      %swap3A_754 = arith.index_cast %add3A_558 : i32 to index
      %swap3A_755 = arith.constant 624 : index
      %swap3A_756 = tpu.vector_load %arg8[%swap3A_754, %swap3A_755] {strides = array<i32>} : memref<32x640xf32, #tpu.memory_space<vmem>>, vector<1x16xf32>,
      %swap3A_757 = vector.shape_cast %swap3A_756 : vector<1x16xf32> to vector<16xf32>
      %swap3A_758 = vector.shape_cast %scan3A_546#39 : vector<16xf32> to vector<1x16xf32>
      tpu.vector_store %arg8[%swap3A_754, %swap3A_755], %swap3A_758 {strides = array<i32>} : memref<32x640xf32, #tpu.memory_space<vmem>>, vector<1x16xf32>,
      scf.yield %broadcast_in_dim3A_6, %broadcast_in_dim3A_8, %broadcast_in_dim3A_10, %broadcast_in_dim3A_12, %broadcast_in_dim3A_14, %broadcast_in_dim3A_16, %broadcast_in_dim3A_18, %broadcast_in_dim3A_20, %broadcast_in_dim3A_22, %broadcast_in_dim3A_24, %broadcast_in_dim3A_26, %broadcast_in_dim3A_28, %broadcast_in_dim3A_30, %broadcast_in_dim3A_32, %broadcast_in_dim3A_34, %broadcast_in_dim3A_36, %broadcast_in_dim3A_38, %broadcast_in_dim3A_40, %broadcast_in_dim3A_42, %broadcast_in_dim3A_44, %broadcast_in_dim3A_46, %broadcast_in_dim3A_48, %broadcast_in_dim3A_50, %broadcast_in_dim3A_52, %broadcast_in_dim3A_54, %broadcast_in_dim3A_56, %broadcast_in_dim3A_58, %broadcast_in_dim3A_60, %broadcast_in_dim3A_62, %broadcast_in_dim3A_64, %broadcast_in_dim3A_66, %broadcast_in_dim3A_68, %broadcast_in_dim3A_70, %broadcast_in_dim3A_72, %broadcast_in_dim3A_74, %broadcast_in_dim3A_76, %broadcast_in_dim3A_78, %broadcast_in_dim3A_80, %broadcast_in_dim3A_82, %broadcast_in_dim3A_84 : vector<16xf32>, vector<16xf32>, vector<16xf32>, vector<16xf32>, vector<16xf32>, vector<16xf32>, vector<16xf32>, vector<16xf32>, vector<16xf32>, vector<16xf32>, vector<16xf32>, vector<16xf32>, vector<16xf32>, vector<16xf32>, vector<16xf32>, vector<16xf32>, vector<16xf32>, vector<16xf32>, vector<16xf32>, vector<16xf32>, vector<16xf32>, vector<16xf32>, vector<16xf32>, vector<16xf32>, vector<16xf32>, vector<16xf32>, vector<16xf32>, vector<16xf32>, vector<16xf32>, vector<16xf32>, vector<16xf32>, vector<16xf32>, vector<16xf32>, vector<16xf32>, vector<16xf32>, vector<16xf32>, vector<16xf32>, vector<16xf32>, vector<16xf32>, vector<16xf32>
    }
    %scan3A_102 = arith.constant 16 : i32
    "tpu.region"() ({
      %run_scoped3A = tpu.sem_alloc : memref<!tpu.dma_semaphore, #tpu.memory_space<semaphore_mem>>
      %dma_start3A_103 = arith.constant 0 : i32
      %dma_start3A_104 = tpu.memref_slice %arg4[%add3A_5, %dma_start3A_103] : memref<1024x640xf32, #tpu.memory_space<hbm>> -> memref<32x640xf32, #tpu.memory_space<hbm>>
      %dma_start3A_105 = arith.constant 0 : i32
      %dma_start3A_106 = tpu.memref_slice %arg4[%add3A_5, %dma_start3A_105] : memref<1024x640xf32, #tpu.memory_space<hbm>> -> memref<32x640xf32, #tpu.memory_space<hbm>>
      tpu.enqueue_dma source(%arg8 : memref<32x640xf32, #tpu.memory_space<vmem>>) target(%dma_start3A_106 : memref<32x640xf32, #tpu.memory_space<hbm>>) target_semaphore(%run_scoped3A : memref<!tpu.dma_semaphore, #tpu.memory_space<semaphore_mem>>)
      %dma_wait3A = arith.constant 0 : i32
      %dma_wait3A_107 = tpu.memref_slice %arg4[%add3A_5, %dma_wait3A] : memref<1024x640xf32, #tpu.memory_space<hbm>> -> memref<32x640xf32, #tpu.memory_space<hbm>>
      %dma_wait3A_108 = arith.constant 0 : i32
      %dma_wait3A_109 = tpu.memref_slice %arg4[%add3A_5, %dma_wait3A_108] : memref<1024x640xf32, #tpu.memory_space<hbm>> -> memref<32x640xf32, #tpu.memory_space<hbm>>
      tpu.wait_dma2 semaphore(%run_scoped3A : memref<!tpu.dma_semaphore, #tpu.memory_space<semaphore_mem>>) src(%arg8 : memref<32x640xf32, #tpu.memory_space<vmem>>) dst(%dma_wait3A_109 : memref<32x640xf32, #tpu.memory_space<hbm>>)
      tpu.yield
    }) : () -> ()
    return
  }
}

module attributes {stable_mosaic.version = 14 : i64} {
  func.func @_mlp_body(%arg0: memref<1024x640xf32, #tpu.memory_space<vmem>>, %arg1: memref<640x600xf32, #tpu.memory_space<vmem>>, %arg2: memref<600xf32, #tpu.memory_space<vmem>>, %arg3: memref<1x600xf32, #tpu.memory_space<vmem>>, %arg4: memref<1xf32, #tpu.memory_space<vmem>>, %arg5: memref<1024xf32, #tpu.memory_space<vmem>>) attributes {dimension_semantics = [], scalar_prefetch = 0 : i64, scratch_operands = 0 : i64, tpu.core_type = #tpu.core_type<tc>} {
    %get3A = arith.constant 0 : index
    %get3A_0 = arith.constant 0 : index
    %get3A_1 = vector.load %arg0[%get3A, %get3A_0] : memref<1024x640xf32, #tpu.memory_space<vmem>>, vector<1024x640xf32>
    %get3A_2 = arith.constant 0 : index
    %get3A_3 = arith.constant 0 : index
    %get3A_4 = vector.load %arg1[%get3A_2, %get3A_3] : memref<640x600xf32, #tpu.memory_space<vmem>>, vector<640x600xf32>
    %dot_general3A = arith.constant dense<0.000000e+00> : vector<1024x600xf32>
    %dot_general3A_5 = tpu.matmul %get3A_1, %get3A_4, %dot_general3A {dimension_numbers = #tpu.dot_dimension_numbers<[1], [0], [0], [1], [0, 0, 1, 1], [], []>, transpose_lhs_hint = false} : vector<1024x640xf32>, vector<640x600xf32>, vector<1024x600xf32> -> vector<1024x600xf32>
    %get3A_6 = arith.constant 0 : index
    %get3A_7 = vector.load %arg2[%get3A_6] : memref<600xf32, #tpu.memory_space<vmem>>, vector<600xf32>
    %broadcast_in_dim3A = vector.shape_cast %get3A_7 : vector<600xf32> to vector<1x600xf32>
    %add3A = vector.broadcast %broadcast_in_dim3A : vector<1x600xf32> to vector<1024x600xf32>
    %add3A_8 = arith.addf %dot_general3A_5, %add3A : vector<1024x600xf32>
    %max3A = arith.constant 0.000000e+00 : f32
    %max3A_9 = vector.broadcast %max3A : f32 to vector<1024x600xf32>
    %max3A_10 = arith.maximumf %add3A_8, %max3A_9 : vector<1024x600xf32>
    %get3A_11 = arith.constant 0 : index
    %get3A_12 = arith.constant 0 : index
    %get3A_13 = vector.load %arg3[%get3A_11, %get3A_12] : memref<1x600xf32, #tpu.memory_space<vmem>>, vector<1x600xf32>
    %mul3A = vector.broadcast %get3A_13 : vector<1x600xf32> to vector<1024x600xf32>
    %mul3A_14 = arith.mulf %max3A_10, %mul3A : vector<1024x600xf32>
    %reduce_sum3A = arith.constant dense<0.000000e+00> : vector<1024xf32>
    %reduce_sum3A_15 = vector.multi_reduction <add>, %mul3A_14, %reduce_sum3A [1] : vector<1024x600xf32> to vector<1024xf32>
    %get3A_16 = arith.constant 0 : index
    %get3A_17 = vector.load %arg4[%get3A_16] : memref<1xf32, #tpu.memory_space<vmem>>, vector<1xf32>
    %add3A_18 = vector.broadcast %get3A_17 : vector<1xf32> to vector<1024xf32>
    %add3A_19 = arith.addf %reduce_sum3A_15, %add3A_18 : vector<1024xf32>
    %swap3A = arith.constant 0 : index
    %swap3A_20 = vector.load %arg5[%swap3A] : memref<1024xf32, #tpu.memory_space<vmem>>, vector<1024xf32>
    tpu.vector_store %arg5[%swap3A], %add3A_19 {strides = array<i32>} : memref<1024xf32, #tpu.memory_space<vmem>>, vector<1024xf32>,
    return
  }
}

</mosaic_0001>

<sc_bundles>
// kernel: kernel.4.cloned.1.call-start
scs
__scs_entry_jumppad:
0x0: {  	(pc) =	sbr.rel $0x88, $3  }
0x1: {  	(tag) =	ssettag $0x0;
	lr =	simm.s32 $0x1  }
0x2: {  	[smem:$0x3F9A] =	sst lr;
	_ =	strace $0xD0000000  }
0x3: {  	_ = 	snop  }
0x4: {  	_ = 	snop  }
0x5: {  	_ = 	snop  }
0x6: {  	_ = 	snop  }
0x7: {  	_ = 	snop  }
__scs_overlays_trampoline_lowered:
0x8: {  	[smem:$0x3FA9] =	sst s0  }
0x9: {  	[smem:$0x3FAA] =	sst s1  }
0xa: {  	[smem:$0x3FAB] =	sst s2  }
0xb: {  	[smem:$0x3FAC] =	sst s3  }
0xc: {  	[smem:$0x3FAD] =	sst s4  }
0xd: {  	[smem:$0x3FAE] =	sst s5  }
0xe: {  	[smem:$0x3FAF] =	sst s6  }
0xf: {  	[smem:$0x3FB0] =	sst s7  }
0x10: {  	[smem:$0x3FB1] =	sst s8  }
0x11: {  	[smem:$0x3FB2] =	sst s9;
	s0 =	simm.s32 @!p0 $0x0  }
0x12: {  	s1 =	sld [smem:$0x3F98];
	s0 =	simm.s32 @p0 $0x1  }
0x13: {  	[smem:$0x3FB3] =	sst s0;
	s0 =	simm.s32 @!p1 $0x0  }
0x14: {  	s2 =	sld [smem:$0x3F97];
	s0 =	simm.s32 @p1 $0x1  }
0x15: {  	[smem:$0x3FB4] =	sst s0;
	s0 =	simm.s32 @!p2 $0x0  }
0x16: {  	s3 =	sld [smem:$0x3FDB];
	s0 =	simm.s32 @p2 $0x1  }
0x17: {  	s4 =	simm.s32 $0x1BF5;
	[smem:$0x3FB6] =	sst s0  }
0x18: {  	s0 =	sld [smem:$0x3F99];
	_ =	swait.ge [sflag:s4], $0x0  }
0x19: {  	s7 =	sld [smem:$0x3F9A]  }
0x1a: {  	s8 =	sadd.s32 $0xFFFFE003, lr  }
0x1b: {  	s9 =	sadd.s32 $0xFFFFFEF7, lr;
	s5 =	simm.s32 $0xFFFFFFFF;
	p2 =	slt.u32 s8, $0xFFFFF086  }
0x1c: {  	p1 =	slt.u32 s9, $0xF7A;
	s5 =	simm.s32 @!p2 $0x0  }
0x1d: {  	s5 =	simm.s32 @p1 $0x1;
	p0 =	seq.s32 s7, s2  }
0x1e: {  	s7 =	smul.u32 @!p0 $0xF7A, s2;
	p2 =	seq.s32 @!p0 s5, $0x0  }
0x1f: {  	s9 =	smul.u32 $0xF7A, s1;
	s8 =	simm.s32 @!p0 $0x1BF5;
	p2 =	por !p2, p0  }
0x20: {  	[sflag:s8] =	ssyncset.s32 @!p0 $0xFFFFF086;
	s6 =	sadd.s32 @!p0 s3, s7;
	s7 =	simm.s32 @!p0 $0x108  }
0x21: {  	s3 =	sadd.s32 s3, s9;
	s6 =	sadd.s32 @!p0 $0x88, s6;
	s7 =	simm.s32 @p2 $0x1082  }
0x22: {  	[simem:s7], [sflag:s8] =	dma.local @!p0 [hbm:s6], $0xF7A  }
0x23: {  	s9 =	sor.u32 $0xD0000000, s2;
	s6 =	simm.s32 $0x108;
	_ =	swait.ge @!p0 [sflag:s8], $0x0  }
0x24: {  	s3 =	sadd.s32 $0x88, s3;
	s6 =	simm.s32 @!p1 $0x1082;
	[sflag:s4] =	ssyncset.s32 $0xFFFFF086  }
0x25: {  	[simem:s6], [sflag:s4] =	dma.local [hbm:s3], $0xF7A  }
0x26: {  	[smem:$0x3F9A] =	sst s1;
	(tag) =	ssettag s2;
	_ =	strace s9  }
0x27: {  	s1 =	sld [smem:$0x3FAA]  }
0x28: {  	s2 =	sld [smem:$0x3FAB]  }
0x29: {  	s4 =	sld [smem:$0x3FAD]  }
0x2a: {  	p0 =	seq.s32 s5, $0x0;
	s5 =	sld [smem:$0x3FAE]  }
0x2b: {  	s6 =	sld [smem:$0x3FAF]  }
0x2c: {  	s7 =	sld [smem:$0x3FB0]  }
0x2d: {  	s3 =	simm.s32 $0x108;
	s8 =	sld [smem:$0x3FB1]  }
0x2e: {  	s3 =	simm.s32 @!p0 $0x1082;
	s9 =	sld [smem:$0x3FB2]  }
0x2f: {  	lr =	sadd.s32 s0, s3;
	s0 =	sld [smem:$0x3FA9]  }
0x30: {  	s3 =	sld [smem:$0x3FAC]  }
0x31: {  	[smem:$0x3FB5] =	sst s10  }
0x32: {  	s10 =	sld [smem:$0x3FB3];
	_ =	sdelay $0x3  }
0x33: {  	p0 =	seq.s32 s10, $0x1;
	s10 =	sld [smem:$0x3FB5];
	_ =	sdelay $0x3  }
0x34: {  	[smem:$0x3FB5] =	sst s10  }
0x35: {  	s10 =	sld [smem:$0x3FB4];
	_ =	sdelay $0x3  }
0x36: {  	p1 =	seq.s32 s10, $0x1;
	s10 =	sld [smem:$0x3FB5];
	_ =	sdelay $0x3  }
0x37: {  	[smem:$0x3FB5] =	sst s10  }
0x38: {  	s10 =	sld [smem:$0x3FB6]  }
0x39: {  	_ = 	snop;
	(pc) =	sbr.ind lr, $3  }
0x3a: {  	_ = 	snop  }
0x3b: {  	_ = 	snop  }
0x3c: {  	p2 =	seq.s32 s10, $0x1;
	s10 =	sld [smem:$0x3FB5]  }
0x3d: {  	_ =	shalt  }
0x3e: {  	_ =	shalt  }
0x3f: {  	_ =	shalt  }
0x40: {  	_ =	shalt  }
0x41: {  	_ =	shalt  }
0x42: {  	_ =	shalt  }
0x43: {  	_ =	shalt  }
0x44: {  	_ =	shalt  }
0x45: {  	_ =	shalt  }
0x46: {  	_ =	shalt  }
0x47: {  	_ =	shalt  }
0x48: {  	_ =	shalt  }
0x49: {  	_ =	shalt  }
0x4a: {  	_ =	shalt  }
0x4b: {  	_ =	shalt  }
0x4c: {  	_ =	shalt  }
0x4d: {  	_ =	shalt  }
0x4e: {  	_ =	shalt  }
0x4f: {  	_ =	shalt  }
0x50: {  	_ =	shalt  }
0x51: {  	_ =	shalt  }
0x52: {  	_ =	shalt  }
0x53: {  	_ =	shalt  }
0x54: {  	_ =	shalt  }
0x55: {  	_ =	shalt  }
0x56: {  	_ =	shalt  }
0x57: {  	_ =	shalt  }
0x58: {  	_ =	shalt  }
0x59: {  	_ =	shalt  }
0x5a: {  	_ =	shalt  }
0x5b: {  	_ =	shalt  }
0x5c: {  	_ =	shalt  }
0x5d: {  	_ =	shalt  }
0x5e: {  	_ =	shalt  }
0x5f: {  	_ =	shalt  }
0x60: {  	_ =	shalt  }
0x61: {  	_ =	shalt  }
0x62: {  	_ =	shalt  }
0x63: {  	_ =	shalt  }
0x64: {  	_ =	shalt  }
0x65: {  	_ =	shalt  }
0x66: {  	_ =	shalt  }
0x67: {  	_ =	shalt  }
0x68: {  	_ =	shalt  }
0x69: {  	_ =	shalt  }
0x6a: {  	_ =	shalt  }
0x6b: {  	_ =	shalt  }
0x6c: {  	_ =	shalt  }
0x6d: {  	_ =	shalt  }
0x6e: {  	_ =	shalt  }
0x6f: {  	_ =	shalt  }
0x70: {  	_ =	shalt  }
0x71: {  	_ =	shalt  }
0x72: {  	_ =	shalt  }
0x73: {  	_ =	shalt  }
0x74: {  	_ =	shalt  }
0x75: {  	_ =	shalt  }
0x76: {  	_ =	shalt  }
0x77: {  	_ =	shalt  }
0x78: {  	_ =	shalt  }
0x79: {  	_ =	shalt  }
0x7a: {  	_ =	shalt  }
0x7b: {  	_ =	shalt  }
0x7c: {  	_ =	shalt  }
0x7d: {  	_ =	shalt  }
0x7e: {  	_ =	shalt  }
0x7f: {  	_ =	shalt  }
0x80: {  	_ =	shalt  }
0x81: {  	_ =	shalt  }
0x82: {  	_ =	shalt  }
0x83: {  	_ =	shalt  }
0x84: {  	_ =	shalt  }
0x85: {  	_ =	shalt  }
0x86: {  	_ =	shalt  }
0x87: {  	_ =	shalt  }
.Lfunc_end0:
.L_simem_size_0:
called_computation_lowered:
.L_overlay_start_0:
0x88: {  	s2 =	sld [smem:$0x3FD9]  }
0x89: {  	s3 =	sld [smem:$0x3FFE];
	_ =	sdelay $0x1  }
0x8a: {  	s1 =	srdreg.scid  }
0x8b: {  	s0 =	sand.u32 $0x1, s1  }
0x8c: {  	s16 =	sshll.u32 s0, $0xA;
	s2 =	sadd.s32 s3, s2  }
0x8d: {  	s2 =	sadd.s32 s2, s16  }
0x8e: {  	[smem:$0x3FC1] =	sst s2  }
0x8f: {  	_ = 	snop  }
0x90: {  	(tm) =	ssettm $0x1  }
0x91: {  	s17 =	sld [smem:$0x3FFB];
	_ =	sdelay $0x3  }
0x92: {  	_ =	strace s17  }
0x93: {  	s2 =	sld [smem:$0x3FFC];
	_ =	sdelay $0x3  }
0x94: {  	_ =	strace s2  }
0x95: {  	s2 =	sld [smem:$0x3FFD];
	_ =	sdelay $0x3  }
0x96: {  	_ =	strace s2  }
0x97: {  	_ =	strace $0x8FFFFFFF  }
0x98: {  	s18 =	sld [smem:$0x3FDB];
	_ =	sdelay $0x1  }
0x99: {  	s19 =	simm.s32 $_scs_section_size  }
0x9a: {  	s4 =	simm.s32 $_size__tile_overlayer_lowered;
	s5 =	simm.s32 $_tile_overlayer_lowered  }
0x9b: {  	s22 =	simm.s32 $0x1BFF;
	s21 =	sshll.u32 s5, $0x1;
	s2 =	sadd.s32 s19, s18  }
0x9c: {  	s6 =	simm.s32 $0x0;
	s20 =	sshll.u32 s4, $0x1;
	s4 =	sadd.s32 s21, s2  }
0x9d: {  	[timem:s6], [sflag:s22] =	dma.local [hbm:s4], s20  }
0x9e: {  	_ =	swait.ge [sflag:s22], s20  }
0x9f: {  	s3 =	ssub.s32 $0x0, s20;
	[sflag:s22] =	ssyncset.done $0x0  }
0xa0: {  	[sflag:s22] =	ssyncadd.s32 s3;
	_ =	sdelay $0x1  }
0xa1: {  	s23 =	simm.s32 $0x1B8B  }
0xa2: {  	_ =	swait.ge [sflag:s23], $0x1  }
0xa3: {  	[sflag:s23] =	ssyncset.done $0x0  }
0xa4: {  	s25 =	simm.s32 $0x1B8E;
	s24 =	sld [smem:$0x3FFE];
	[sflag:s23] =	ssyncadd.s32 $0xFFFFFFFF  }
0xa5: {  	s26 =	simm.s32 $execute0_lowered;
	[smem:$0x3FD2] =	sst s25  }
0xa6: {  	s4 =	sshll.u32 s26, $0x1;
	_ =	strace $0x80000046;
	[dreg:$0x1] =	wrdreg $0xFFFFFFFF  }
0xa7: {  	s28 =	simm.s32 $_size_execute0_lowered;
	s2 =	sadd.s32 s2, s4;
	[dreg:$0x0] =	wrdreg $0x0  }
0xa8: {  	s4 =	sshll.u32 s28, $0x1;
	[dreg:$0x2] =	wrdreg s2  }
0xa9: {  	[dreg:$0x3] =	wrdreg s4  }
0xaa: {  	[dreg:$0x4] =	wrdreg $0xC0  }
0xab: {  	_ =	task [dreg:s6], $0x5FFFF  }
0xac: {  	[dreg:$0x1] =	wrdreg $0xFFFFFFFF  }
0xad: {  	[dreg:$0x0] =	wrdreg $0x60  }
0xae: {  	[dreg:$0x2] =	wrdreg s24  }
0xaf: {  	[dreg:$0x3] =	wrdreg $0x9  }
0xb0: {  	_ =	task.clear_ibuf [dreg:s6], $0x4FFFF;
	_ =	strace $0x90000046  }
0xb1: {  	s29 =	simm.s32 $0x9;
	_ =	strace $0x80000048  }
0xb2: {  	_ =	swait.ge [sflag:s29], $0x1  }
0xb3: {  	[sflag:s29] =	ssyncadd.s32 $0xFFFFFFFF  }
0xb4: {  	_ =	strace $0x90000048  }
0xb5: {  	_ =	sfence  }
0xb6: {  	s30 =	sld [smem:$0x0];
	_ =	sdelay $0x2  }
0xb7: {  	s31 =	sshll.u32 s1, $0xD;
	s1 =	sshrl.u32 s1, $0x2  }
0xb8: {  	s3 =	sand.u32 $0x4000, s31;
	s1 =	sadd.s32 s1, s30  }
0xb9: {  	s0 =	sor.u32 s3, s0;
	s1 =	sshll.u32 s1, $0x11  }
0xba: {  	s0 =	sor.u32 s1, s0  }
0xbb: {  	s0 =	sadd.s32 $0x8F2B, s0  }
0xbc: {  	[sflag:s0] =	ssyncadd.remote.s32 $0x1  }
0xbd: {  	_ =	sfence.sel $0xFFFF  }
0xbe: {  	[dreg:$0x0] =	wrdreg $0xFFFFFFFF;
	(pc) =	sbr.abs _section_cstart, $3  }
0xbf: {  	[dreg:$0x1] =	wrdreg $0xFFFFFFFF  }
0xc0: {  	_ =	task.clear_ibuf [dreg:s6], $0x2FFFF;
	_ =	strace $0x9FFFFFFF  }
0xc1: {  	(tm) =	ssettm $0x7FFFFFFF  }
tec
execute0_lowered:
.L_overlay_start_1:
0x0: {  	(tag) =	ssettag $0x1  }
0x1: {  	s0 =	srdreg.scid;
	s1 =	rddreg [dreg:$0x0]  }
0x2: {  	s4 =	stileid.u32;
	s14 =	simm.s32 $0x0;
	s16 =	simm.s32 $0x3  }
0x3: {  	s21 =	simm.s32 $0x5000;
	s23 =	simm.s32 $0x5800;
	s24 =	simm.s32 $0x6000  }
0x4: {  	s25 =	simm.s32 $0x6400;
	s28 =	simm.s32 $0x8000;
	s29 =	simm.s32 $0x8C00  }
0x5: {  	s7 =	simm.s32 $0x9400;
	s30 =	simm.s32 $0x9C00;
	s8 =	simm.s32 $0xA000  }
0x6: {  	s31 =	simm.s32 $0xA800;
	s9 =	simm.s32 $0xB000;
	s10 =	simm.s32 $0x10C00  }
0x7: {  	s11 =	simm.s32 $0x11400;
	s12 =	simm.s32 $0x1;
	s13 =	simm.s32 $0x2  }
0x8: {  	s17 =	simm.s32 $0x0;
	s0 =	sand.u32 $0x1, s0;
	[smem:$0x7FF] =	sst s14  }
0x9: {  	s5 =	sadd.s32 $0x93CB00, s1;
	s2 =	sshll.u32 s0, $0x4;
	s3 =	sshll.u32 s0, $0x6  }
0xa: {  	_ =	strace $0x80000047;
	s0 =	ssub.s32 $0x2, s0;
	s2 =	sor.u32 s4, s2  }
0xb: {  	s4 =	sshll.u32 s4, $0x2;
	s6 =	sshrl.u32 s0, $0x1;
	s2 =	smul.u32 $0xA00, s2  }
0xc: {  	s3 =	sor.u32 s4, s3;
	s0 =	ssub.s32 s0, s6;
	s6 =	sadd.s32 $0x93CC00, s1  }
0xd: {  	v0 =	vlaneseq.u32;
	s4 =	smul.u32 $0x280, s3;
	s3 =	sadd.s32 $0x93CA00, s1;
	s0 =	smax.u32 s0, $0x1  }
0xe: {  	v1 =	vshrl.u32 v0, $0x3;
	v2 =	vand.u32 $0x7, v0;
	s2 =	sadd.s32 s2, s1;
	[dreg:$0x4] =	wrdreg s0;
	s0 =	simm.s32 $0x7400  }
0xf: {  	v0 =	vor.u32 $0x8, v0;
	[tilespmem:$0x1FFD0] =	vst v2;
	v1 =	vmul.u32 $0x8, v1;
	s4 =	sadd.s32 s4, s1;
	s2 =	sadd.s32 $0x928A00, s2;
	s1 =	simm.s32 $0x7800  }
0x10: {  	[tilespmem:$0x1FFF0] =	vst v0;
	[dreg:$0x2] =	wrdreg s2;
	s26 =	sadd.s32 $0xE00, s4;
	s4 =	simm.s32 $0x8800  }
0x11: {  	vm0 =	vmmov $0xffff;
	vm1 =	vmmov $0xff;
	[tilespmem:$0x1FFE0] =	vst v1;
	s2 =	simm.s32 $0x10400;
	[dreg:$0x3] =	wrdreg s26;
	s26 =	simm.s32 $0x6C00  }
.LBB2_1:
0x12: {  	[dreg:$0x5] =	wrdreg s17  }
0x13: {  	s15 =	rddreg [dreg:$0x2]  }
0x14: {  	[tilespmem:s14], [sflag:$0x3] =	stream.linear.gather [hbm4b:s15+s14], $0x5000, $0x38;
	[tilespmem:$0x16800] =	vst v63  }
0x15: {  	_ =	swait.ge [sflag:s16], $0x5000  }
0x16: {  	[sflag:s16] =	ssyncset.done $0x0  }
0x17: {  	[sflag:s16] =	ssyncadd.s32 $0xFFFFB000  }
0x18: {  	v0 =	vld [tilespmem:$0x0];
	_ =	sdelay $0x3  }
0x19: {  	v2 =	vld [tilespmem:$0x1FFD0]  }
0x1a: {  	v1 =	vshrl.u32 v0, $0x3  }
0x1b: {  	v3 =	vld [tilespmem:$0x1FFE0];
	v1 =	vmul.u32 $0x28, v1  }
0x1c: {  	v0 =	vand.u32 $0x7, v0  }
0x1d: {  	v0 =	vor.u32 v0, v1  }
0x1e: {  	v1 =	vperm.xlane v0, v2  }
0x1f: {  	v4 =	vld [tilespmem:$0x1FFF0]  }
0x20: {  	v1 =	vadd.s32 v3, v1;
	_ =	sdelay $0x3  }
0x21: {  	v0 =	vperm.xlane v0, v4  }
0x22: {  	[tilespmem:s21], [sflag:$0x1] =	stream.indirect_vreg.gather [hbm4b:s3+s14], $0x80, v1, vm0, $0xb8;
	[tilespmem:$0x16800] =	vst v63  }
0x23: {  	v0 =	vadd.s32 v3, v0  }
0x24: {  	[tilespmem:s23], [sflag:$0x1] =	stream.indirect_vreg.gather [hbm4b:s5+s14], $0x80, v1, vm0, $0xb8;
	[tilespmem:$0x16800] =	vst v63  }
0x25: {  	_ = 	snop  }
0x26: {  	[tilespmem:s24], [sflag:$0x1] =	stream.indirect_vreg.gather [hbm4b:s6+s14], $0x80, v1, vm1, $0xb8;
	[tilespmem:$0x16800] =	vst v63  }
0x27: {  	_ = 	snop  }
0x28: {  	[tilespmem:s25], [sflag:$0x1] =	stream.indirect_vreg.gather [hbm4b:s3+s14], $0x80, v0, vm0, $0xb8;
	[tilespmem:$0x16800] =	vst v63  }
0x29: {  	_ = 	snop  }
0x2a: {  	[tilespmem:s26], [sflag:$0x1] =	stream.indirect_vreg.gather [hbm4b:s5+s14], $0x80, v0, vm0, $0xb8;
	[tilespmem:$0x16800] =	vst v63  }
0x2b: {  	_ = 	snop  }
0x2c: {  	[tilespmem:s0], [sflag:$0x1] =	stream.indirect_vreg.gather [hbm4b:s6+s14], $0x80, v0, vm1, $0xb8;
	[tilespmem:$0x16800] =	vst v63  }
0x2d: {  	v0 =	vld [tilespmem:$0x10];
	_ =	sdelay $0x4  }
0x2e: {  	v59 =	vshrl.u32 v0, $0x3  }
0x2f: {  	v1 =	vmul.u32 $0x28, v59  }
0x30: {  	v0 =	vand.u32 $0x7, v0  }
0x31: {  	v0 =	vor.u32 v0, v1  }
0x32: {  	v1 =	vperm.xlane v0, v2;
	_ =	sdelay $0x1  }
0x33: {  	v1 =	vadd.s32 v3, v1;
	_ =	sdelay $0x3  }
0x34: {  	v0 =	vperm.xlane v0, v4  }
0x35: {  	[tilespmem:s1], [sflag:$0x1] =	stream.indirect_vreg.gather [hbm4b:s3+s14], $0x80, v1, vm0, $0xb8;
	[tilespmem:$0x16800] =	vst v63  }
0x36: {  	v0 =	vadd.s32 v3, v0  }
0x37: {  	[tilespmem:s28], [sflag:$0x1] =	stream.indirect_vreg.gather [hbm4b:s5+s14], $0x80, v1, vm0, $0xb8;
	[tilespmem:$0x16800] =	vst v63  }
0x38: {  	_ = 	snop  }
0x39: {  	[tilespmem:s4], [sflag:$0x1] =	stream.indirect_vreg.gather [hbm4b:s6+s14], $0x80, v1, vm1, $0xb8;
	[tilespmem:$0x16800] =	vst v63  }
0x3a: {  	_ = 	snop  }
0x3b: {  	[tilespmem:s29], [sflag:$0x1] =	stream.indirect_vreg.gather [hbm4b:s3+s14], $0x80, v0, vm0, $0xb8;
	[tilespmem:$0x16800] =	vst v63  }
0x3c: {  	_ = 	snop  }
0x3d: {  	[tilespmem:s7], [sflag:$0x1] =	stream.indirect_vreg.gather [hbm4b:s5+s14], $0x80, v0, vm0, $0xb8;
	[tilespmem:$0x16800] =	vst v63  }
0x3e: {  	_ = 	snop  }
0x3f: {  	[tilespmem:s30], [sflag:$0x1] =	stream.indirect_vreg.gather [hbm4b:s6+s14], $0x80, v0, vm1, $0xb8;
	[tilespmem:$0x16800] =	vst v63  }
0x40: {  	v0 =	vld.msk [tilespmem:$0x20], $0xff;
	_ =	sdelay $0x4  }
0x41: {  	v60 =	vshrl.u32 v0, $0x3  }
0x42: {  	v1 =	vmul.u32 $0x28, v60  }
0x43: {  	v0 =	vand.u32 $0x7, v0  }
0x44: {  	v0 =	vor.u32 v0, v1  }
0x45: {  	v0 =	vperm.xlane v0, v2;
	_ =	sdelay $0x1  }
0x46: {  	v0 =	vadd.s32 v3, v0;
	_ =	sdelay $0x4  }
0x47: {  	[tilespmem:s8], [sflag:$0x1] =	stream.indirect_vreg.gather [hbm4b:s3+s14], $0x80, v0, vm0, $0xb8;
	[tilespmem:$0x16800] =	vst v63  }
0x48: {  	_ = 	snop  }
0x49: {  	[tilespmem:s31], [sflag:$0x1] =	stream.indirect_vreg.gather [hbm4b:s5+s14], $0x80, v0, vm0, $0xb8;
	[tilespmem:$0x16800] =	vst v63  }
0x4a: {  	_ = 	snop  }
0x4b: {  	[tilespmem:s9], [sflag:$0x1] =	stream.indirect_vreg.gather [hbm4b:s6+s14], $0x80, v0, vm1, $0xb8;
	[tilespmem:$0x16800] =	vst v63  }
0x4c: {  	v0 =	vld [tilespmem:$0x80];
	_ =	sdelay $0x4  }
0x4d: {  	v61 =	vshrl.u32 v0, $0x3  }
0x4e: {  	v1 =	vmul.u32 $0x28, v61  }
0x4f: {  	v0 =	vand.u32 $0x7, v0  }
0x50: {  	v0 =	vor.u32 v0, v1  }
0x51: {  	v1 =	vperm.xlane v0, v2;
	_ =	sdelay $0x1  }
0x52: {  	v1 =	vadd.s32 v3, v1;
	_ =	sdelay $0x3  }
0x53: {  	s16 =	simm.s32 $0xB400;
	v0 =	vperm.xlane v0, v4  }
0x54: {  	[tilespmem:s16], [sflag:$0x2] =	stream.indirect_vreg.gather [hbm4b:s3+s14], $0x80, v1, vm0, $0xb8;
	[tilespmem:$0x16800] =	vst v63  }
0x55: {  	s17 =	simm.s32 $0xBC00;
	v0 =	vadd.s32 v3, v0  }
0x56: {  	[tilespmem:s17], [sflag:$0x2] =	stream.indirect_vreg.gather [hbm4b:s5+s14], $0x80, v1, vm0, $0xb8;
	[tilespmem:$0x16800] =	vst v63  }
0x57: {  	s18 =	simm.s32 $0xC400  }
0x58: {  	[tilespmem:s18], [sflag:$0x2] =	stream.indirect_vreg.gather [hbm4b:s6+s14], $0x80, v1, vm1, $0xb8;
	[tilespmem:$0x16800] =	vst v63  }
0x59: {  	s19 =	simm.s32 $0xC800  }
0x5a: {  	[tilespmem:s19], [sflag:$0x2] =	stream.indirect_vreg.gather [hbm4b:s3+s14], $0x80, v0, vm0, $0xb8;
	[tilespmem:$0x16800] =	vst v63  }
0x5b: {  	s20 =	simm.s32 $0xD000  }
0x5c: {  	[tilespmem:s20], [sflag:$0x2] =	stream.indirect_vreg.gather [hbm4b:s5+s14], $0x80, v0, vm0, $0xb8;
	[tilespmem:$0x16800] =	vst v63  }
0x5d: {  	s22 =	simm.s32 $0xD800  }
0x5e: {  	[tilespmem:s22], [sflag:$0x2] =	stream.indirect_vreg.gather [hbm4b:s6+s14], $0x80, v0, vm1, $0xb8;
	[tilespmem:$0x16800] =	vst v63  }
0x5f: {  	v0 =	vld [tilespmem:$0x90];
	_ =	sdelay $0x4  }
0x60: {  	v62 =	vshrl.u32 v0, $0x3  }
0x61: {  	v1 =	vmul.u32 $0x28, v62  }
0x62: {  	v0 =	vand.u32 $0x7, v0  }
0x63: {  	v0 =	vor.u32 v0, v1  }
0x64: {  	v1 =	vperm.xlane v0, v2;
	_ =	sdelay $0x1  }
0x65: {  	v1 =	vadd.s32 v3, v1;
	_ =	sdelay $0x3  }
0x66: {  	s16 =	simm.s32 $0xDC00;
	v0 =	vperm.xlane v0, v4  }
0x67: {  	[tilespmem:s16], [sflag:$0x2] =	stream.indirect_vreg.gather [hbm4b:s3+s14], $0x80, v1, vm0, $0xb8;
	[tilespmem:$0x16800] =	vst v63  }
0x68: {  	s17 =	simm.s32 $0xE400;
	v0 =	vadd.s32 v3, v0  }
0x69: {  	[tilespmem:s17], [sflag:$0x2] =	stream.indirect_vreg.gather [hbm4b:s5+s14], $0x80, v1, vm0, $0xb8;
	[tilespmem:$0x16800] =	vst v63  }
0x6a: {  	s18 =	simm.s32 $0xEC00  }
0x6b: {  	[tilespmem:s18], [sflag:$0x2] =	stream.indirect_vreg.gather [hbm4b:s6+s14], $0x80, v1, vm1, $0xb8;
	[tilespmem:$0x16800] =	vst v63  }
0x6c: {  	s19 =	simm.s32 $0xF000  }
0x6d: {  	[tilespmem:s19], [sflag:$0x2] =	stream.indirect_vreg.gather [hbm4b:s3+s14], $0x80, v0, vm0, $0xb8;
	[tilespmem:$0x16800] =	vst v63  }
0x6e: {  	s20 =	simm.s32 $0xF800  }
0x6f: {  	[tilespmem:s20], [sflag:$0x2] =	stream.indirect_vreg.gather [hbm4b:s5+s14], $0x80, v0, vm0, $0xb8;
	[tilespmem:$0x16800] =	vst v63  }
0x70: {  	s22 =	simm.s32 $0x10000  }
0x71: {  	[tilespmem:s22], [sflag:$0x2] =	stream.indirect_vreg.gather [hbm4b:s6+s14], $0x80, v0, vm1, $0xb8;
	[tilespmem:$0x16800] =	vst v63  }
0x72: {  	v0 =	vld.msk [tilespmem:$0xA0], $0xff;
	_ =	sdelay $0x4  }
0x73: {  	v63 =	vshrl.u32 v0, $0x3  }
0x74: {  	v1 =	vmul.u32 $0x28, v63  }
0x75: {  	v0 =	vand.u32 $0x7, v0  }
0x76: {  	v0 =	vor.u32 v0, v1  }
0x77: {  	v0 =	vperm.xlane v0, v2;
	_ =	sdelay $0x1  }
0x78: {  	v0 =	vadd.s32 v3, v0;
	_ =	sdelay $0x4  }
0x79: {  	[tilespmem:s2], [sflag:$0x2] =	stream.indirect_vreg.gather [hbm4b:s3+s14], $0x80, v0, vm0, $0xb8;
	[tilespmem:$0x16800] =	vst v63  }
0x7a: {  	_ = 	snop  }
0x7b: {  	[tilespmem:s10], [sflag:$0x2] =	stream.indirect_vreg.gather [hbm4b:s5+s14], $0x80, v0, vm0, $0xb8;
	[tilespmem:$0x16800] =	vst v63  }
0x7c: {  	_ = 	snop  }
0x7d: {  	[tilespmem:s11], [sflag:$0x2] =	stream.indirect_vreg.gather [hbm4b:s6+s14], $0x80, v0, vm1, $0xb8;
	[tilespmem:$0x16800] =	vst v63  }
0x7e: {  	s14 =	simm.s32 $0x0  }
.LBB2_2:
0x7f: {  	s15 =	simm.s32 $0x0  }
0x80: {  	s16 =	smul.u32 $0x5000, s15  }
0x81: {  	_ =	swait.ge [sflag:s12], $0x6400;
	s15 =	simm.s32 $0x0  }
0x82: {  	[sflag:s12] =	ssyncset.done $0x0;
	s17 =	sand.u32 $0x380, s15;
	s16 =	sshra.s32 s16, $0x2  }
0x83: {  	[sflag:s12] =	ssyncadd.s32 $0xFFFF9C00;
	s16 =	sor.u32 s17, s16  }
0x84: {  	v0 =	vld [tilespmem:s16+$0x6070]  }
0x85: {  	v1 =	vld [tilespmem:s16+$0x5000]  }
0x86: {  	v2 =	vld [tilespmem:s16+$0x5010]  }
0x87: {  	v3 =	vld [tilespmem:s16+$0x5020]  }
0x88: {  	v4 =	vld [tilespmem:s16+$0x5030]  }
0x89: {  	v5 =	vld [tilespmem:s16+$0x5040]  }
0x8a: {  	v6 =	vld [tilespmem:s16+$0x5050]  }
0x8b: {  	v10 =	vld [tilespmem:s16+$0x5060]  }
0x8c: {  	v11 =	vld [tilespmem:s16+$0x5070]  }
0x8d: {  	v12 =	vld [tilespmem:s16+$0x5400]  }
0x8e: {  	v13 =	vld [tilespmem:s16+$0x5410]  }
0x8f: {  	v14 =	vld [tilespmem:s16+$0x5420]  }
0x90: {  	v15 =	vld [tilespmem:s16+$0x5430]  }
0x91: {  	v16 =	vld [tilespmem:s16+$0x5440]  }
0x92: {  	v17 =	vld [tilespmem:s16+$0x5450]  }
0x93: {  	v18 =	vld [tilespmem:s16+$0x5460]  }
0x94: {  	v19 =	vld [tilespmem:s16+$0x5470]  }
0x95: {  	v20 =	vld [tilespmem:s16+$0x5800]  }
0x96: {  	v21 =	vld [tilespmem:s16+$0x5810]  }
0x97: {  	v34 =	vimm.f32 $0.0e+00;
	v32 =	vld [tilespmem:s16+$0x5820]  }
0x98: {  	v35 =	vld [tilespmem:s16+$0x5C20];
	v22 =	vadd.f32 v0, v34  }
0x99: {  	v7 =	vadd.f32 v1, v34;
	v0 =	vld [tilespmem:s16+$0x5830];
	v23 =	vadd.f32 v2, v34  }
0x9a: {  	v8 =	vadd.f32 v3, v34;
	v1 =	vld [tilespmem:s16+$0x5840];
	v24 =	vadd.f32 v4, v34  }
0x9b: {  	v9 =	vadd.f32 v5, v34;
	v2 =	vld [tilespmem:s16+$0x5850];
	v25 =	vadd.f32 v6, v34  }
0x9c: {  	v10 =	vadd.f32 v10, v34;
	v3 =	vld [tilespmem:s16+$0x5860];
	v26 =	vadd.f32 v11, v34  }
0x9d: {  	v11 =	vadd.f32 v12, v34;
	v4 =	vld [tilespmem:s16+$0x5870];
	v27 =	vadd.f32 v13, v34  }
0x9e: {  	v12 =	vadd.f32 v14, v34;
	v5 =	vld [tilespmem:s16+$0x5C00];
	v28 =	vadd.f32 v15, v34  }
0x9f: {  	v13 =	vadd.f32 v16, v34;
	v6 =	vld [tilespmem:s16+$0x5C10];
	v29 =	vadd.f32 v17, v34  }
0xa0: {  	v41 =	vimm.f32 $0.0e+00;
	v14 =	vadd.f32 v18, v34;
	v15 =	vadd.f32 v20, v34;
	v20 =	vld [tilespmem:s16+$0x5C30]  }
0xa1: {  	v36 =	vimm.f32 $0.0e+00;
	v30 =	vadd.f32 v19, v34;
	v31 =	vadd.f32 v21, v34;
	v21 =	vld [tilespmem:s16+$0x5C40]  }
0xa2: {  	v42 =	vimm.f32 $0.0e+00;
	v16 =	vadd.f32 v32, v34;
	v32 =	vadd.f32 v0, v34;
	v0 =	vld [tilespmem:s16+$0x5C50]  }
0xa3: {  	v37 =	vimm.f32 $0.0e+00;
	v44 =	vld [tilespmem:s16+$0x5C60];
	v17 =	vadd.f32 v1, v34;
	v33 =	vadd.f32 v2, v34  }
0xa4: {  	v38 =	vimm.f32 $0.0e+00;
	v45 =	vld [tilespmem:s16+$0x5C70];
	v18 =	vadd.f32 v3, v34;
	v19 =	vadd.f32 v4, v34  }
0xa5: {  	v39 =	vimm.f32 $0.0e+00;
	v43 =	vld [tilespmem:s16+$0x6000];
	v3 =	vadd.f32 v5, v34;
	v4 =	vadd.f32 v6, v34  }
0xa6: {  	v40 =	vimm.f32 $0.0e+00;
	v46 =	vld [tilespmem:s16+$0x6010];
	v5 =	vadd.f32 v35, v34;
	v20 =	vadd.f32 v20, v34  }
0xa7: {  	s18 =	simm.s32 $0x0;
	s17 =	simm.s32 $0x2;
	v6 =	vadd.f32 v21, v34;
	v35 =	vimm.f32 $0.0e+00;
	v21 =	vadd.f32 v0, v34;
	v0 =	vld [tilespmem:s16+$0x6020]  }
.LBB2_3:
0xa8: {  	p0 =	sne.s32 s17, $0x27;
	s18 =	smul.u32 $0x5000, s18;
	v34 =	vadd.f32 v44, v34;
	v1 =	vld [tilespmem:s16+$0x6030]  }
0xa9: {  	s15 =	sadd.s32 $0x80, s15;
	v41 =	vadd.f32 v45, v41;
	v2 =	vld [tilespmem:s16+$0x6040]  }
0xaa: {  	s19 =	sand.u32 $0x380, s15;
	s18 =	sshra.s32 s18, $0x2;
	v36 =	vadd.f32 v43, v36;
	v43 =	vld [tilespmem:s16+$0x6050]  }
0xab: {  	v42 =	vadd.f32 v46, v42;
	v44 =	vld [tilespmem:s16+$0x6060];
	s16 =	sor.u32 s19, s18  }
0xac: {  	v45 =	vld [tilespmem:s16+$0x6070];
	v37 =	vadd.f32 v0, v37  }
0xad: {  	v0 =	vld [tilespmem:s16+$0x5000];
	v38 =	vadd.f32 v1, v38  }
0xae: {  	v1 =	vld [tilespmem:s16+$0x5010];
	v39 =	vadd.f32 v2, v39  }
0xaf: {  	v2 =	vld [tilespmem:s16+$0x5020];
	v40 =	vadd.f32 v43, v40  }
0xb0: {  	v43 =	vld [tilespmem:s16+$0x5030];
	v35 =	vadd.f32 v44, v35  }
0xb1: {  	v44 =	vld [tilespmem:s16+$0x5040];
	v22 =	vadd.f32 v45, v22  }
0xb2: {  	v7 =	vadd.f32 v0, v7;
	v0 =	vld [tilespmem:s16+$0x5050]  }
0xb3: {  	v23 =	vadd.f32 v1, v23;
	v1 =	vld [tilespmem:s16+$0x5060]  }
0xb4: {  	v8 =	vadd.f32 v2, v8;
	v2 =	vld [tilespmem:s16+$0x5070]  }
0xb5: {  	v24 =	vadd.f32 v43, v24;
	v43 =	vld [tilespmem:s16+$0x5400]  }
0xb6: {  	v9 =	vadd.f32 v44, v9;
	v44 =	vld [tilespmem:s16+$0x5410]  }
0xb7: {  	v25 =	vadd.f32 v0, v25;
	v0 =	vld [tilespmem:s16+$0x5420]  }
0xb8: {  	v10 =	vadd.f32 v1, v10;
	v1 =	vld [tilespmem:s16+$0x5430]  }
0xb9: {  	v26 =	vadd.f32 v2, v26;
	v2 =	vld [tilespmem:s16+$0x5440]  }
0xba: {  	v11 =	vadd.f32 v43, v11;
	v43 =	vld [tilespmem:s16+$0x5450]  }
0xbb: {  	v27 =	vadd.f32 v44, v27;
	v44 =	vld [tilespmem:s16+$0x5460]  }
0xbc: {  	v12 =	vadd.f32 v0, v12;
	v0 =	vld [tilespmem:s16+$0x5470]  }
0xbd: {  	v28 =	vadd.f32 v1, v28;
	v1 =	vld [tilespmem:s16+$0x5800]  }
0xbe: {  	v13 =	vadd.f32 v2, v13;
	v2 =	vld [tilespmem:s16+$0x5810]  }
0xbf: {  	v29 =	vadd.f32 v43, v29;
	v43 =	vld [tilespmem:s16+$0x5820]  }
0xc0: {  	v14 =	vadd.f32 v44, v14;
	v44 =	vld [tilespmem:s16+$0x5830]  }
0xc1: {  	v30 =	vadd.f32 v0, v30;
	v0 =	vld [tilespmem:s16+$0x5840]  }
0xc2: {  	v15 =	vadd.f32 v1, v15;
	v1 =	vld [tilespmem:s16+$0x5850]  }
0xc3: {  	v31 =	vadd.f32 v2, v31;
	v2 =	vld [tilespmem:s16+$0x5860]  }
0xc4: {  	v16 =	vadd.f32 v43, v16;
	v43 =	vld [tilespmem:s16+$0x5870]  }
0xc5: {  	v32 =	vadd.f32 v44, v32;
	v44 =	vld [tilespmem:s16+$0x5C00]  }
0xc6: {  	v17 =	vadd.f32 v0, v17;
	v0 =	vld [tilespmem:s16+$0x5C10]  }
0xc7: {  	v33 =	vadd.f32 v1, v33;
	v1 =	vld [tilespmem:s16+$0x5C20]  }
0xc8: {  	v18 =	vadd.f32 v2, v18;
	v2 =	vld [tilespmem:s16+$0x5C30]  }
0xc9: {  	v19 =	vadd.f32 v43, v19;
	v46 =	vld [tilespmem:s16+$0x5C40]  }
0xca: {  	v3 =	vadd.f32 v44, v3;
	v47 =	vld [tilespmem:s16+$0x5C50]  }
.Ltmp0:
0xcb: {  	v4 =	vadd.f32 v0, v4;
	v44 =	vld [tilespmem:s16+$0x5C60];
	(pc) =	sbr.rel @p0 .LBB2_3-.Ltmp0, $4  }
0xcc: {  	v5 =	vadd.f32 v1, v5;
	v45 =	vld [tilespmem:s16+$0x5C70]  }
0xcd: {  	v20 =	vadd.f32 v2, v20;
	v43 =	vld [tilespmem:s16+$0x6000]  }
0xce: {  	v6 =	vadd.f32 v46, v6;
	v46 =	vld [tilespmem:s16+$0x6010]  }
0xcf: {  	s18 =	sshrl.u32 s17, $0x3;
	s17 =	sadd.s32 $0x1, s17;
	v21 =	vadd.f32 v47, v21;
	v0 =	vld [tilespmem:s16+$0x6020]  }
0xd0: {  	s17 =	smul.u32 $0x5000, s18  }
0xd1: {  	s15 =	sadd.s32 $0x80, s15  }
0xd2: {  	s15 =	sand.u32 $0x380, s15;
	s17 =	sshra.s32 s17, $0x2  }
0xd3: {  	s17 =	sor.u32 s15, s17  }
0xd4: {  	v1 =	vld [tilespmem:s17+$0x5400];
	_ =	sdelay $0x4  }
0xd5: {  	[tilespmem:$0x1FDC0] =	vst v1;
	v1 =	vld [tilespmem:s17+$0x5410];
	_ =	sdelay $0x4  }
0xd6: {  	[tilespmem:$0x1FDD0] =	vst v1;
	v1 =	vld [tilespmem:s17+$0x5420];
	_ =	sdelay $0x4  }
0xd7: {  	[tilespmem:$0x1FDE0] =	vst v1;
	v1 =	vld [tilespmem:s17+$0x5430];
	_ =	sdelay $0x4  }
0xd8: {  	[tilespmem:$0x1FDF0] =	vst v1;
	v1 =	vld [tilespmem:s17+$0x5440];
	_ =	sdelay $0x4  }
0xd9: {  	[tilespmem:$0x1FE00] =	vst v1;
	v1 =	vld [tilespmem:s17+$0x5450];
	_ =	sdelay $0x4  }
0xda: {  	[tilespmem:$0x1FE10] =	vst v1;
	v1 =	vld [tilespmem:s17+$0x5460];
	_ =	sdelay $0x4  }
0xdb: {  	[tilespmem:$0x1FE20] =	vst v1;
	v1 =	vld [tilespmem:s17+$0x5470];
	_ =	sdelay $0x4  }
0xdc: {  	[tilespmem:$0x1FE30] =	vst v1;
	v1 =	vld [tilespmem:s17+$0x5800];
	_ =	sdelay $0x4  }
0xdd: {  	[tilespmem:$0x1FE40] =	vst v1;
	v1 =	vld [tilespmem:s17+$0x5810];
	_ =	sdelay $0x1  }
0xde: {  	v2 =	vld [tilespmem:s17+$0x5C00];
	_ =	sdelay $0x2  }
0xdf: {  	[tilespmem:$0x1FE50] =	vst v1;
	v1 =	vld [tilespmem:s17+$0x5820];
	_ =	sdelay $0x1  }
0xe0: {  	[tilespmem:$0x1FEC0] =	vst v2;
	v2 =	vld [tilespmem:s17+$0x5C10];
	_ =	sdelay $0x2  }
0xe1: {  	[tilespmem:$0x1FE60] =	vst v1;
	v1 =	vld [tilespmem:s17+$0x5830];
	_ =	sdelay $0x1  }
0xe2: {  	[tilespmem:$0x1FED0] =	vst v2;
	v2 =	vld [tilespmem:s17+$0x5C20];
	_ =	sdelay $0x2  }
0xe3: {  	[tilespmem:$0x1FE70] =	vst v1;
	v1 =	vld [tilespmem:s17+$0x5840];
	_ =	sdelay $0x1  }
0xe4: {  	[tilespmem:$0x1FEE0] =	vst v2;
	v2 =	vld [tilespmem:s17+$0x5C30];
	_ =	sdelay $0x2  }
0xe5: {  	[tilespmem:$0x1FE80] =	vst v1;
	v1 =	vld [tilespmem:s17+$0x5850];
	_ =	sdelay $0x1  }
0xe6: {  	[tilespmem:$0x1FEF0] =	vst v2;
	v2 =	vld [tilespmem:s17+$0x5C40];
	_ =	sdelay $0x2  }
0xe7: {  	[tilespmem:$0x1FE90] =	vst v1;
	v1 =	vld [tilespmem:s17+$0x5860];
	_ =	sdelay $0x1  }
0xe8: {  	[tilespmem:$0x1FF00] =	vst v2;
	v2 =	vld [tilespmem:s17+$0x5C50];
	_ =	sdelay $0x1  }
0xe9: {  	v50 =	vld [tilespmem:s16+$0x6030]  }
0xea: {  	[tilespmem:$0x1FEA0] =	vst v1;
	v1 =	vld [tilespmem:s17+$0x5870]  }
0xeb: {  	v57 =	vld [tilespmem:s16+$0x6040]  }
0xec: {  	s19 =	smul.u32 $0x1400, s14;
	[tilespmem:$0x1FF10] =	vst v2;
	v2 =	vld [tilespmem:s17+$0x5C60]  }
0xed: {  	v49 =	vld [tilespmem:s16+$0x6050]  }
0xee: {  	v52 =	vld [tilespmem:s16+$0x6060];
	s15 =	sshra.s32 s19, $0x2  }
0xef: {  	[tilespmem:$0x1FEB0] =	vst v1;
	v1 =	vld [tilespmem:s15+$0x100]  }
0xf0: {  	v51 =	vld [tilespmem:s17+$0x6070]  }
0xf1: {  	[tilespmem:$0x1FF20] =	vst v2;
	v2 =	vld [tilespmem:s17+$0x5C70]  }
0xf2: {  	v54 =	vld [tilespmem:s17+$0x5000]  }
0xf3: {  	v47 =	vld [tilespmem:s17+$0x6010]  }
0xf4: {  	v62 =	vld [tilespmem:s17+$0x6030];
	v63 =	vshrl.u32 v1, $0x3  }
0xf5: {  	v48 =	vld [tilespmem:s17+$0x6020];
	v63 =	vmul.u32 $0x28, v63  }
0xf6: {  	[tilespmem:$0x1FF30] =	vst v2;
	v2 =	vld [tilespmem:s17+$0x6000];
	v1 =	vand.u32 $0x7, v1  }
0xf7: {  	v1 =	vor.u32 v1, v63;
	v63 =	vld [tilespmem:$0x1FFD0]  }
0xf8: {  	[tilespmem:$0x1FF50] =	vst v47;
	v47 =	vld [tilespmem:$0x1FFE0]  }
0xf9: {  	[tilespmem:$0x1FF80] =	vst v62;
	v62 =	vld [tilespmem:s17+$0x6040]  }
0xfa: {  	v53 =	vld [tilespmem:s17+$0x5010]  }
0xfb: {  	v55 =	vld [tilespmem:s17+$0x5020]  }
0xfc: {  	v56 =	vld [tilespmem:s17+$0x5030];
	[tilespmem:$0x1FF40] =	vst v2;
	v2 =	vperm.xlane v1, v63  }
0xfd: {  	[tilespmem:$0x1FF60] =	vst v48;
	v48 =	vld [tilespmem:$0x1FFF0]  }
0xfe: {  	[tilespmem:$0x1FF90] =	vst v62;
	v62 =	vld [tilespmem:s17+$0x6050];
	v2 =	vadd.s32 v47, v2  }
0xff: {  	v58 =	vld [tilespmem:s17+$0x5040]  }
0x100: {  	v59 =	vld [tilespmem:s17+$0x5050]  }
0x101: {  	v60 =	vld [tilespmem:s17+$0x5060]  }
0x102: {  	s16 =	simm.s32 $0x0;
	v61 =	vld [tilespmem:s17+$0x5070];
	v1 =	vperm.xlane v1, v48  }
0x103: {  	[tilespmem:$0x1FFA0] =	vst v62;
	v62 =	vld [tilespmem:s17+$0x6060];
	[tilespmem:s21], [sflag:$0x1] =	stream.indirect_vreg.gather [hbm4b:s3+s16], $0x80, v2, vm0, $0xb8  }
0x104: {  	v1 =	vadd.s32 v47, v1  }
0x105: {  	[tilespmem:s23], [sflag:$0x1] =	stream.indirect_vreg.gather [hbm4b:s5+s16], $0x80, v2, vm0, $0xb8;
	[tilespmem:$0x16800] =	vst v63  }
0x106: {  	_ = 	snop  }
0x107: {  	[tilespmem:s24], [sflag:$0x1] =	stream.indirect_vreg.gather [hbm4b:s6+s16], $0x80, v2, vm1, $0xb8;
	[tilespmem:$0x16800] =	vst v63  }
0x108: {  	_ = 	snop  }
0x109: {  	[tilespmem:s25], [sflag:$0x1] =	stream.indirect_vreg.gather [hbm4b:s3+s16], $0x80, v1, vm0, $0xb8;
	[tilespmem:$0x16800] =	vst v63  }
0x10a: {  	_ = 	snop  }
0x10b: {  	[tilespmem:s26], [sflag:$0x1] =	stream.indirect_vreg.gather [hbm4b:s5+s16], $0x80, v1, vm0, $0xb8;
	[tilespmem:$0x16800] =	vst v63  }
0x10c: {  	_ = 	snop  }
0x10d: {  	[tilespmem:s0], [sflag:$0x1] =	stream.indirect_vreg.gather [hbm4b:s6+s16], $0x80, v1, vm1, $0xb8;
	[tilespmem:$0x16800] =	vst v63  }
0x10e: {  	v1 =	vld [tilespmem:s15+$0x110];
	_ =	sdelay $0x4  }
0x10f: {  	v2 =	vshrl.u32 v1, $0x3  }
0x110: {  	v2 =	vmul.u32 $0x28, v2  }
0x111: {  	v1 =	vand.u32 $0x7, v1  }
0x112: {  	v1 =	vor.u32 v1, v2  }
0x113: {  	v2 =	vperm.xlane v1, v63;
	_ =	sdelay $0x1  }
0x114: {  	v2 =	vadd.s32 v47, v2;
	_ =	sdelay $0x3  }
0x115: {  	v1 =	vperm.xlane v1, v48  }
0x116: {  	[tilespmem:s1], [sflag:$0x1] =	stream.indirect_vreg.gather [hbm4b:s3+s16], $0x80, v2, vm0, $0xb8;
	[tilespmem:$0x16800] =	vst v63  }
0x117: {  	v1 =	vadd.s32 v47, v1  }
0x118: {  	[tilespmem:s28], [sflag:$0x1] =	stream.indirect_vreg.gather [hbm4b:s5+s16], $0x80, v2, vm0, $0xb8;
	[tilespmem:$0x16800] =	vst v63  }
0x119: {  	_ = 	snop  }
0x11a: {  	[tilespmem:s4], [sflag:$0x1] =	stream.indirect_vreg.gather [hbm4b:s6+s16], $0x80, v2, vm1, $0xb8;
	[tilespmem:$0x16800] =	vst v63  }
0x11b: {  	_ = 	snop  }
0x11c: {  	[tilespmem:s29], [sflag:$0x1] =	stream.indirect_vreg.gather [hbm4b:s3+s16], $0x80, v1, vm0, $0xb8;
	[tilespmem:$0x16800] =	vst v63  }
0x11d: {  	_ = 	snop  }
0x11e: {  	[tilespmem:s7], [sflag:$0x1] =	stream.indirect_vreg.gather [hbm4b:s5+s16], $0x80, v1, vm0, $0xb8;
	[tilespmem:$0x16800] =	vst v63  }
0x11f: {  	_ = 	snop  }
0x120: {  	[tilespmem:s30], [sflag:$0x1] =	stream.indirect_vreg.gather [hbm4b:s6+s16], $0x80, v1, vm1, $0xb8;
	[tilespmem:$0x16800] =	vst v63  }
0x121: {  	v1 =	vld.msk [tilespmem:s15+$0x120], $0xff;
	_ =	sdelay $0x4  }
0x122: {  	v2 =	vshrl.u32 v1, $0x3  }
0x123: {  	v2 =	vmul.u32 $0x28, v2  }
0x124: {  	v1 =	vand.u32 $0x7, v1  }
0x125: {  	v1 =	vor.u32 v1, v2  }
0x126: {  	v1 =	vperm.xlane v1, v63;
	_ =	sdelay $0x1  }
0x127: {  	v1 =	vadd.s32 v47, v1;
	_ =	sdelay $0x4  }
0x128: {  	[tilespmem:s8], [sflag:$0x1] =	stream.indirect_vreg.gather [hbm4b:s3+s16], $0x80, v1, vm0, $0xb8;
	[tilespmem:$0x16800] =	vst v63  }
0x129: {  	_ = 	snop  }
0x12a: {  	[tilespmem:s31], [sflag:$0x1] =	stream.indirect_vreg.gather [hbm4b:s5+s16], $0x80, v1, vm0, $0xb8;
	[tilespmem:$0x16800] =	vst v63  }
0x12b: {  	[tilespmem:$0x1FFB0] =	vst v62  }
0x12c: {  	v0 =	vadd.f32 v0, v37;
	[tilespmem:s9], [sflag:$0x1] =	stream.indirect_vreg.gather [hbm4b:s6+s16], $0x80, v1, vm1, $0xb8;
	[tilespmem:$0x16800] =	vst v63  }
0x12d: {  	_ =	swait.ge [sflag:s13], $0x6400  }
0x12e: {  	[tilespmem:$0x1FF70] =	vst v0;
	v0 =	vld [tilespmem:$0x1FDC0];
	_ =	sdelay $0x4  }
0x12f: {  	v22 =	vadd.f32 v51, v22;
	v51 =	vadd.f32 v0, v11;
	v0 =	vld [tilespmem:$0x1FDD0];
	_ =	sdelay $0x4  }
0x130: {  	v27 =	vadd.f32 v0, v27;
	v0 =	vld [tilespmem:$0x1FDE0];
	_ =	sdelay $0x3  }
0x131: {  	v2 =	vadd.f32 v45, v41  }
0x132: {  	v45 =	vadd.f32 v52, v35;
	v52 =	vadd.f32 v0, v12;
	v0 =	vld [tilespmem:$0x1FDF0];
	_ =	sdelay $0x4  }
0x133: {  	v28 =	vadd.f32 v0, v28;
	v0 =	vld [tilespmem:$0x1FE00];
	_ =	sdelay $0x4  }
0x134: {  	v23 =	vadd.f32 v53, v23;
	v53 =	vadd.f32 v0, v13;
	v0 =	vld [tilespmem:$0x1FE10];
	_ =	sdelay $0x4  }
0x135: {  	v29 =	vadd.f32 v0, v29;
	v0 =	vld [tilespmem:$0x1FE20];
	_ =	sdelay $0x4  }
0x136: {  	v7 =	vadd.f32 v54, v7;
	v54 =	vadd.f32 v0, v14;
	v0 =	vld [tilespmem:$0x1FE30];
	_ =	sdelay $0x4  }
0x137: {  	v30 =	vadd.f32 v0, v30;
	v0 =	vld [tilespmem:$0x1FE40];
	_ =	sdelay $0x4  }
0x138: {  	v8 =	vadd.f32 v55, v8;
	v55 =	vadd.f32 v0, v15;
	v0 =	vld [tilespmem:$0x1FE50];
	_ =	sdelay $0x4  }
0x139: {  	v31 =	vadd.f32 v0, v31;
	v0 =	vld [tilespmem:$0x1FE60];
	_ =	sdelay $0x4  }
0x13a: {  	v24 =	vadd.f32 v56, v24;
	v56 =	vadd.f32 v0, v16;
	v0 =	vld [tilespmem:$0x1FE70];
	_ =	sdelay $0x4  }
0x13b: {  	v32 =	vadd.f32 v0, v32;
	v0 =	vld [tilespmem:$0x1FE80];
	_ =	sdelay $0x3  }
0x13c: {  	v1 =	vadd.f32 v44, v34;
	v34 =	vadd.f32 v43, v36  }
0x13d: {  	v43 =	vadd.f32 v57, v39;
	v57 =	vadd.f32 v0, v17;
	v0 =	vld [tilespmem:$0x1FE90];
	_ =	sdelay $0x4  }
0x13e: {  	v33 =	vadd.f32 v0, v33;
	v0 =	vld [tilespmem:$0x1FEA0];
	_ =	sdelay $0x4  }
0x13f: {  	v9 =	vadd.f32 v58, v9;
	v58 =	vadd.f32 v0, v18;
	v0 =	vld [tilespmem:$0x1FEB0];
	_ =	sdelay $0x4  }
0x140: {  	v25 =	vadd.f32 v59, v25;
	v59 =	vadd.f32 v0, v19;
	v0 =	vld [tilespmem:$0x1FEC0];
	_ =	sdelay $0x3  }
0x141: {  	v41 =	vadd.f32 v46, v42;
	v42 =	vadd.f32 v50, v38  }
0x142: {  	v50 =	vadd.f32 v60, v10;
	v60 =	vadd.f32 v0, v3;
	v0 =	vld [tilespmem:$0x1FED0];
	_ =	sdelay $0x4  }
0x143: {  	v26 =	vadd.f32 v61, v26;
	v61 =	vadd.f32 v0, v4;
	v0 =	vld [tilespmem:$0x1FEE0];
	_ =	sdelay $0x4  }
0x144: {  	v62 =	vadd.f32 v0, v5;
	v0 =	vld [tilespmem:$0x1FEF0];
	_ =	sdelay $0x4  }
0x145: {  	v36 =	vadd.f32 v0, v20;
	v0 =	vld [tilespmem:$0x1FF00];
	_ =	sdelay $0x4  }
0x146: {  	v44 =	vadd.f32 v0, v6;
	v0 =	vld [tilespmem:$0x1FF10];
	_ =	sdelay $0x2  }
0x147: {  	s20 =	simm.s32 $0x0  }
0x148: {  	s17 =	smul.u32 $0x5000, s20  }
0x149: {  	v0 =	vadd.f32 v0, v21  }
0x14a: {  	s22 =	sand.u32 $0x380, s16;
	s17 =	sshra.s32 s17, $0x2;
	[sflag:s13] =	ssyncset.done $0x0  }
0x14b: {  	s17 =	sor.u32 s22, s17;
	[sflag:s13] =	ssyncadd.s32 $0xFFFF9C00;
	[tilespmem:$0x1FFC0] =	vst v0;
	v0 =	vld [tilespmem:$0x1FF20]  }
0x14c: {  	v46 =	vld [tilespmem:s17+$0xC470]  }
0x14d: {  	v47 =	vld [tilespmem:s17+$0xB400]  }
0x14e: {  	v48 =	vld [tilespmem:s17+$0xB410]  }
0x14f: {  	v63 =	vadd.f32 v49, v40;
	v49 =	vld [tilespmem:s17+$0xB420]  }
0x150: {  	v37 =	vadd.f32 v0, v1;
	v0 =	vld [tilespmem:$0x1FF30]  }
0x151: {  	v11 =	vld [tilespmem:s17+$0xB440]  }
0x152: {  	v13 =	vld [tilespmem:s17+$0xB460]  }
0x153: {  	v10 =	vld [tilespmem:s17+$0xB430]  }
0x154: {  	v15 =	vld [tilespmem:s17+$0xB800]  }
0x155: {  	v38 =	vadd.f32 v0, v2;
	v0 =	vld [tilespmem:$0x1FF40]  }
0x156: {  	v12 =	vld [tilespmem:s17+$0xB450]  }
0x157: {  	v9 =	vadd.f32 v11, v9;
	v11 =	vadd.f32 v13, v50;
	v50 =	vld [tilespmem:s17+$0xC000]  }
0x158: {  	v14 =	vld [tilespmem:s17+$0xB470]  }
0x159: {  	v13 =	vadd.f32 v15, v51;
	v51 =	vld [tilespmem:s17+$0xC010]  }
0x15a: {  	v39 =	vadd.f32 v0, v34;
	v0 =	vld [tilespmem:$0x1FF50]  }
0x15b: {  	v17 =	vld [tilespmem:s17+$0xB820]  }
0x15c: {  	v16 =	vld [tilespmem:s17+$0xB810]  }
0x15d: {  	v19 =	vld [tilespmem:s17+$0xB840]  }
0x15e: {  	v3 =	vld [tilespmem:$0x1FF70]  }
0x15f: {  	v40 =	vadd.f32 v0, v41;
	v0 =	vld [tilespmem:$0x1FF60]  }
0x160: {  	v15 =	vadd.f32 v17, v52;
	v52 =	vld [tilespmem:s17+$0xC020]  }
0x161: {  	v18 =	vld [tilespmem:s17+$0xB830]  }
0x162: {  	v17 =	vadd.f32 v19, v53;
	v53 =	vld [tilespmem:s17+$0xC030]  }
0x163: {  	v4 =	vadd.f32 v46, v22;
	v46 =	vld [tilespmem:s17+$0xBC40]  }
0x164: {  	v41 =	vadd.f32 v0, v3;
	v3 =	vld [tilespmem:$0x1FF90]  }
0x165: {  	v5 =	vadd.f32 v47, v7;
	v47 =	vld [tilespmem:s17+$0xBC50]  }
0x166: {  	v7 =	vadd.f32 v49, v8;
	v49 =	vld [tilespmem:s17+$0xBC70]  }
0x167: {  	v20 =	vld [tilespmem:s17+$0xB850]  }
0x168: {  	v6 =	vadd.f32 v48, v23;
	v48 =	vld [tilespmem:s17+$0xBC60]  }
0x169: {  	v34 =	vadd.f32 v3, v43;
	v3 =	vld [tilespmem:$0x1FFA0]  }
0x16a: {  	v21 =	vld [tilespmem:s17+$0xB860]  }
0x16b: {  	v0 =	vld [tilespmem:$0x1FF80]  }
0x16c: {  	v1 =	vld [tilespmem:s17+$0xB870]  }
0x16d: {  	v8 =	vadd.f32 v10, v24;
	v43 =	vld [tilespmem:s17+$0xBC20]  }
0x16e: {  	v10 =	vadd.f32 v12, v25;
	v35 =	vadd.f32 v3, v63;
	v3 =	vld [tilespmem:$0x1FFB0]  }
0x16f: {  	v12 =	vadd.f32 v14, v26;
	v14 =	vadd.f32 v16, v27;
	v63 =	vld [tilespmem:s17+$0xC040]  }
0x170: {  	v16 =	vadd.f32 v18, v28;
	v42 =	vadd.f32 v0, v42;
	v0 =	vld [tilespmem:s17+$0xBC10]  }
0x171: {  	v25 =	vadd.f32 v46, v57;
	v26 =	vadd.f32 v47, v33;
	v2 =	vld [tilespmem:s17+$0xBC00]  }
0x172: {  	v28 =	vadd.f32 v49, v59;
	v23 =	vadd.f32 v43, v56;
	v56 =	vld [tilespmem:s17+$0xC050]  }
0x173: {  	v18 =	vadd.f32 v20, v29;
	v3 =	vadd.f32 v3, v45;
	v45 =	vld [tilespmem:s17+$0xBC30]  }
0x174: {  	v29 =	vadd.f32 v50, v60;
	v33 =	vadd.f32 v63, v44;
	v63 =	vld [tilespmem:$0x1FFC0]  }
0x175: {  	v27 =	vadd.f32 v48, v58;
	v22 =	vadd.f32 v0, v31;
	v0 =	vld [tilespmem:s17+$0xC060]  }
0x176: {  	v19 =	vadd.f32 v21, v54;
	v21 =	vadd.f32 v2, v55;
	v2 =	vld [tilespmem:s17+$0xC070]  }
0x177: {  	v20 =	vadd.f32 v1, v30;
	v30 =	vadd.f32 v51, v61;
	v1 =	vld [tilespmem:s17+$0xC400]  }
0x178: {  	v31 =	vadd.f32 v52, v62;
	v43 =	vld [tilespmem:s17+$0xC410];
	v24 =	vadd.f32 v45, v32  }
0x179: {  	s18 =	simm.s32 $0x2;
	s19 =	simm.s32 $0x0;
	v44 =	vld [tilespmem:s17+$0xC420];
	v32 =	vadd.f32 v53, v36;
	v36 =	vadd.f32 v56, v63  }
.LBB2_5:
0x17a: {  	p0 =	sne.s32 s18, $0x27;
	s19 =	smul.u32 $0x5000, s19;
	v37 =	vadd.f32 v0, v37;
	v0 =	vld [tilespmem:s17+$0xC430]  }
0x17b: {  	s16 =	sadd.s32 $0x80, s16;
	v38 =	vadd.f32 v2, v38;
	v2 =	vld [tilespmem:s17+$0xC440]  }
0x17c: {  	s20 =	sand.u32 $0x380, s16;
	s19 =	sshra.s32 s19, $0x2;
	v39 =	vadd.f32 v1, v39;
	v1 =	vld [tilespmem:s17+$0xC450]  }
0x17d: {  	v40 =	vadd.f32 v43, v40;
	v43 =	vld [tilespmem:s17+$0xC460];
	s17 =	sor.u32 s20, s19  }
0x17e: {  	v45 =	vld [tilespmem:s17+$0xC470];
	v41 =	vadd.f32 v44, v41  }
0x17f: {  	v44 =	vld [tilespmem:s17+$0xB400];
	v42 =	vadd.f32 v0, v42  }
0x180: {  	v0 =	vld [tilespmem:s17+$0xB410];
	v34 =	vadd.f32 v2, v34  }
0x181: {  	v2 =	vld [tilespmem:s17+$0xB420];
	v35 =	vadd.f32 v1, v35  }
0x182: {  	v1 =	vld [tilespmem:s17+$0xB430];
	v3 =	vadd.f32 v43, v3  }
0x183: {  	v43 =	vld [tilespmem:s17+$0xB440];
	v4 =	vadd.f32 v45, v4  }
0x184: {  	v5 =	vadd.f32 v44, v5;
	v44 =	vld [tilespmem:s17+$0xB450]  }
0x185: {  	v6 =	vadd.f32 v0, v6;
	v0 =	vld [tilespmem:s17+$0xB460]  }
0x186: {  	v7 =	vadd.f32 v2, v7;
	v2 =	vld [tilespmem:s17+$0xB470]  }
0x187: {  	v8 =	vadd.f32 v1, v8;
	v1 =	vld [tilespmem:s17+$0xB800]  }
0x188: {  	v9 =	vadd.f32 v43, v9;
	v43 =	vld [tilespmem:s17+$0xB810]  }
0x189: {  	v10 =	vadd.f32 v44, v10;
	v44 =	vld [tilespmem:s17+$0xB820]  }
0x18a: {  	v11 =	vadd.f32 v0, v11;
	v0 =	vld [tilespmem:s17+$0xB830]  }
0x18b: {  	v12 =	vadd.f32 v2, v12;
	v2 =	vld [tilespmem:s17+$0xB840]  }
0x18c: {  	v13 =	vadd.f32 v1, v13;
	v1 =	vld [tilespmem:s17+$0xB850]  }
0x18d: {  	v14 =	vadd.f32 v43, v14;
	v43 =	vld [tilespmem:s17+$0xB860]  }
0x18e: {  	v15 =	vadd.f32 v44, v15;
	v44 =	vld [tilespmem:s17+$0xB870]  }
0x18f: {  	v16 =	vadd.f32 v0, v16;
	v0 =	vld [tilespmem:s17+$0xBC00]  }
0x190: {  	v17 =	vadd.f32 v2, v17;
	v2 =	vld [tilespmem:s17+$0xBC10]  }
0x191: {  	v18 =	vadd.f32 v1, v18;
	v1 =	vld [tilespmem:s17+$0xBC20]  }
0x192: {  	v19 =	vadd.f32 v43, v19;
	v43 =	vld [tilespmem:s17+$0xBC30]  }
0x193: {  	v20 =	vadd.f32 v44, v20;
	v44 =	vld [tilespmem:s17+$0xBC40]  }
0x194: {  	v21 =	vadd.f32 v0, v21;
	v0 =	vld [tilespmem:s17+$0xBC50]  }
0x195: {  	v22 =	vadd.f32 v2, v22;
	v2 =	vld [tilespmem:s17+$0xBC60]  }
0x196: {  	v23 =	vadd.f32 v1, v23;
	v1 =	vld [tilespmem:s17+$0xBC70]  }
0x197: {  	v24 =	vadd.f32 v43, v24;
	v43 =	vld [tilespmem:s17+$0xC000]  }
0x198: {  	v25 =	vadd.f32 v44, v25;
	v44 =	vld [tilespmem:s17+$0xC010]  }
0x199: {  	v26 =	vadd.f32 v0, v26;
	v45 =	vld [tilespmem:s17+$0xC020]  }
0x19a: {  	v27 =	vadd.f32 v2, v27;
	v46 =	vld [tilespmem:s17+$0xC030]  }
0x19b: {  	v28 =	vadd.f32 v1, v28;
	v47 =	vld [tilespmem:s17+$0xC040]  }
0x19c: {  	v29 =	vadd.f32 v43, v29;
	v48 =	vld [tilespmem:s17+$0xC050]  }
.Ltmp1:
0x19d: {  	v30 =	vadd.f32 v44, v30;
	v0 =	vld [tilespmem:s17+$0xC060];
	(pc) =	sbr.rel @p0 .LBB2_5-.Ltmp1, $4  }
0x19e: {  	v31 =	vadd.f32 v45, v31;
	v2 =	vld [tilespmem:s17+$0xC070]  }
0x19f: {  	v32 =	vadd.f32 v46, v32;
	v1 =	vld [tilespmem:s17+$0xC400]  }
0x1a0: {  	v33 =	vadd.f32 v47, v33;
	v43 =	vld [tilespmem:s17+$0xC410]  }
0x1a1: {  	s19 =	sshrl.u32 s18, $0x3;
	s18 =	sadd.s32 $0x1, s18;
	v36 =	vadd.f32 v48, v36;
	v44 =	vld [tilespmem:s17+$0xC420]  }
0x1a2: {  	s18 =	smul.u32 $0x5000, s19  }
0x1a3: {  	s16 =	sadd.s32 $0x80, s16  }
0x1a4: {  	s16 =	sand.u32 $0x380, s16;
	s18 =	sshra.s32 s18, $0x2  }
0x1a5: {  	s18 =	sor.u32 s16, s18  }
0x1a6: {  	v49 =	vld [tilespmem:s18+$0xB820];
	_ =	sdelay $0x2  }
0x1a7: {  	v48 =	vld [tilespmem:s18+$0xB810]  }
0x1a8: {  	v63 =	vld [tilespmem:s18+$0xB830]  }
0x1a9: {  	[tilespmem:$0x1FBF0] =	vst v49;
	v49 =	vld [tilespmem:s18+$0xB850];
	_ =	sdelay $0x2  }
0x1aa: {  	[tilespmem:$0x1FBE0] =	vst v48;
	v48 =	vld [tilespmem:s18+$0xB840]  }
0x1ab: {  	[tilespmem:$0x1FC00] =	vst v63;
	v63 =	vld [tilespmem:s18+$0xB860]  }
0x1ac: {  	[tilespmem:$0x1FC20] =	vst v49;
	v49 =	vld [tilespmem:s18+$0xBC00];
	_ =	sdelay $0x2  }
0x1ad: {  	[tilespmem:$0x1FC10] =	vst v48;
	v48 =	vld [tilespmem:s18+$0xB870]  }
0x1ae: {  	[tilespmem:$0x1FC30] =	vst v63;
	v63 =	vld [tilespmem:s18+$0xBC10]  }
0x1af: {  	[tilespmem:$0x1FC50] =	vst v49;
	v49 =	vld [tilespmem:s18+$0xBC30];
	_ =	sdelay $0x2  }
0x1b0: {  	[tilespmem:$0x1FC40] =	vst v48;
	v48 =	vld [tilespmem:s18+$0xBC20]  }
0x1b1: {  	[tilespmem:$0x1FC60] =	vst v63;
	v63 =	vld [tilespmem:s18+$0xBC40]  }
0x1b2: {  	[tilespmem:$0x1FC80] =	vst v49;
	v49 =	vld [tilespmem:s18+$0xBC60];
	_ =	sdelay $0x1  }
0x1b3: {  	v45 =	vld [tilespmem:s18+$0xB800]  }
0x1b4: {  	[tilespmem:$0x1FC70] =	vst v48;
	v48 =	vld [tilespmem:s18+$0xBC50]  }
0x1b5: {  	[tilespmem:$0x1FC90] =	vst v63;
	v63 =	vld [tilespmem:s18+$0xBC70]  }
0x1b6: {  	[tilespmem:$0x1FCB0] =	vst v49;
	v49 =	vld [tilespmem:s18+$0xC020];
	_ =	sdelay $0x1  }
0x1b7: {  	[tilespmem:$0x1FBD0] =	vst v45;
	v45 =	vld [tilespmem:s15+$0x180]  }
0x1b8: {  	[tilespmem:$0x1FCA0] =	vst v48;
	v48 =	vld [tilespmem:s18+$0xC010]  }
0x1b9: {  	[tilespmem:$0x1FCC0] =	vst v63;
	v63 =	vld [tilespmem:s18+$0xC030]  }
0x1ba: {  	[tilespmem:$0x1FCF0] =	vst v49;
	v49 =	vld [tilespmem:s18+$0xC050];
	_ =	sdelay $0x1  }
0x1bb: {  	v50 =	vld [tilespmem:s17+$0xC430]  }
0x1bc: {  	v57 =	vld [tilespmem:s17+$0xC440];
	[tilespmem:$0x1FCE0] =	vst v48  }
0x1bd: {  	[tilespmem:$0x1FD00] =	vst v63;
	v48 =	vld [tilespmem:s18+$0xC040]  }
0x1be: {  	v63 =	vshrl.u32 v45, $0x3;
	[tilespmem:$0x1FD20] =	vst v49;
	v49 =	vld [tilespmem:s18+$0xC070]  }
0x1bf: {  	v51 =	vld [tilespmem:s17+$0xC450];
	v63 =	vmul.u32 $0x28, v63  }
0x1c0: {  	v47 =	vld [tilespmem:s18+$0xC410];
	v45 =	vand.u32 $0x7, v45  }
0x1c1: {  	v45 =	vor.u32 v45, v63;
	v63 =	vld [tilespmem:s18+$0xC400]  }
0x1c2: {  	[tilespmem:$0x1FD10] =	vst v48;
	v48 =	vld [tilespmem:s18+$0xC060]  }
0x1c3: {  	[tilespmem:$0x1FD40] =	vst v49;
	v49 =	vld [tilespmem:$0x1FFD0]  }
0x1c4: {  	v46 =	vld [tilespmem:s18+$0xC000]  }
0x1c5: {  	[tilespmem:$0x1FD60] =	vst v47;
	v47 =	vld [tilespmem:$0x1FFE0]  }
0x1c6: {  	[tilespmem:$0x1FD50] =	vst v63;
	v63 =	vld [tilespmem:s18+$0xC430]  }
0x1c7: {  	v52 =	vld [tilespmem:s17+$0xC460]  }
0x1c8: {  	v53 =	vld [tilespmem:s18+$0xC470];
	[tilespmem:$0x1FD30] =	vst v48;
	v48 =	vperm.xlane v45, v49  }
0x1c9: {  	v54 =	vld [tilespmem:s18+$0xB400]  }
0x1ca: {  	[tilespmem:$0x1FCD0] =	vst v46;
	v46 =	vadd.s32 v47, v48;
	v48 =	vld [tilespmem:s18+$0xC420]  }
0x1cb: {  	[tilespmem:$0x1FD80] =	vst v63;
	v63 =	vld [tilespmem:s18+$0xC440]  }
0x1cc: {  	v55 =	vld [tilespmem:s18+$0xB410]  }
0x1cd: {  	v58 =	vld [tilespmem:s18+$0xB420]  }
0x1ce: {  	v56 =	vld [tilespmem:s18+$0xB430]  }
0x1cf: {  	[tilespmem:$0x1FD70] =	vst v48;
	v48 =	vld [tilespmem:$0x1FFF0]  }
0x1d0: {  	[tilespmem:$0x1FD90] =	vst v63;
	v63 =	vld [tilespmem:s18+$0xC450]  }
0x1d1: {  	v60 =	vld [tilespmem:s18+$0xB440]  }
0x1d2: {  	v59 =	vld [tilespmem:s18+$0xB450]  }
0x1d3: {  	v62 =	vld [tilespmem:s18+$0xB460]  }
0x1d4: {  	s20 =	simm.s32 $0xB400;
	s16 =	simm.s32 $0x0;
	v61 =	vld [tilespmem:s18+$0xB470];
	v45 =	vperm.xlane v45, v48  }
0x1d5: {  	[tilespmem:$0x1FDA0] =	vst v63;
	v63 =	vld [tilespmem:s18+$0xC460];
	[tilespmem:s20], [sflag:$0x2] =	stream.indirect_vreg.gather [hbm4b:s3+s16], $0x80, v46, vm0, $0xb8  }
0x1d6: {  	s22 =	simm.s32 $0xBC00;
	v45 =	vadd.s32 v47, v45  }
0x1d7: {  	[tilespmem:s22], [sflag:$0x2] =	stream.indirect_vreg.gather [hbm4b:s5+s16], $0x80, v46, vm0, $0xb8;
	[tilespmem:$0x16800] =	vst v63  }
0x1d8: {  	s18 =	simm.s32 $0xC400  }
0x1d9: {  	[tilespmem:s18], [sflag:$0x2] =	stream.indirect_vreg.gather [hbm4b:s6+s16], $0x80, v46, vm1, $0xb8;
	[tilespmem:$0x16800] =	vst v63  }
0x1da: {  	s19 =	simm.s32 $0xC800  }
0x1db: {  	[tilespmem:s19], [sflag:$0x2] =	stream.indirect_vreg.gather [hbm4b:s3+s16], $0x80, v45, vm0, $0xb8;
	[tilespmem:$0x16800] =	vst v63  }
0x1dc: {  	s20 =	simm.s32 $0xD000  }
0x1dd: {  	[tilespmem:s20], [sflag:$0x2] =	stream.indirect_vreg.gather [hbm4b:s5+s16], $0x80, v45, vm0, $0xb8;
	[tilespmem:$0x16800] =	vst v63  }
0x1de: {  	s22 =	simm.s32 $0xD800  }
0x1df: {  	[tilespmem:s22], [sflag:$0x2] =	stream.indirect_vreg.gather [hbm4b:s6+s16], $0x80, v45, vm1, $0xb8;
	[tilespmem:$0x16800] =	vst v63  }
0x1e0: {  	v45 =	vld [tilespmem:s15+$0x190];
	_ =	sdelay $0x4  }
0x1e1: {  	[tilespmem:$0x1FDB0] =	vst v63;
	v63 =	vshrl.u32 v45, $0x3  }
0x1e2: {  	v46 =	vmul.u32 $0x28, v63  }
0x1e3: {  	v45 =	vand.u32 $0x7, v45  }
0x1e4: {  	v45 =	vor.u32 v45, v46  }
0x1e5: {  	v46 =	vperm.xlane v45, v49;
	_ =	sdelay $0x1  }
0x1e6: {  	v46 =	vadd.s32 v47, v46;
	_ =	sdelay $0x3  }
0x1e7: {  	s18 =	simm.s32 $0xDC00;
	v45 =	vperm.xlane v45, v48  }
0x1e8: {  	[tilespmem:s18], [sflag:$0x2] =	stream.indirect_vreg.gather [hbm4b:s3+s16], $0x80, v46, vm0, $0xb8;
	[tilespmem:$0x16800] =	vst v63  }
0x1e9: {  	s19 =	simm.s32 $0xE400;
	v45 =	vadd.s32 v47, v45  }
0x1ea: {  	[tilespmem:s19], [sflag:$0x2] =	stream.indirect_vreg.gather [hbm4b:s5+s16], $0x80, v46, vm0, $0xb8;
	[tilespmem:$0x16800] =	vst v63  }
0x1eb: {  	s20 =	simm.s32 $0xEC00  }
0x1ec: {  	[tilespmem:s20], [sflag:$0x2] =	stream.indirect_vreg.gather [hbm4b:s6+s16], $0x80, v46, vm1, $0xb8;
	[tilespmem:$0x16800] =	vst v63  }
0x1ed: {  	s22 =	simm.s32 $0xF000  }
0x1ee: {  	[tilespmem:s22], [sflag:$0x2] =	stream.indirect_vreg.gather [hbm4b:s3+s16], $0x80, v45, vm0, $0xb8;
	[tilespmem:$0x16800] =	vst v63  }
0x1ef: {  	s18 =	simm.s32 $0xF800  }
0x1f0: {  	[tilespmem:s18], [sflag:$0x2] =	stream.indirect_vreg.gather [hbm4b:s5+s16], $0x80, v45, vm0, $0xb8;
	[tilespmem:$0x16800] =	vst v63  }
0x1f1: {  	s19 =	simm.s32 $0x10000  }
0x1f2: {  	[tilespmem:s19], [sflag:$0x2] =	stream.indirect_vreg.gather [hbm4b:s6+s16], $0x80, v45, vm1, $0xb8;
	[tilespmem:$0x16800] =	vst v63  }
0x1f3: {  	v45 =	vld.msk [tilespmem:s15+$0x1A0], $0xff;
	_ =	sdelay $0x4  }
0x1f4: {  	v48 =	vshrl.u32 v45, $0x3  }
0x1f5: {  	v46 =	vmul.u32 $0x28, v48  }
0x1f6: {  	v45 =	vand.u32 $0x7, v45  }
0x1f7: {  	v45 =	vor.u32 v45, v46  }
0x1f8: {  	v45 =	vperm.xlane v45, v49;
	_ =	sdelay $0x1  }
0x1f9: {  	v45 =	vadd.s32 v47, v45;
	_ =	sdelay $0x4  }
0x1fa: {  	[tilespmem:s2], [sflag:$0x2] =	stream.indirect_vreg.gather [hbm4b:s3+s16], $0x80, v45, vm0, $0xb8;
	[tilespmem:$0x16800] =	vst v63  }
0x1fb: {  	_ = 	snop  }
0x1fc: {  	[tilespmem:s10], [sflag:$0x2] =	stream.indirect_vreg.gather [hbm4b:s5+s16], $0x80, v45, vm0, $0xb8;
	[tilespmem:$0x16800] =	vst v63  }
0x1fd: {  	_ = 	snop  }
0x1fe: {  	[tilespmem:s11], [sflag:$0x2] =	stream.indirect_vreg.gather [hbm4b:s6+s16], $0x80, v45, vm1, $0xb8;
	[tilespmem:$0x16800] =	vst v63  }
0x1ff: {  	_ =	swait.ge [sflag:s12], $0x6400  }
0x200: {  	v10 =	vadd.f32 v59, v10;
	v59 =	vld [tilespmem:$0x1FBD0]  }
0x201: {  	v9 =	vadd.f32 v60, v9;
	v60 =	vld [tilespmem:$0x1FBE0]  }
0x202: {  	v12 =	vadd.f32 v61, v12;
	v61 =	vld [tilespmem:$0x1FBF0]  }
0x203: {  	v11 =	vadd.f32 v62, v11;
	v62 =	vld [tilespmem:$0x1FC00]  }
0x204: {  	v63 =	vld [tilespmem:$0x1FC10]  }
0x205: {  	v42 =	vadd.f32 v50, v42;
	v50 =	vld [tilespmem:$0x1FC20]  }
0x206: {  	v35 =	vadd.f32 v51, v35;
	v51 =	vld [tilespmem:$0x1FC30]  }
0x207: {  	v3 =	vadd.f32 v52, v3;
	v52 =	vld [tilespmem:$0x1FC40]  }
0x208: {  	v4 =	vadd.f32 v53, v4;
	v53 =	vld [tilespmem:$0x1FC50]  }
0x209: {  	v5 =	vadd.f32 v54, v5;
	s20 =	simm.s32 $0x0;
	v54 =	vld [tilespmem:$0x1FC60]  }
0x20a: {  	v6 =	vadd.f32 v55, v6;
	s17 =	smul.u32 $0x5000, s20;
	v55 =	vld [tilespmem:$0x1FC70]  }
0x20b: {  	v8 =	vadd.f32 v56, v8;
	v56 =	vld [tilespmem:$0x1FC80]  }
0x20c: {  	v34 =	vadd.f32 v57, v34;
	s22 =	sand.u32 $0x380, s16;
	s17 =	sshra.s32 s17, $0x2;
	[sflag:s12] =	ssyncset.done $0x0;
	v57 =	vld [tilespmem:$0x1FC90]  }
0x20d: {  	v7 =	vadd.f32 v58, v7;
	s17 =	sor.u32 s22, s17;
	v58 =	vld [tilespmem:$0x1FCA0];
	[sflag:s12] =	ssyncadd.s32 $0xFFFF9C00  }
0x20e: {  	v40 =	vadd.f32 v43, v40;
	v43 =	vld [tilespmem:s17+$0x6070]  }
0x20f: {  	v41 =	vadd.f32 v44, v41;
	v44 =	vld [tilespmem:s17+$0x5000]  }
0x210: {  	v45 =	vld [tilespmem:s17+$0x5010]  }
0x211: {  	v46 =	vld [tilespmem:s17+$0x5020]  }
0x212: {  	v47 =	vld [tilespmem:s17+$0x5030]  }
0x213: {  	v48 =	vld [tilespmem:s17+$0x5040]  }
0x214: {  	v49 =	vld [tilespmem:s17+$0x5050]  }
0x215: {  	v18 =	vadd.f32 v50, v18;
	v50 =	vld [tilespmem:s17+$0x5060]  }
0x216: {  	v19 =	vadd.f32 v51, v19;
	v51 =	vld [tilespmem:s17+$0x5070]  }
0x217: {  	v20 =	vadd.f32 v52, v20;
	v52 =	vld [tilespmem:s17+$0x5400]  }
0x218: {  	v21 =	vadd.f32 v53, v21;
	v53 =	vld [tilespmem:s17+$0x5410]  }
0x219: {  	v22 =	vadd.f32 v54, v22;
	v54 =	vld [tilespmem:s17+$0x5420]  }
0x21a: {  	v13 =	vadd.f32 v59, v13;
	v59 =	vld [tilespmem:$0x1FCB0]  }
0x21b: {  	v14 =	vadd.f32 v60, v14;
	v60 =	vld [tilespmem:$0x1FCC0]  }
0x21c: {  	v23 =	vadd.f32 v55, v23;
	v55 =	vld [tilespmem:s17+$0x5430]  }
0x21d: {  	v15 =	vadd.f32 v61, v15;
	v61 =	vld [tilespmem:$0x1FCD0]  }
0x21e: {  	v16 =	vadd.f32 v62, v16;
	v62 =	vld [tilespmem:$0x1FCE0]  }
0x21f: {  	v24 =	vadd.f32 v56, v24;
	v56 =	vld [tilespmem:s17+$0x5440]  }
0x220: {  	v17 =	vadd.f32 v63, v17;
	v63 =	vld [tilespmem:$0x1FCF0]  }
0x221: {  	v28 =	vadd.f32 v60, v28;
	v60 =	vld [tilespmem:$0x1FD30]  }
0x222: {  	v25 =	vadd.f32 v57, v25;
	v57 =	vld [tilespmem:$0x1FD00]  }
0x223: {  	v26 =	vadd.f32 v58, v26;
	v58 =	vld [tilespmem:$0x1FD10]  }
0x224: {  	v0 =	vadd.f32 v0, v37;
	v5 =	vadd.f32 v44, v5;
	v44 =	vld [tilespmem:s17+$0x5840]  }
0x225: {  	v6 =	vadd.f32 v45, v6;
	v45 =	vld [tilespmem:s17+$0x5850]  }
0x226: {  	v37 =	vadd.f32 v60, v0;
	v0 =	vld [tilespmem:$0x1FD40]  }
0x227: {  	v7 =	vadd.f32 v46, v7;
	v46 =	vld [tilespmem:s17+$0x5860]  }
0x228: {  	v8 =	vadd.f32 v47, v8;
	v47 =	vld [tilespmem:s17+$0x5870]  }
0x229: {  	v2 =	vadd.f32 v2, v38;
	v9 =	vadd.f32 v48, v9;
	v48 =	vld [tilespmem:s17+$0x5C00]  }
0x22a: {  	v10 =	vadd.f32 v49, v10;
	v49 =	vld [tilespmem:s17+$0x5C10]  }
0x22b: {  	v38 =	vadd.f32 v0, v2;
	v2 =	vld [tilespmem:$0x1FD50]  }
0x22c: {  	v32 =	vadd.f32 v57, v32;
	v57 =	vld [tilespmem:s17+$0x5450]  }
0x22d: {  	v27 =	vadd.f32 v59, v27;
	v59 =	vld [tilespmem:$0x1FD20]  }
0x22e: {  	v1 =	vadd.f32 v1, v39;
	v33 =	vadd.f32 v58, v33;
	v58 =	vld [tilespmem:s17+$0x5460]  }
0x22f: {  	v29 =	vadd.f32 v61, v29;
	v61 =	vld [tilespmem:$0x1FD90]  }
0x230: {  	v39 =	vadd.f32 v2, v1;
	v2 =	vld [tilespmem:$0x1FD70]  }
0x231: {  	v30 =	vadd.f32 v62, v30;
	v62 =	vld [tilespmem:$0x1FDA0]  }
0x232: {  	v31 =	vadd.f32 v63, v31;
	v63 =	vld [tilespmem:s17+$0x5830]  }
0x233: {  	v4 =	vadd.f32 v43, v4;
	v36 =	vadd.f32 v59, v36;
	v59 =	vld [tilespmem:s17+$0x5820]  }
0x234: {  	v11 =	vadd.f32 v50, v11;
	v12 =	vadd.f32 v51, v12;
	v60 =	vld [tilespmem:$0x1FDB0]  }
0x235: {  	v13 =	vadd.f32 v52, v13;
	v41 =	vadd.f32 v2, v41;
	v2 =	vld [tilespmem:$0x1FD80]  }
0x236: {  	v14 =	vadd.f32 v53, v14;
	v15 =	vadd.f32 v54, v15;
	v1 =	vld [tilespmem:$0x1FD60]  }
0x237: {  	v16 =	vadd.f32 v55, v16;
	v34 =	vadd.f32 v61, v34;
	v61 =	vld [tilespmem:s17+$0x5C30]  }
0x238: {  	v17 =	vadd.f32 v56, v17;
	v35 =	vadd.f32 v62, v35;
	v62 =	vld [tilespmem:s17+$0x5C40]  }
0x239: {  	v25 =	vadd.f32 v44, v25;
	v26 =	vadd.f32 v45, v26;
	v0 =	vld [tilespmem:s17+$0x5470]  }
0x23a: {  	v27 =	vadd.f32 v46, v27;
	v42 =	vadd.f32 v2, v42;
	v2 =	vld [tilespmem:s17+$0x5810]  }
0x23b: {  	v28 =	vadd.f32 v47, v28;
	v40 =	vadd.f32 v1, v40;
	v1 =	vld [tilespmem:s17+$0x5800]  }
0x23c: {  	v29 =	vadd.f32 v48, v29;
	v24 =	vadd.f32 v63, v24;
	v63 =	vld [tilespmem:s17+$0x5C50]  }
0x23d: {  	v30 =	vadd.f32 v49, v30;
	v3 =	vadd.f32 v60, v3;
	v60 =	vld [tilespmem:s17+$0x5C20]  }
0x23e: {  	v18 =	vadd.f32 v57, v18;
	v20 =	vadd.f32 v0, v20;
	v0 =	vld [tilespmem:s17+$0x5C60]  }
0x23f: {  	v19 =	vadd.f32 v58, v19;
	v22 =	vadd.f32 v2, v22;
	v2 =	vld [tilespmem:s17+$0x5C70]  }
0x240: {  	v23 =	vadd.f32 v59, v23;
	v21 =	vadd.f32 v1, v21;
	v1 =	vld [tilespmem:s17+$0x6000]  }
0x241: {  	v43 =	vld [tilespmem:s17+$0x6010];
	v32 =	vadd.f32 v61, v32;
	v33 =	vadd.f32 v62, v33  }
0x242: {  	s18 =	simm.s32 $0x2;
	s19 =	simm.s32 $0x0;
	v44 =	vld [tilespmem:s17+$0x6020];
	v36 =	vadd.f32 v63, v36;
	v31 =	vadd.f32 v60, v31  }
.LBB2_7:
0x243: {  	p0 =	sne.s32 s18, $0x27;
	s19 =	smul.u32 $0x5000, s19;
	v37 =	vadd.f32 v0, v37;
	v0 =	vld [tilespmem:s17+$0x6030]  }
0x244: {  	s16 =	sadd.s32 $0x80, s16;
	v38 =	vadd.f32 v2, v38;
	v2 =	vld [tilespmem:s17+$0x6040]  }
0x245: {  	s20 =	sand.u32 $0x380, s16;
	s19 =	sshra.s32 s19, $0x2;
	v39 =	vadd.f32 v1, v39;
	v1 =	vld [tilespmem:s17+$0x6050]  }
0x246: {  	v40 =	vadd.f32 v43, v40;
	v43 =	vld [tilespmem:s17+$0x6060];
	s17 =	sor.u32 s20, s19  }
0x247: {  	v45 =	vld [tilespmem:s17+$0x6070];
	v41 =	vadd.f32 v44, v41  }
0x248: {  	v44 =	vld [tilespmem:s17+$0x5000];
	v42 =	vadd.f32 v0, v42  }
0x249: {  	v0 =	vld [tilespmem:s17+$0x5010];
	v34 =	vadd.f32 v2, v34  }
0x24a: {  	v2 =	vld [tilespmem:s17+$0x5020];
	v35 =	vadd.f32 v1, v35  }
0x24b: {  	v1 =	vld [tilespmem:s17+$0x5030];
	v3 =	vadd.f32 v43, v3  }
0x24c: {  	v43 =	vld [tilespmem:s17+$0x5040];
	v4 =	vadd.f32 v45, v4  }
0x24d: {  	v5 =	vadd.f32 v44, v5;
	v44 =	vld [tilespmem:s17+$0x5050]  }
0x24e: {  	v6 =	vadd.f32 v0, v6;
	v0 =	vld [tilespmem:s17+$0x5060]  }
0x24f: {  	v7 =	vadd.f32 v2, v7;
	v2 =	vld [tilespmem:s17+$0x5070]  }
0x250: {  	v8 =	vadd.f32 v1, v8;
	v1 =	vld [tilespmem:s17+$0x5400]  }
0x251: {  	v9 =	vadd.f32 v43, v9;
	v43 =	vld [tilespmem:s17+$0x5410]  }
0x252: {  	v10 =	vadd.f32 v44, v10;
	v44 =	vld [tilespmem:s17+$0x5420]  }
0x253: {  	v11 =	vadd.f32 v0, v11;
	v0 =	vld [tilespmem:s17+$0x5430]  }
0x254: {  	v12 =	vadd.f32 v2, v12;
	v2 =	vld [tilespmem:s17+$0x5440]  }
0x255: {  	v13 =	vadd.f32 v1, v13;
	v1 =	vld [tilespmem:s17+$0x5450]  }
0x256: {  	v14 =	vadd.f32 v43, v14;
	v43 =	vld [tilespmem:s17+$0x5460]  }
0x257: {  	v15 =	vadd.f32 v44, v15;
	v44 =	vld [tilespmem:s17+$0x5470]  }
0x258: {  	v16 =	vadd.f32 v0, v16;
	v0 =	vld [tilespmem:s17+$0x5800]  }
0x259: {  	v17 =	vadd.f32 v2, v17;
	v2 =	vld [tilespmem:s17+$0x5810]  }
0x25a: {  	v18 =	vadd.f32 v1, v18;
	v1 =	vld [tilespmem:s17+$0x5820]  }
0x25b: {  	v19 =	vadd.f32 v43, v19;
	v43 =	vld [tilespmem:s17+$0x5830]  }
0x25c: {  	v20 =	vadd.f32 v44, v20;
	v44 =	vld [tilespmem:s17+$0x5840]  }
0x25d: {  	v21 =	vadd.f32 v0, v21;
	v0 =	vld [tilespmem:s17+$0x5850]  }
0x25e: {  	v22 =	vadd.f32 v2, v22;
	v2 =	vld [tilespmem:s17+$0x5860]  }
0x25f: {  	v23 =	vadd.f32 v1, v23;
	v1 =	vld [tilespmem:s17+$0x5870]  }
0x260: {  	v24 =	vadd.f32 v43, v24;
	v43 =	vld [tilespmem:s17+$0x5C00]  }
0x261: {  	v25 =	vadd.f32 v44, v25;
	v44 =	vld [tilespmem:s17+$0x5C10]  }
0x262: {  	v26 =	vadd.f32 v0, v26;
	v45 =	vld [tilespmem:s17+$0x5C20]  }
0x263: {  	v27 =	vadd.f32 v2, v27;
	v46 =	vld [tilespmem:s17+$0x5C30]  }
0x264: {  	v28 =	vadd.f32 v1, v28;
	v47 =	vld [tilespmem:s17+$0x5C40]  }
0x265: {  	v29 =	vadd.f32 v43, v29;
	v48 =	vld [tilespmem:s17+$0x5C50]  }
.Ltmp2:
0x266: {  	v30 =	vadd.f32 v44, v30;
	v0 =	vld [tilespmem:s17+$0x5C60];
	(pc) =	sbr.rel @p0 .LBB2_7-.Ltmp2, $4  }
0x267: {  	v31 =	vadd.f32 v45, v31;
	v2 =	vld [tilespmem:s17+$0x5C70]  }
0x268: {  	v32 =	vadd.f32 v46, v32;
	v1 =	vld [tilespmem:s17+$0x6000]  }
0x269: {  	v33 =	vadd.f32 v47, v33;
	v43 =	vld [tilespmem:s17+$0x6010]  }
0x26a: {  	s19 =	sshrl.u32 s18, $0x3;
	s18 =	sadd.s32 $0x1, s18;
	v36 =	vadd.f32 v48, v36;
	v44 =	vld [tilespmem:s17+$0x6020]  }
0x26b: {  	s18 =	smul.u32 $0x5000, s19  }
0x26c: {  	s16 =	sadd.s32 $0x80, s16  }
0x26d: {  	s16 =	sand.u32 $0x380, s16;
	s18 =	sshra.s32 s18, $0x2  }
0x26e: {  	s18 =	sor.u32 s16, s18  }
0x26f: {  	v49 =	vld [tilespmem:s18+$0x5420];
	_ =	sdelay $0x2  }
0x270: {  	v48 =	vld [tilespmem:s18+$0x5410]  }
0x271: {  	v63 =	vld [tilespmem:s18+$0x5430]  }
0x272: {  	[tilespmem:$0x1FA00] =	vst v49;
	v49 =	vld [tilespmem:s18+$0x5450];
	_ =	sdelay $0x2  }
0x273: {  	[tilespmem:$0x1F9F0] =	vst v48;
	v48 =	vld [tilespmem:s18+$0x5440]  }
0x274: {  	[tilespmem:$0x1FA10] =	vst v63;
	v63 =	vld [tilespmem:s18+$0x5460]  }
0x275: {  	[tilespmem:$0x1FA30] =	vst v49;
	v49 =	vld [tilespmem:s18+$0x5800];
	_ =	sdelay $0x2  }
0x276: {  	[tilespmem:$0x1FA20] =	vst v48;
	v48 =	vld [tilespmem:s18+$0x5470]  }
0x277: {  	[tilespmem:$0x1FA40] =	vst v63;
	v63 =	vld [tilespmem:s18+$0x5810]  }
0x278: {  	[tilespmem:$0x1FA60] =	vst v49;
	v49 =	vld [tilespmem:s18+$0x5830];
	_ =	sdelay $0x2  }
0x279: {  	[tilespmem:$0x1FA50] =	vst v48;
	v48 =	vld [tilespmem:s18+$0x5820]  }
0x27a: {  	[tilespmem:$0x1FA70] =	vst v63;
	v63 =	vld [tilespmem:s18+$0x5840]  }
0x27b: {  	[tilespmem:$0x1FA90] =	vst v49;
	v49 =	vld [tilespmem:s18+$0x5860];
	_ =	sdelay $0x1  }
0x27c: {  	v45 =	vld [tilespmem:s18+$0x5400]  }
0x27d: {  	[tilespmem:$0x1FA80] =	vst v48;
	v48 =	vld [tilespmem:s18+$0x5850]  }
0x27e: {  	[tilespmem:$0x1FAA0] =	vst v63;
	v63 =	vld [tilespmem:s18+$0x5870]  }
0x27f: {  	[tilespmem:$0x1FAC0] =	vst v49;
	v49 =	vld [tilespmem:s18+$0x5C20];
	_ =	sdelay $0x1  }
0x280: {  	[tilespmem:$0x1F9E0] =	vst v45;
	v45 =	vld [tilespmem:s15+$0x200]  }
0x281: {  	[tilespmem:$0x1FAB0] =	vst v48;
	v48 =	vld [tilespmem:s18+$0x5C10]  }
0x282: {  	[tilespmem:$0x1FAD0] =	vst v63;
	v63 =	vld [tilespmem:s18+$0x5C30]  }
0x283: {  	[tilespmem:$0x1FB00] =	vst v49;
	v49 =	vld [tilespmem:s18+$0x5C50];
	_ =	sdelay $0x1  }
0x284: {  	v50 =	vld [tilespmem:s17+$0x6030]  }
0x285: {  	v57 =	vld [tilespmem:s17+$0x6040];
	[tilespmem:$0x1FAF0] =	vst v48  }
0x286: {  	[tilespmem:$0x1FB10] =	vst v63;
	v48 =	vld [tilespmem:s18+$0x5C40]  }
0x287: {  	v63 =	vshrl.u32 v45, $0x3;
	[tilespmem:$0x1FB30] =	vst v49;
	v49 =	vld [tilespmem:s18+$0x5C70]  }
0x288: {  	v51 =	vld [tilespmem:s17+$0x6050];
	v63 =	vmul.u32 $0x28, v63  }
0x289: {  	v47 =	vld [tilespmem:s18+$0x6010];
	v45 =	vand.u32 $0x7, v45  }
0x28a: {  	v45 =	vor.u32 v45, v63;
	v63 =	vld [tilespmem:s18+$0x6000]  }
0x28b: {  	[tilespmem:$0x1FB20] =	vst v48;
	v48 =	vld [tilespmem:s18+$0x5C60]  }
0x28c: {  	[tilespmem:$0x1FB50] =	vst v49;
	v49 =	vld [tilespmem:$0x1FFD0]  }
0x28d: {  	v46 =	vld [tilespmem:s18+$0x5C00]  }
0x28e: {  	[tilespmem:$0x1FB70] =	vst v47;
	v47 =	vld [tilespmem:$0x1FFE0]  }
0x28f: {  	[tilespmem:$0x1FB60] =	vst v63;
	v63 =	vld [tilespmem:s18+$0x6030]  }
0x290: {  	v52 =	vld [tilespmem:s17+$0x6060]  }
0x291: {  	v53 =	vld [tilespmem:s18+$0x6070];
	[tilespmem:$0x1FB40] =	vst v48;
	v48 =	vperm.xlane v45, v49  }
0x292: {  	v54 =	vld [tilespmem:s18+$0x5000]  }
0x293: {  	[tilespmem:$0x1FAE0] =	vst v46;
	v46 =	vadd.s32 v47, v48;
	v48 =	vld [tilespmem:s18+$0x6020]  }
0x294: {  	[tilespmem:$0x1FB90] =	vst v63;
	v63 =	vld [tilespmem:s18+$0x6040]  }
0x295: {  	v55 =	vld [tilespmem:s18+$0x5010]  }
0x296: {  	v58 =	vld [tilespmem:s18+$0x5020]  }
0x297: {  	v56 =	vld [tilespmem:s18+$0x5030]  }
0x298: {  	[tilespmem:$0x1FB80] =	vst v48;
	v48 =	vld [tilespmem:$0x1FFF0]  }
0x299: {  	[tilespmem:$0x1FBA0] =	vst v63;
	v63 =	vld [tilespmem:s18+$0x6050]  }
0x29a: {  	v60 =	vld [tilespmem:s18+$0x5040]  }
0x29b: {  	v59 =	vld [tilespmem:s18+$0x5050]  }
0x29c: {  	v62 =	vld [tilespmem:s18+$0x5060]  }
0x29d: {  	s16 =	simm.s32 $0x0;
	v61 =	vld [tilespmem:s18+$0x5070];
	v45 =	vperm.xlane v45, v48  }
0x29e: {  	[tilespmem:$0x1FBB0] =	vst v63;
	v63 =	vld [tilespmem:s18+$0x6060];
	[tilespmem:s21], [sflag:$0x1] =	stream.indirect_vreg.gather [hbm4b:s3+s16], $0x80, v46, vm0, $0xb8  }
0x29f: {  	v45 =	vadd.s32 v47, v45  }
0x2a0: {  	[tilespmem:s23], [sflag:$0x1] =	stream.indirect_vreg.gather [hbm4b:s5+s16], $0x80, v46, vm0, $0xb8;
	[tilespmem:$0x16800] =	vst v63  }
0x2a1: {  	_ = 	snop  }
0x2a2: {  	[tilespmem:s24], [sflag:$0x1] =	stream.indirect_vreg.gather [hbm4b:s6+s16], $0x80, v46, vm1, $0xb8;
	[tilespmem:$0x16800] =	vst v63  }
0x2a3: {  	_ = 	snop  }
0x2a4: {  	[tilespmem:s25], [sflag:$0x1] =	stream.indirect_vreg.gather [hbm4b:s3+s16], $0x80, v45, vm0, $0xb8;
	[tilespmem:$0x16800] =	vst v63  }
0x2a5: {  	_ = 	snop  }
0x2a6: {  	[tilespmem:s26], [sflag:$0x1] =	stream.indirect_vreg.gather [hbm4b:s5+s16], $0x80, v45, vm0, $0xb8;
	[tilespmem:$0x16800] =	vst v63  }
0x2a7: {  	_ = 	snop  }
0x2a8: {  	[tilespmem:s0], [sflag:$0x1] =	stream.indirect_vreg.gather [hbm4b:s6+s16], $0x80, v45, vm1, $0xb8;
	[tilespmem:$0x16800] =	vst v63  }
0x2a9: {  	v45 =	vld [tilespmem:s15+$0x210];
	_ =	sdelay $0x4  }
0x2aa: {  	[tilespmem:$0x1FBC0] =	vst v63;
	v63 =	vshrl.u32 v45, $0x3  }
0x2ab: {  	v46 =	vmul.u32 $0x28, v63  }
0x2ac: {  	v45 =	vand.u32 $0x7, v45  }
0x2ad: {  	v45 =	vor.u32 v45, v46  }
0x2ae: {  	v46 =	vperm.xlane v45, v49;
	_ =	sdelay $0x1  }
0x2af: {  	v46 =	vadd.s32 v47, v46;
	_ =	sdelay $0x3  }
0x2b0: {  	v45 =	vperm.xlane v45, v48  }
0x2b1: {  	[tilespmem:s1], [sflag:$0x1] =	stream.indirect_vreg.gather [hbm4b:s3+s16], $0x80, v46, vm0, $0xb8;
	[tilespmem:$0x16800] =	vst v63  }
0x2b2: {  	v45 =	vadd.s32 v47, v45  }
0x2b3: {  	[tilespmem:s28], [sflag:$0x1] =	stream.indirect_vreg.gather [hbm4b:s5+s16], $0x80, v46, vm0, $0xb8;
	[tilespmem:$0x16800] =	vst v63  }
0x2b4: {  	_ = 	snop  }
0x2b5: {  	[tilespmem:s4], [sflag:$0x1] =	stream.indirect_vreg.gather [hbm4b:s6+s16], $0x80, v46, vm1, $0xb8;
	[tilespmem:$0x16800] =	vst v63  }
0x2b6: {  	_ = 	snop  }
0x2b7: {  	[tilespmem:s29], [sflag:$0x1] =	stream.indirect_vreg.gather [hbm4b:s3+s16], $0x80, v45, vm0, $0xb8;
	[tilespmem:$0x16800] =	vst v63  }
0x2b8: {  	_ = 	snop  }
0x2b9: {  	[tilespmem:s7], [sflag:$0x1] =	stream.indirect_vreg.gather [hbm4b:s5+s16], $0x80, v45, vm0, $0xb8;
	[tilespmem:$0x16800] =	vst v63  }
0x2ba: {  	_ = 	snop  }
0x2bb: {  	[tilespmem:s30], [sflag:$0x1] =	stream.indirect_vreg.gather [hbm4b:s6+s16], $0x80, v45, vm1, $0xb8;
	[tilespmem:$0x16800] =	vst v63  }
0x2bc: {  	v45 =	vld.msk [tilespmem:s15+$0x220], $0xff;
	_ =	sdelay $0x4  }
0x2bd: {  	v48 =	vshrl.u32 v45, $0x3  }
0x2be: {  	v46 =	vmul.u32 $0x28, v48  }
0x2bf: {  	v45 =	vand.u32 $0x7, v45  }
0x2c0: {  	v45 =	vor.u32 v45, v46  }
0x2c1: {  	v45 =	vperm.xlane v45, v49;
	_ =	sdelay $0x1  }
0x2c2: {  	v45 =	vadd.s32 v47, v45;
	_ =	sdelay $0x4  }
0x2c3: {  	[tilespmem:s8], [sflag:$0x1] =	stream.indirect_vreg.gather [hbm4b:s3+s16], $0x80, v45, vm0, $0xb8;
	[tilespmem:$0x16800] =	vst v63  }
0x2c4: {  	_ = 	snop  }
0x2c5: {  	[tilespmem:s31], [sflag:$0x1] =	stream.indirect_vreg.gather [hbm4b:s5+s16], $0x80, v45, vm0, $0xb8;
	[tilespmem:$0x16800] =	vst v63  }
0x2c6: {  	_ = 	snop  }
0x2c7: {  	[tilespmem:s9], [sflag:$0x1] =	stream.indirect_vreg.gather [hbm4b:s6+s16], $0x80, v45, vm1, $0xb8;
	[tilespmem:$0x16800] =	vst v63  }
0x2c8: {  	_ =	swait.ge [sflag:s13], $0x6400  }
0x2c9: {  	v10 =	vadd.f32 v59, v10;
	v59 =	vld [tilespmem:$0x1F9E0]  }
0x2ca: {  	v9 =	vadd.f32 v60, v9;
	v60 =	vld [tilespmem:$0x1F9F0]  }
0x2cb: {  	v12 =	vadd.f32 v61, v12;
	v61 =	vld [tilespmem:$0x1FA00]  }
0x2cc: {  	v11 =	vadd.f32 v62, v11;
	v62 =	vld [tilespmem:$0x1FA10]  }
0x2cd: {  	v63 =	vld [tilespmem:$0x1FA20]  }
0x2ce: {  	v42 =	vadd.f32 v50, v42;
	v50 =	vld [tilespmem:$0x1FA30]  }
0x2cf: {  	v35 =	vadd.f32 v51, v35;
	v51 =	vld [tilespmem:$0x1FA40]  }
0x2d0: {  	v3 =	vadd.f32 v52, v3;
	v52 =	vld [tilespmem:$0x1FA50]  }
0x2d1: {  	v4 =	vadd.f32 v53, v4;
	v53 =	vld [tilespmem:$0x1FA60]  }
0x2d2: {  	v5 =	vadd.f32 v54, v5;
	s30 =	simm.s32 $0x0;
	v54 =	vld [tilespmem:$0x1FA70]  }
0x2d3: {  	v6 =	vadd.f32 v55, v6;
	s17 =	smul.u32 $0x5000, s30;
	v55 =	vld [tilespmem:$0x1FA80]  }
0x2d4: {  	v8 =	vadd.f32 v56, v8;
	v56 =	vld [tilespmem:$0x1FA90]  }
0x2d5: {  	v34 =	vadd.f32 v57, v34;
	s17 =	sshra.s32 s17, $0x2;
	s31 =	sand.u32 $0x380, s16;
	[sflag:s13] =	ssyncset.done $0x0;
	v57 =	vld [tilespmem:$0x1FAA0]  }
0x2d6: {  	v7 =	vadd.f32 v58, v7;
	s17 =	sor.u32 s31, s17;
	v58 =	vld [tilespmem:$0x1FAB0];
	[sflag:s13] =	ssyncadd.s32 $0xFFFF9C00  }
0x2d7: {  	v40 =	vadd.f32 v43, v40;
	v43 =	vld [tilespmem:s17+$0xC470]  }
0x2d8: {  	v41 =	vadd.f32 v44, v41;
	v44 =	vld [tilespmem:s17+$0xB400]  }
0x2d9: {  	v45 =	vld [tilespmem:s17+$0xB410]  }
0x2da: {  	v46 =	vld [tilespmem:s17+$0xB420]  }
0x2db: {  	v47 =	vld [tilespmem:s17+$0xB430]  }
0x2dc: {  	v48 =	vld [tilespmem:s17+$0xB440]  }
0x2dd: {  	v49 =	vld [tilespmem:s17+$0xB450]  }
0x2de: {  	v18 =	vadd.f32 v50, v18;
	v50 =	vld [tilespmem:s17+$0xB460]  }
0x2df: {  	v19 =	vadd.f32 v51, v19;
	v51 =	vld [tilespmem:s17+$0xB470]  }
0x2e0: {  	v20 =	vadd.f32 v52, v20;
	v52 =	vld [tilespmem:s17+$0xB800]  }
0x2e1: {  	v21 =	vadd.f32 v53, v21;
	v53 =	vld [tilespmem:s17+$0xB810]  }
0x2e2: {  	v22 =	vadd.f32 v54, v22;
	v54 =	vld [tilespmem:s17+$0xB820]  }
0x2e3: {  	v13 =	vadd.f32 v59, v13;
	v59 =	vld [tilespmem:$0x1FAC0]  }
0x2e4: {  	v14 =	vadd.f32 v60, v14;
	v60 =	vld [tilespmem:$0x1FAD0]  }
0x2e5: {  	v23 =	vadd.f32 v55, v23;
	v55 =	vld [tilespmem:s17+$0xB830]  }
0x2e6: {  	v15 =	vadd.f32 v61, v15;
	v61 =	vld [tilespmem:$0x1FAE0]  }
0x2e7: {  	v16 =	vadd.f32 v62, v16;
	v62 =	vld [tilespmem:$0x1FAF0]  }
0x2e8: {  	v24 =	vadd.f32 v56, v24;
	v56 =	vld [tilespmem:s17+$0xB840]  }
0x2e9: {  	v17 =	vadd.f32 v63, v17;
	v63 =	vld [tilespmem:$0x1FB00]  }
0x2ea: {  	v28 =	vadd.f32 v60, v28;
	v60 =	vld [tilespmem:$0x1FB40]  }
0x2eb: {  	v25 =	vadd.f32 v57, v25;
	v57 =	vld [tilespmem:$0x1FB10]  }
0x2ec: {  	v26 =	vadd.f32 v58, v26;
	v58 =	vld [tilespmem:$0x1FB20]  }
0x2ed: {  	v0 =	vadd.f32 v0, v37;
	v5 =	vadd.f32 v44, v5;
	v44 =	vld [tilespmem:s17+$0xBC40]  }
0x2ee: {  	v6 =	vadd.f32 v45, v6;
	v45 =	vld [tilespmem:s17+$0xBC50]  }
0x2ef: {  	v37 =	vadd.f32 v60, v0;
	v0 =	vld [tilespmem:$0x1FB50]  }
0x2f0: {  	v7 =	vadd.f32 v46, v7;
	v46 =	vld [tilespmem:s17+$0xBC60]  }
0x2f1: {  	v8 =	vadd.f32 v47, v8;
	v47 =	vld [tilespmem:s17+$0xBC70]  }
0x2f2: {  	v2 =	vadd.f32 v2, v38;
	v9 =	vadd.f32 v48, v9;
	v48 =	vld [tilespmem:s17+$0xC000]  }
0x2f3: {  	v10 =	vadd.f32 v49, v10;
	v49 =	vld [tilespmem:s17+$0xC010]  }
0x2f4: {  	v38 =	vadd.f32 v0, v2;
	v2 =	vld [tilespmem:$0x1FB60]  }
0x2f5: {  	v32 =	vadd.f32 v57, v32;
	v57 =	vld [tilespmem:s17+$0xB850]  }
0x2f6: {  	v27 =	vadd.f32 v59, v27;
	v59 =	vld [tilespmem:$0x1FB30]  }
0x2f7: {  	v1 =	vadd.f32 v1, v39;
	v33 =	vadd.f32 v58, v33;
	v58 =	vld [tilespmem:s17+$0xB860]  }
0x2f8: {  	v29 =	vadd.f32 v61, v29;
	v61 =	vld [tilespmem:$0x1FBA0]  }
0x2f9: {  	v39 =	vadd.f32 v2, v1;
	v2 =	vld [tilespmem:$0x1FB80]  }
0x2fa: {  	v30 =	vadd.f32 v62, v30;
	v62 =	vld [tilespmem:$0x1FBB0]  }
0x2fb: {  	v31 =	vadd.f32 v63, v31;
	v63 =	vld [tilespmem:s17+$0xBC30]  }
0x2fc: {  	v4 =	vadd.f32 v43, v4;
	v36 =	vadd.f32 v59, v36;
	v59 =	vld [tilespmem:s17+$0xBC20]  }
0x2fd: {  	v11 =	vadd.f32 v50, v11;
	v12 =	vadd.f32 v51, v12;
	v60 =	vld [tilespmem:$0x1FBC0]  }
0x2fe: {  	v13 =	vadd.f32 v52, v13;
	v41 =	vadd.f32 v2, v41;
	v2 =	vld [tilespmem:$0x1FB90]  }
0x2ff: {  	v14 =	vadd.f32 v53, v14;
	v15 =	vadd.f32 v54, v15;
	v1 =	vld [tilespmem:$0x1FB70]  }
0x300: {  	v16 =	vadd.f32 v55, v16;
	v34 =	vadd.f32 v61, v34;
	v61 =	vld [tilespmem:s17+$0xC030]  }
0x301: {  	v17 =	vadd.f32 v56, v17;
	v35 =	vadd.f32 v62, v35;
	v62 =	vld [tilespmem:s17+$0xC040]  }
0x302: {  	v25 =	vadd.f32 v44, v25;
	v26 =	vadd.f32 v45, v26;
	v0 =	vld [tilespmem:s17+$0xB870]  }
0x303: {  	v27 =	vadd.f32 v46, v27;
	v42 =	vadd.f32 v2, v42;
	v2 =	vld [tilespmem:s17+$0xBC10]  }
0x304: {  	v28 =	vadd.f32 v47, v28;
	v40 =	vadd.f32 v1, v40;
	v1 =	vld [tilespmem:s17+$0xBC00]  }
0x305: {  	v29 =	vadd.f32 v48, v29;
	v24 =	vadd.f32 v63, v24;
	v63 =	vld [tilespmem:s17+$0xC050]  }
0x306: {  	v30 =	vadd.f32 v49, v30;
	v3 =	vadd.f32 v60, v3;
	v60 =	vld [tilespmem:s17+$0xC020]  }
0x307: {  	v18 =	vadd.f32 v57, v18;
	v20 =	vadd.f32 v0, v20;
	v0 =	vld [tilespmem:s17+$0xC060]  }
0x308: {  	v19 =	vadd.f32 v58, v19;
	v22 =	vadd.f32 v2, v22;
	v2 =	vld [tilespmem:s17+$0xC070]  }
0x309: {  	v23 =	vadd.f32 v59, v23;
	v21 =	vadd.f32 v1, v21;
	v1 =	vld [tilespmem:s17+$0xC400]  }
0x30a: {  	v43 =	vld [tilespmem:s17+$0xC410];
	v32 =	vadd.f32 v61, v32;
	v33 =	vadd.f32 v62, v33  }
0x30b: {  	s19 =	simm.s32 $0x0;
	s18 =	simm.s32 $0x2;
	v44 =	vld [tilespmem:s17+$0xC420];
	v36 =	vadd.f32 v63, v36;
	v31 =	vadd.f32 v60, v31  }
.LBB2_9:
0x30c: {  	p0 =	sne.s32 s18, $0x27;
	s19 =	smul.u32 $0x5000, s19;
	v37 =	vadd.f32 v0, v37;
	v0 =	vld [tilespmem:s17+$0xC430]  }
0x30d: {  	s16 =	sadd.s32 $0x80, s16;
	v38 =	vadd.f32 v2, v38;
	v2 =	vld [tilespmem:s17+$0xC440]  }
0x30e: {  	s20 =	sand.u32 $0x380, s16;
	s19 =	sshra.s32 s19, $0x2;
	v39 =	vadd.f32 v1, v39;
	v1 =	vld [tilespmem:s17+$0xC450]  }
0x30f: {  	v40 =	vadd.f32 v43, v40;
	v43 =	vld [tilespmem:s17+$0xC460];
	s17 =	sor.u32 s20, s19  }
0x310: {  	v45 =	vld [tilespmem:s17+$0xC470];
	v41 =	vadd.f32 v44, v41  }
0x311: {  	v44 =	vld [tilespmem:s17+$0xB400];
	v42 =	vadd.f32 v0, v42  }
0x312: {  	v0 =	vld [tilespmem:s17+$0xB410];
	v34 =	vadd.f32 v2, v34  }
0x313: {  	v2 =	vld [tilespmem:s17+$0xB420];
	v35 =	vadd.f32 v1, v35  }
0x314: {  	v1 =	vld [tilespmem:s17+$0xB430];
	v3 =	vadd.f32 v43, v3  }
0x315: {  	v43 =	vld [tilespmem:s17+$0xB440];
	v4 =	vadd.f32 v45, v4  }
0x316: {  	v5 =	vadd.f32 v44, v5;
	v44 =	vld [tilespmem:s17+$0xB450]  }
0x317: {  	v6 =	vadd.f32 v0, v6;
	v0 =	vld [tilespmem:s17+$0xB460]  }
0x318: {  	v7 =	vadd.f32 v2, v7;
	v2 =	vld [tilespmem:s17+$0xB470]  }
0x319: {  	v8 =	vadd.f32 v1, v8;
	v1 =	vld [tilespmem:s17+$0xB800]  }
0x31a: {  	v9 =	vadd.f32 v43, v9;
	v43 =	vld [tilespmem:s17+$0xB810]  }
0x31b: {  	v10 =	vadd.f32 v44, v10;
	v44 =	vld [tilespmem:s17+$0xB820]  }
0x31c: {  	v11 =	vadd.f32 v0, v11;
	v0 =	vld [tilespmem:s17+$0xB830]  }
0x31d: {  	v12 =	vadd.f32 v2, v12;
	v2 =	vld [tilespmem:s17+$0xB840]  }
0x31e: {  	v13 =	vadd.f32 v1, v13;
	v1 =	vld [tilespmem:s17+$0xB850]  }
0x31f: {  	v14 =	vadd.f32 v43, v14;
	v43 =	vld [tilespmem:s17+$0xB860]  }
0x320: {  	v15 =	vadd.f32 v44, v15;
	v44 =	vld [tilespmem:s17+$0xB870]  }
0x321: {  	v16 =	vadd.f32 v0, v16;
	v0 =	vld [tilespmem:s17+$0xBC00]  }
0x322: {  	v17 =	vadd.f32 v2, v17;
	v2 =	vld [tilespmem:s17+$0xBC10]  }
0x323: {  	v18 =	vadd.f32 v1, v18;
	v1 =	vld [tilespmem:s17+$0xBC20]  }
0x324: {  	v19 =	vadd.f32 v43, v19;
	v43 =	vld [tilespmem:s17+$0xBC30]  }
0x325: {  	v20 =	vadd.f32 v44, v20;
	v44 =	vld [tilespmem:s17+$0xBC40]  }
0x326: {  	v21 =	vadd.f32 v0, v21;
	v0 =	vld [tilespmem:s17+$0xBC50]  }
0x327: {  	v22 =	vadd.f32 v2, v22;
	v2 =	vld [tilespmem:s17+$0xBC60]  }
0x328: {  	v23 =	vadd.f32 v1, v23;
	v1 =	vld [tilespmem:s17+$0xBC70]  }
0x329: {  	v24 =	vadd.f32 v43, v24;
	v43 =	vld [tilespmem:s17+$0xC000]  }
0x32a: {  	v25 =	vadd.f32 v44, v25;
	v44 =	vld [tilespmem:s17+$0xC010]  }
0x32b: {  	v26 =	vadd.f32 v0, v26;
	v45 =	vld [tilespmem:s17+$0xC020]  }
0x32c: {  	v27 =	vadd.f32 v2, v27;
	v46 =	vld [tilespmem:s17+$0xC030]  }
0x32d: {  	v28 =	vadd.f32 v1, v28;
	v47 =	vld [tilespmem:s17+$0xC040]  }
0x32e: {  	v29 =	vadd.f32 v43, v29;
	v48 =	vld [tilespmem:s17+$0xC050]  }
.Ltmp3:
0x32f: {  	v30 =	vadd.f32 v44, v30;
	v0 =	vld [tilespmem:s17+$0xC060];
	(pc) =	sbr.rel @p0 .LBB2_9-.Ltmp3, $4  }
0x330: {  	v31 =	vadd.f32 v45, v31;
	v2 =	vld [tilespmem:s17+$0xC070]  }
0x331: {  	v32 =	vadd.f32 v46, v32;
	v1 =	vld [tilespmem:s17+$0xC400]  }
0x332: {  	v33 =	vadd.f32 v47, v33;
	v43 =	vld [tilespmem:s17+$0xC410]  }
0x333: {  	s19 =	sshrl.u32 s18, $0x3;
	s18 =	sadd.s32 $0x1, s18;
	v36 =	vadd.f32 v48, v36;
	v44 =	vld [tilespmem:s17+$0xC420]  }
0x334: {  	s18 =	smul.u32 $0x5000, s19  }
0x335: {  	s16 =	sadd.s32 $0x80, s16  }
0x336: {  	s16 =	sand.u32 $0x380, s16;
	s18 =	sshra.s32 s18, $0x2  }
0x337: {  	s18 =	sor.u32 s16, s18  }
0x338: {  	v63 =	vld [tilespmem:s18+$0xB830]  }
0x339: {  	v62 =	vld [tilespmem:s18+$0xB820]  }
0x33a: {  	v48 =	vld [tilespmem:s18+$0xB810];
	_ =	sdelay $0x2  }
0x33b: {  	[tilespmem:$0x1F780] =	vst v63;
	v63 =	vld [tilespmem:s18+$0xB860]  }
0x33c: {  	[tilespmem:$0x1F770] =	vst v62;
	v62 =	vld [tilespmem:s18+$0xB850]  }
0x33d: {  	[tilespmem:$0x1F760] =	vst v48;
	v48 =	vld [tilespmem:s18+$0xB840];
	_ =	sdelay $0x2  }
0x33e: {  	[tilespmem:$0x1F7B0] =	vst v63;
	v63 =	vld [tilespmem:s18+$0xBC10]  }
0x33f: {  	[tilespmem:$0x1F7A0] =	vst v62;
	v62 =	vld [tilespmem:s18+$0xBC00]  }
0x340: {  	[tilespmem:$0x1F790] =	vst v48;
	v48 =	vld [tilespmem:s18+$0xB870];
	_ =	sdelay $0x2  }
0x341: {  	[tilespmem:$0x1F7E0] =	vst v63;
	v63 =	vld [tilespmem:s18+$0xBC40]  }
0x342: {  	[tilespmem:$0x1F7D0] =	vst v62;
	v62 =	vld [tilespmem:s18+$0xBC30]  }
0x343: {  	[tilespmem:$0x1F7C0] =	vst v48;
	v48 =	vld [tilespmem:s18+$0xBC20];
	_ =	sdelay $0x1  }
0x344: {  	v45 =	vld [tilespmem:s18+$0xB800]  }
0x345: {  	[tilespmem:$0x1F810] =	vst v63;
	v63 =	vld [tilespmem:s18+$0xBC70]  }
0x346: {  	[tilespmem:$0x1F800] =	vst v62;
	v62 =	vld [tilespmem:s18+$0xBC60]  }
0x347: {  	[tilespmem:$0x1F7F0] =	vst v48;
	v48 =	vld [tilespmem:s18+$0xBC50];
	_ =	sdelay $0x1  }
0x348: {  	[tilespmem:$0x1F750] =	vst v45;
	v45 =	vld [tilespmem:s15+$0x280]  }
0x349: {  	[tilespmem:$0x1F840] =	vst v63;
	v63 =	vld [tilespmem:s18+$0xC030]  }
0x34a: {  	[tilespmem:$0x1F830] =	vst v62;
	v62 =	vld [tilespmem:s18+$0xC020]  }
0x34b: {  	[tilespmem:$0x1F820] =	vst v48;
	v48 =	vld [tilespmem:s18+$0xC010];
	_ =	sdelay $0x1  }
0x34c: {  	v50 =	vld [tilespmem:s17+$0xC430]  }
0x34d: {  	v57 =	vld [tilespmem:s17+$0xC440];
	[tilespmem:$0x1F880] =	vst v63;
	v63 =	vshrl.u32 v45, $0x3  }
0x34e: {  	[tilespmem:$0x1F870] =	vst v62;
	v62 =	vld [tilespmem:s18+$0xC050];
	v63 =	vmul.u32 $0x28, v63  }
0x34f: {  	[tilespmem:$0x1F860] =	vst v48;
	v48 =	vld [tilespmem:s18+$0xC040];
	v45 =	vand.u32 $0x7, v45  }
0x350: {  	v45 =	vor.u32 v45, v63;
	v63 =	vld [tilespmem:s18+$0xC400]  }
0x351: {  	v49 =	vld [tilespmem:s17+$0xC450]  }
0x352: {  	v47 =	vld [tilespmem:s18+$0xC410]  }
0x353: {  	[tilespmem:$0x1F8A0] =	vst v62;
	v62 =	vld [tilespmem:s18+$0xC070]  }
0x354: {  	[tilespmem:$0x1F890] =	vst v48;
	v48 =	vld [tilespmem:s18+$0xC060]  }
0x355: {  	[tilespmem:$0x1F8F0] =	vst v63;
	v63 =	vld [tilespmem:$0x1FFD0]  }
0x356: {  	v46 =	vld [tilespmem:s18+$0xC000]  }
0x357: {  	[tilespmem:$0x1F910] =	vst v47;
	v47 =	vld [tilespmem:$0x1FFE0]  }
0x358: {  	[tilespmem:$0x1F8D0] =	vst v62;
	v62 =	vld [tilespmem:s18+$0xC430]  }
0x359: {  	v52 =	vld [tilespmem:s17+$0xC460]  }
0x35a: {  	v51 =	vld [tilespmem:s18+$0xC470];
	[tilespmem:$0x1F8B0] =	vst v48;
	v48 =	vperm.xlane v45, v63  }
0x35b: {  	v54 =	vld [tilespmem:s18+$0xB400]  }
0x35c: {  	[tilespmem:$0x1F850] =	vst v46;
	v46 =	vadd.s32 v47, v48;
	v48 =	vld [tilespmem:s18+$0xC420]  }
0x35d: {  	[tilespmem:$0x1F930] =	vst v62;
	v62 =	vld [tilespmem:s18+$0xC440]  }
0x35e: {  	v53 =	vld [tilespmem:s18+$0xB410]  }
0x35f: {  	v55 =	vld [tilespmem:s18+$0xB420]  }
0x360: {  	v56 =	vld [tilespmem:s18+$0xB430]  }
0x361: {  	[tilespmem:$0x1F920] =	vst v48;
	v48 =	vld [tilespmem:$0x1FFF0]  }
0x362: {  	[tilespmem:$0x1F940] =	vst v62;
	v62 =	vld [tilespmem:s18+$0xC450]  }
0x363: {  	v58 =	vld [tilespmem:s18+$0xB440]  }
0x364: {  	v59 =	vld [tilespmem:s18+$0xB450]  }
0x365: {  	v60 =	vld [tilespmem:s18+$0xB460]  }
0x366: {  	s0 =	simm.s32 $0xB400;
	s16 =	simm.s32 $0x0;
	v61 =	vld [tilespmem:s18+$0xB470];
	v45 =	vperm.xlane v45, v48  }
0x367: {  	[tilespmem:$0x1F950] =	vst v62;
	v62 =	vld [tilespmem:s18+$0xC460];
	[tilespmem:s0], [sflag:$0x2] =	stream.indirect_vreg.gather [hbm4b:s3+s16], $0x80, v46, vm0, $0xb8  }
0x368: {  	s28 =	simm.s32 $0xBC00;
	v45 =	vadd.s32 v47, v45  }
0x369: {  	[tilespmem:s28], [sflag:$0x2] =	stream.indirect_vreg.gather [hbm4b:s5+s16], $0x80, v46, vm0, $0xb8;
	[tilespmem:$0x16800] =	vst v63  }
0x36a: {  	s29 =	simm.s32 $0xC400  }
0x36b: {  	[tilespmem:s29], [sflag:$0x2] =	stream.indirect_vreg.gather [hbm4b:s6+s16], $0x80, v46, vm1, $0xb8;
	[tilespmem:$0x16800] =	vst v63  }
0x36c: {  	s30 =	simm.s32 $0xC800  }
0x36d: {  	[tilespmem:s30], [sflag:$0x2] =	stream.indirect_vreg.gather [hbm4b:s3+s16], $0x80, v45, vm0, $0xb8;
	[tilespmem:$0x16800] =	vst v63  }
0x36e: {  	s31 =	simm.s32 $0xD000  }
0x36f: {  	[tilespmem:s31], [sflag:$0x2] =	stream.indirect_vreg.gather [hbm4b:s5+s16], $0x80, v45, vm0, $0xb8;
	[tilespmem:$0x16800] =	vst v63  }
0x370: {  	s17 =	simm.s32 $0xD800  }
0x371: {  	[tilespmem:s17], [sflag:$0x2] =	stream.indirect_vreg.gather [hbm4b:s6+s16], $0x80, v45, vm1, $0xb8;
	[tilespmem:$0x16800] =	vst v63  }
0x372: {  	v45 =	vld [tilespmem:s15+$0x290];
	_ =	sdelay $0x4  }
0x373: {  	[tilespmem:$0x1F960] =	vst v62;
	v62 =	vshrl.u32 v45, $0x3  }
0x374: {  	v46 =	vmul.u32 $0x28, v62  }
0x375: {  	v45 =	vand.u32 $0x7, v45  }
0x376: {  	v45 =	vor.u32 v45, v46  }
0x377: {  	v46 =	vperm.xlane v45, v63;
	_ =	sdelay $0x1  }
0x378: {  	v46 =	vadd.s32 v47, v46;
	_ =	sdelay $0x3  }
0x379: {  	s18 =	simm.s32 $0xDC00;
	v45 =	vperm.xlane v45, v48  }
0x37a: {  	[tilespmem:s18], [sflag:$0x2] =	stream.indirect_vreg.gather [hbm4b:s3+s16], $0x80, v46, vm0, $0xb8;
	[tilespmem:$0x16800] =	vst v63  }
0x37b: {  	s19 =	simm.s32 $0xE400;
	v45 =	vadd.s32 v47, v45  }
0x37c: {  	[tilespmem:s19], [sflag:$0x2] =	stream.indirect_vreg.gather [hbm4b:s5+s16], $0x80, v46, vm0, $0xb8;
	[tilespmem:$0x16800] =	vst v63  }
0x37d: {  	s20 =	simm.s32 $0xEC00  }
0x37e: {  	[tilespmem:s20], [sflag:$0x2] =	stream.indirect_vreg.gather [hbm4b:s6+s16], $0x80, v46, vm1, $0xb8;
	[tilespmem:$0x16800] =	vst v63  }
0x37f: {  	s22 =	simm.s32 $0xF000  }
0x380: {  	[tilespmem:s22], [sflag:$0x2] =	stream.indirect_vreg.gather [hbm4b:s3+s16], $0x80, v45, vm0, $0xb8;
	[tilespmem:$0x16800] =	vst v63  }
0x381: {  	s28 =	simm.s32 $0xF800  }
0x382: {  	[tilespmem:s28], [sflag:$0x2] =	stream.indirect_vreg.gather [hbm4b:s5+s16], $0x80, v45, vm0, $0xb8;
	[tilespmem:$0x16800] =	vst v63  }
0x383: {  	s29 =	simm.s32 $0x10000  }
0x384: {  	[tilespmem:s29], [sflag:$0x2] =	stream.indirect_vreg.gather [hbm4b:s6+s16], $0x80, v45, vm1, $0xb8;
	[tilespmem:$0x16800] =	vst v63  }
0x385: {  	v45 =	vld.msk [tilespmem:s15+$0x2A0], $0xff;
	_ =	sdelay $0x4  }
0x386: {  	v48 =	vshrl.u32 v45, $0x3  }
0x387: {  	v46 =	vmul.u32 $0x28, v48  }
0x388: {  	v45 =	vand.u32 $0x7, v45  }
0x389: {  	v45 =	vor.u32 v45, v46  }
0x38a: {  	v45 =	vperm.xlane v45, v63;
	_ =	sdelay $0x1  }
0x38b: {  	v45 =	vadd.s32 v47, v45;
	_ =	sdelay $0x1  }
0x38c: {  	v0 =	vadd.f32 v0, v37;
	_ =	sdelay $0x1  }
0x38d: {  	[tilespmem:$0x1F8C0] =	vst v0;
	v0 =	vadd.f32 v2, v38  }
0x38e: {  	[tilespmem:s2], [sflag:$0x2] =	stream.indirect_vreg.gather [hbm4b:s3+s16], $0x80, v45, vm0, $0xb8;
	[tilespmem:$0x16800] =	vst v63  }
0x38f: {  	[tilespmem:$0x1F8E0] =	vst v0;
	v0 =	vadd.f32 v1, v39  }
0x390: {  	[tilespmem:s10], [sflag:$0x2] =	stream.indirect_vreg.gather [hbm4b:s5+s16], $0x80, v45, vm0, $0xb8;
	[tilespmem:$0x16800] =	vst v63  }
0x391: {  	[tilespmem:$0x1F900] =	vst v0  }
0x392: {  	[tilespmem:s11], [sflag:$0x2] =	stream.indirect_vreg.gather [hbm4b:s6+s16], $0x80, v45, vm1, $0xb8;
	[tilespmem:$0x16800] =	vst v63  }
0x393: {  	_ =	swait.ge [sflag:s12], $0x6400  }
0x394: {  	v1 =	vld [tilespmem:$0x1F750];
	_ =	sdelay $0x4  }
0x395: {  	v0 =	vadd.f32 v49, v35;
	v35 =	vadd.f32 v1, v13;
	v1 =	vld [tilespmem:$0x1F760];
	_ =	sdelay $0x4  }
0x396: {  	v1 =	vadd.f32 v1, v14;
	_ =	sdelay $0x1  }
0x397: {  	[tilespmem:$0x1F970] =	vst v1;
	v1 =	vld [tilespmem:$0x1F770];
	_ =	sdelay $0x4  }
0x398: {  	v15 =	vadd.f32 v1, v15;
	v1 =	vld [tilespmem:$0x1F780];
	_ =	sdelay $0x4  }
0x399: {  	v16 =	vadd.f32 v1, v16;
	v1 =	vld [tilespmem:$0x1F790];
	_ =	sdelay $0x4  }
0x39a: {  	v17 =	vadd.f32 v1, v17;
	v1 =	vld [tilespmem:$0x1F7A0];
	_ =	sdelay $0x4  }
0x39b: {  	v18 =	vadd.f32 v1, v18;
	v1 =	vld [tilespmem:$0x1F7B0];
	_ =	sdelay $0x4  }
0x39c: {  	v19 =	vadd.f32 v1, v19;
	v1 =	vld [tilespmem:$0x1F7C0];
	_ =	sdelay $0x4  }
0x39d: {  	v20 =	vadd.f32 v1, v20;
	v1 =	vld [tilespmem:$0x1F7D0];
	_ =	sdelay $0x4  }
0x39e: {  	v21 =	vadd.f32 v1, v21;
	v1 =	vld [tilespmem:$0x1F7E0];
	_ =	sdelay $0x4  }
0x39f: {  	v22 =	vadd.f32 v1, v22;
	v1 =	vld [tilespmem:$0x1F7F0];
	_ =	sdelay $0x4  }
0x3a0: {  	v23 =	vadd.f32 v1, v23;
	v1 =	vld [tilespmem:$0x1F800];
	_ =	sdelay $0x4  }
0x3a1: {  	v49 =	vadd.f32 v59, v10;
	v59 =	vadd.f32 v1, v24;
	v1 =	vld [tilespmem:$0x1F810];
	_ =	sdelay $0x3  }
0x3a2: {  	v37 =	vadd.f32 v43, v40;
	v40 =	vadd.f32 v51, v4  }
0x3a3: {  	v51 =	vadd.f32 v60, v11;
	v60 =	vadd.f32 v1, v25;
	v1 =	vld [tilespmem:$0x1F820];
	_ =	sdelay $0x3  }
0x3a4: {  	v3 =	vadd.f32 v52, v3  }
0x3a5: {  	v52 =	vadd.f32 v61, v12;
	v61 =	vadd.f32 v1, v26;
	v1 =	vld [tilespmem:$0x1F830];
	_ =	sdelay $0x4  }
0x3a6: {  	v62 =	vadd.f32 v1, v27;
	v1 =	vld [tilespmem:$0x1F840];
	_ =	sdelay $0x4  }
0x3a7: {  	v1 =	vadd.f32 v1, v28;
	_ =	sdelay $0x1  }
0x3a8: {  	[tilespmem:$0x1F980] =	vst v1;
	v1 =	vld [tilespmem:$0x1F850];
	_ =	sdelay $0x4  }
0x3a9: {  	v1 =	vadd.f32 v1, v29;
	_ =	sdelay $0x1  }
0x3aa: {  	[tilespmem:$0x1F990] =	vst v1;
	v1 =	vld [tilespmem:$0x1F860];
	_ =	sdelay $0x4  }
0x3ab: {  	v1 =	vadd.f32 v1, v30;
	_ =	sdelay $0x1  }
0x3ac: {  	[tilespmem:$0x1F9A0] =	vst v1;
	v1 =	vld [tilespmem:$0x1F870];
	_ =	sdelay $0x4  }
0x3ad: {  	v63 =	vadd.f32 v1, v31;
	v1 =	vld [tilespmem:$0x1F880];
	_ =	sdelay $0x4  }
0x3ae: {  	v1 =	vadd.f32 v1, v32;
	_ =	sdelay $0x1  }
0x3af: {  	[tilespmem:$0x1F9B0] =	vst v1;
	v1 =	vld [tilespmem:$0x1F890];
	_ =	sdelay $0x4  }
0x3b0: {  	v1 =	vadd.f32 v1, v33;
	_ =	sdelay $0x1  }
0x3b1: {  	[tilespmem:$0x1F9C0] =	vst v1;
	v1 =	vld [tilespmem:$0x1F8A0];
	_ =	sdelay $0x4  }
0x3b2: {  	v1 =	vadd.f32 v1, v36  }
0x3b3: {  	v2 =	vld [tilespmem:$0x1F8C0]  }
0x3b4: {  	[tilespmem:$0x1F9D0] =	vst v1;
	v1 =	vld [tilespmem:$0x1F8B0];
	_ =	sdelay $0x4  }
0x3b5: {  	v12 =	vadd.f32 v1, v2;
	v1 =	vld [tilespmem:$0x1F8D0]  }
0x3b6: {  	v2 =	vld [tilespmem:$0x1F8E0];
	_ =	sdelay $0x4  }
0x3b7: {  	v11 =	vadd.f32 v1, v2;
	v1 =	vld [tilespmem:$0x1F8F0]  }
0x3b8: {  	v2 =	vld [tilespmem:$0x1F900];
	_ =	sdelay $0x4  }
0x3b9: {  	v10 =	vadd.f32 v1, v2;
	v1 =	vld [tilespmem:$0x1F910];
	_ =	sdelay $0x4  }
0x3ba: {  	v48 =	vadd.f32 v58, v9;
	v9 =	vadd.f32 v1, v37;
	v1 =	vld [tilespmem:$0x1F920];
	_ =	sdelay $0x2  }
0x3bb: {  	v38 =	vadd.f32 v44, v41;
	_ =	sdelay $0x1  }
0x3bc: {  	v46 =	vadd.f32 v56, v8;
	v8 =	vadd.f32 v1, v38;
	v1 =	vld [tilespmem:$0x1F930]  }
0x3bd: {  	s30 =	simm.s32 $0x0  }
0x3be: {  	s17 =	smul.u32 $0x5000, s30  }
0x3bf: {  	v39 =	vadd.f32 v50, v42  }
0x3c0: {  	s31 =	sand.u32 $0x380, s16;
	s17 =	sshra.s32 s17, $0x2;
	[sflag:s12] =	ssyncset.done $0x0  }
0x3c1: {  	s17 =	sor.u32 s31, s17;
	v45 =	vadd.f32 v55, v7;
	[sflag:s12] =	ssyncadd.s32 $0xFFFF9C00;
	v7 =	vadd.f32 v1, v39;
	v1 =	vld [tilespmem:$0x1F940]  }
0x3c2: {  	v41 =	vld [tilespmem:s17+$0x6070]  }
0x3c3: {  	v44 =	vld [tilespmem:s17+$0x5000]  }
0x3c4: {  	v34 =	vadd.f32 v57, v34;
	v47 =	vld [tilespmem:s17+$0x5010]  }
0x3c5: {  	v50 =	vld [tilespmem:s17+$0x5020]  }
0x3c6: {  	v43 =	vadd.f32 v53, v6;
	v6 =	vadd.f32 v1, v34;
	v1 =	vld [tilespmem:$0x1F950]  }
0x3c7: {  	v53 =	vld [tilespmem:s17+$0x5030]  }
0x3c8: {  	v57 =	vld [tilespmem:s17+$0x5070]  }
0x3c9: {  	v24 =	vld [tilespmem:s17+$0x5410]  }
0x3ca: {  	v30 =	vld [tilespmem:$0x1F970]  }
0x3cb: {  	v42 =	vadd.f32 v54, v5;
	v5 =	vadd.f32 v1, v0;
	v1 =	vld [tilespmem:s17+$0x5820]  }
0x3cc: {  	v54 =	vld [tilespmem:s17+$0x5040]  }
0x3cd: {  	v58 =	vld [tilespmem:s17+$0x5400]  }
0x3ce: {  	v28 =	vld [tilespmem:s17+$0x5450]  }
0x3cf: {  	v34 =	vadd.f32 v57, v52;
	v57 =	vld [tilespmem:s17+$0x5870]  }
0x3d0: {  	v33 =	vadd.f32 v24, v30;
	v24 =	vadd.f32 v1, v23;
	v1 =	vld [tilespmem:$0x1F980]  }
0x3d1: {  	v55 =	vld [tilespmem:s17+$0x5050]  }
0x3d2: {  	v35 =	vadd.f32 v58, v35;
	v58 =	vld [tilespmem:s17+$0x5C00]  }
0x3d3: {  	v25 =	vld [tilespmem:s17+$0x5420]  }
0x3d4: {  	v29 =	vld [tilespmem:s17+$0x5460]  }
0x3d5: {  	v28 =	vadd.f32 v28, v18;
	v18 =	vadd.f32 v57, v1;
	v1 =	vld [tilespmem:$0x1F990]  }
0x3d6: {  	v14 =	vld [tilespmem:s17+$0x5470]  }
0x3d7: {  	v26 =	vld [tilespmem:s17+$0x5430]  }
0x3d8: {  	v27 =	vld [tilespmem:s17+$0x5440]  }
0x3d9: {  	v32 =	vadd.f32 v25, v15;
	v15 =	vld [tilespmem:s17+$0x5C10]  }
0x3da: {  	v29 =	vadd.f32 v29, v19;
	v19 =	vadd.f32 v58, v1;
	v1 =	vld [tilespmem:$0x1F9A0]  }
0x3db: {  	v56 =	vld [tilespmem:s17+$0x5060]  }
0x3dc: {  	v30 =	vadd.f32 v26, v16;
	v26 =	vadd.f32 v14, v20;
	v14 =	vld [tilespmem:s17+$0x5C30]  }
0x3dd: {  	v2 =	vld [tilespmem:s17+$0x5810]  }
0x3de: {  	v0 =	vld [tilespmem:$0x1F960]  }
0x3df: {  	v31 =	vadd.f32 v27, v17;
	v17 =	vadd.f32 v15, v1;
	v1 =	vld [tilespmem:$0x1F9B0]  }
0x3e0: {  	v13 =	vld [tilespmem:s17+$0x5800]  }
0x3e1: {  	v16 =	vld [tilespmem:s17+$0x5C20]  }
0x3e2: {  	v25 =	vadd.f32 v2, v22;
	v2 =	vld [tilespmem:s17+$0x5C40]  }
0x3e3: {  	v4 =	vadd.f32 v0, v3;
	v0 =	vld [tilespmem:s17+$0x5830]  }
0x3e4: {  	v15 =	vadd.f32 v14, v1;
	v1 =	vld [tilespmem:$0x1F9C0]  }
0x3e5: {  	v36 =	vadd.f32 v55, v49;
	v55 =	vld [tilespmem:s17+$0x5860]  }
0x3e6: {  	v38 =	vadd.f32 v53, v46;
	v53 =	vld [tilespmem:s17+$0x5850]  }
0x3e7: {  	v3 =	vadd.f32 v41, v40;
	v40 =	vadd.f32 v47, v43;
	v43 =	vld [tilespmem:s17+$0x5840]  }
0x3e8: {  	v22 =	vadd.f32 v0, v59;
	v0 =	vld [tilespmem:s17+$0x5C50]  }
0x3e9: {  	v27 =	vadd.f32 v13, v21;
	v13 =	vadd.f32 v2, v1;
	v1 =	vld [tilespmem:$0x1F9D0]  }
0x3ea: {  	v42 =	vadd.f32 v44, v42;
	v46 =	vld [tilespmem:s17+$0x5C60]  }
0x3eb: {  	v16 =	vadd.f32 v16, v63;
	v21 =	vadd.f32 v55, v62;
	v47 =	vld [tilespmem:s17+$0x5C70]  }
0x3ec: {  	s9 =	simm.s32 $0xA800;
	v37 =	vadd.f32 v56, v51;
	v23 =	vadd.f32 v43, v60;
	v43 =	vld [tilespmem:s17+$0x6000]  }
0x3ed: {  	s8 =	simm.s32 $0x9C00;
	s7 =	simm.s32 $0x8C00;
	s4 =	simm.s32 $0x8000;
	v44 =	vld [tilespmem:s17+$0x6010];
	v39 =	vadd.f32 v54, v48;
	v20 =	vadd.f32 v53, v61  }
0x3ee: {  	s1 =	simm.s32 $0x7400;
	s18 =	simm.s32 $0x2;
	s19 =	simm.s32 $0x0;
	v41 =	vadd.f32 v50, v45;
	v45 =	vld [tilespmem:s17+$0x6020];
	v14 =	vadd.f32 v0, v1  }
.LBB2_11:
0x3ef: {  	p0 =	sne.s32 s18, $0x27;
	s19 =	smul.u32 $0x5000, s19;
	v12 =	vadd.f32 v46, v12;
	v0 =	vld [tilespmem:s17+$0x6030]  }
0x3f0: {  	s16 =	sadd.s32 $0x80, s16;
	v11 =	vadd.f32 v47, v11;
	v1 =	vld [tilespmem:s17+$0x6040]  }
0x3f1: {  	s20 =	sand.u32 $0x380, s16;
	s19 =	sshra.s32 s19, $0x2;
	v10 =	vadd.f32 v43, v10;
	v2 =	vld [tilespmem:s17+$0x6050]  }
0x3f2: {  	v9 =	vadd.f32 v44, v9;
	v43 =	vld [tilespmem:s17+$0x6060];
	s17 =	sor.u32 s20, s19  }
0x3f3: {  	v44 =	vld [tilespmem:s17+$0x6070];
	v8 =	vadd.f32 v45, v8  }
0x3f4: {  	v45 =	vld [tilespmem:s17+$0x5000];
	v7 =	vadd.f32 v0, v7  }
0x3f5: {  	v0 =	vld [tilespmem:s17+$0x5010];
	v6 =	vadd.f32 v1, v6  }
0x3f6: {  	v1 =	vld [tilespmem:s17+$0x5020];
	v5 =	vadd.f32 v2, v5  }
0x3f7: {  	v2 =	vld [tilespmem:s17+$0x5030];
	v4 =	vadd.f32 v43, v4  }
0x3f8: {  	v43 =	vld [tilespmem:s17+$0x5040];
	v3 =	vadd.f32 v44, v3  }
0x3f9: {  	v42 =	vadd.f32 v45, v42;
	v44 =	vld [tilespmem:s17+$0x5050]  }
0x3fa: {  	v40 =	vadd.f32 v0, v40;
	v0 =	vld [tilespmem:s17+$0x5060]  }
0x3fb: {  	v41 =	vadd.f32 v1, v41;
	v1 =	vld [tilespmem:s17+$0x5070]  }
0x3fc: {  	v38 =	vadd.f32 v2, v38;
	v2 =	vld [tilespmem:s17+$0x5400]  }
0x3fd: {  	v39 =	vadd.f32 v43, v39;
	v43 =	vld [tilespmem:s17+$0x5410]  }
0x3fe: {  	v36 =	vadd.f32 v44, v36;
	v44 =	vld [tilespmem:s17+$0x5420]  }
0x3ff: {  	v37 =	vadd.f32 v0, v37;
	v0 =	vld [tilespmem:s17+$0x5430]  }
0x400: {  	v34 =	vadd.f32 v1, v34;
	v1 =	vld [tilespmem:s17+$0x5440]  }
0x401: {  	v35 =	vadd.f32 v2, v35;
	v2 =	vld [tilespmem:s17+$0x5450]  }
0x402: {  	v33 =	vadd.f32 v43, v33;
	v43 =	vld [tilespmem:s17+$0x5460]  }
0x403: {  	v32 =	vadd.f32 v44, v32;
	v44 =	vld [tilespmem:s17+$0x5470]  }
0x404: {  	v30 =	vadd.f32 v0, v30;
	v0 =	vld [tilespmem:s17+$0x5800]  }
0x405: {  	v31 =	vadd.f32 v1, v31;
	v1 =	vld [tilespmem:s17+$0x5810]  }
0x406: {  	v28 =	vadd.f32 v2, v28;
	v2 =	vld [tilespmem:s17+$0x5820]  }
0x407: {  	v29 =	vadd.f32 v43, v29;
	v43 =	vld [tilespmem:s17+$0x5830]  }
0x408: {  	v26 =	vadd.f32 v44, v26;
	v44 =	vld [tilespmem:s17+$0x5840]  }
0x409: {  	v27 =	vadd.f32 v0, v27;
	v0 =	vld [tilespmem:s17+$0x5850]  }
0x40a: {  	v25 =	vadd.f32 v1, v25;
	v1 =	vld [tilespmem:s17+$0x5860]  }
0x40b: {  	v24 =	vadd.f32 v2, v24;
	v2 =	vld [tilespmem:s17+$0x5870]  }
0x40c: {  	v22 =	vadd.f32 v43, v22;
	v43 =	vld [tilespmem:s17+$0x5C00]  }
0x40d: {  	v23 =	vadd.f32 v44, v23;
	v44 =	vld [tilespmem:s17+$0x5C10]  }
0x40e: {  	v20 =	vadd.f32 v0, v20;
	v0 =	vld [tilespmem:s17+$0x5C20]  }
0x40f: {  	v21 =	vadd.f32 v1, v21;
	v1 =	vld [tilespmem:s17+$0x5C30]  }
0x410: {  	v18 =	vadd.f32 v2, v18;
	v2 =	vld [tilespmem:s17+$0x5C40]  }
0x411: {  	v19 =	vadd.f32 v43, v19;
	v45 =	vld [tilespmem:s17+$0x5C50]  }
.Ltmp4:
0x412: {  	v17 =	vadd.f32 v44, v17;
	v46 =	vld [tilespmem:s17+$0x5C60];
	(pc) =	sbr.rel @p0 .LBB2_11-.Ltmp4, $4  }
0x413: {  	v16 =	vadd.f32 v0, v16;
	v47 =	vld [tilespmem:s17+$0x5C70]  }
0x414: {  	v15 =	vadd.f32 v1, v15;
	v43 =	vld [tilespmem:s17+$0x6000]  }
0x415: {  	v13 =	vadd.f32 v2, v13;
	v44 =	vld [tilespmem:s17+$0x6010]  }
0x416: {  	s19 =	sshrl.u32 s18, $0x3;
	s18 =	sadd.s32 $0x1, s18;
	v14 =	vadd.f32 v45, v14;
	v45 =	vld [tilespmem:s17+$0x6020]  }
0x417: {  	v0 =	vld [tilespmem:s17+$0x6030];
	_ =	sdelay $0x4  }
0x418: {  	[tilespmem:$0x1F6A0] =	vst v0;
	v0 =	vld [tilespmem:s17+$0x6040];
	_ =	sdelay $0x4  }
0x419: {  	[tilespmem:$0x1F6C0] =	vst v0;
	v0 =	vld [tilespmem:s17+$0x6050];
	_ =	sdelay $0x4  }
0x41a: {  	[tilespmem:$0x1F6E0] =	vst v0;
	v0 =	vld [tilespmem:s17+$0x6060]  }
0x41b: {  	s18 =	smul.u32 $0x5000, s19  }
0x41c: {  	s16 =	sadd.s32 $0x80, s16  }
0x41d: {  	s16 =	sand.u32 $0x380, s16;
	s18 =	sshra.s32 s18, $0x2  }
0x41e: {  	s16 =	sor.u32 s16, s18  }
0x41f: {  	[tilespmem:$0x1F700] =	vst v0;
	v0 =	vld [tilespmem:s16+$0x6070];
	_ =	sdelay $0x4  }
0x420: {  	[tilespmem:$0x1F740] =	vst v0;
	v0 =	vld [tilespmem:s16+$0x5450];
	_ =	sdelay $0x4  }
0x421: {  	[tilespmem:$0x1F560] =	vst v0;
	v0 =	vld [tilespmem:s16+$0x5460];
	_ =	sdelay $0x4  }
0x422: {  	[tilespmem:$0x1F570] =	vst v0;
	v0 =	vld [tilespmem:s16+$0x5470];
	_ =	sdelay $0x4  }
0x423: {  	[tilespmem:$0x1F580] =	vst v0;
	v0 =	vld [tilespmem:s16+$0x5800];
	_ =	sdelay $0x4  }
0x424: {  	[tilespmem:$0x1F590] =	vst v0;
	v0 =	vld [tilespmem:s16+$0x5810];
	_ =	sdelay $0x4  }
0x425: {  	[tilespmem:$0x1F5A0] =	vst v0;
	v0 =	vld [tilespmem:s16+$0x5820]  }
0x426: {  	v1 =	vld [tilespmem:s16+$0x5C00];
	_ =	sdelay $0x3  }
0x427: {  	[tilespmem:$0x1F5B0] =	vst v0;
	v0 =	vld [tilespmem:s16+$0x5830]  }
0x428: {  	[tilespmem:$0x1F610] =	vst v1;
	v1 =	vld [tilespmem:s16+$0x5C10];
	_ =	sdelay $0x3  }
0x429: {  	[tilespmem:$0x1F5C0] =	vst v0;
	v0 =	vld [tilespmem:s16+$0x5840]  }
0x42a: {  	[tilespmem:$0x1F620] =	vst v1;
	v1 =	vld [tilespmem:s16+$0x5C20];
	_ =	sdelay $0x3  }
0x42b: {  	[tilespmem:$0x1F5D0] =	vst v0;
	v0 =	vld [tilespmem:s16+$0x5850]  }
0x42c: {  	[tilespmem:$0x1F630] =	vst v1;
	v1 =	vld [tilespmem:s16+$0x5C30];
	_ =	sdelay $0x3  }
0x42d: {  	[tilespmem:$0x1F5E0] =	vst v0;
	v0 =	vld [tilespmem:s16+$0x5860]  }
0x42e: {  	[tilespmem:$0x1F640] =	vst v1;
	v1 =	vld [tilespmem:s16+$0x5C40];
	_ =	sdelay $0x3  }
0x42f: {  	[tilespmem:$0x1F5F0] =	vst v0;
	v0 =	vld [tilespmem:s16+$0x5870]  }
0x430: {  	[tilespmem:$0x1F650] =	vst v1;
	v1 =	vld [tilespmem:s16+$0x5C50];
	_ =	sdelay $0x1  }
0x431: {  	v49 =	vld [tilespmem:$0x1FFD0]  }
0x432: {  	v50 =	vld [tilespmem:s16+$0x5000]  }
0x433: {  	[tilespmem:$0x1F600] =	vst v0;
	v0 =	vld [tilespmem:s15+$0x300]  }
0x434: {  	[tilespmem:$0x1F660] =	vst v1;
	v1 =	vld [tilespmem:s16+$0x5C60]  }
0x435: {  	v51 =	vld [tilespmem:s16+$0x5010]  }
0x436: {  	v56 =	vld [tilespmem:s16+$0x5020]  }
0x437: {  	v57 =	vld [tilespmem:s16+$0x5030]  }
0x438: {  	v58 =	vld [tilespmem:s16+$0x5040];
	v55 =	vshrl.u32 v0, $0x3  }
0x439: {  	[tilespmem:$0x1F670] =	vst v1;
	v1 =	vld [tilespmem:s16+$0x5C70];
	v55 =	vmul.u32 $0x28, v55  }
0x43a: {  	v2 =	vld [tilespmem:s16+$0x6010];
	v0 =	vand.u32 $0x7, v0  }
0x43b: {  	v0 =	vor.u32 v0, v55;
	v55 =	vld [tilespmem:s16+$0x6030]  }
0x43c: {  	v59 =	vld [tilespmem:s16+$0x5050]  }
0x43d: {  	v48 =	vld [tilespmem:s16+$0x6020]  }
0x43e: {  	[tilespmem:$0x1F680] =	vst v1;
	v1 =	vld [tilespmem:s16+$0x6000]  }
0x43f: {  	[tilespmem:$0x1F6B0] =	vst v2;
	v2 =	vld [tilespmem:$0x1FFE0]  }
0x440: {  	[tilespmem:$0x1F6F0] =	vst v55;
	v55 =	vld [tilespmem:s16+$0x6040]  }
0x441: {  	v60 =	vld [tilespmem:s16+$0x5060]  }
0x442: {  	v61 =	vld [tilespmem:s16+$0x5070]  }
0x443: {  	v62 =	vld [tilespmem:s16+$0x5400];
	[tilespmem:$0x1F690] =	vst v1;
	v1 =	vperm.xlane v0, v49  }
0x444: {  	[tilespmem:$0x1F6D0] =	vst v48;
	v48 =	vld [tilespmem:$0x1FFF0]  }
0x445: {  	v1 =	vadd.s32 v2, v1;
	[tilespmem:$0x1F710] =	vst v55;
	v55 =	vld [tilespmem:s16+$0x6050]  }
0x446: {  	v63 =	vld [tilespmem:s16+$0x5410]  }
0x447: {  	v52 =	vld [tilespmem:s16+$0x5420]  }
0x448: {  	v53 =	vld [tilespmem:s16+$0x5430]  }
0x449: {  	s22 =	simm.s32 $0x0;
	v54 =	vld [tilespmem:s16+$0x5440];
	v0 =	vperm.xlane v0, v48  }
0x44a: {  	[tilespmem:$0x1F720] =	vst v55;
	v55 =	vld [tilespmem:s16+$0x6060];
	[tilespmem:s21], [sflag:$0x1] =	stream.indirect_vreg.gather [hbm4b:s3+s22], $0x80, v1, vm0, $0xb8  }
0x44b: {  	v0 =	vadd.s32 v2, v0  }
0x44c: {  	[tilespmem:s23], [sflag:$0x1] =	stream.indirect_vreg.gather [hbm4b:s5+s22], $0x80, v1, vm0, $0xb8;
	[tilespmem:$0x16800] =	vst v63  }
0x44d: {  	_ = 	snop  }
0x44e: {  	[tilespmem:s24], [sflag:$0x1] =	stream.indirect_vreg.gather [hbm4b:s6+s22], $0x80, v1, vm1, $0xb8;
	[tilespmem:$0x16800] =	vst v63  }
0x44f: {  	_ = 	snop  }
0x450: {  	[tilespmem:s25], [sflag:$0x1] =	stream.indirect_vreg.gather [hbm4b:s3+s22], $0x80, v0, vm0, $0xb8;
	[tilespmem:$0x16800] =	vst v63  }
0x451: {  	_ = 	snop  }
0x452: {  	[tilespmem:s26], [sflag:$0x1] =	stream.indirect_vreg.gather [hbm4b:s5+s22], $0x80, v0, vm0, $0xb8;
	[tilespmem:$0x16800] =	vst v63  }
0x453: {  	_ = 	snop  }
0x454: {  	[tilespmem:s1], [sflag:$0x1] =	stream.indirect_vreg.gather [hbm4b:s6+s22], $0x80, v0, vm1, $0xb8;
	[tilespmem:$0x16800] =	vst v63  }
0x455: {  	v0 =	vld [tilespmem:s15+$0x310];
	_ =	sdelay $0x4  }
0x456: {  	v1 =	vshrl.u32 v0, $0x3  }
0x457: {  	v1 =	vmul.u32 $0x28, v1  }
0x458: {  	v0 =	vand.u32 $0x7, v0  }
0x459: {  	v0 =	vor.u32 v0, v1  }
0x45a: {  	v1 =	vperm.xlane v0, v49;
	_ =	sdelay $0x1  }
0x45b: {  	v1 =	vadd.s32 v2, v1;
	_ =	sdelay $0x3  }
0x45c: {  	s1 =	simm.s32 $0x7800;
	v0 =	vperm.xlane v0, v48  }
0x45d: {  	[tilespmem:s1], [sflag:$0x1] =	stream.indirect_vreg.gather [hbm4b:s3+s22], $0x80, v1, vm0, $0xb8;
	[tilespmem:$0x16800] =	vst v63  }
0x45e: {  	v0 =	vadd.s32 v2, v0  }
0x45f: {  	[tilespmem:s4], [sflag:$0x1] =	stream.indirect_vreg.gather [hbm4b:s5+s22], $0x80, v1, vm0, $0xb8;
	[tilespmem:$0x16800] =	vst v63  }
0x460: {  	s4 =	simm.s32 $0x8800  }
0x461: {  	[tilespmem:s4], [sflag:$0x1] =	stream.indirect_vreg.gather [hbm4b:s6+s22], $0x80, v1, vm1, $0xb8;
	[tilespmem:$0x16800] =	vst v63  }
0x462: {  	_ = 	snop  }
0x463: {  	[tilespmem:s7], [sflag:$0x1] =	stream.indirect_vreg.gather [hbm4b:s3+s22], $0x80, v0, vm0, $0xb8;
	[tilespmem:$0x16800] =	vst v63  }
0x464: {  	s7 =	simm.s32 $0x9400  }
0x465: {  	[tilespmem:s7], [sflag:$0x1] =	stream.indirect_vreg.gather [hbm4b:s5+s22], $0x80, v0, vm0, $0xb8;
	[tilespmem:$0x16800] =	vst v63  }
0x466: {  	_ = 	snop  }
0x467: {  	[tilespmem:s8], [sflag:$0x1] =	stream.indirect_vreg.gather [hbm4b:s6+s22], $0x80, v0, vm1, $0xb8;
	[tilespmem:$0x16800] =	vst v63  }
0x468: {  	v0 =	vld.msk [tilespmem:s15+$0x320], $0xff;
	_ =	sdelay $0x4  }
0x469: {  	v1 =	vshrl.u32 v0, $0x3  }
0x46a: {  	v1 =	vmul.u32 $0x28, v1  }
0x46b: {  	v0 =	vand.u32 $0x7, v0  }
0x46c: {  	v0 =	vor.u32 v0, v1  }
0x46d: {  	v0 =	vperm.xlane v0, v49;
	_ =	sdelay $0x1  }
0x46e: {  	v0 =	vadd.s32 v2, v0  }
0x46f: {  	s23 =	sshrl.u32 s14, $0x2  }
0x470: {  	s16 =	smul.u32 $0x5000, s23;
	_ =	sdelay $0x1  }
0x471: {  	s24 =	sshll.u32 s14, $0x8;
	s21 =	sshra.s32 s16, $0x2;
	s8 =	simm.s32 $0xA000  }
0x472: {  	[tilespmem:s8], [sflag:$0x1] =	stream.indirect_vreg.gather [hbm4b:s3+s22], $0x80, v0, vm0, $0xb8;
	[tilespmem:$0x16800] =	vst v63  }
0x473: {  	s18 =	sand.u32 $0x300, s24;
	s16 =	sadd.s32 $0x11800, s21  }
0x474: {  	[tilespmem:s9], [sflag:$0x1] =	stream.indirect_vreg.gather [hbm4b:s5+s22], $0x80, v0, vm0, $0xb8;
	[tilespmem:$0x16800] =	vst v63  }
0x475: {  	s25 =	sor.u32 s18, s16;
	v1 =	vadd.f32 v51, v40;
	s9 =	simm.s32 $0xB000  }
0x476: {  	v2 =	vadd.f32 v56, v41;
	[tilespmem:s9], [sflag:$0x1] =	stream.indirect_vreg.gather [hbm4b:s6+s22], $0x80, v0, vm1, $0xb8;
	[tilespmem:$0x16800] =	vst v63  }
0x477: {  	v0 =	vadd.f32 v50, v42;
	[tilespmem:s25+$0x10] =	vst v1  }
0x478: {  	v1 =	vadd.f32 v58, v39;
	[tilespmem:s25+$0x20] =	vst v2  }
0x479: {  	v2 =	vadd.f32 v59, v36;
	[tilespmem:s25+$0x0] =	vst v0  }
0x47a: {  	v0 =	vadd.f32 v57, v38;
	[tilespmem:s25+$0x40] =	vst v1  }
0x47b: {  	v1 =	vadd.f32 v61, v34;
	[tilespmem:s25+$0x50] =	vst v2  }
0x47c: {  	[tilespmem:s25+$0x30] =	vst v0;
	v0 =	vadd.f32 v60, v37  }
0x47d: {  	s17 =	sadd.s32 $0x11C00, s21;
	v2 =	vadd.f32 v62, v35;
	[tilespmem:s25+$0x70] =	vst v1  }
0x47e: {  	s20 =	sor.u32 s18, s17;
	v1 =	vadd.f32 v52, v32;
	[tilespmem:s25+$0x60] =	vst v0  }
0x47f: {  	v0 =	vadd.f32 v63, v33;
	[tilespmem:s20+$0x0] =	vst v2  }
0x480: {  	v2 =	vadd.f32 v53, v30;
	[tilespmem:s20+$0x20] =	vst v1  }
0x481: {  	v1 =	vld [tilespmem:$0x1F560];
	[tilespmem:s20+$0x10] =	vst v0;
	v0 =	vadd.f32 v54, v31  }
0x482: {  	[tilespmem:s20+$0x30] =	vst v2;
	v2 =	vld [tilespmem:$0x1F570]  }
0x483: {  	[tilespmem:s20+$0x40] =	vst v0;
	v0 =	vld [tilespmem:$0x1F580];
	_ =	sdelay $0x2  }
0x484: {  	v1 =	vadd.f32 v1, v28  }
0x485: {  	v2 =	vadd.f32 v2, v29  }
0x486: {  	[tilespmem:s20+$0x50] =	vst v1;
	v1 =	vld [tilespmem:$0x1F590];
	v0 =	vadd.f32 v0, v26  }
0x487: {  	[tilespmem:s20+$0x60] =	vst v2;
	v2 =	vld [tilespmem:$0x1F5A0]  }
0x488: {  	[tilespmem:s20+$0x70] =	vst v0;
	v0 =	vld [tilespmem:$0x1F5B0];
	_ =	sdelay $0x2  }
0x489: {  	s19 =	sadd.s32 $0x12000, s21;
	v1 =	vadd.f32 v1, v27  }
0x48a: {  	s26 =	sor.u32 s18, s19;
	v2 =	vadd.f32 v2, v25  }
0x48b: {  	[tilespmem:s26+$0x0] =	vst v1;
	v1 =	vld [tilespmem:$0x1F5C0];
	v0 =	vadd.f32 v0, v24  }
0x48c: {  	[tilespmem:s26+$0x10] =	vst v2;
	v2 =	vld [tilespmem:$0x1F5D0]  }
0x48d: {  	[tilespmem:s26+$0x20] =	vst v0;
	v0 =	vld [tilespmem:$0x1F5E0];
	_ =	sdelay $0x2  }
0x48e: {  	v1 =	vadd.f32 v1, v22  }
0x48f: {  	v2 =	vadd.f32 v2, v23  }
0x490: {  	[tilespmem:s26+$0x30] =	vst v1;
	v1 =	vld [tilespmem:$0x1F5F0];
	v0 =	vadd.f32 v0, v20  }
0x491: {  	[tilespmem:s26+$0x40] =	vst v2;
	v2 =	vld [tilespmem:$0x1F600]  }
0x492: {  	[tilespmem:s26+$0x50] =	vst v0;
	v0 =	vld [tilespmem:$0x1F610];
	_ =	sdelay $0x2  }
0x493: {  	v1 =	vadd.f32 v1, v21  }
0x494: {  	v2 =	vadd.f32 v2, v18  }
0x495: {  	s20 =	sadd.s32 $0x12400, s21;
	[tilespmem:s26+$0x60] =	vst v1;
	v0 =	vadd.f32 v0, v19  }
0x496: {  	s24 =	sor.u32 s18, s20;
	[tilespmem:s26+$0x70] =	vst v2  }
0x497: {  	[tilespmem:s24+$0x0] =	vst v0;
	v0 =	vld [tilespmem:$0x1F640];
	_ =	sdelay $0x2  }
0x498: {  	v1 =	vld [tilespmem:$0x1F620];
	_ =	sdelay $0x1  }
0x499: {  	v0 =	vadd.f32 v0, v15  }
0x49a: {  	v2 =	vld [tilespmem:$0x1F630]  }
0x49b: {  	[tilespmem:s24+$0x30] =	vst v0;
	v0 =	vadd.f32 v43, v10;
	v10 =	vld [tilespmem:$0x1F670]  }
0x49c: {  	v1 =	vadd.f32 v1, v17;
	_ =	sdelay $0x1  }
0x49d: {  	[tilespmem:s24+$0x10] =	vst v1;
	v1 =	vadd.f32 v46, v12;
	_ =	sdelay $0x1  }
0x49e: {  	v2 =	vadd.f32 v2, v16;
	v1 =	vadd.f32 v10, v1;
	v10 =	vld [tilespmem:$0x1F680]  }
0x49f: {  	v12 =	vld [tilespmem:$0x1F650]  }
0x4a0: {  	[tilespmem:s24+$0x20] =	vst v2;
	v2 =	vadd.f32 v47, v11;
	v11 =	vld [tilespmem:$0x1F660];
	_ =	sdelay $0x2  }
0x4a1: {  	v2 =	vadd.f32 v10, v2;
	v10 =	vld [tilespmem:$0x1F690]  }
0x4a2: {  	v12 =	vadd.f32 v12, v13  }
0x4a3: {  	v11 =	vadd.f32 v11, v14  }
0x4a4: {  	[tilespmem:s24+$0x40] =	vst v12  }
0x4a5: {  	[tilespmem:s24+$0x50] =	vst v11  }
0x4a6: {  	s21 =	sadd.s32 $0x12800, s21;
	[tilespmem:s24+$0x60] =	vst v1;
	v0 =	vadd.f32 v10, v0  }
0x4a7: {  	s25 =	sor.u32 s18, s21;
	[tilespmem:s24+$0x70] =	vst v2  }
0x4a8: {  	[tilespmem:s25+$0x0] =	vst v0;
	v0 =	vld [tilespmem:$0x1F6E0];
	_ =	sdelay $0x2  }
0x4a9: {  	v1 =	vld [tilespmem:$0x1F6A0];
	_ =	sdelay $0x1  }
0x4aa: {  	v0 =	vadd.f32 v0, v5;
	v5 =	vld [tilespmem:$0x1F6F0];
	_ =	sdelay $0x2  }
0x4ab: {  	v1 =	vadd.f32 v1, v7;
	_ =	sdelay $0x1  }
0x4ac: {  	v1 =	vadd.f32 v5, v1;
	v5 =	vld [tilespmem:$0x1F700];
	_ =	sdelay $0x2  }
0x4ad: {  	v2 =	vld [tilespmem:$0x1F6C0];
	_ =	sdelay $0x1  }
0x4ae: {  	v4 =	vadd.f32 v5, v4;
	v5 =	vld [tilespmem:$0x1F710];
	_ =	sdelay $0x2  }
0x4af: {  	v7 =	vld [tilespmem:$0x1F6B0];
	v2 =	vadd.f32 v2, v6  }
0x4b0: {  	[tilespmem:$0x1F730] =	vst v55;
	v6 =	vld [tilespmem:$0x1F6D0]  }
0x4b1: {  	[tilespmem:s25+$0x30] =	vst v1;
	v1 =	vld [tilespmem:$0x1F730];
	v2 =	vadd.f32 v5, v2  }
0x4b2: {  	v9 =	vadd.f32 v44, v9;
	v5 =	vld [tilespmem:$0x1F720]  }
0x4b3: {  	v8 =	vadd.f32 v45, v8;
	[tilespmem:s25+$0x40] =	vst v2;
	v2 =	vld [tilespmem:$0x1F740]  }
0x4b4: {  	v7 =	vadd.f32 v7, v9  }
0x4b5: {  	v6 =	vadd.f32 v6, v8  }
0x4b6: {  	[tilespmem:s25+$0x10] =	vst v7;
	v1 =	vadd.f32 v1, v4  }
0x4b7: {  	[tilespmem:s25+$0x20] =	vst v6;
	v0 =	vadd.f32 v5, v0  }
0x4b8: {  	[tilespmem:s25+$0x60] =	vst v1;
	v2 =	vadd.f32 v2, v3  }
0x4b9: {  	s26 =	simm.s32 $0x0;
	[tilespmem:s25+$0x50] =	vst v0  }
0x4ba: {  	[tilespmem:s25+$0x70] =	vst v2;
	s25 =	smul.u32 $0x5000, s26  }
0x4bb: {  	_ =	swait.ge [sflag:s13], $0x6400  }
0x4bc: {  	s26 =	sand.u32 $0x380, s22;
	[sflag:s13] =	ssyncset.done $0x0;
	s23 =	sshra.s32 s25, $0x2  }
0x4bd: {  	[sflag:s13] =	ssyncadd.s32 $0xFFFF9C00;
	s23 =	sor.u32 s26, s23  }
0x4be: {  	v0 =	vld [tilespmem:s23+$0xC470]  }
0x4bf: {  	v1 =	vld [tilespmem:s23+$0xB400]  }
0x4c0: {  	v2 =	vld [tilespmem:s23+$0xB410]  }
0x4c1: {  	v3 =	vld [tilespmem:s23+$0xB420]  }
0x4c2: {  	v4 =	vld [tilespmem:s23+$0xB430]  }
0x4c3: {  	v5 =	vld [tilespmem:s23+$0xB440]  }
0x4c4: {  	v6 =	vld [tilespmem:s23+$0xB450]  }
0x4c5: {  	v10 =	vld [tilespmem:s23+$0xB460]  }
0x4c6: {  	v11 =	vld [tilespmem:s23+$0xB470]  }
0x4c7: {  	v12 =	vld [tilespmem:s23+$0xB800]  }
0x4c8: {  	v13 =	vld [tilespmem:s23+$0xB810]  }
0x4c9: {  	v14 =	vld [tilespmem:s23+$0xB820]  }
0x4ca: {  	v15 =	vld [tilespmem:s23+$0xB830]  }
0x4cb: {  	v16 =	vld [tilespmem:s23+$0xB840]  }
0x4cc: {  	v17 =	vld [tilespmem:s23+$0xB850]  }
0x4cd: {  	v18 =	vld [tilespmem:s23+$0xB860]  }
0x4ce: {  	v19 =	vld [tilespmem:s23+$0xB870]  }
0x4cf: {  	v20 =	vld [tilespmem:s23+$0xBC00]  }
0x4d0: {  	v21 =	vld [tilespmem:s23+$0xBC10]  }
0x4d1: {  	v34 =	vimm.f32 $0.0e+00;
	v62 =	vld [tilespmem:s23+$0xBC20]  }
0x4d2: {  	v63 =	vld [tilespmem:s23+$0xC020];
	v22 =	vadd.f32 v0, v34  }
0x4d3: {  	v7 =	vadd.f32 v1, v34;
	v0 =	vld [tilespmem:s23+$0xBC30];
	v23 =	vadd.f32 v2, v34  }
0x4d4: {  	v8 =	vadd.f32 v3, v34;
	v1 =	vld [tilespmem:s23+$0xBC40];
	v24 =	vadd.f32 v4, v34  }
0x4d5: {  	v9 =	vadd.f32 v5, v34;
	v2 =	vld [tilespmem:s23+$0xBC50];
	v25 =	vadd.f32 v6, v34  }
0x4d6: {  	v10 =	vadd.f32 v10, v34;
	v3 =	vld [tilespmem:s23+$0xBC60];
	v26 =	vadd.f32 v11, v34  }
0x4d7: {  	v11 =	vadd.f32 v12, v34;
	v4 =	vld [tilespmem:s23+$0xBC70];
	v27 =	vadd.f32 v13, v34  }
0x4d8: {  	v12 =	vadd.f32 v14, v34;
	v5 =	vld [tilespmem:s23+$0xC000];
	v28 =	vadd.f32 v15, v34  }
0x4d9: {  	v13 =	vadd.f32 v16, v34;
	v6 =	vld [tilespmem:s23+$0xC010];
	v29 =	vadd.f32 v17, v34  }
0x4da: {  	v40 =	vimm.f32 $0.0e+00;
	v14 =	vadd.f32 v18, v34;
	v31 =	vadd.f32 v21, v34;
	v21 =	vld [tilespmem:s23+$0xC040]  }
0x4db: {  	v41 =	vimm.f32 $0.0e+00;
	v30 =	vadd.f32 v19, v34;
	v32 =	vadd.f32 v0, v34;
	v0 =	vld [tilespmem:s23+$0xC050]  }
0x4dc: {  	v42 =	vimm.f32 $0.0e+00;
	v15 =	vadd.f32 v20, v34;
	v20 =	vld [tilespmem:s23+$0xC030];
	v16 =	vadd.f32 v62, v34  }
0x4dd: {  	v36 =	vimm.f32 $0.0e+00;
	v44 =	vld [tilespmem:s23+$0xC060];
	v17 =	vadd.f32 v1, v34;
	v33 =	vadd.f32 v2, v34  }
0x4de: {  	v39 =	vimm.f32 $0.0e+00;
	v45 =	vld [tilespmem:s23+$0xC070];
	v18 =	vadd.f32 v3, v34;
	v19 =	vadd.f32 v4, v34  }
0x4df: {  	s28 =	simm.s32 $0x5000;
	v38 =	vimm.f32 $0.0e+00;
	v43 =	vld [tilespmem:s23+$0xC400];
	v3 =	vadd.f32 v5, v34;
	v4 =	vadd.f32 v6, v34  }
0x4e0: {  	s29 =	simm.s32 $0x5800;
	s30 =	simm.s32 $0x6000;
	s31 =	simm.s32 $0x6400;
	v35 =	vimm.f32 $0.0e+00;
	v6 =	vadd.f32 v21, v34;
	v21 =	vadd.f32 v0, v34;
	v0 =	vld [tilespmem:s23+$0xC410]  }
0x4e1: {  	s0 =	simm.s32 $0x6C00;
	v37 =	vimm.f32 $0.0e+00;
	s24 =	simm.s32 $0x2;
	s25 =	simm.s32 $0x0;
	v5 =	vadd.f32 v63, v34;
	v20 =	vadd.f32 v20, v34;
	v1 =	vld [tilespmem:s23+$0xC420]  }
.LBB2_13:
0x4e2: {  	p0 =	sne.s32 s24, $0x27;
	s25 =	smul.u32 $0x5000, s25;
	v34 =	vadd.f32 v44, v34;
	v2 =	vld [tilespmem:s23+$0xC430]  }
0x4e3: {  	s22 =	sadd.s32 $0x80, s22;
	v41 =	vadd.f32 v45, v41;
	v44 =	vld [tilespmem:s23+$0xC440]  }
0x4e4: {  	s26 =	sand.u32 $0x380, s22;
	s25 =	sshra.s32 s25, $0x2;
	v36 =	vadd.f32 v43, v36;
	v43 =	vld [tilespmem:s23+$0xC450]  }
0x4e5: {  	v42 =	vadd.f32 v0, v42;
	v0 =	vld [tilespmem:s23+$0xC460];
	s23 =	sor.u32 s26, s25  }
0x4e6: {  	v45 =	vld [tilespmem:s23+$0xC470];
	v37 =	vadd.f32 v1, v37  }
0x4e7: {  	v1 =	vld [tilespmem:s23+$0xB400];
	v38 =	vadd.f32 v2, v38  }
0x4e8: {  	v2 =	vld [tilespmem:s23+$0xB410];
	v39 =	vadd.f32 v44, v39  }
0x4e9: {  	v44 =	vld [tilespmem:s23+$0xB420];
	v40 =	vadd.f32 v43, v40  }
0x4ea: {  	v43 =	vld [tilespmem:s23+$0xB430];
	v35 =	vadd.f32 v0, v35  }
0x4eb: {  	v0 =	vld [tilespmem:s23+$0xB440];
	v22 =	vadd.f32 v45, v22  }
0x4ec: {  	v7 =	vadd.f32 v1, v7;
	v1 =	vld [tilespmem:s23+$0xB450]  }
0x4ed: {  	v23 =	vadd.f32 v2, v23;
	v2 =	vld [tilespmem:s23+$0xB460]  }
0x4ee: {  	v8 =	vadd.f32 v44, v8;
	v44 =	vld [tilespmem:s23+$0xB470]  }
0x4ef: {  	v24 =	vadd.f32 v43, v24;
	v43 =	vld [tilespmem:s23+$0xB800]  }
0x4f0: {  	v9 =	vadd.f32 v0, v9;
	v0 =	vld [tilespmem:s23+$0xB810]  }
0x4f1: {  	v25 =	vadd.f32 v1, v25;
	v1 =	vld [tilespmem:s23+$0xB820]  }
0x4f2: {  	v10 =	vadd.f32 v2, v10;
	v2 =	vld [tilespmem:s23+$0xB830]  }
0x4f3: {  	v26 =	vadd.f32 v44, v26;
	v44 =	vld [tilespmem:s23+$0xB840]  }
0x4f4: {  	v11 =	vadd.f32 v43, v11;
	v43 =	vld [tilespmem:s23+$0xB850]  }
0x4f5: {  	v27 =	vadd.f32 v0, v27;
	v0 =	vld [tilespmem:s23+$0xB860]  }
0x4f6: {  	v12 =	vadd.f32 v1, v12;
	v1 =	vld [tilespmem:s23+$0xB870]  }
0x4f7: {  	v28 =	vadd.f32 v2, v28;
	v2 =	vld [tilespmem:s23+$0xBC00]  }
0x4f8: {  	v13 =	vadd.f32 v44, v13;
	v44 =	vld [tilespmem:s23+$0xBC10]  }
0x4f9: {  	v29 =	vadd.f32 v43, v29;
	v43 =	vld [tilespmem:s23+$0xBC20]  }
0x4fa: {  	v14 =	vadd.f32 v0, v14;
	v0 =	vld [tilespmem:s23+$0xBC30]  }
0x4fb: {  	v30 =	vadd.f32 v1, v30;
	v1 =	vld [tilespmem:s23+$0xBC40]  }
0x4fc: {  	v15 =	vadd.f32 v2, v15;
	v2 =	vld [tilespmem:s23+$0xBC50]  }
0x4fd: {  	v31 =	vadd.f32 v44, v31;
	v44 =	vld [tilespmem:s23+$0xBC60]  }
0x4fe: {  	v16 =	vadd.f32 v43, v16;
	v43 =	vld [tilespmem:s23+$0xBC70]  }
0x4ff: {  	v32 =	vadd.f32 v0, v32;
	v0 =	vld [tilespmem:s23+$0xC000]  }
0x500: {  	v17 =	vadd.f32 v1, v17;
	v1 =	vld [tilespmem:s23+$0xC010]  }
0x501: {  	v33 =	vadd.f32 v2, v33;
	v2 =	vld [tilespmem:s23+$0xC020]  }
0x502: {  	v18 =	vadd.f32 v44, v18;
	v46 =	vld [tilespmem:s23+$0xC030]  }
0x503: {  	v19 =	vadd.f32 v43, v19;
	v47 =	vld [tilespmem:s23+$0xC040]  }
0x504: {  	v3 =	vadd.f32 v0, v3;
	v48 =	vld [tilespmem:s23+$0xC050]  }
.Ltmp5:
0x505: {  	v4 =	vadd.f32 v1, v4;
	v44 =	vld [tilespmem:s23+$0xC060];
	(pc) =	sbr.rel @p0 .LBB2_13-.Ltmp5, $4  }
0x506: {  	v5 =	vadd.f32 v2, v5;
	v45 =	vld [tilespmem:s23+$0xC070]  }
0x507: {  	v20 =	vadd.f32 v46, v20;
	v43 =	vld [tilespmem:s23+$0xC400]  }
0x508: {  	v6 =	vadd.f32 v47, v6;
	v0 =	vld [tilespmem:s23+$0xC410]  }
0x509: {  	s25 =	sshrl.u32 s24, $0x3;
	s24 =	sadd.s32 $0x1, s24;
	v21 =	vadd.f32 v48, v21;
	v1 =	vld [tilespmem:s23+$0xC420]  }
0x50a: {  	s24 =	smul.u32 $0x5000, s25  }
0x50b: {  	s22 =	sadd.s32 $0x80, s22  }
0x50c: {  	s22 =	sand.u32 $0x380, s22;
	s24 =	sshra.s32 s24, $0x2  }
0x50d: {  	s24 =	sor.u32 s22, s24  }
0x50e: {  	v2 =	vld [tilespmem:s24+$0xB800];
	_ =	sdelay $0x4  }
0x50f: {  	[tilespmem:$0x1F340] =	vst v2;
	v2 =	vld [tilespmem:s24+$0xB810];
	_ =	sdelay $0x4  }
0x510: {  	[tilespmem:$0x1F350] =	vst v2;
	v2 =	vld [tilespmem:s24+$0xB820];
	_ =	sdelay $0x4  }
0x511: {  	[tilespmem:$0x1F360] =	vst v2;
	v2 =	vld [tilespmem:s24+$0xB830];
	_ =	sdelay $0x4  }
0x512: {  	[tilespmem:$0x1F370] =	vst v2;
	v2 =	vld [tilespmem:s24+$0xB840];
	_ =	sdelay $0x4  }
0x513: {  	[tilespmem:$0x1F380] =	vst v2;
	v2 =	vld [tilespmem:s24+$0xB850];
	_ =	sdelay $0x4  }
0x514: {  	[tilespmem:$0x1F390] =	vst v2;
	v2 =	vld [tilespmem:s24+$0xB860];
	_ =	sdelay $0x4  }
0x515: {  	[tilespmem:$0x1F3A0] =	vst v2;
	v2 =	vld [tilespmem:s24+$0xB870];
	_ =	sdelay $0x4  }
0x516: {  	[tilespmem:$0x1F3B0] =	vst v2;
	v2 =	vld [tilespmem:s24+$0xBC00];
	_ =	sdelay $0x4  }
0x517: {  	[tilespmem:$0x1F3C0] =	vst v2;
	v2 =	vld [tilespmem:s24+$0xBC10];
	_ =	sdelay $0x4  }
0x518: {  	[tilespmem:$0x1F3D0] =	vst v2;
	v2 =	vld [tilespmem:s24+$0xBC20];
	_ =	sdelay $0x4  }
0x519: {  	[tilespmem:$0x1F3E0] =	vst v2;
	v2 =	vld [tilespmem:s24+$0xBC30];
	_ =	sdelay $0x4  }
0x51a: {  	[tilespmem:$0x1F3F0] =	vst v2;
	v2 =	vld [tilespmem:s24+$0xBC40];
	_ =	sdelay $0x4  }
0x51b: {  	[tilespmem:$0x1F400] =	vst v2;
	v2 =	vld [tilespmem:s24+$0xBC50];
	_ =	sdelay $0x4  }
0x51c: {  	[tilespmem:$0x1F410] =	vst v2;
	v2 =	vld [tilespmem:s24+$0xBC60];
	_ =	sdelay $0x4  }
0x51d: {  	[tilespmem:$0x1F420] =	vst v2;
	v2 =	vld [tilespmem:s24+$0xBC70];
	_ =	sdelay $0x3  }
0x51e: {  	v63 =	vld [tilespmem:s24+$0xC030]  }
0x51f: {  	[tilespmem:$0x1F430] =	vst v2;
	v2 =	vld [tilespmem:s15+$0x380]  }
0x520: {  	v62 =	vld [tilespmem:s24+$0xC020]  }
0x521: {  	v48 =	vld [tilespmem:s24+$0xC010];
	_ =	sdelay $0x1  }
0x522: {  	v50 =	vld [tilespmem:s23+$0xC430]  }
0x523: {  	v57 =	vld [tilespmem:s23+$0xC440];
	[tilespmem:$0x1F470] =	vst v63;
	v63 =	vshrl.u32 v2, $0x3  }
0x524: {  	[tilespmem:$0x1F460] =	vst v62;
	v62 =	vld [tilespmem:s24+$0xC050];
	v63 =	vmul.u32 $0x28, v63  }
0x525: {  	[tilespmem:$0x1F450] =	vst v48;
	v48 =	vld [tilespmem:s24+$0xC040];
	v2 =	vand.u32 $0x7, v2  }
0x526: {  	v2 =	vor.u32 v2, v63;
	v63 =	vld [tilespmem:s24+$0xC400]  }
0x527: {  	v49 =	vld [tilespmem:s23+$0xC450]  }
0x528: {  	v47 =	vld [tilespmem:s24+$0xC410]  }
0x529: {  	[tilespmem:$0x1F490] =	vst v62;
	v62 =	vld [tilespmem:s24+$0xC070]  }
0x52a: {  	[tilespmem:$0x1F480] =	vst v48;
	v48 =	vld [tilespmem:s24+$0xC060]  }
0x52b: {  	[tilespmem:$0x1F4C0] =	vst v63;
	v63 =	vld [tilespmem:$0x1FFD0]  }
0x52c: {  	v46 =	vld [tilespmem:s24+$0xC000]  }
0x52d: {  	[tilespmem:$0x1F4D0] =	vst v47;
	v47 =	vld [tilespmem:$0x1FFE0]  }
0x52e: {  	[tilespmem:$0x1F4B0] =	vst v62;
	v62 =	vld [tilespmem:s24+$0xC430]  }
0x52f: {  	v52 =	vld [tilespmem:s23+$0xC460]  }
0x530: {  	v51 =	vld [tilespmem:s24+$0xC470];
	[tilespmem:$0x1F4A0] =	vst v48;
	v48 =	vperm.xlane v2, v63  }
0x531: {  	v54 =	vld [tilespmem:s24+$0xB400]  }
0x532: {  	[tilespmem:$0x1F440] =	vst v46;
	v46 =	vadd.s32 v47, v48;
	v48 =	vld [tilespmem:s24+$0xC420]  }
0x533: {  	[tilespmem:$0x1F510] =	vst v62;
	v62 =	vld [tilespmem:s24+$0xC440]  }
0x534: {  	v53 =	vld [tilespmem:s24+$0xB410]  }
0x535: {  	v55 =	vld [tilespmem:s24+$0xB420]  }
0x536: {  	v56 =	vld [tilespmem:s24+$0xB430]  }
0x537: {  	[tilespmem:$0x1F4F0] =	vst v48;
	v48 =	vld [tilespmem:$0x1FFF0]  }
0x538: {  	[tilespmem:$0x1F520] =	vst v62;
	v62 =	vld [tilespmem:s24+$0xC450]  }
0x539: {  	v58 =	vld [tilespmem:s24+$0xB440]  }
0x53a: {  	v59 =	vld [tilespmem:s24+$0xB450]  }
0x53b: {  	v60 =	vld [tilespmem:s24+$0xB460]  }
0x53c: {  	s25 =	simm.s32 $0xB400;
	s22 =	simm.s32 $0x0;
	v61 =	vld [tilespmem:s24+$0xB470];
	v2 =	vperm.xlane v2, v48  }
0x53d: {  	[tilespmem:$0x1F530] =	vst v62;
	v62 =	vld [tilespmem:s24+$0xC460];
	[tilespmem:s25], [sflag:$0x2] =	stream.indirect_vreg.gather [hbm4b:s3+s22], $0x80, v46, vm0, $0xb8  }
0x53e: {  	s26 =	simm.s32 $0xBC00;
	v2 =	vadd.s32 v47, v2  }
0x53f: {  	[tilespmem:s26], [sflag:$0x2] =	stream.indirect_vreg.gather [hbm4b:s5+s22], $0x80, v46, vm0, $0xb8;
	[tilespmem:$0x16800] =	vst v63  }
0x540: {  	s24 =	simm.s32 $0xC400  }
0x541: {  	[tilespmem:s24], [sflag:$0x2] =	stream.indirect_vreg.gather [hbm4b:s6+s22], $0x80, v46, vm1, $0xb8;
	[tilespmem:$0x16800] =	vst v63  }
0x542: {  	s25 =	simm.s32 $0xC800  }
0x543: {  	[tilespmem:s25], [sflag:$0x2] =	stream.indirect_vreg.gather [hbm4b:s3+s22], $0x80, v2, vm0, $0xb8;
	[tilespmem:$0x16800] =	vst v63  }
0x544: {  	s26 =	simm.s32 $0xD000  }
0x545: {  	[tilespmem:s26], [sflag:$0x2] =	stream.indirect_vreg.gather [hbm4b:s5+s22], $0x80, v2, vm0, $0xb8;
	[tilespmem:$0x16800] =	vst v63  }
0x546: {  	s24 =	simm.s32 $0xD800  }
0x547: {  	[tilespmem:s24], [sflag:$0x2] =	stream.indirect_vreg.gather [hbm4b:s6+s22], $0x80, v2, vm1, $0xb8;
	[tilespmem:$0x16800] =	vst v63  }
0x548: {  	v2 =	vld [tilespmem:s15+$0x390];
	_ =	sdelay $0x4  }
0x549: {  	[tilespmem:$0x1F540] =	vst v62;
	v62 =	vshrl.u32 v2, $0x3  }
0x54a: {  	v46 =	vmul.u32 $0x28, v62  }
0x54b: {  	v2 =	vand.u32 $0x7, v2  }
0x54c: {  	v2 =	vor.u32 v2, v46  }
0x54d: {  	v46 =	vperm.xlane v2, v63;
	_ =	sdelay $0x1  }
0x54e: {  	v46 =	vadd.s32 v47, v46;
	_ =	sdelay $0x3  }
0x54f: {  	s25 =	simm.s32 $0xDC00;
	v2 =	vperm.xlane v2, v48  }
0x550: {  	[tilespmem:s25], [sflag:$0x2] =	stream.indirect_vreg.gather [hbm4b:s3+s22], $0x80, v46, vm0, $0xb8;
	[tilespmem:$0x16800] =	vst v63  }
0x551: {  	s26 =	simm.s32 $0xE400;
	v2 =	vadd.s32 v47, v2  }
0x552: {  	[tilespmem:s26], [sflag:$0x2] =	stream.indirect_vreg.gather [hbm4b:s5+s22], $0x80, v46, vm0, $0xb8;
	[tilespmem:$0x16800] =	vst v63  }
0x553: {  	s24 =	simm.s32 $0xEC00  }
0x554: {  	[tilespmem:s24], [sflag:$0x2] =	stream.indirect_vreg.gather [hbm4b:s6+s22], $0x80, v46, vm1, $0xb8;
	[tilespmem:$0x16800] =	vst v63  }
0x555: {  	s25 =	simm.s32 $0xF000  }
0x556: {  	[tilespmem:s25], [sflag:$0x2] =	stream.indirect_vreg.gather [hbm4b:s3+s22], $0x80, v2, vm0, $0xb8;
	[tilespmem:$0x16800] =	vst v63  }
0x557: {  	s26 =	simm.s32 $0xF800  }
0x558: {  	[tilespmem:s26], [sflag:$0x2] =	stream.indirect_vreg.gather [hbm4b:s5+s22], $0x80, v2, vm0, $0xb8;
	[tilespmem:$0x16800] =	vst v63  }
0x559: {  	s24 =	simm.s32 $0x10000  }
0x55a: {  	[tilespmem:s24], [sflag:$0x2] =	stream.indirect_vreg.gather [hbm4b:s6+s22], $0x80, v2, vm1, $0xb8;
	[tilespmem:$0x16800] =	vst v63  }
0x55b: {  	v2 =	vld.msk [tilespmem:s15+$0x3A0], $0xff;
	_ =	sdelay $0x4  }
0x55c: {  	v62 =	vshrl.u32 v2, $0x3  }
0x55d: {  	v46 =	vmul.u32 $0x28, v62  }
0x55e: {  	v2 =	vand.u32 $0x7, v2  }
0x55f: {  	v2 =	vor.u32 v2, v46  }
0x560: {  	v2 =	vperm.xlane v2, v63;
	_ =	sdelay $0x1  }
0x561: {  	v2 =	vadd.s32 v47, v2;
	_ =	sdelay $0x4  }
0x562: {  	[tilespmem:s2], [sflag:$0x2] =	stream.indirect_vreg.gather [hbm4b:s3+s22], $0x80, v2, vm0, $0xb8;
	[tilespmem:$0x16800] =	vst v63  }
0x563: {  	v0 =	vadd.f32 v0, v42  }
0x564: {  	[tilespmem:s10], [sflag:$0x2] =	stream.indirect_vreg.gather [hbm4b:s5+s22], $0x80, v2, vm0, $0xb8;
	[tilespmem:$0x16800] =	vst v63  }
0x565: {  	[tilespmem:$0x1F4E0] =	vst v0  }
0x566: {  	v0 =	vadd.f32 v1, v37;
	[tilespmem:s11], [sflag:$0x2] =	stream.indirect_vreg.gather [hbm4b:s6+s22], $0x80, v2, vm1, $0xb8;
	[tilespmem:$0x16800] =	vst v63  }
0x567: {  	_ =	swait.ge [sflag:s12], $0x6400  }
0x568: {  	[tilespmem:$0x1F500] =	vst v0;
	v0 =	vld [tilespmem:$0x1F340];
	_ =	sdelay $0x4  }
0x569: {  	v22 =	vadd.f32 v51, v22;
	v51 =	vadd.f32 v0, v11;
	v0 =	vld [tilespmem:$0x1F350];
	_ =	sdelay $0x4  }
0x56a: {  	v27 =	vadd.f32 v0, v27;
	v0 =	vld [tilespmem:$0x1F360];
	_ =	sdelay $0x3  }
0x56b: {  	v2 =	vadd.f32 v44, v34;
	v34 =	vadd.f32 v45, v41  }
0x56c: {  	v45 =	vadd.f32 v52, v35;
	v52 =	vadd.f32 v0, v12;
	v0 =	vld [tilespmem:$0x1F370];
	_ =	sdelay $0x4  }
0x56d: {  	v28 =	vadd.f32 v0, v28;
	v0 =	vld [tilespmem:$0x1F380];
	_ =	sdelay $0x4  }
0x56e: {  	v23 =	vadd.f32 v53, v23;
	v53 =	vadd.f32 v0, v13;
	v0 =	vld [tilespmem:$0x1F390];
	_ =	sdelay $0x4  }
0x56f: {  	v29 =	vadd.f32 v0, v29;
	v0 =	vld [tilespmem:$0x1F3A0];
	_ =	sdelay $0x4  }
0x570: {  	v7 =	vadd.f32 v54, v7;
	v54 =	vadd.f32 v0, v14;
	v0 =	vld [tilespmem:$0x1F3B0];
	_ =	sdelay $0x4  }
0x571: {  	v30 =	vadd.f32 v0, v30;
	v0 =	vld [tilespmem:$0x1F3C0];
	_ =	sdelay $0x4  }
0x572: {  	v8 =	vadd.f32 v55, v8;
	v55 =	vadd.f32 v0, v15;
	v0 =	vld [tilespmem:$0x1F3D0];
	_ =	sdelay $0x4  }
0x573: {  	v31 =	vadd.f32 v0, v31;
	v0 =	vld [tilespmem:$0x1F3E0];
	_ =	sdelay $0x4  }
0x574: {  	v24 =	vadd.f32 v56, v24;
	v56 =	vadd.f32 v0, v16;
	v0 =	vld [tilespmem:$0x1F3F0];
	_ =	sdelay $0x4  }
0x575: {  	v32 =	vadd.f32 v0, v32;
	v0 =	vld [tilespmem:$0x1F400];
	_ =	sdelay $0x3  }
0x576: {  	v41 =	vadd.f32 v43, v36  }
0x577: {  	v43 =	vadd.f32 v57, v39;
	v57 =	vadd.f32 v0, v17;
	v0 =	vld [tilespmem:$0x1F410];
	_ =	sdelay $0x4  }
0x578: {  	v33 =	vadd.f32 v0, v33;
	v0 =	vld [tilespmem:$0x1F420];
	_ =	sdelay $0x4  }
0x579: {  	v9 =	vadd.f32 v58, v9;
	v58 =	vadd.f32 v0, v18;
	v0 =	vld [tilespmem:$0x1F430];
	_ =	sdelay $0x4  }
0x57a: {  	v25 =	vadd.f32 v59, v25;
	v59 =	vadd.f32 v0, v19;
	v0 =	vld [tilespmem:$0x1F440];
	_ =	sdelay $0x3  }
0x57b: {  	v42 =	vadd.f32 v50, v38  }
0x57c: {  	v50 =	vadd.f32 v60, v10;
	v60 =	vadd.f32 v0, v3;
	v0 =	vld [tilespmem:$0x1F450];
	_ =	sdelay $0x4  }
0x57d: {  	v26 =	vadd.f32 v61, v26;
	v61 =	vadd.f32 v0, v4;
	v0 =	vld [tilespmem:$0x1F460];
	_ =	sdelay $0x4  }
0x57e: {  	v62 =	vadd.f32 v0, v5;
	v0 =	vld [tilespmem:$0x1F470];
	_ =	sdelay $0x4  }
0x57f: {  	v36 =	vadd.f32 v0, v20;
	v0 =	vld [tilespmem:$0x1F480];
	_ =	sdelay $0x4  }
0x580: {  	v44 =	vadd.f32 v0, v6;
	v0 =	vld [tilespmem:$0x1F490];
	_ =	sdelay $0x2  }
0x581: {  	s25 =	simm.s32 $0x0  }
0x582: {  	s23 =	smul.u32 $0x5000, s25  }
0x583: {  	v0 =	vadd.f32 v0, v21  }
0x584: {  	s26 =	sand.u32 $0x380, s22;
	s23 =	sshra.s32 s23, $0x2;
	[sflag:s12] =	ssyncset.done $0x0;
	v1 =	vld [tilespmem:$0x1F4E0]  }
0x585: {  	s23 =	sor.u32 s26, s23;
	[sflag:s12] =	ssyncadd.s32 $0xFFFF9C00;
	[tilespmem:$0x1F550] =	vst v0;
	v0 =	vld [tilespmem:$0x1F4A0]  }
0x586: {  	v46 =	vld [tilespmem:s23+$0x6070]  }
0x587: {  	v47 =	vld [tilespmem:s23+$0x5000]  }
0x588: {  	v48 =	vld [tilespmem:s23+$0x5010]  }
0x589: {  	v63 =	vadd.f32 v49, v40;
	v49 =	vld [tilespmem:s23+$0x5020]  }
0x58a: {  	v37 =	vadd.f32 v0, v2;
	v0 =	vld [tilespmem:$0x1F4B0]  }
0x58b: {  	v11 =	vld [tilespmem:s23+$0x5040]  }
0x58c: {  	v13 =	vld [tilespmem:s23+$0x5060]  }
0x58d: {  	v10 =	vld [tilespmem:s23+$0x5030]  }
0x58e: {  	v15 =	vld [tilespmem:s23+$0x5400]  }
0x58f: {  	v38 =	vadd.f32 v0, v34;
	v0 =	vld [tilespmem:$0x1F4C0]  }
0x590: {  	v12 =	vld [tilespmem:s23+$0x5050]  }
0x591: {  	v9 =	vadd.f32 v11, v9;
	v11 =	vadd.f32 v13, v50;
	v50 =	vld [tilespmem:s23+$0x5C00]  }
0x592: {  	v14 =	vld [tilespmem:s23+$0x5070]  }
0x593: {  	v13 =	vadd.f32 v15, v51;
	v51 =	vld [tilespmem:s23+$0x5C10]  }
0x594: {  	v39 =	vadd.f32 v0, v41;
	v0 =	vld [tilespmem:$0x1F4D0]  }
0x595: {  	v17 =	vld [tilespmem:s23+$0x5420]  }
0x596: {  	v16 =	vld [tilespmem:s23+$0x5410]  }
0x597: {  	v19 =	vld [tilespmem:s23+$0x5440]  }
0x598: {  	v3 =	vld [tilespmem:$0x1F500]  }
0x599: {  	v40 =	vadd.f32 v0, v1;
	v0 =	vld [tilespmem:$0x1F4F0]  }
0x59a: {  	v15 =	vadd.f32 v17, v52;
	v52 =	vld [tilespmem:s23+$0x5C20]  }
0x59b: {  	v18 =	vld [tilespmem:s23+$0x5430]  }
0x59c: {  	v17 =	vadd.f32 v19, v53;
	v53 =	vld [tilespmem:s23+$0x5C30]  }
0x59d: {  	v4 =	vadd.f32 v46, v22;
	v46 =	vld [tilespmem:s23+$0x5840]  }
0x59e: {  	v41 =	vadd.f32 v0, v3;
	v3 =	vld [tilespmem:$0x1F520]  }
0x59f: {  	v5 =	vadd.f32 v47, v7;
	v47 =	vld [tilespmem:s23+$0x5850]  }
0x5a0: {  	v7 =	vadd.f32 v49, v8;
	v49 =	vld [tilespmem:s23+$0x5870]  }
0x5a1: {  	v20 =	vld [tilespmem:s23+$0x5450]  }
0x5a2: {  	v6 =	vadd.f32 v48, v23;
	v48 =	vld [tilespmem:s23+$0x5860]  }
0x5a3: {  	v34 =	vadd.f32 v3, v43;
	v3 =	vld [tilespmem:$0x1F530]  }
0x5a4: {  	v21 =	vld [tilespmem:s23+$0x5460]  }
0x5a5: {  	v0 =	vld [tilespmem:$0x1F510]  }
0x5a6: {  	v2 =	vld [tilespmem:s23+$0x5470]  }
0x5a7: {  	v8 =	vadd.f32 v10, v24;
	v43 =	vld [tilespmem:s23+$0x5820]  }
0x5a8: {  	v10 =	vadd.f32 v12, v25;
	v35 =	vadd.f32 v3, v63;
	v3 =	vld [tilespmem:$0x1F540]  }
0x5a9: {  	v12 =	vadd.f32 v14, v26;
	v14 =	vadd.f32 v16, v27;
	v63 =	vld [tilespmem:s23+$0x5C40]  }
0x5aa: {  	v16 =	vadd.f32 v18, v28;
	v42 =	vadd.f32 v0, v42;
	v0 =	vld [tilespmem:s23+$0x5810]  }
0x5ab: {  	v25 =	vadd.f32 v46, v57;
	v26 =	vadd.f32 v47, v33;
	v1 =	vld [tilespmem:s23+$0x5800]  }
0x5ac: {  	v28 =	vadd.f32 v49, v59;
	v23 =	vadd.f32 v43, v56;
	v56 =	vld [tilespmem:s23+$0x5C50]  }
0x5ad: {  	v18 =	vadd.f32 v20, v29;
	v3 =	vadd.f32 v3, v45;
	v45 =	vld [tilespmem:s23+$0x5830]  }
0x5ae: {  	v29 =	vadd.f32 v50, v60;
	v33 =	vadd.f32 v63, v44;
	v63 =	vld [tilespmem:$0x1F550]  }
0x5af: {  	v27 =	vadd.f32 v48, v58;
	v22 =	vadd.f32 v0, v31;
	v0 =	vld [tilespmem:s23+$0x5C60]  }
0x5b0: {  	v19 =	vadd.f32 v21, v54;
	v20 =	vadd.f32 v2, v30;
	v2 =	vld [tilespmem:s23+$0x5C70]  }
0x5b1: {  	v30 =	vadd.f32 v51, v61;
	v21 =	vadd.f32 v1, v55;
	v1 =	vld [tilespmem:s23+$0x6000]  }
0x5b2: {  	v31 =	vadd.f32 v52, v62;
	v43 =	vld [tilespmem:s23+$0x6010];
	v24 =	vadd.f32 v45, v32  }
0x5b3: {  	s25 =	simm.s32 $0x0;
	s24 =	simm.s32 $0x2;
	v44 =	vld [tilespmem:s23+$0x6020];
	v32 =	vadd.f32 v53, v36;
	v36 =	vadd.f32 v56, v63  }
.LBB2_15:
0x5b4: {  	p0 =	sne.s32 s24, $0x27;
	s25 =	smul.u32 $0x5000, s25;
	v37 =	vadd.f32 v0, v37;
	v0 =	vld [tilespmem:s23+$0x6030]  }
0x5b5: {  	s22 =	sadd.s32 $0x80, s22;
	v38 =	vadd.f32 v2, v38;
	v2 =	vld [tilespmem:s23+$0x6040]  }
0x5b6: {  	s26 =	sand.u32 $0x380, s22;
	s25 =	sshra.s32 s25, $0x2;
	v39 =	vadd.f32 v1, v39;
	v1 =	vld [tilespmem:s23+$0x6050]  }
0x5b7: {  	v40 =	vadd.f32 v43, v40;
	v43 =	vld [tilespmem:s23+$0x6060];
	s23 =	sor.u32 s26, s25  }
0x5b8: {  	v45 =	vld [tilespmem:s23+$0x6070];
	v41 =	vadd.f32 v44, v41  }
0x5b9: {  	v44 =	vld [tilespmem:s23+$0x5000];
	v42 =	vadd.f32 v0, v42  }
0x5ba: {  	v0 =	vld [tilespmem:s23+$0x5010];
	v34 =	vadd.f32 v2, v34  }
0x5bb: {  	v2 =	vld [tilespmem:s23+$0x5020];
	v35 =	vadd.f32 v1, v35  }
0x5bc: {  	v1 =	vld [tilespmem:s23+$0x5030];
	v3 =	vadd.f32 v43, v3  }
0x5bd: {  	v43 =	vld [tilespmem:s23+$0x5040];
	v4 =	vadd.f32 v45, v4  }
0x5be: {  	v5 =	vadd.f32 v44, v5;
	v44 =	vld [tilespmem:s23+$0x5050]  }
0x5bf: {  	v6 =	vadd.f32 v0, v6;
	v0 =	vld [tilespmem:s23+$0x5060]  }
0x5c0: {  	v7 =	vadd.f32 v2, v7;
	v2 =	vld [tilespmem:s23+$0x5070]  }
0x5c1: {  	v8 =	vadd.f32 v1, v8;
	v1 =	vld [tilespmem:s23+$0x5400]  }
0x5c2: {  	v9 =	vadd.f32 v43, v9;
	v43 =	vld [tilespmem:s23+$0x5410]  }
0x5c3: {  	v10 =	vadd.f32 v44, v10;
	v44 =	vld [tilespmem:s23+$0x5420]  }
0x5c4: {  	v11 =	vadd.f32 v0, v11;
	v0 =	vld [tilespmem:s23+$0x5430]  }
0x5c5: {  	v12 =	vadd.f32 v2, v12;
	v2 =	vld [tilespmem:s23+$0x5440]  }
0x5c6: {  	v13 =	vadd.f32 v1, v13;
	v1 =	vld [tilespmem:s23+$0x5450]  }
0x5c7: {  	v14 =	vadd.f32 v43, v14;
	v43 =	vld [tilespmem:s23+$0x5460]  }
0x5c8: {  	v15 =	vadd.f32 v44, v15;
	v44 =	vld [tilespmem:s23+$0x5470]  }
0x5c9: {  	v16 =	vadd.f32 v0, v16;
	v0 =	vld [tilespmem:s23+$0x5800]  }
0x5ca: {  	v17 =	vadd.f32 v2, v17;
	v2 =	vld [tilespmem:s23+$0x5810]  }
0x5cb: {  	v18 =	vadd.f32 v1, v18;
	v1 =	vld [tilespmem:s23+$0x5820]  }
0x5cc: {  	v19 =	vadd.f32 v43, v19;
	v43 =	vld [tilespmem:s23+$0x5830]  }
0x5cd: {  	v20 =	vadd.f32 v44, v20;
	v44 =	vld [tilespmem:s23+$0x5840]  }
0x5ce: {  	v21 =	vadd.f32 v0, v21;
	v0 =	vld [tilespmem:s23+$0x5850]  }
0x5cf: {  	v22 =	vadd.f32 v2, v22;
	v2 =	vld [tilespmem:s23+$0x5860]  }
0x5d0: {  	v23 =	vadd.f32 v1, v23;
	v1 =	vld [tilespmem:s23+$0x5870]  }
0x5d1: {  	v24 =	vadd.f32 v43, v24;
	v43 =	vld [tilespmem:s23+$0x5C00]  }
0x5d2: {  	v25 =	vadd.f32 v44, v25;
	v44 =	vld [tilespmem:s23+$0x5C10]  }
0x5d3: {  	v26 =	vadd.f32 v0, v26;
	v45 =	vld [tilespmem:s23+$0x5C20]  }
0x5d4: {  	v27 =	vadd.f32 v2, v27;
	v46 =	vld [tilespmem:s23+$0x5C30]  }
0x5d5: {  	v28 =	vadd.f32 v1, v28;
	v47 =	vld [tilespmem:s23+$0x5C40]  }
0x5d6: {  	v29 =	vadd.f32 v43, v29;
	v48 =	vld [tilespmem:s23+$0x5C50]  }
.Ltmp6:
0x5d7: {  	v30 =	vadd.f32 v44, v30;
	v0 =	vld [tilespmem:s23+$0x5C60];
	(pc) =	sbr.rel @p0 .LBB2_15-.Ltmp6, $4  }
0x5d8: {  	v31 =	vadd.f32 v45, v31;
	v2 =	vld [tilespmem:s23+$0x5C70]  }
0x5d9: {  	v32 =	vadd.f32 v46, v32;
	v1 =	vld [tilespmem:s23+$0x6000]  }
0x5da: {  	v33 =	vadd.f32 v47, v33;
	v43 =	vld [tilespmem:s23+$0x6010]  }
0x5db: {  	s25 =	sshrl.u32 s24, $0x3;
	s24 =	sadd.s32 $0x1, s24;
	v36 =	vadd.f32 v48, v36;
	v44 =	vld [tilespmem:s23+$0x6020]  }
0x5dc: {  	s24 =	smul.u32 $0x5000, s25  }
0x5dd: {  	s22 =	sadd.s32 $0x80, s22  }
0x5de: {  	s22 =	sand.u32 $0x380, s22;
	s24 =	sshra.s32 s24, $0x2  }
0x5df: {  	s24 =	sor.u32 s22, s24  }
0x5e0: {  	v49 =	vld [tilespmem:s24+$0x5420];
	_ =	sdelay $0x2  }
0x5e1: {  	v48 =	vld [tilespmem:s24+$0x5410]  }
0x5e2: {  	v63 =	vld [tilespmem:s24+$0x5430]  }
0x5e3: {  	[tilespmem:$0x1F170] =	vst v49;
	v49 =	vld [tilespmem:s24+$0x5450];
	_ =	sdelay $0x2  }
0x5e4: {  	[tilespmem:$0x1F160] =	vst v48;
	v48 =	vld [tilespmem:s24+$0x5440]  }
0x5e5: {  	[tilespmem:$0x1F180] =	vst v63;
	v63 =	vld [tilespmem:s24+$0x5460]  }
0x5e6: {  	[tilespmem:$0x1F1A0] =	vst v49;
	v49 =	vld [tilespmem:s24+$0x5800];
	_ =	sdelay $0x2  }
0x5e7: {  	[tilespmem:$0x1F190] =	vst v48;
	v48 =	vld [tilespmem:s24+$0x5470]  }
0x5e8: {  	[tilespmem:$0x1F1B0] =	vst v63;
	v63 =	vld [tilespmem:s24+$0x5810]  }
0x5e9: {  	[tilespmem:$0x1F1D0] =	vst v49;
	v49 =	vld [tilespmem:s24+$0x5830];
	_ =	sdelay $0x2  }
0x5ea: {  	[tilespmem:$0x1F1C0] =	vst v48;
	v48 =	vld [tilespmem:s24+$0x5820]  }
0x5eb: {  	[tilespmem:$0x1F1E0] =	vst v63;
	v63 =	vld [tilespmem:s24+$0x5840]  }
0x5ec: {  	[tilespmem:$0x1F200] =	vst v49;
	v49 =	vld [tilespmem:s24+$0x5860];
	_ =	sdelay $0x1  }
0x5ed: {  	v45 =	vld [tilespmem:s24+$0x5400]  }
0x5ee: {  	[tilespmem:$0x1F1F0] =	vst v48;
	v48 =	vld [tilespmem:s24+$0x5850]  }
0x5ef: {  	[tilespmem:$0x1F210] =	vst v63;
	v63 =	vld [tilespmem:s24+$0x5870]  }
0x5f0: {  	[tilespmem:$0x1F230] =	vst v49;
	v49 =	vld [tilespmem:s24+$0x5C20];
	_ =	sdelay $0x1  }
0x5f1: {  	[tilespmem:$0x1F150] =	vst v45;
	v45 =	vld [tilespmem:s15+$0x400]  }
0x5f2: {  	[tilespmem:$0x1F220] =	vst v48;
	v48 =	vld [tilespmem:s24+$0x5C10]  }
0x5f3: {  	[tilespmem:$0x1F240] =	vst v63;
	v63 =	vld [tilespmem:s24+$0x5C30]  }
0x5f4: {  	[tilespmem:$0x1F270] =	vst v49;
	v49 =	vld [tilespmem:s24+$0x5C50];
	_ =	sdelay $0x1  }
0x5f5: {  	v50 =	vld [tilespmem:s23+$0x6030]  }
0x5f6: {  	v57 =	vld [tilespmem:s23+$0x6040];
	[tilespmem:$0x1F260] =	vst v48  }
0x5f7: {  	[tilespmem:$0x1F280] =	vst v63;
	v48 =	vld [tilespmem:s24+$0x5C40]  }
0x5f8: {  	v63 =	vshrl.u32 v45, $0x3;
	[tilespmem:$0x1F2A0] =	vst v49;
	v49 =	vld [tilespmem:s24+$0x5C70]  }
0x5f9: {  	v51 =	vld [tilespmem:s23+$0x6050];
	v63 =	vmul.u32 $0x28, v63  }
0x5fa: {  	v47 =	vld [tilespmem:s24+$0x6010];
	v45 =	vand.u32 $0x7, v45  }
0x5fb: {  	v45 =	vor.u32 v45, v63;
	v63 =	vld [tilespmem:s24+$0x6000]  }
0x5fc: {  	[tilespmem:$0x1F290] =	vst v48;
	v48 =	vld [tilespmem:s24+$0x5C60]  }
0x5fd: {  	[tilespmem:$0x1F2C0] =	vst v49;
	v49 =	vld [tilespmem:$0x1FFD0]  }
0x5fe: {  	v46 =	vld [tilespmem:s24+$0x5C00]  }
0x5ff: {  	[tilespmem:$0x1F2E0] =	vst v47;
	v47 =	vld [tilespmem:$0x1FFE0]  }
0x600: {  	[tilespmem:$0x1F2D0] =	vst v63;
	v63 =	vld [tilespmem:s24+$0x6030]  }
0x601: {  	v52 =	vld [tilespmem:s23+$0x6060]  }
0x602: {  	v53 =	vld [tilespmem:s24+$0x6070];
	[tilespmem:$0x1F2B0] =	vst v48;
	v48 =	vperm.xlane v45, v49  }
0x603: {  	v54 =	vld [tilespmem:s24+$0x5000]  }
0x604: {  	[tilespmem:$0x1F250] =	vst v46;
	v46 =	vadd.s32 v47, v48;
	v48 =	vld [tilespmem:s24+$0x6020]  }
0x605: {  	[tilespmem:$0x1F300] =	vst v63;
	v63 =	vld [tilespmem:s24+$0x6040]  }
0x606: {  	v55 =	vld [tilespmem:s24+$0x5010]  }
0x607: {  	v58 =	vld [tilespmem:s24+$0x5020]  }
0x608: {  	v56 =	vld [tilespmem:s24+$0x5030]  }
0x609: {  	[tilespmem:$0x1F2F0] =	vst v48;
	v48 =	vld [tilespmem:$0x1FFF0]  }
0x60a: {  	[tilespmem:$0x1F310] =	vst v63;
	v63 =	vld [tilespmem:s24+$0x6050]  }
0x60b: {  	v60 =	vld [tilespmem:s24+$0x5040]  }
0x60c: {  	v59 =	vld [tilespmem:s24+$0x5050]  }
0x60d: {  	v62 =	vld [tilespmem:s24+$0x5060]  }
0x60e: {  	s22 =	simm.s32 $0x0;
	v61 =	vld [tilespmem:s24+$0x5070];
	v45 =	vperm.xlane v45, v48  }
0x60f: {  	[tilespmem:$0x1F320] =	vst v63;
	v63 =	vld [tilespmem:s24+$0x6060];
	[tilespmem:s28], [sflag:$0x1] =	stream.indirect_vreg.gather [hbm4b:s3+s22], $0x80, v46, vm0, $0xb8  }
0x610: {  	v45 =	vadd.s32 v47, v45  }
0x611: {  	[tilespmem:s29], [sflag:$0x1] =	stream.indirect_vreg.gather [hbm4b:s5+s22], $0x80, v46, vm0, $0xb8;
	[tilespmem:$0x16800] =	vst v63  }
0x612: {  	_ = 	snop  }
0x613: {  	[tilespmem:s30], [sflag:$0x1] =	stream.indirect_vreg.gather [hbm4b:s6+s22], $0x80, v46, vm1, $0xb8;
	[tilespmem:$0x16800] =	vst v63  }
0x614: {  	_ = 	snop  }
0x615: {  	[tilespmem:s31], [sflag:$0x1] =	stream.indirect_vreg.gather [hbm4b:s3+s22], $0x80, v45, vm0, $0xb8;
	[tilespmem:$0x16800] =	vst v63  }
0x616: {  	_ = 	snop  }
0x617: {  	[tilespmem:s0], [sflag:$0x1] =	stream.indirect_vreg.gather [hbm4b:s5+s22], $0x80, v45, vm0, $0xb8;
	[tilespmem:$0x16800] =	vst v63  }
0x618: {  	s0 =	simm.s32 $0x7400  }
0x619: {  	[tilespmem:s0], [sflag:$0x1] =	stream.indirect_vreg.gather [hbm4b:s6+s22], $0x80, v45, vm1, $0xb8;
	[tilespmem:$0x16800] =	vst v63  }
0x61a: {  	v45 =	vld [tilespmem:s15+$0x410];
	_ =	sdelay $0x4  }
0x61b: {  	[tilespmem:$0x1F330] =	vst v63;
	v63 =	vshrl.u32 v45, $0x3  }
0x61c: {  	v46 =	vmul.u32 $0x28, v63  }
0x61d: {  	v45 =	vand.u32 $0x7, v45  }
0x61e: {  	v45 =	vor.u32 v45, v46  }
0x61f: {  	v46 =	vperm.xlane v45, v49;
	_ =	sdelay $0x1  }
0x620: {  	v46 =	vadd.s32 v47, v46;
	_ =	sdelay $0x3  }
0x621: {  	v45 =	vperm.xlane v45, v48  }
0x622: {  	[tilespmem:s1], [sflag:$0x1] =	stream.indirect_vreg.gather [hbm4b:s3+s22], $0x80, v46, vm0, $0xb8;
	[tilespmem:$0x16800] =	vst v63  }
0x623: {  	s28 =	simm.s32 $0x8000;
	v45 =	vadd.s32 v47, v45  }
0x624: {  	[tilespmem:s28], [sflag:$0x1] =	stream.indirect_vreg.gather [hbm4b:s5+s22], $0x80, v46, vm0, $0xb8;
	[tilespmem:$0x16800] =	vst v63  }
0x625: {  	_ = 	snop  }
0x626: {  	[tilespmem:s4], [sflag:$0x1] =	stream.indirect_vreg.gather [hbm4b:s6+s22], $0x80, v46, vm1, $0xb8;
	[tilespmem:$0x16800] =	vst v63  }
0x627: {  	s29 =	simm.s32 $0x8C00  }
0x628: {  	[tilespmem:s29], [sflag:$0x1] =	stream.indirect_vreg.gather [hbm4b:s3+s22], $0x80, v45, vm0, $0xb8;
	[tilespmem:$0x16800] =	vst v63  }
0x629: {  	_ = 	snop  }
0x62a: {  	[tilespmem:s7], [sflag:$0x1] =	stream.indirect_vreg.gather [hbm4b:s5+s22], $0x80, v45, vm0, $0xb8;
	[tilespmem:$0x16800] =	vst v63  }
0x62b: {  	s30 =	simm.s32 $0x9C00  }
0x62c: {  	[tilespmem:s30], [sflag:$0x1] =	stream.indirect_vreg.gather [hbm4b:s6+s22], $0x80, v45, vm1, $0xb8;
	[tilespmem:$0x16800] =	vst v63  }
0x62d: {  	v45 =	vld.msk [tilespmem:s15+$0x420], $0xff;
	_ =	sdelay $0x4  }
0x62e: {  	v48 =	vshrl.u32 v45, $0x3  }
0x62f: {  	v46 =	vmul.u32 $0x28, v48  }
0x630: {  	v45 =	vand.u32 $0x7, v45  }
0x631: {  	v45 =	vor.u32 v45, v46  }
0x632: {  	v45 =	vperm.xlane v45, v49;
	_ =	sdelay $0x1  }
0x633: {  	v45 =	vadd.s32 v47, v45;
	_ =	sdelay $0x4  }
0x634: {  	[tilespmem:s8], [sflag:$0x1] =	stream.indirect_vreg.gather [hbm4b:s3+s22], $0x80, v45, vm0, $0xb8;
	[tilespmem:$0x16800] =	vst v63  }
0x635: {  	s31 =	simm.s32 $0xA800  }
0x636: {  	[tilespmem:s31], [sflag:$0x1] =	stream.indirect_vreg.gather [hbm4b:s5+s22], $0x80, v45, vm0, $0xb8;
	[tilespmem:$0x16800] =	vst v63  }
0x637: {  	_ = 	snop  }
0x638: {  	[tilespmem:s9], [sflag:$0x1] =	stream.indirect_vreg.gather [hbm4b:s6+s22], $0x80, v45, vm1, $0xb8;
	[tilespmem:$0x16800] =	vst v63  }
0x639: {  	_ =	swait.ge [sflag:s13], $0x6400  }
0x63a: {  	v10 =	vadd.f32 v59, v10;
	v59 =	vld [tilespmem:$0x1F150]  }
0x63b: {  	v9 =	vadd.f32 v60, v9;
	v60 =	vld [tilespmem:$0x1F160]  }
0x63c: {  	v12 =	vadd.f32 v61, v12;
	v61 =	vld [tilespmem:$0x1F170]  }
0x63d: {  	v11 =	vadd.f32 v62, v11;
	v62 =	vld [tilespmem:$0x1F180]  }
0x63e: {  	v63 =	vld [tilespmem:$0x1F190]  }
0x63f: {  	v42 =	vadd.f32 v50, v42;
	v50 =	vld [tilespmem:$0x1F1A0]  }
0x640: {  	v35 =	vadd.f32 v51, v35;
	v51 =	vld [tilespmem:$0x1F1B0]  }
0x641: {  	v3 =	vadd.f32 v52, v3;
	v52 =	vld [tilespmem:$0x1F1C0]  }
0x642: {  	v4 =	vadd.f32 v53, v4;
	v53 =	vld [tilespmem:$0x1F1D0]  }
0x643: {  	s25 =	simm.s32 $0x0;
	v5 =	vadd.f32 v54, v5;
	v54 =	vld [tilespmem:$0x1F1E0]  }
0x644: {  	s23 =	smul.u32 $0x5000, s25;
	v6 =	vadd.f32 v55, v6;
	v55 =	vld [tilespmem:$0x1F1F0]  }
0x645: {  	v8 =	vadd.f32 v56, v8;
	v56 =	vld [tilespmem:$0x1F200]  }
0x646: {  	s23 =	sshra.s32 s23, $0x2;
	s26 =	sand.u32 $0x380, s22;
	v34 =	vadd.f32 v57, v34;
	[sflag:s13] =	ssyncset.done $0x0;
	v57 =	vld [tilespmem:$0x1F210]  }
0x647: {  	s23 =	sor.u32 s26, s23;
	v7 =	vadd.f32 v58, v7;
	v58 =	vld [tilespmem:$0x1F220];
	[sflag:s13] =	ssyncadd.s32 $0xFFFF9C00  }
0x648: {  	v40 =	vadd.f32 v43, v40;
	v43 =	vld [tilespmem:s23+$0xC470]  }
0x649: {  	v41 =	vadd.f32 v44, v41;
	v44 =	vld [tilespmem:s23+$0xB400]  }
0x64a: {  	v45 =	vld [tilespmem:s23+$0xB410]  }
0x64b: {  	v46 =	vld [tilespmem:s23+$0xB420]  }
0x64c: {  	v47 =	vld [tilespmem:s23+$0xB430]  }
0x64d: {  	v48 =	vld [tilespmem:s23+$0xB440]  }
0x64e: {  	v49 =	vld [tilespmem:s23+$0xB450]  }
0x64f: {  	v18 =	vadd.f32 v50, v18;
	v50 =	vld [tilespmem:s23+$0xB460]  }
0x650: {  	v19 =	vadd.f32 v51, v19;
	v51 =	vld [tilespmem:s23+$0xB470]  }
0x651: {  	v20 =	vadd.f32 v52, v20;
	v52 =	vld [tilespmem:s23+$0xB800]  }
0x652: {  	v21 =	vadd.f32 v53, v21;
	v53 =	vld [tilespmem:s23+$0xB810]  }
0x653: {  	v22 =	vadd.f32 v54, v22;
	v54 =	vld [tilespmem:s23+$0xB820]  }
0x654: {  	v13 =	vadd.f32 v59, v13;
	v59 =	vld [tilespmem:$0x1F230]  }
0x655: {  	v14 =	vadd.f32 v60, v14;
	v60 =	vld [tilespmem:$0x1F240]  }
0x656: {  	v23 =	vadd.f32 v55, v23;
	v55 =	vld [tilespmem:s23+$0xB830]  }
0x657: {  	v15 =	vadd.f32 v61, v15;
	v61 =	vld [tilespmem:$0x1F250]  }
0x658: {  	v16 =	vadd.f32 v62, v16;
	v62 =	vld [tilespmem:$0x1F260]  }
0x659: {  	v24 =	vadd.f32 v56, v24;
	v56 =	vld [tilespmem:s23+$0xB840]  }
0x65a: {  	v17 =	vadd.f32 v63, v17;
	v63 =	vld [tilespmem:$0x1F270]  }
0x65b: {  	v28 =	vadd.f32 v60, v28;
	v60 =	vld [tilespmem:$0x1F2B0]  }
0x65c: {  	v25 =	vadd.f32 v57, v25;
	v57 =	vld [tilespmem:$0x1F280]  }
0x65d: {  	v26 =	vadd.f32 v58, v26;
	v58 =	vld [tilespmem:$0x1F290]  }
0x65e: {  	v0 =	vadd.f32 v0, v37;
	v5 =	vadd.f32 v44, v5;
	v44 =	vld [tilespmem:s23+$0xBC40]  }
0x65f: {  	v6 =	vadd.f32 v45, v6;
	v45 =	vld [tilespmem:s23+$0xBC50]  }
0x660: {  	v37 =	vadd.f32 v60, v0;
	v0 =	vld [tilespmem:$0x1F2C0]  }
0x661: {  	v7 =	vadd.f32 v46, v7;
	v46 =	vld [tilespmem:s23+$0xBC60]  }
0x662: {  	v8 =	vadd.f32 v47, v8;
	v47 =	vld [tilespmem:s23+$0xBC70]  }
0x663: {  	v2 =	vadd.f32 v2, v38;
	v9 =	vadd.f32 v48, v9;
	v48 =	vld [tilespmem:s23+$0xC000]  }
0x664: {  	v10 =	vadd.f32 v49, v10;
	v49 =	vld [tilespmem:s23+$0xC010]  }
0x665: {  	v38 =	vadd.f32 v0, v2;
	v2 =	vld [tilespmem:$0x1F2D0]  }
0x666: {  	v32 =	vadd.f32 v57, v32;
	v57 =	vld [tilespmem:s23+$0xB850]  }
0x667: {  	v27 =	vadd.f32 v59, v27;
	v59 =	vld [tilespmem:$0x1F2A0]  }
0x668: {  	v1 =	vadd.f32 v1, v39;
	v33 =	vadd.f32 v58, v33;
	v58 =	vld [tilespmem:s23+$0xB860]  }
0x669: {  	v29 =	vadd.f32 v61, v29;
	v61 =	vld [tilespmem:$0x1F310]  }
0x66a: {  	v39 =	vadd.f32 v2, v1;
	v2 =	vld [tilespmem:$0x1F2F0]  }
0x66b: {  	v30 =	vadd.f32 v62, v30;
	v62 =	vld [tilespmem:$0x1F320]  }
0x66c: {  	v31 =	vadd.f32 v63, v31;
	v63 =	vld [tilespmem:s23+$0xBC30]  }
0x66d: {  	v4 =	vadd.f32 v43, v4;
	v36 =	vadd.f32 v59, v36;
	v59 =	vld [tilespmem:s23+$0xBC20]  }
0x66e: {  	v11 =	vadd.f32 v50, v11;
	v12 =	vadd.f32 v51, v12;
	v60 =	vld [tilespmem:$0x1F330]  }
0x66f: {  	v13 =	vadd.f32 v52, v13;
	v41 =	vadd.f32 v2, v41;
	v2 =	vld [tilespmem:$0x1F300]  }
0x670: {  	v14 =	vadd.f32 v53, v14;
	v15 =	vadd.f32 v54, v15;
	v1 =	vld [tilespmem:$0x1F2E0]  }
0x671: {  	v16 =	vadd.f32 v55, v16;
	v34 =	vadd.f32 v61, v34;
	v61 =	vld [tilespmem:s23+$0xC030]  }
0x672: {  	v17 =	vadd.f32 v56, v17;
	v35 =	vadd.f32 v62, v35;
	v62 =	vld [tilespmem:s23+$0xC040]  }
0x673: {  	v25 =	vadd.f32 v44, v25;
	v26 =	vadd.f32 v45, v26;
	v0 =	vld [tilespmem:s23+$0xB870]  }
0x674: {  	v27 =	vadd.f32 v46, v27;
	v42 =	vadd.f32 v2, v42;
	v2 =	vld [tilespmem:s23+$0xBC10]  }
0x675: {  	v28 =	vadd.f32 v47, v28;
	v40 =	vadd.f32 v1, v40;
	v1 =	vld [tilespmem:s23+$0xBC00]  }
0x676: {  	v29 =	vadd.f32 v48, v29;
	v24 =	vadd.f32 v63, v24;
	v63 =	vld [tilespmem:s23+$0xC050]  }
0x677: {  	v30 =	vadd.f32 v49, v30;
	v3 =	vadd.f32 v60, v3;
	v60 =	vld [tilespmem:s23+$0xC020]  }
0x678: {  	v18 =	vadd.f32 v57, v18;
	v20 =	vadd.f32 v0, v20;
	v0 =	vld [tilespmem:s23+$0xC060]  }
0x679: {  	v19 =	vadd.f32 v58, v19;
	v22 =	vadd.f32 v2, v22;
	v2 =	vld [tilespmem:s23+$0xC070]  }
0x67a: {  	v23 =	vadd.f32 v59, v23;
	v21 =	vadd.f32 v1, v21;
	v1 =	vld [tilespmem:s23+$0xC400]  }
0x67b: {  	v43 =	vld [tilespmem:s23+$0xC410];
	v32 =	vadd.f32 v61, v32;
	v33 =	vadd.f32 v62, v33  }
0x67c: {  	s25 =	simm.s32 $0x0;
	s24 =	simm.s32 $0x2;
	v44 =	vld [tilespmem:s23+$0xC420];
	v36 =	vadd.f32 v63, v36;
	v31 =	vadd.f32 v60, v31  }
.LBB2_17:
0x67d: {  	p0 =	sne.s32 s24, $0x27;
	s25 =	smul.u32 $0x5000, s25;
	v37 =	vadd.f32 v0, v37;
	v0 =	vld [tilespmem:s23+$0xC430]  }
0x67e: {  	s22 =	sadd.s32 $0x80, s22;
	v38 =	vadd.f32 v2, v38;
	v2 =	vld [tilespmem:s23+$0xC440]  }
0x67f: {  	s26 =	sand.u32 $0x380, s22;
	s25 =	sshra.s32 s25, $0x2;
	v39 =	vadd.f32 v1, v39;
	v1 =	vld [tilespmem:s23+$0xC450]  }
0x680: {  	v40 =	vadd.f32 v43, v40;
	v43 =	vld [tilespmem:s23+$0xC460];
	s23 =	sor.u32 s26, s25  }
0x681: {  	v45 =	vld [tilespmem:s23+$0xC470];
	v41 =	vadd.f32 v44, v41  }
0x682: {  	v44 =	vld [tilespmem:s23+$0xB400];
	v42 =	vadd.f32 v0, v42  }
0x683: {  	v0 =	vld [tilespmem:s23+$0xB410];
	v34 =	vadd.f32 v2, v34  }
0x684: {  	v2 =	vld [tilespmem:s23+$0xB420];
	v35 =	vadd.f32 v1, v35  }
0x685: {  	v1 =	vld [tilespmem:s23+$0xB430];
	v3 =	vadd.f32 v43, v3  }
0x686: {  	v43 =	vld [tilespmem:s23+$0xB440];
	v4 =	vadd.f32 v45, v4  }
0x687: {  	v5 =	vadd.f32 v44, v5;
	v44 =	vld [tilespmem:s23+$0xB450]  }
0x688: {  	v6 =	vadd.f32 v0, v6;
	v0 =	vld [tilespmem:s23+$0xB460]  }
0x689: {  	v7 =	vadd.f32 v2, v7;
	v2 =	vld [tilespmem:s23+$0xB470]  }
0x68a: {  	v8 =	vadd.f32 v1, v8;
	v1 =	vld [tilespmem:s23+$0xB800]  }
0x68b: {  	v9 =	vadd.f32 v43, v9;
	v43 =	vld [tilespmem:s23+$0xB810]  }
0x68c: {  	v10 =	vadd.f32 v44, v10;
	v44 =	vld [tilespmem:s23+$0xB820]  }
0x68d: {  	v11 =	vadd.f32 v0, v11;
	v0 =	vld [tilespmem:s23+$0xB830]  }
0x68e: {  	v12 =	vadd.f32 v2, v12;
	v2 =	vld [tilespmem:s23+$0xB840]  }
0x68f: {  	v13 =	vadd.f32 v1, v13;
	v1 =	vld [tilespmem:s23+$0xB850]  }
0x690: {  	v14 =	vadd.f32 v43, v14;
	v43 =	vld [tilespmem:s23+$0xB860]  }
0x691: {  	v15 =	vadd.f32 v44, v15;
	v44 =	vld [tilespmem:s23+$0xB870]  }
0x692: {  	v16 =	vadd.f32 v0, v16;
	v0 =	vld [tilespmem:s23+$0xBC00]  }
0x693: {  	v17 =	vadd.f32 v2, v17;
	v2 =	vld [tilespmem:s23+$0xBC10]  }
0x694: {  	v18 =	vadd.f32 v1, v18;
	v1 =	vld [tilespmem:s23+$0xBC20]  }
0x695: {  	v19 =	vadd.f32 v43, v19;
	v43 =	vld [tilespmem:s23+$0xBC30]  }
0x696: {  	v20 =	vadd.f32 v44, v20;
	v44 =	vld [tilespmem:s23+$0xBC40]  }
0x697: {  	v21 =	vadd.f32 v0, v21;
	v0 =	vld [tilespmem:s23+$0xBC50]  }
0x698: {  	v22 =	vadd.f32 v2, v22;
	v2 =	vld [tilespmem:s23+$0xBC60]  }
0x699: {  	v23 =	vadd.f32 v1, v23;
	v1 =	vld [tilespmem:s23+$0xBC70]  }
0x69a: {  	v24 =	vadd.f32 v43, v24;
	v43 =	vld [tilespmem:s23+$0xC000]  }
0x69b: {  	v25 =	vadd.f32 v44, v25;
	v44 =	vld [tilespmem:s23+$0xC010]  }
0x69c: {  	v26 =	vadd.f32 v0, v26;
	v45 =	vld [tilespmem:s23+$0xC020]  }
0x69d: {  	v27 =	vadd.f32 v2, v27;
	v46 =	vld [tilespmem:s23+$0xC030]  }
0x69e: {  	v28 =	vadd.f32 v1, v28;
	v47 =	vld [tilespmem:s23+$0xC040]  }
0x69f: {  	v29 =	vadd.f32 v43, v29;
	v48 =	vld [tilespmem:s23+$0xC050]  }
.Ltmp7:
0x6a0: {  	v30 =	vadd.f32 v44, v30;
	v0 =	vld [tilespmem:s23+$0xC060];
	(pc) =	sbr.rel @p0 .LBB2_17-.Ltmp7, $4  }
0x6a1: {  	v31 =	vadd.f32 v45, v31;
	v2 =	vld [tilespmem:s23+$0xC070]  }
0x6a2: {  	v32 =	vadd.f32 v46, v32;
	v1 =	vld [tilespmem:s23+$0xC400]  }
0x6a3: {  	v33 =	vadd.f32 v47, v33;
	v43 =	vld [tilespmem:s23+$0xC410]  }
0x6a4: {  	s25 =	sshrl.u32 s24, $0x3;
	s24 =	sadd.s32 $0x1, s24;
	v36 =	vadd.f32 v48, v36;
	v44 =	vld [tilespmem:s23+$0xC420]  }
0x6a5: {  	s24 =	smul.u32 $0x5000, s25  }
0x6a6: {  	s22 =	sadd.s32 $0x80, s22  }
0x6a7: {  	s22 =	sand.u32 $0x380, s22;
	s24 =	sshra.s32 s24, $0x2  }
0x6a8: {  	s24 =	sor.u32 s22, s24  }
0x6a9: {  	v49 =	vld [tilespmem:s24+$0xB820];
	_ =	sdelay $0x2  }
0x6aa: {  	v48 =	vld [tilespmem:s24+$0xB810]  }
0x6ab: {  	v63 =	vld [tilespmem:s24+$0xB830]  }
0x6ac: {  	[tilespmem:$0x1EF80] =	vst v49;
	v49 =	vld [tilespmem:s24+$0xB850];
	_ =	sdelay $0x2  }
0x6ad: {  	[tilespmem:$0x1EF70] =	vst v48;
	v48 =	vld [tilespmem:s24+$0xB840]  }
0x6ae: {  	[tilespmem:$0x1EF90] =	vst v63;
	v63 =	vld [tilespmem:s24+$0xB860]  }
0x6af: {  	[tilespmem:$0x1EFB0] =	vst v49;
	v49 =	vld [tilespmem:s24+$0xBC00];
	_ =	sdelay $0x2  }
0x6b0: {  	[tilespmem:$0x1EFA0] =	vst v48;
	v48 =	vld [tilespmem:s24+$0xB870]  }
0x6b1: {  	[tilespmem:$0x1EFC0] =	vst v63;
	v63 =	vld [tilespmem:s24+$0xBC10]  }
0x6b2: {  	[tilespmem:$0x1EFE0] =	vst v49;
	v49 =	vld [tilespmem:s24+$0xBC30];
	_ =	sdelay $0x2  }
0x6b3: {  	[tilespmem:$0x1EFD0] =	vst v48;
	v48 =	vld [tilespmem:s24+$0xBC20]  }
0x6b4: {  	[tilespmem:$0x1EFF0] =	vst v63;
	v63 =	vld [tilespmem:s24+$0xBC40]  }
0x6b5: {  	[tilespmem:$0x1F010] =	vst v49;
	v49 =	vld [tilespmem:s24+$0xBC60];
	_ =	sdelay $0x1  }
0x6b6: {  	v45 =	vld [tilespmem:s24+$0xB800]  }
0x6b7: {  	[tilespmem:$0x1F000] =	vst v48;
	v48 =	vld [tilespmem:s24+$0xBC50]  }
0x6b8: {  	[tilespmem:$0x1F020] =	vst v63;
	v63 =	vld [tilespmem:s24+$0xBC70]  }
0x6b9: {  	[tilespmem:$0x1F040] =	vst v49;
	v49 =	vld [tilespmem:s24+$0xC020];
	_ =	sdelay $0x1  }
0x6ba: {  	[tilespmem:$0x1EF60] =	vst v45;
	v45 =	vld [tilespmem:s15+$0x480]  }
0x6bb: {  	[tilespmem:$0x1F030] =	vst v48;
	v48 =	vld [tilespmem:s24+$0xC010]  }
0x6bc: {  	[tilespmem:$0x1F050] =	vst v63;
	v63 =	vld [tilespmem:s24+$0xC030]  }
0x6bd: {  	[tilespmem:$0x1F080] =	vst v49;
	v49 =	vld [tilespmem:s24+$0xC050];
	_ =	sdelay $0x1  }
0x6be: {  	v50 =	vld [tilespmem:s23+$0xC430]  }
0x6bf: {  	v57 =	vld [tilespmem:s23+$0xC440];
	[tilespmem:$0x1F070] =	vst v48  }
0x6c0: {  	[tilespmem:$0x1F090] =	vst v63;
	v48 =	vld [tilespmem:s24+$0xC040]  }
0x6c1: {  	v63 =	vshrl.u32 v45, $0x3;
	[tilespmem:$0x1F0B0] =	vst v49;
	v49 =	vld [tilespmem:s24+$0xC070]  }
0x6c2: {  	v51 =	vld [tilespmem:s23+$0xC450];
	v63 =	vmul.u32 $0x28, v63  }
0x6c3: {  	v47 =	vld [tilespmem:s24+$0xC410];
	v45 =	vand.u32 $0x7, v45  }
0x6c4: {  	v45 =	vor.u32 v45, v63;
	v63 =	vld [tilespmem:s24+$0xC400]  }
0x6c5: {  	[tilespmem:$0x1F0A0] =	vst v48;
	v48 =	vld [tilespmem:s24+$0xC060]  }
0x6c6: {  	[tilespmem:$0x1F0D0] =	vst v49;
	v49 =	vld [tilespmem:$0x1FFD0]  }
0x6c7: {  	v46 =	vld [tilespmem:s24+$0xC000]  }
0x6c8: {  	[tilespmem:$0x1F0F0] =	vst v47;
	v47 =	vld [tilespmem:$0x1FFE0]  }
0x6c9: {  	[tilespmem:$0x1F0E0] =	vst v63;
	v63 =	vld [tilespmem:s24+$0xC430]  }
0x6ca: {  	v52 =	vld [tilespmem:s23+$0xC460]  }
0x6cb: {  	v53 =	vld [tilespmem:s24+$0xC470];
	[tilespmem:$0x1F0C0] =	vst v48;
	v48 =	vperm.xlane v45, v49  }
0x6cc: {  	v54 =	vld [tilespmem:s24+$0xB400]  }
0x6cd: {  	[tilespmem:$0x1F060] =	vst v46;
	v46 =	vadd.s32 v47, v48;
	v48 =	vld [tilespmem:s24+$0xC420]  }
0x6ce: {  	[tilespmem:$0x1F110] =	vst v63;
	v63 =	vld [tilespmem:s24+$0xC440]  }
0x6cf: {  	v55 =	vld [tilespmem:s24+$0xB410]  }
0x6d0: {  	v58 =	vld [tilespmem:s24+$0xB420]  }
0x6d1: {  	v56 =	vld [tilespmem:s24+$0xB430]  }
0x6d2: {  	[tilespmem:$0x1F100] =	vst v48;
	v48 =	vld [tilespmem:$0x1FFF0]  }
0x6d3: {  	[tilespmem:$0x1F120] =	vst v63;
	v63 =	vld [tilespmem:s24+$0xC450]  }
0x6d4: {  	v60 =	vld [tilespmem:s24+$0xB440]  }
0x6d5: {  	v59 =	vld [tilespmem:s24+$0xB450]  }
0x6d6: {  	v62 =	vld [tilespmem:s24+$0xB460]  }
0x6d7: {  	s25 =	simm.s32 $0xB400;
	s22 =	simm.s32 $0x0;
	v61 =	vld [tilespmem:s24+$0xB470];
	v45 =	vperm.xlane v45, v48  }
0x6d8: {  	[tilespmem:$0x1F130] =	vst v63;
	v63 =	vld [tilespmem:s24+$0xC460];
	[tilespmem:s25], [sflag:$0x2] =	stream.indirect_vreg.gather [hbm4b:s3+s22], $0x80, v46, vm0, $0xb8  }
0x6d9: {  	s26 =	simm.s32 $0xBC00;
	v45 =	vadd.s32 v47, v45  }
0x6da: {  	[tilespmem:s26], [sflag:$0x2] =	stream.indirect_vreg.gather [hbm4b:s5+s22], $0x80, v46, vm0, $0xb8;
	[tilespmem:$0x16800] =	vst v63  }
0x6db: {  	s24 =	simm.s32 $0xC400  }
0x6dc: {  	[tilespmem:s24], [sflag:$0x2] =	stream.indirect_vreg.gather [hbm4b:s6+s22], $0x80, v46, vm1, $0xb8;
	[tilespmem:$0x16800] =	vst v63  }
0x6dd: {  	s25 =	simm.s32 $0xC800  }
0x6de: {  	[tilespmem:s25], [sflag:$0x2] =	stream.indirect_vreg.gather [hbm4b:s3+s22], $0x80, v45, vm0, $0xb8;
	[tilespmem:$0x16800] =	vst v63  }
0x6df: {  	s26 =	simm.s32 $0xD000  }
0x6e0: {  	[tilespmem:s26], [sflag:$0x2] =	stream.indirect_vreg.gather [hbm4b:s5+s22], $0x80, v45, vm0, $0xb8;
	[tilespmem:$0x16800] =	vst v63  }
0x6e1: {  	s24 =	simm.s32 $0xD800  }
0x6e2: {  	[tilespmem:s24], [sflag:$0x2] =	stream.indirect_vreg.gather [hbm4b:s6+s22], $0x80, v45, vm1, $0xb8;
	[tilespmem:$0x16800] =	vst v63  }
0x6e3: {  	v45 =	vld [tilespmem:s15+$0x490];
	_ =	sdelay $0x4  }
0x6e4: {  	[tilespmem:$0x1F140] =	vst v63;
	v63 =	vshrl.u32 v45, $0x3  }
0x6e5: {  	v46 =	vmul.u32 $0x28, v63  }
0x6e6: {  	v45 =	vand.u32 $0x7, v45  }
0x6e7: {  	v45 =	vor.u32 v45, v46  }
0x6e8: {  	v46 =	vperm.xlane v45, v49;
	_ =	sdelay $0x1  }
0x6e9: {  	v46 =	vadd.s32 v47, v46;
	_ =	sdelay $0x3  }
0x6ea: {  	s25 =	simm.s32 $0xDC00;
	v45 =	vperm.xlane v45, v48  }
0x6eb: {  	[tilespmem:s25], [sflag:$0x2] =	stream.indirect_vreg.gather [hbm4b:s3+s22], $0x80, v46, vm0, $0xb8;
	[tilespmem:$0x16800] =	vst v63  }
0x6ec: {  	s26 =	simm.s32 $0xE400;
	v45 =	vadd.s32 v47, v45  }
0x6ed: {  	[tilespmem:s26], [sflag:$0x2] =	stream.indirect_vreg.gather [hbm4b:s5+s22], $0x80, v46, vm0, $0xb8;
	[tilespmem:$0x16800] =	vst v63  }
0x6ee: {  	s24 =	simm.s32 $0xEC00  }
0x6ef: {  	[tilespmem:s24], [sflag:$0x2] =	stream.indirect_vreg.gather [hbm4b:s6+s22], $0x80, v46, vm1, $0xb8;
	[tilespmem:$0x16800] =	vst v63  }
0x6f0: {  	s25 =	simm.s32 $0xF000  }
0x6f1: {  	[tilespmem:s25], [sflag:$0x2] =	stream.indirect_vreg.gather [hbm4b:s3+s22], $0x80, v45, vm0, $0xb8;
	[tilespmem:$0x16800] =	vst v63  }
0x6f2: {  	s26 =	simm.s32 $0xF800  }
0x6f3: {  	[tilespmem:s26], [sflag:$0x2] =	stream.indirect_vreg.gather [hbm4b:s5+s22], $0x80, v45, vm0, $0xb8;
	[tilespmem:$0x16800] =	vst v63  }
0x6f4: {  	s24 =	simm.s32 $0x10000  }
0x6f5: {  	[tilespmem:s24], [sflag:$0x2] =	stream.indirect_vreg.gather [hbm4b:s6+s22], $0x80, v45, vm1, $0xb8;
	[tilespmem:$0x16800] =	vst v63  }
0x6f6: {  	v45 =	vld.msk [tilespmem:s15+$0x4A0], $0xff;
	_ =	sdelay $0x4  }
0x6f7: {  	v48 =	vshrl.u32 v45, $0x3  }
0x6f8: {  	v46 =	vmul.u32 $0x28, v48  }
0x6f9: {  	v45 =	vand.u32 $0x7, v45  }
0x6fa: {  	v45 =	vor.u32 v45, v46  }
0x6fb: {  	v45 =	vperm.xlane v45, v49;
	_ =	sdelay $0x1  }
0x6fc: {  	v45 =	vadd.s32 v47, v45;
	_ =	sdelay $0x4  }
0x6fd: {  	[tilespmem:s2], [sflag:$0x2] =	stream.indirect_vreg.gather [hbm4b:s3+s22], $0x80, v45, vm0, $0xb8;
	[tilespmem:$0x16800] =	vst v63  }
0x6fe: {  	_ = 	snop  }
0x6ff: {  	[tilespmem:s10], [sflag:$0x2] =	stream.indirect_vreg.gather [hbm4b:s5+s22], $0x80, v45, vm0, $0xb8;
	[tilespmem:$0x16800] =	vst v63  }
0x700: {  	_ = 	snop  }
0x701: {  	[tilespmem:s11], [sflag:$0x2] =	stream.indirect_vreg.gather [hbm4b:s6+s22], $0x80, v45, vm1, $0xb8;
	[tilespmem:$0x16800] =	vst v63  }
0x702: {  	_ =	swait.ge [sflag:s12], $0x6400  }
0x703: {  	v9 =	vadd.f32 v60, v9;
	v60 =	vld [tilespmem:$0x1EF60]  }
0x704: {  	v12 =	vadd.f32 v61, v12;
	v61 =	vld [tilespmem:$0x1EF70]  }
0x705: {  	v11 =	vadd.f32 v62, v11;
	v62 =	vld [tilespmem:$0x1EF80]  }
0x706: {  	v0 =	vadd.f32 v0, v37;
	v63 =	vld [tilespmem:$0x1EF90]  }
0x707: {  	v37 =	vadd.f32 v43, v40;
	v43 =	vadd.f32 v50, v42;
	v42 =	vld [tilespmem:$0x1EFA0]  }
0x708: {  	v35 =	vadd.f32 v51, v35;
	v51 =	vld [tilespmem:$0x1EFB0]  }
0x709: {  	v3 =	vadd.f32 v52, v3;
	v52 =	vld [tilespmem:$0x1EFC0]  }
0x70a: {  	v4 =	vadd.f32 v53, v4;
	v53 =	vld [tilespmem:$0x1EFD0]  }
0x70b: {  	v5 =	vadd.f32 v54, v5;
	v54 =	vld [tilespmem:$0x1EFE0]  }
0x70c: {  	v6 =	vadd.f32 v55, v6;
	s25 =	simm.s32 $0x0;
	v55 =	vld [tilespmem:$0x1EFF0]  }
0x70d: {  	v8 =	vadd.f32 v56, v8;
	s23 =	smul.u32 $0x5000, s25;
	v56 =	vld [tilespmem:$0x1F000]  }
0x70e: {  	v34 =	vadd.f32 v57, v34;
	v57 =	vld [tilespmem:$0x1F010]  }
0x70f: {  	v7 =	vadd.f32 v58, v7;
	s26 =	sand.u32 $0x380, s22;
	s23 =	sshra.s32 s23, $0x2;
	[sflag:s12] =	ssyncset.done $0x0;
	v58 =	vld [tilespmem:$0x1F020]  }
0x710: {  	v10 =	vadd.f32 v59, v10;
	s23 =	sor.u32 s26, s23;
	v59 =	vld [tilespmem:$0x1F030];
	[sflag:s12] =	ssyncadd.s32 $0xFFFF9C00  }
0x711: {  	v2 =	vadd.f32 v2, v38;
	v38 =	vadd.f32 v44, v41;
	v44 =	vld [tilespmem:s23+$0x6070]  }
0x712: {  	v45 =	vld [tilespmem:s23+$0x5000]  }
0x713: {  	v46 =	vld [tilespmem:s23+$0x5010]  }
0x714: {  	v47 =	vld [tilespmem:s23+$0x5020]  }
0x715: {  	v48 =	vld [tilespmem:s23+$0x5030]  }
0x716: {  	v49 =	vld [tilespmem:s23+$0x5040]  }
0x717: {  	v50 =	vld [tilespmem:s23+$0x5050]  }
0x718: {  	v18 =	vadd.f32 v51, v18;
	v51 =	vld [tilespmem:s23+$0x5060]  }
0x719: {  	v19 =	vadd.f32 v52, v19;
	v52 =	vld [tilespmem:s23+$0x5070]  }
0x71a: {  	v20 =	vadd.f32 v53, v20;
	v53 =	vld [tilespmem:s23+$0x5400]  }
0x71b: {  	v21 =	vadd.f32 v54, v21;
	v54 =	vld [tilespmem:s23+$0x5410]  }
0x71c: {  	v14 =	vadd.f32 v61, v14;
	v61 =	vld [tilespmem:$0x1F050]  }
0x71d: {  	v22 =	vadd.f32 v55, v22;
	v55 =	vld [tilespmem:s23+$0x5420]  }
0x71e: {  	v13 =	vadd.f32 v60, v13;
	v60 =	vld [tilespmem:$0x1F040]  }
0x71f: {  	v23 =	vadd.f32 v56, v23;
	v56 =	vld [tilespmem:s23+$0x5430]  }
0x720: {  	v15 =	vadd.f32 v62, v15;
	v62 =	vld [tilespmem:$0x1F060]  }
0x721: {  	v28 =	vadd.f32 v61, v28;
	v61 =	vld [tilespmem:$0x1F0C0]  }
0x722: {  	v16 =	vadd.f32 v63, v16;
	v63 =	vld [tilespmem:$0x1F070]  }
0x723: {  	v24 =	vadd.f32 v57, v24;
	v57 =	vld [tilespmem:s23+$0x5440]  }
0x724: {  	v17 =	vadd.f32 v42, v17;
	v42 =	vld [tilespmem:$0x1F080]  }
0x725: {  	v25 =	vadd.f32 v58, v25;
	v58 =	vld [tilespmem:$0x1F090]  }
0x726: {  	v1 =	vadd.f32 v1, v39;
	v39 =	vadd.f32 v61, v0;
	v0 =	vld [tilespmem:$0x1F0D0]  }
0x727: {  	v26 =	vadd.f32 v59, v26;
	v59 =	vld [tilespmem:$0x1F0A0]  }
0x728: {  	v4 =	vadd.f32 v44, v4;
	v44 =	vld [tilespmem:s23+$0x5830]  }
0x729: {  	v5 =	vadd.f32 v45, v5;
	v45 =	vld [tilespmem:s23+$0x5840]  }
0x72a: {  	v6 =	vadd.f32 v46, v6;
	v46 =	vld [tilespmem:s23+$0x5850]  }
0x72b: {  	v40 =	vadd.f32 v0, v2;
	v2 =	vld [tilespmem:$0x1F0E0]  }
0x72c: {  	v7 =	vadd.f32 v47, v7;
	v47 =	vld [tilespmem:s23+$0x5860]  }
0x72d: {  	v32 =	vadd.f32 v58, v32;
	v58 =	vld [tilespmem:s23+$0x5450]  }
0x72e: {  	v27 =	vadd.f32 v60, v27;
	v60 =	vld [tilespmem:$0x1F0B0]  }
0x72f: {  	v33 =	vadd.f32 v59, v33;
	v59 =	vld [tilespmem:s23+$0x5460]  }
0x730: {  	v41 =	vadd.f32 v2, v1;
	v1 =	vld [tilespmem:$0x1F0F0]  }
0x731: {  	v2 =	vld [tilespmem:$0x1F100]  }
0x732: {  	v29 =	vadd.f32 v62, v29;
	v62 =	vld [tilespmem:$0x1F120]  }
0x733: {  	v30 =	vadd.f32 v63, v30;
	v63 =	vld [tilespmem:$0x1F130]  }
0x734: {  	v36 =	vadd.f32 v60, v36;
	v60 =	vld [tilespmem:$0x1F140]  }
0x735: {  	v8 =	vadd.f32 v48, v8;
	v31 =	vadd.f32 v42, v31;
	v61 =	vld [tilespmem:s23+$0x5C00]  }
0x736: {  	v42 =	vadd.f32 v1, v37;
	v37 =	vadd.f32 v2, v38;
	v2 =	vld [tilespmem:$0x1F110]  }
0x737: {  	v9 =	vadd.f32 v49, v9;
	v34 =	vadd.f32 v62, v34;
	v62 =	vld [tilespmem:s23+$0x5C10]  }
0x738: {  	v10 =	vadd.f32 v50, v10;
	v35 =	vadd.f32 v63, v35;
	v63 =	vld [tilespmem:s23+$0x5C20]  }
0x739: {  	v11 =	vadd.f32 v51, v11;
	v12 =	vadd.f32 v52, v12;
	v0 =	vld [tilespmem:s23+$0x5470]  }
0x73a: {  	v13 =	vadd.f32 v53, v13;
	v14 =	vadd.f32 v54, v14;
	v1 =	vld [tilespmem:s23+$0x5800]  }
0x73b: {  	v15 =	vadd.f32 v55, v15;
	v38 =	vadd.f32 v2, v43;
	v2 =	vld [tilespmem:s23+$0x5810]  }
0x73c: {  	v16 =	vadd.f32 v56, v16;
	v17 =	vadd.f32 v57, v17;
	v43 =	vld [tilespmem:s23+$0x5820]  }
0x73d: {  	v24 =	vadd.f32 v44, v24;
	v3 =	vadd.f32 v60, v3;
	v60 =	vld [tilespmem:s23+$0x5870]  }
0x73e: {  	v25 =	vadd.f32 v45, v25;
	v20 =	vadd.f32 v0, v20;
	v0 =	vld [tilespmem:s23+$0x5C30]  }
0x73f: {  	v26 =	vadd.f32 v46, v26;
	v21 =	vadd.f32 v1, v21;
	v1 =	vld [tilespmem:s23+$0x5C40]  }
0x740: {  	v27 =	vadd.f32 v47, v27;
	v22 =	vadd.f32 v2, v22;
	v2 =	vld [tilespmem:s23+$0x5C50]  }
0x741: {  	v18 =	vadd.f32 v58, v18;
	v23 =	vadd.f32 v43, v23;
	v43 =	vld [tilespmem:s23+$0x5C60]  }
0x742: {  	v45 =	vld [tilespmem:s23+$0x5C70];
	v19 =	vadd.f32 v59, v19;
	v29 =	vadd.f32 v61, v29  }
0x743: {  	v44 =	vld [tilespmem:s23+$0x6000];
	v30 =	vadd.f32 v62, v30;
	v31 =	vadd.f32 v63, v31  }
0x744: {  	v46 =	vld [tilespmem:s23+$0x6010];
	v28 =	vadd.f32 v60, v28;
	v32 =	vadd.f32 v0, v32  }
0x745: {  	s25 =	simm.s32 $0x0;
	s24 =	simm.s32 $0x2;
	v47 =	vld [tilespmem:s23+$0x6020];
	v33 =	vadd.f32 v1, v33;
	v36 =	vadd.f32 v2, v36  }
.LBB2_19:
0x746: {  	p0 =	sne.s32 s24, $0x27;
	s25 =	smul.u32 $0x5000, s25;
	v39 =	vadd.f32 v43, v39;
	v0 =	vld [tilespmem:s23+$0x6030]  }
0x747: {  	s22 =	sadd.s32 $0x80, s22;
	v40 =	vadd.f32 v45, v40;
	v1 =	vld [tilespmem:s23+$0x6040]  }
0x748: {  	s26 =	sand.u32 $0x380, s22;
	s25 =	sshra.s32 s25, $0x2;
	v41 =	vadd.f32 v44, v41;
	v2 =	vld [tilespmem:s23+$0x6050]  }
0x749: {  	v42 =	vadd.f32 v46, v42;
	v43 =	vld [tilespmem:s23+$0x6060];
	s23 =	sor.u32 s26, s25  }
0x74a: {  	v44 =	vld [tilespmem:s23+$0x6070];
	v37 =	vadd.f32 v47, v37  }
0x74b: {  	v45 =	vld [tilespmem:s23+$0x5000];
	v38 =	vadd.f32 v0, v38  }
0x74c: {  	v0 =	vld [tilespmem:s23+$0x5010];
	v34 =	vadd.f32 v1, v34  }
0x74d: {  	v1 =	vld [tilespmem:s23+$0x5020];
	v35 =	vadd.f32 v2, v35  }
0x74e: {  	v2 =	vld [tilespmem:s23+$0x5030];
	v3 =	vadd.f32 v43, v3  }
0x74f: {  	v43 =	vld [tilespmem:s23+$0x5040];
	v4 =	vadd.f32 v44, v4  }
0x750: {  	v5 =	vadd.f32 v45, v5;
	v44 =	vld [tilespmem:s23+$0x5050]  }
0x751: {  	v6 =	vadd.f32 v0, v6;
	v0 =	vld [tilespmem:s23+$0x5060]  }
0x752: {  	v7 =	vadd.f32 v1, v7;
	v1 =	vld [tilespmem:s23+$0x5070]  }
0x753: {  	v8 =	vadd.f32 v2, v8;
	v2 =	vld [tilespmem:s23+$0x5400]  }
0x754: {  	v9 =	vadd.f32 v43, v9;
	v43 =	vld [tilespmem:s23+$0x5410]  }
0x755: {  	v10 =	vadd.f32 v44, v10;
	v44 =	vld [tilespmem:s23+$0x5420]  }
0x756: {  	v11 =	vadd.f32 v0, v11;
	v0 =	vld [tilespmem:s23+$0x5430]  }
0x757: {  	v12 =	vadd.f32 v1, v12;
	v1 =	vld [tilespmem:s23+$0x5440]  }
0x758: {  	v13 =	vadd.f32 v2, v13;
	v2 =	vld [tilespmem:s23+$0x5450]  }
0x759: {  	v14 =	vadd.f32 v43, v14;
	v43 =	vld [tilespmem:s23+$0x5460]  }
0x75a: {  	v15 =	vadd.f32 v44, v15;
	v44 =	vld [tilespmem:s23+$0x5470]  }
0x75b: {  	v16 =	vadd.f32 v0, v16;
	v0 =	vld [tilespmem:s23+$0x5800]  }
0x75c: {  	v17 =	vadd.f32 v1, v17;
	v1 =	vld [tilespmem:s23+$0x5810]  }
0x75d: {  	v18 =	vadd.f32 v2, v18;
	v2 =	vld [tilespmem:s23+$0x5820]  }
0x75e: {  	v19 =	vadd.f32 v43, v19;
	v43 =	vld [tilespmem:s23+$0x5830]  }
0x75f: {  	v20 =	vadd.f32 v44, v20;
	v44 =	vld [tilespmem:s23+$0x5840]  }
0x760: {  	v21 =	vadd.f32 v0, v21;
	v0 =	vld [tilespmem:s23+$0x5850]  }
0x761: {  	v22 =	vadd.f32 v1, v22;
	v1 =	vld [tilespmem:s23+$0x5860]  }
0x762: {  	v23 =	vadd.f32 v2, v23;
	v2 =	vld [tilespmem:s23+$0x5870]  }
0x763: {  	v24 =	vadd.f32 v43, v24;
	v43 =	vld [tilespmem:s23+$0x5C00]  }
0x764: {  	v25 =	vadd.f32 v44, v25;
	v44 =	vld [tilespmem:s23+$0x5C10]  }
0x765: {  	v26 =	vadd.f32 v0, v26;
	v0 =	vld [tilespmem:s23+$0x5C20]  }
0x766: {  	v27 =	vadd.f32 v1, v27;
	v1 =	vld [tilespmem:s23+$0x5C30]  }
0x767: {  	v28 =	vadd.f32 v2, v28;
	v2 =	vld [tilespmem:s23+$0x5C40]  }
0x768: {  	v29 =	vadd.f32 v43, v29;
	v47 =	vld [tilespmem:s23+$0x5C50]  }
.Ltmp8:
0x769: {  	v30 =	vadd.f32 v44, v30;
	v43 =	vld [tilespmem:s23+$0x5C60];
	(pc) =	sbr.rel @p0 .LBB2_19-.Ltmp8, $4  }
0x76a: {  	v31 =	vadd.f32 v0, v31;
	v45 =	vld [tilespmem:s23+$0x5C70]  }
0x76b: {  	v32 =	vadd.f32 v1, v32;
	v44 =	vld [tilespmem:s23+$0x6000]  }
0x76c: {  	v33 =	vadd.f32 v2, v33;
	v46 =	vld [tilespmem:s23+$0x6010]  }
0x76d: {  	s25 =	sshrl.u32 s24, $0x3;
	s24 =	sadd.s32 $0x1, s24;
	v36 =	vadd.f32 v47, v36;
	v47 =	vld [tilespmem:s23+$0x6020]  }
0x76e: {  	s24 =	smul.u32 $0x5000, s25  }
0x76f: {  	s22 =	sadd.s32 $0x80, s22  }
0x770: {  	s22 =	sand.u32 $0x380, s22;
	s24 =	sshra.s32 s24, $0x2  }
0x771: {  	s22 =	sor.u32 s22, s24  }
0x772: {  	v0 =	vld [tilespmem:s22+$0x5060];
	_ =	sdelay $0x4  }
0x773: {  	[tilespmem:$0x1ECE0] =	vst v0;
	v0 =	vld [tilespmem:s22+$0x5400];
	_ =	sdelay $0x4  }
0x774: {  	[tilespmem:$0x1ECF0] =	vst v0;
	v0 =	vld [tilespmem:s22+$0x5410];
	_ =	sdelay $0x4  }
0x775: {  	[tilespmem:$0x1ED00] =	vst v0;
	v0 =	vld [tilespmem:s22+$0x5420];
	_ =	sdelay $0x4  }
0x776: {  	[tilespmem:$0x1ED10] =	vst v0;
	v0 =	vld [tilespmem:s22+$0x5430];
	_ =	sdelay $0x4  }
0x777: {  	[tilespmem:$0x1ED20] =	vst v0;
	v0 =	vld [tilespmem:s22+$0x5440];
	_ =	sdelay $0x4  }
0x778: {  	[tilespmem:$0x1ED30] =	vst v0;
	v0 =	vld [tilespmem:s22+$0x5450];
	_ =	sdelay $0x4  }
0x779: {  	[tilespmem:$0x1ED40] =	vst v0;
	v0 =	vld [tilespmem:s22+$0x5460];
	_ =	sdelay $0x4  }
0x77a: {  	[tilespmem:$0x1ED50] =	vst v0;
	v0 =	vld [tilespmem:s22+$0x5470];
	_ =	sdelay $0x4  }
0x77b: {  	[tilespmem:$0x1ED60] =	vst v0;
	v0 =	vld [tilespmem:s22+$0x5800];
	_ =	sdelay $0x4  }
0x77c: {  	[tilespmem:$0x1ED70] =	vst v0;
	v0 =	vld [tilespmem:s22+$0x5810];
	_ =	sdelay $0x4  }
0x77d: {  	[tilespmem:$0x1ED80] =	vst v0;
	v0 =	vld [tilespmem:s22+$0x5820];
	_ =	sdelay $0x4  }
0x77e: {  	[tilespmem:$0x1ED90] =	vst v0;
	v0 =	vld [tilespmem:s22+$0x5830];
	_ =	sdelay $0x4  }
0x77f: {  	[tilespmem:$0x1EDA0] =	vst v0;
	v0 =	vld [tilespmem:s22+$0x5840];
	_ =	sdelay $0x4  }
0x780: {  	[tilespmem:$0x1EDB0] =	vst v0;
	v0 =	vld [tilespmem:s22+$0x5850];
	_ =	sdelay $0x4  }
0x781: {  	[tilespmem:$0x1EDC0] =	vst v0;
	v0 =	vld [tilespmem:s22+$0x5870];
	_ =	sdelay $0x4  }
0x782: {  	[tilespmem:$0x1EDD0] =	vst v0;
	v0 =	vld [tilespmem:s22+$0x5C00];
	_ =	sdelay $0x4  }
0x783: {  	[tilespmem:$0x1EDE0] =	vst v0;
	v0 =	vld [tilespmem:s22+$0x5C10];
	_ =	sdelay $0x4  }
0x784: {  	[tilespmem:$0x1EDF0] =	vst v0;
	v0 =	vld [tilespmem:s22+$0x5C20];
	_ =	sdelay $0x4  }
0x785: {  	[tilespmem:$0x1EE00] =	vst v0;
	v0 =	vld [tilespmem:s22+$0x5C30];
	_ =	sdelay $0x4  }
0x786: {  	[tilespmem:$0x1EE10] =	vst v0;
	v0 =	vld [tilespmem:s22+$0x5C40];
	_ =	sdelay $0x4  }
0x787: {  	[tilespmem:$0x1EE20] =	vst v0;
	v0 =	vld [tilespmem:s22+$0x5C50];
	_ =	sdelay $0x4  }
0x788: {  	[tilespmem:$0x1EE30] =	vst v0;
	v0 =	vld [tilespmem:s22+$0x5C60];
	_ =	sdelay $0x4  }
0x789: {  	[tilespmem:$0x1EE40] =	vst v0;
	v0 =	vld [tilespmem:s22+$0x5C70];
	_ =	sdelay $0x2  }
0x78a: {  	p0 =	seq.s32 s14, $0xF  }
0x78b: {  	v62 =	vld @!p0 [tilespmem:s15+$0x500]  }
0x78c: {  	[tilespmem:$0x1EE50] =	vst v0;
	v0 =	vld [tilespmem:s22+$0x6000];
	_ =	sdelay $0x3  }
0x78d: {  	v63 =	vshrl.u32 @!p0 v62, $0x3  }
0x78e: {  	v63 =	vmul.u32 @!p0 $0x28, v63;
	[tilespmem:$0x1EE70] =	vst v0;
	v0 =	vld [tilespmem:s22+$0x6010]  }
0x78f: {  	v2 =	vlaneseq.u32 @!p0;
	v62 =	vand.u32 @!p0 $0x7, v62  }
0x790: {  	v48 =	vand.u32 @!p0 $0x7, v2;
	v63 =	vor.u32 @!p0 v62, v63;
	v62 =	vshrl.u32 @!p0 v2, $0x3  }
0x791: {  	v1 =	vmul.u32 @!p0 $0x8, v62;
	v62 =	vperm.xlane @!p0 v63, v48;
	_ =	sdelay $0x1  }
0x792: {  	[tilespmem:$0x1EE90] =	vst v0;
	v0 =	vadd.s32 @!p0 v1, v62;
	v62 =	vld [tilespmem:s22+$0x6020];
	_ =	sdelay $0x3  }
0x793: {  	v49 =	vld [tilespmem:s23+$0x6030]  }
0x794: {  	[tilespmem:$0x1EEA0] =	vst v62;
	v62 =	vld [tilespmem:s22+$0x6030]  }
0x795: {  	v57 =	vld [tilespmem:s23+$0x6040]  }
0x796: {  	v50 =	vld [tilespmem:s23+$0x6050]  }
0x797: {  	v51 =	vld [tilespmem:s23+$0x6060]  }
0x798: {  	v52 =	vld [tilespmem:s22+$0x6070]  }
0x799: {  	[tilespmem:$0x1EEB0] =	vst v62;
	v62 =	vld [tilespmem:s22+$0x6040]  }
0x79a: {  	v53 =	vld [tilespmem:s22+$0x5000]  }
0x79b: {  	v54 =	vld [tilespmem:s22+$0x5010]  }
0x79c: {  	v55 =	vld [tilespmem:s22+$0x5020]  }
0x79d: {  	v56 =	vld [tilespmem:s22+$0x5030]  }
0x79e: {  	[tilespmem:$0x1EEC0] =	vst v62;
	v62 =	vld [tilespmem:s22+$0x6050]  }
0x79f: {  	v58 =	vld [tilespmem:s22+$0x5040]  }
0x7a0: {  	v59 =	vld [tilespmem:s22+$0x5050]  }
0x7a1: {  	v61 =	vld [tilespmem:s22+$0x5070];
	v2 =	vor.u32 @!p0 $0x8, v2  }
0x7a2: {  	vm2 =	vmmov @!p0 $0xffff;
	s23 =	simm.s32 @!p0 $0x0;
	s24 =	simm.s32 @!p0 $0x5000;
	v60 =	vld [tilespmem:s22+$0x5860];
	v63 =	vperm.xlane @!p0 v63, v2  }
0x7a3: {  	[tilespmem:$0x1EED0] =	vst v62;
	v62 =	vld [tilespmem:s22+$0x6060];
	[tilespmem:s24], [sflag:$0x1] =	stream.indirect_vreg.gather @!p0 [hbm4b:s3+s23], $0x80, v0, vm2, $0xb8  }
0x7a4: {  	v63 =	vadd.s32 @!p0 v1, v63;
	s22 =	simm.s32 @!p0 $0x5800  }
0x7a5: {  	[tilespmem:s22], [sflag:$0x1] =	stream.indirect_vreg.gather @!p0 [hbm4b:s5+s23], $0x80, v0, vm2, $0xb8;
	[tilespmem:$0x16800] =	vst v63  }
0x7a6: {  	vm3 =	vmmov @!p0 $0xff;
	s22 =	simm.s32 @!p0 $0x6000  }
0x7a7: {  	[tilespmem:s22], [sflag:$0x1] =	stream.indirect_vreg.gather @!p0 [hbm4b:s6+s23], $0x80, v0, vm3, $0xb8;
	[tilespmem:$0x16800] =	vst v63  }
0x7a8: {  	s22 =	simm.s32 @!p0 $0x6400  }
0x7a9: {  	[tilespmem:s22], [sflag:$0x1] =	stream.indirect_vreg.gather @!p0 [hbm4b:s3+s23], $0x80, v63, vm2, $0xb8;
	[tilespmem:$0x16800] =	vst v63  }
0x7aa: {  	s22 =	simm.s32 @!p0 $0x6C00  }
0x7ab: {  	[tilespmem:s22], [sflag:$0x1] =	stream.indirect_vreg.gather @!p0 [hbm4b:s5+s23], $0x80, v63, vm2, $0xb8;
	[tilespmem:$0x16800] =	vst v63  }
0x7ac: {  	s22 =	simm.s32 @!p0 $0x7400  }
0x7ad: {  	[tilespmem:s22], [sflag:$0x1] =	stream.indirect_vreg.gather @!p0 [hbm4b:s6+s23], $0x80, v63, vm3, $0xb8;
	[tilespmem:$0x16800] =	vst v63  }
0x7ae: {  	v0 =	vld @!p0 [tilespmem:s15+$0x510];
	_ =	sdelay $0x4  }
0x7af: {  	v63 =	vshrl.u32 @!p0 v0, $0x3  }
0x7b0: {  	v63 =	vmul.u32 @!p0 $0x28, v63  }
0x7b1: {  	v0 =	vand.u32 @!p0 $0x7, v0  }
0x7b2: {  	v0 =	vor.u32 @!p0 v0, v63  }
0x7b3: {  	v63 =	vperm.xlane @!p0 v0, v48;
	_ =	sdelay $0x1  }
0x7b4: {  	v63 =	vadd.s32 @!p0 v1, v63;
	_ =	sdelay $0x3  }
0x7b5: {  	s22 =	simm.s32 @!p0 $0x7800;
	v0 =	vperm.xlane @!p0 v0, v2  }
0x7b6: {  	[tilespmem:s22], [sflag:$0x1] =	stream.indirect_vreg.gather @!p0 [hbm4b:s3+s23], $0x80, v63, vm2, $0xb8;
	[tilespmem:$0x16800] =	vst v63  }
0x7b7: {  	v0 =	vadd.s32 @!p0 v1, v0;
	s22 =	simm.s32 @!p0 $0x8000  }
0x7b8: {  	[tilespmem:s22], [sflag:$0x1] =	stream.indirect_vreg.gather @!p0 [hbm4b:s5+s23], $0x80, v63, vm2, $0xb8;
	[tilespmem:$0x16800] =	vst v63  }
0x7b9: {  	s22 =	simm.s32 @!p0 $0x8800  }
0x7ba: {  	[tilespmem:s22], [sflag:$0x1] =	stream.indirect_vreg.gather @!p0 [hbm4b:s6+s23], $0x80, v63, vm3, $0xb8;
	[tilespmem:$0x16800] =	vst v63  }
0x7bb: {  	s22 =	simm.s32 @!p0 $0x8C00  }
0x7bc: {  	[tilespmem:s22], [sflag:$0x1] =	stream.indirect_vreg.gather @!p0 [hbm4b:s3+s23], $0x80, v0, vm2, $0xb8;
	[tilespmem:$0x16800] =	vst v63  }
0x7bd: {  	s22 =	simm.s32 @!p0 $0x9400  }
0x7be: {  	[tilespmem:s22], [sflag:$0x1] =	stream.indirect_vreg.gather @!p0 [hbm4b:s5+s23], $0x80, v0, vm2, $0xb8;
	[tilespmem:$0x16800] =	vst v63  }
0x7bf: {  	s22 =	simm.s32 @!p0 $0x9C00  }
0x7c0: {  	[tilespmem:s22], [sflag:$0x1] =	stream.indirect_vreg.gather @!p0 [hbm4b:s6+s23], $0x80, v0, vm3, $0xb8;
	[tilespmem:$0x16800] =	vst v63  }
0x7c1: {  	v0 =	vld.msk @!p0 [tilespmem:s15+$0x520], $0xff;
	_ =	sdelay $0x4  }
0x7c2: {  	v2 =	vshrl.u32 @!p0 v0, $0x3  }
0x7c3: {  	v2 =	vmul.u32 @!p0 $0x28, v2  }
0x7c4: {  	v0 =	vand.u32 @!p0 $0x7, v0  }
0x7c5: {  	v0 =	vor.u32 @!p0 v0, v2  }
0x7c6: {  	v0 =	vperm.xlane @!p0 v0, v48;
	_ =	sdelay $0x1  }
0x7c7: {  	v0 =	vadd.s32 @!p0 v1, v0;
	_ =	sdelay $0x3  }
0x7c8: {  	s22 =	simm.s32 @!p0 $0xA000  }
0x7c9: {  	[tilespmem:s22], [sflag:$0x1] =	stream.indirect_vreg.gather @!p0 [hbm4b:s3+s23], $0x80, v0, vm2, $0xb8;
	[tilespmem:$0x16800] =	vst v63  }
0x7ca: {  	s22 =	simm.s32 @!p0 $0xA800  }
0x7cb: {  	[tilespmem:s22], [sflag:$0x1] =	stream.indirect_vreg.gather @!p0 [hbm4b:s5+s23], $0x80, v0, vm2, $0xb8;
	[tilespmem:$0x16800] =	vst v63  }
0x7cc: {  	s22 =	simm.s32 @!p0 $0xB000  }
0x7cd: {  	[tilespmem:s22], [sflag:$0x1] =	stream.indirect_vreg.gather @!p0 [hbm4b:s6+s23], $0x80, v0, vm3, $0xb8;
	v0 =	vadd.f32 v45, v40;
	[tilespmem:$0x16800] =	vst v63  }
0x7ce: {  	_ = 	snop  }
0x7cf: {  	[tilespmem:$0x1EE60] =	vst v0;
	v0 =	vadd.f32 v44, v41  }
0x7d0: {  	[tilespmem:$0x1EEE0] =	vst v62  }
0x7d1: {  	[tilespmem:$0x1EE80] =	vst v0  }
0x7d2: {  	_ =	swait.ge [sflag:s13], $0x6400  }
0x7d3: {  	v1 =	vld [tilespmem:$0x1ECE0];
	_ =	sdelay $0x4  }
0x7d4: {  	v3 =	vadd.f32 v51, v3;
	v51 =	vadd.f32 v1, v11;
	v1 =	vld [tilespmem:$0x1ECF0];
	_ =	sdelay $0x4  }
0x7d5: {  	v0 =	vadd.f32 v50, v35;
	v35 =	vadd.f32 v1, v13;
	v1 =	vld [tilespmem:$0x1ED00];
	_ =	sdelay $0x4  }
0x7d6: {  	v1 =	vadd.f32 v1, v14;
	_ =	sdelay $0x1  }
0x7d7: {  	[tilespmem:$0x1EEF0] =	vst v1;
	v1 =	vld [tilespmem:$0x1ED10];
	_ =	sdelay $0x4  }
0x7d8: {  	v15 =	vadd.f32 v1, v15;
	v1 =	vld [tilespmem:$0x1ED20];
	_ =	sdelay $0x4  }
0x7d9: {  	v16 =	vadd.f32 v1, v16;
	v1 =	vld [tilespmem:$0x1ED30];
	_ =	sdelay $0x4  }
0x7da: {  	v17 =	vadd.f32 v1, v17;
	v1 =	vld [tilespmem:$0x1ED40];
	_ =	sdelay $0x4  }
0x7db: {  	v18 =	vadd.f32 v1, v18;
	v1 =	vld [tilespmem:$0x1ED50];
	_ =	sdelay $0x4  }
0x7dc: {  	v19 =	vadd.f32 v1, v19;
	v1 =	vld [tilespmem:$0x1ED60];
	_ =	sdelay $0x4  }
0x7dd: {  	v20 =	vadd.f32 v1, v20;
	v1 =	vld [tilespmem:$0x1ED70];
	_ =	sdelay $0x4  }
0x7de: {  	v21 =	vadd.f32 v1, v21;
	v1 =	vld [tilespmem:$0x1ED80];
	_ =	sdelay $0x4  }
0x7df: {  	v22 =	vadd.f32 v1, v22;
	v1 =	vld [tilespmem:$0x1ED90];
	_ =	sdelay $0x4  }
0x7e0: {  	v23 =	vadd.f32 v1, v23;
	v1 =	vld [tilespmem:$0x1EDA0];
	_ =	sdelay $0x3  }
0x7e1: {  	v38 =	vadd.f32 v49, v38  }
0x7e2: {  	v49 =	vadd.f32 v59, v10;
	v59 =	vadd.f32 v1, v24;
	v1 =	vld [tilespmem:$0x1EDB0];
	_ =	sdelay $0x3  }
0x7e3: {  	v40 =	vadd.f32 v52, v4  }
0x7e4: {  	v52 =	vadd.f32 v61, v12;
	v61 =	vadd.f32 v1, v25;
	v1 =	vld [tilespmem:$0x1EDC0];
	_ =	sdelay $0x4  }
0x7e5: {  	v63 =	vadd.f32 v1, v26;
	v1 =	vadd.f32 v60, v27;
	_ =	sdelay $0x1  }
0x7e6: {  	[tilespmem:$0x1EF00] =	vst v1;
	v1 =	vld [tilespmem:$0x1EDD0];
	_ =	sdelay $0x4  }
0x7e7: {  	v1 =	vadd.f32 v1, v28;
	_ =	sdelay $0x1  }
0x7e8: {  	[tilespmem:$0x1EF10] =	vst v1;
	v1 =	vld [tilespmem:$0x1EDE0];
	_ =	sdelay $0x4  }
0x7e9: {  	v1 =	vadd.f32 v1, v29;
	_ =	sdelay $0x1  }
0x7ea: {  	[tilespmem:$0x1EF20] =	vst v1;
	v1 =	vld [tilespmem:$0x1EDF0];
	_ =	sdelay $0x4  }
0x7eb: {  	v60 =	vadd.f32 v1, v30;
	v1 =	vld [tilespmem:$0x1EE00];
	_ =	sdelay $0x4  }
0x7ec: {  	v62 =	vadd.f32 v1, v31;
	v1 =	vld [tilespmem:$0x1EE10];
	_ =	sdelay $0x4  }
0x7ed: {  	v1 =	vadd.f32 v1, v32;
	_ =	sdelay $0x1  }
0x7ee: {  	[tilespmem:$0x1EF30] =	vst v1;
	v1 =	vld [tilespmem:$0x1EE20];
	_ =	sdelay $0x4  }
0x7ef: {  	v1 =	vadd.f32 v1, v33;
	_ =	sdelay $0x1  }
0x7f0: {  	[tilespmem:$0x1EF40] =	vst v1;
	v1 =	vld [tilespmem:$0x1EE30];
	_ =	sdelay $0x4  }
0x7f1: {  	v1 =	vadd.f32 v1, v36;
	_ =	sdelay $0x1  }
0x7f2: {  	[tilespmem:$0x1EF50] =	vst v1;
	v1 =	vld [tilespmem:$0x1EE40];
	_ =	sdelay $0x2  }
0x7f3: {  	v2 =	vadd.f32 v43, v39;
	_ =	sdelay $0x1  }
0x7f4: {  	v12 =	vadd.f32 v1, v2;
	v1 =	vld [tilespmem:$0x1EE50]  }
0x7f5: {  	v2 =	vld [tilespmem:$0x1EE60];
	_ =	sdelay $0x4  }
0x7f6: {  	v11 =	vadd.f32 v1, v2;
	v1 =	vld [tilespmem:$0x1EE70]  }
0x7f7: {  	v2 =	vld [tilespmem:$0x1EE80];
	_ =	sdelay $0x4  }
0x7f8: {  	v10 =	vadd.f32 v1, v2;
	v1 =	vld [tilespmem:$0x1EE90];
	_ =	sdelay $0x2  }
0x7f9: {  	v39 =	vadd.f32 v46, v42;
	_ =	sdelay $0x1  }
0x7fa: {  	v48 =	vadd.f32 v58, v9;
	v9 =	vadd.f32 v1, v39;
	v1 =	vld [tilespmem:$0x1EEA0];
	_ =	sdelay $0x2  }
0x7fb: {  	v37 =	vadd.f32 v47, v37;
	_ =	sdelay $0x1  }
0x7fc: {  	v46 =	vadd.f32 v56, v8;
	v8 =	vadd.f32 v1, v37;
	v1 =	vld [tilespmem:$0x1EEB0]  }
0x7fd: {  	s24 =	simm.s32 $0x0  }
0x7fe: {  	s25 =	smul.u32 $0x5000, s24  }
0x7ff: {  	s22 =	simm.s32 $0x0  }
0x800: {  	s23 =	sshra.s32 s25, $0x2;
	s26 =	sand.u32 $0x380, s22;
	[sflag:s13] =	ssyncset.done $0x0  }
0x801: {  	v45 =	vadd.f32 v55, v7;
	s23 =	sor.u32 s26, s23;
	[sflag:s13] =	ssyncadd.s32 $0xFFFF9C00;
	v7 =	vadd.f32 v1, v38;
	v1 =	vld [tilespmem:$0x1EEC0]  }
0x802: {  	v41 =	vld [tilespmem:s23+$0xC470]  }
0x803: {  	v44 =	vld [tilespmem:s23+$0xB400]  }
0x804: {  	v34 =	vadd.f32 v57, v34;
	v47 =	vld [tilespmem:s23+$0xB410]  }
0x805: {  	v50 =	vld [tilespmem:s23+$0xB420]  }
0x806: {  	v43 =	vadd.f32 v54, v6;
	v6 =	vadd.f32 v1, v34;
	v1 =	vld [tilespmem:$0x1EED0]  }
0x807: {  	v42 =	vadd.f32 v53, v5;
	v53 =	vld [tilespmem:s23+$0xB430]  }
0x808: {  	v55 =	vld [tilespmem:s23+$0xB450]  }
0x809: {  	v24 =	vld [tilespmem:s23+$0xB810]  }
0x80a: {  	v30 =	vld [tilespmem:$0x1EEF0]  }
0x80b: {  	v5 =	vadd.f32 v1, v0;
	v1 =	vld [tilespmem:s23+$0xBC20]  }
0x80c: {  	v57 =	vld [tilespmem:s23+$0xB470]  }
0x80d: {  	v13 =	vld [tilespmem:s23+$0xBC00]  }
0x80e: {  	v27 =	vld [tilespmem:s23+$0xB840]  }
0x80f: {  	v36 =	vadd.f32 v55, v49;
	v55 =	vld [tilespmem:s23+$0xBC60]  }
0x810: {  	v33 =	vadd.f32 v24, v30;
	v24 =	vadd.f32 v1, v23;
	v1 =	vld [tilespmem:$0x1EF00]  }
0x811: {  	v58 =	vld [tilespmem:s23+$0xB800]  }
0x812: {  	v14 =	vld [tilespmem:s23+$0xB870]  }
0x813: {  	v28 =	vld [tilespmem:s23+$0xB850]  }
0x814: {  	v31 =	vadd.f32 v27, v17;
	v34 =	vadd.f32 v57, v52;
	v57 =	vld [tilespmem:s23+$0xBC70]  }
0x815: {  	v27 =	vadd.f32 v13, v21;
	v21 =	vadd.f32 v55, v1;
	v1 =	vld [tilespmem:$0x1EF10]  }
0x816: {  	v25 =	vld [tilespmem:s23+$0xB820]  }
0x817: {  	v26 =	vld [tilespmem:s23+$0xB830]  }
0x818: {  	v35 =	vadd.f32 v58, v35;
	v58 =	vld [tilespmem:s23+$0xC000]  }
0x819: {  	v29 =	vld [tilespmem:s23+$0xB860]  }
0x81a: {  	v28 =	vadd.f32 v28, v18;
	v18 =	vadd.f32 v57, v1;
	v1 =	vld [tilespmem:$0x1EF20]  }
0x81b: {  	v32 =	vadd.f32 v25, v15;
	v15 =	vld [tilespmem:s23+$0xC010]  }
0x81c: {  	v30 =	vadd.f32 v26, v16;
	v26 =	vadd.f32 v14, v20;
	v14 =	vld [tilespmem:s23+$0xC030]  }
0x81d: {  	v2 =	vld [tilespmem:s23+$0xBC10]  }
0x81e: {  	v0 =	vld [tilespmem:$0x1EEE0]  }
0x81f: {  	v29 =	vadd.f32 v29, v19;
	v19 =	vadd.f32 v58, v1;
	v1 =	vld [tilespmem:$0x1EF30]  }
0x820: {  	v54 =	vld [tilespmem:s23+$0xB440]  }
0x821: {  	v56 =	vld [tilespmem:s23+$0xB460]  }
0x822: {  	v25 =	vadd.f32 v2, v22;
	v2 =	vld [tilespmem:s23+$0xC040]  }
0x823: {  	v4 =	vadd.f32 v0, v3;
	v0 =	vld [tilespmem:s23+$0xBC30]  }
0x824: {  	v17 =	vadd.f32 v15, v60;
	v15 =	vadd.f32 v14, v1;
	v1 =	vld [tilespmem:$0x1EF40]  }
0x825: {  	v16 =	vld [tilespmem:s23+$0xC020]  }
0x826: {  	v38 =	vadd.f32 v53, v46;
	v53 =	vld [tilespmem:s23+$0xBC50]  }
0x827: {  	v3 =	vadd.f32 v41, v40;
	v40 =	vadd.f32 v47, v43;
	v43 =	vld [tilespmem:s23+$0xBC40]  }
0x828: {  	v22 =	vadd.f32 v0, v59;
	v0 =	vld [tilespmem:s23+$0xC050]  }
0x829: {  	v13 =	vadd.f32 v2, v1;
	v1 =	vld [tilespmem:$0x1EF50]  }
0x82a: {  	v46 =	vld [tilespmem:s23+$0xC060]  }
0x82b: {  	v42 =	vadd.f32 v44, v42;
	v16 =	vadd.f32 v16, v62;
	v47 =	vld [tilespmem:s23+$0xC070]  }
0x82c: {  	v39 =	vadd.f32 v54, v48;
	v23 =	vadd.f32 v43, v61;
	v43 =	vld [tilespmem:s23+$0xC400]  }
0x82d: {  	v44 =	vld [tilespmem:s23+$0xC410];
	v37 =	vadd.f32 v56, v51;
	v20 =	vadd.f32 v53, v63  }
0x82e: {  	s24 =	simm.s32 $0x2;
	s25 =	simm.s32 $0x0;
	v41 =	vadd.f32 v50, v45;
	v45 =	vld [tilespmem:s23+$0xC420];
	v14 =	vadd.f32 v0, v1  }
.LBB2_21:
0x82f: {  	p1 =	sne.s32 s24, $0x27;
	s25 =	smul.u32 $0x5000, s25;
	v12 =	vadd.f32 v46, v12;
	v0 =	vld [tilespmem:s23+$0xC430]  }
0x830: {  	s22 =	sadd.s32 $0x80, s22;
	v11 =	vadd.f32 v47, v11;
	v1 =	vld [tilespmem:s23+$0xC440]  }
0x831: {  	s26 =	sand.u32 $0x380, s22;
	s25 =	sshra.s32 s25, $0x2;
	v10 =	vadd.f32 v43, v10;
	v2 =	vld [tilespmem:s23+$0xC450]  }
0x832: {  	v9 =	vadd.f32 v44, v9;
	v43 =	vld [tilespmem:s23+$0xC460];
	s23 =	sor.u32 s26, s25  }
0x833: {  	v44 =	vld [tilespmem:s23+$0xC470];
	v8 =	vadd.f32 v45, v8  }
0x834: {  	v45 =	vld [tilespmem:s23+$0xB400];
	v7 =	vadd.f32 v0, v7  }
0x835: {  	v0 =	vld [tilespmem:s23+$0xB410];
	v6 =	vadd.f32 v1, v6  }
0x836: {  	v1 =	vld [tilespmem:s23+$0xB420];
	v5 =	vadd.f32 v2, v5  }
0x837: {  	v2 =	vld [tilespmem:s23+$0xB430];
	v4 =	vadd.f32 v43, v4  }
0x838: {  	v43 =	vld [tilespmem:s23+$0xB440];
	v3 =	vadd.f32 v44, v3  }
0x839: {  	v42 =	vadd.f32 v45, v42;
	v44 =	vld [tilespmem:s23+$0xB450]  }
0x83a: {  	v40 =	vadd.f32 v0, v40;
	v0 =	vld [tilespmem:s23+$0xB460]  }
0x83b: {  	v41 =	vadd.f32 v1, v41;
	v1 =	vld [tilespmem:s23+$0xB470]  }
0x83c: {  	v38 =	vadd.f32 v2, v38;
	v2 =	vld [tilespmem:s23+$0xB800]  }
0x83d: {  	v39 =	vadd.f32 v43, v39;
	v43 =	vld [tilespmem:s23+$0xB810]  }
0x83e: {  	v36 =	vadd.f32 v44, v36;
	v44 =	vld [tilespmem:s23+$0xB820]  }
0x83f: {  	v37 =	vadd.f32 v0, v37;
	v0 =	vld [tilespmem:s23+$0xB830]  }
0x840: {  	v34 =	vadd.f32 v1, v34;
	v1 =	vld [tilespmem:s23+$0xB840]  }
0x841: {  	v35 =	vadd.f32 v2, v35;
	v2 =	vld [tilespmem:s23+$0xB850]  }
0x842: {  	v33 =	vadd.f32 v43, v33;
	v43 =	vld [tilespmem:s23+$0xB860]  }
0x843: {  	v32 =	vadd.f32 v44, v32;
	v44 =	vld [tilespmem:s23+$0xB870]  }
0x844: {  	v30 =	vadd.f32 v0, v30;
	v0 =	vld [tilespmem:s23+$0xBC00]  }
0x845: {  	v31 =	vadd.f32 v1, v31;
	v1 =	vld [tilespmem:s23+$0xBC10]  }
0x846: {  	v28 =	vadd.f32 v2, v28;
	v2 =	vld [tilespmem:s23+$0xBC20]  }
0x847: {  	v29 =	vadd.f32 v43, v29;
	v43 =	vld [tilespmem:s23+$0xBC30]  }
0x848: {  	v26 =	vadd.f32 v44, v26;
	v44 =	vld [tilespmem:s23+$0xBC40]  }
0x849: {  	v27 =	vadd.f32 v0, v27;
	v0 =	vld [tilespmem:s23+$0xBC50]  }
0x84a: {  	v25 =	vadd.f32 v1, v25;
	v1 =	vld [tilespmem:s23+$0xBC60]  }
0x84b: {  	v24 =	vadd.f32 v2, v24;
	v2 =	vld [tilespmem:s23+$0xBC70]  }
0x84c: {  	v22 =	vadd.f32 v43, v22;
	v43 =	vld [tilespmem:s23+$0xC000]  }
0x84d: {  	v23 =	vadd.f32 v44, v23;
	v44 =	vld [tilespmem:s23+$0xC010]  }
0x84e: {  	v20 =	vadd.f32 v0, v20;
	v0 =	vld [tilespmem:s23+$0xC020]  }
0x84f: {  	v21 =	vadd.f32 v1, v21;
	v1 =	vld [tilespmem:s23+$0xC030]  }
0x850: {  	v18 =	vadd.f32 v2, v18;
	v2 =	vld [tilespmem:s23+$0xC040]  }
0x851: {  	v19 =	vadd.f32 v43, v19;
	v45 =	vld [tilespmem:s23+$0xC050]  }
.Ltmp9:
0x852: {  	v17 =	vadd.f32 v44, v17;
	v46 =	vld [tilespmem:s23+$0xC060];
	(pc) =	sbr.rel @p1 .LBB2_21-.Ltmp9, $4  }
0x853: {  	v16 =	vadd.f32 v0, v16;
	v47 =	vld [tilespmem:s23+$0xC070]  }
0x854: {  	v15 =	vadd.f32 v1, v15;
	v43 =	vld [tilespmem:s23+$0xC400]  }
0x855: {  	v13 =	vadd.f32 v2, v13;
	v44 =	vld [tilespmem:s23+$0xC410]  }
0x856: {  	s25 =	sshrl.u32 s24, $0x3;
	s24 =	sadd.s32 $0x1, s24;
	v14 =	vadd.f32 v45, v14;
	v45 =	vld [tilespmem:s23+$0xC420]  }
0x857: {  	s24 =	smul.u32 $0x5000, s25  }
0x858: {  	s22 =	sadd.s32 $0x80, s22  }
0x859: {  	s22 =	sand.u32 $0x380, s22;
	s24 =	sshra.s32 s24, $0x2  }
0x85a: {  	s22 =	sor.u32 s22, s24  }
0x85b: {  	v61 =	vld [tilespmem:s22+$0xB850];
	_ =	sdelay $0x4  }
0x85c: {  	[tilespmem:$0x1EAF0] =	vst v61;
	v61 =	vld [tilespmem:s22+$0xBC00];
	_ =	sdelay $0x4  }
0x85d: {  	[tilespmem:$0x1EB20] =	vst v61;
	v61 =	vld [tilespmem:s22+$0xBC30];
	_ =	sdelay $0x4  }
0x85e: {  	[tilespmem:$0x1EB50] =	vst v61;
	v61 =	vld [tilespmem:s22+$0xBC60];
	_ =	sdelay $0x3  }
0x85f: {  	v63 =	vld [tilespmem:s22+$0xB870]  }
0x860: {  	[tilespmem:$0x1EB80] =	vst v61;
	v61 =	vld [tilespmem:s22+$0xC020]  }
0x861: {  	v62 =	vld [tilespmem:s22+$0xB860];
	_ =	sdelay $0x1  }
0x862: {  	v0 =	vld [tilespmem:s23+$0xC430]  }
0x863: {  	[tilespmem:$0x1EB10] =	vst v63;
	v63 =	vld [tilespmem:s22+$0xBC20]  }
0x864: {  	[tilespmem:$0x1EBC0] =	vst v61;
	v61 =	vld [tilespmem:s22+$0xC050]  }
0x865: {  	[tilespmem:$0x1EB00] =	vst v62;
	v62 =	vld [tilespmem:s22+$0xBC10]  }
0x866: {  	v57 =	vld [tilespmem:s23+$0xC440]  }
0x867: {  	v58 =	vld [tilespmem:s23+$0xC450]  }
0x868: {  	[tilespmem:$0x1EB40] =	vst v63;
	v63 =	vld [tilespmem:s22+$0xBC50]  }
0x869: {  	[tilespmem:$0x1EBF0] =	vst v61;
	v61 =	vld [tilespmem:s22+$0xC400]  }
0x86a: {  	[tilespmem:$0x1EB30] =	vst v62;
	v62 =	vld [tilespmem:s22+$0xBC40]  }
0x86b: {  	v59 =	vld [tilespmem:s23+$0xC460]  }
0x86c: {  	v60 =	vld [tilespmem:s22+$0xC470]  }
0x86d: {  	[tilespmem:$0x1EB70] =	vst v63;
	v63 =	vld [tilespmem:s22+$0xC010]  }
0x86e: {  	[tilespmem:$0x1EC20] =	vst v61;
	v61 =	vld [tilespmem:s22+$0xC410]  }
0x86f: {  	[tilespmem:$0x1EB60] =	vst v62;
	v62 =	vld [tilespmem:s22+$0xBC70]  }
0x870: {  	v48 =	vld [tilespmem:s22+$0xB400]  }
0x871: {  	[tilespmem:$0x1EC30] =	vst v0;
	v0 =	vld @!p0 [tilespmem:s15+$0x580]  }
0x872: {  	[tilespmem:$0x1EBB0] =	vst v63;
	v63 =	vld [tilespmem:s22+$0xC040]  }
0x873: {  	[tilespmem:$0x1EC40] =	vst v61;
	v61 =	vld [tilespmem:s22+$0xC420]  }
0x874: {  	[tilespmem:$0x1EB90] =	vst v62;
	v62 =	vld [tilespmem:s22+$0xC030]  }
0x875: {  	v1 =	vld [tilespmem:s22+$0xC000]  }
0x876: {  	v49 =	vld [tilespmem:s22+$0xB410]  }
0x877: {  	v50 =	vld [tilespmem:s22+$0xB420];
	[tilespmem:$0x1EBE0] =	vst v63;
	v63 =	vshrl.u32 @!p0 v0, $0x3  }
0x878: {  	v63 =	vmul.u32 @!p0 $0x28, v63;
	[tilespmem:$0x1EC60] =	vst v61;
	v61 =	vld [tilespmem:s22+$0xC430]  }
0x879: {  	[tilespmem:$0x1EBD0] =	vst v62;
	v0 =	vand.u32 @!p0 $0x7, v0;
	v62 =	vld [tilespmem:s22+$0xC060]  }
0x87a: {  	[tilespmem:$0x1EBA0] =	vst v1;
	v1 =	vor.u32 @!p0 v0, v63;
	v63 =	vld [tilespmem:s22+$0xC070]  }
0x87b: {  	v51 =	vld [tilespmem:s22+$0xB430]  }
0x87c: {  	v52 =	vld [tilespmem:s22+$0xB440]  }
0x87d: {  	[tilespmem:$0x1EC80] =	vst v61;
	v61 =	vld [tilespmem:s22+$0xC440]  }
0x87e: {  	v2 =	vlaneseq.u32 @!p0;
	v53 =	vld [tilespmem:s22+$0xB450];
	[tilespmem:$0x1EC00] =	vst v62  }
0x87f: {  	v54 =	vld [tilespmem:s22+$0xB460];
	v62 =	vshrl.u32 @!p0 v2, $0x3;
	[tilespmem:$0x1EC10] =	vst v63;
	v63 =	vand.u32 @!p0 $0x7, v2  }
0x880: {  	v55 =	vld [tilespmem:s22+$0xB470];
	v62 =	vmul.u32 @!p0 $0x8, v62;
	v0 =	vperm.xlane @!p0 v1, v63  }
0x881: {  	v56 =	vld [tilespmem:s22+$0xB800]  }
0x882: {  	v0 =	vadd.s32 @!p0 v62, v0;
	[tilespmem:$0x1ECA0] =	vst v61;
	v61 =	vld [tilespmem:s22+$0xC450]  }
0x883: {  	[tilespmem:$0x1EC50] =	vst v57;
	v57 =	vld [tilespmem:s22+$0xB810]  }
0x884: {  	[tilespmem:$0x1EC70] =	vst v58;
	v58 =	vld [tilespmem:s22+$0xB820]  }
0x885: {  	[tilespmem:$0x1EC90] =	vst v59;
	v59 =	vld [tilespmem:s22+$0xB830];
	v2 =	vor.u32 @!p0 $0x8, v2  }
0x886: {  	s23 =	simm.s32 @!p0 $0x0;
	s24 =	simm.s32 @!p0 $0xB400;
	[tilespmem:$0x1ECD0] =	vst v60;
	v60 =	vld [tilespmem:s22+$0xB840];
	v1 =	vperm.xlane @!p0 v1, v2  }
0x887: {  	[tilespmem:$0x1ECB0] =	vst v61;
	v61 =	vld [tilespmem:s22+$0xC460];
	[tilespmem:s24], [sflag:$0x2] =	stream.indirect_vreg.gather @!p0 [hbm4b:s3+s23], $0x80, v0, vm2, $0xb8  }
0x888: {  	v1 =	vadd.s32 @!p0 v62, v1;
	s22 =	simm.s32 @!p0 $0xBC00  }
0x889: {  	[tilespmem:s22], [sflag:$0x2] =	stream.indirect_vreg.gather @!p0 [hbm4b:s5+s23], $0x80, v0, vm2, $0xb8;
	[tilespmem:$0x16800] =	vst v63  }
0x88a: {  	s22 =	simm.s32 @!p0 $0xC400  }
0x88b: {  	[tilespmem:s22], [sflag:$0x2] =	stream.indirect_vreg.gather @!p0 [hbm4b:s6+s23], $0x80, v0, vm3, $0xb8;
	[tilespmem:$0x16800] =	vst v63  }
0x88c: {  	s22 =	simm.s32 @!p0 $0xC800  }
0x88d: {  	[tilespmem:s22], [sflag:$0x2] =	stream.indirect_vreg.gather @!p0 [hbm4b:s3+s23], $0x80, v1, vm2, $0xb8;
	[tilespmem:$0x16800] =	vst v63  }
0x88e: {  	s22 =	simm.s32 @!p0 $0xD000  }
0x88f: {  	[tilespmem:s22], [sflag:$0x2] =	stream.indirect_vreg.gather @!p0 [hbm4b:s5+s23], $0x80, v1, vm2, $0xb8;
	[tilespmem:$0x16800] =	vst v63  }
0x890: {  	s22 =	simm.s32 @!p0 $0xD800  }
0x891: {  	[tilespmem:s22], [sflag:$0x2] =	stream.indirect_vreg.gather @!p0 [hbm4b:s6+s23], $0x80, v1, vm3, $0xb8;
	[tilespmem:$0x16800] =	vst v63  }
0x892: {  	v0 =	vld @!p0 [tilespmem:s15+$0x590];
	_ =	sdelay $0x4  }
0x893: {  	v1 =	vshrl.u32 @!p0 v0, $0x3  }
0x894: {  	v1 =	vmul.u32 @!p0 $0x28, v1  }
0x895: {  	v0 =	vand.u32 @!p0 $0x7, v0  }
0x896: {  	v0 =	vor.u32 @!p0 v0, v1  }
0x897: {  	v1 =	vperm.xlane @!p0 v0, v63;
	_ =	sdelay $0x1  }
0x898: {  	v1 =	vadd.s32 @!p0 v62, v1;
	_ =	sdelay $0x3  }
0x899: {  	s22 =	simm.s32 @!p0 $0xDC00;
	v0 =	vperm.xlane @!p0 v0, v2  }
0x89a: {  	[tilespmem:s22], [sflag:$0x2] =	stream.indirect_vreg.gather @!p0 [hbm4b:s3+s23], $0x80, v1, vm2, $0xb8;
	[tilespmem:$0x16800] =	vst v63  }
0x89b: {  	v0 =	vadd.s32 @!p0 v62, v0;
	s22 =	simm.s32 @!p0 $0xE400  }
0x89c: {  	[tilespmem:s22], [sflag:$0x2] =	stream.indirect_vreg.gather @!p0 [hbm4b:s5+s23], $0x80, v1, vm2, $0xb8;
	[tilespmem:$0x16800] =	vst v63  }
0x89d: {  	s22 =	simm.s32 @!p0 $0xEC00  }
0x89e: {  	[tilespmem:s22], [sflag:$0x2] =	stream.indirect_vreg.gather @!p0 [hbm4b:s6+s23], $0x80, v1, vm3, $0xb8;
	[tilespmem:$0x16800] =	vst v63  }
0x89f: {  	s22 =	simm.s32 @!p0 $0xF000  }
0x8a0: {  	[tilespmem:s22], [sflag:$0x2] =	stream.indirect_vreg.gather @!p0 [hbm4b:s3+s23], $0x80, v0, vm2, $0xb8;
	[tilespmem:$0x16800] =	vst v63  }
0x8a1: {  	s22 =	simm.s32 @!p0 $0xF800  }
0x8a2: {  	[tilespmem:s22], [sflag:$0x2] =	stream.indirect_vreg.gather @!p0 [hbm4b:s5+s23], $0x80, v0, vm2, $0xb8;
	[tilespmem:$0x16800] =	vst v63  }
0x8a3: {  	s22 =	simm.s32 @!p0 $0x10000  }
0x8a4: {  	[tilespmem:s22], [sflag:$0x2] =	stream.indirect_vreg.gather @!p0 [hbm4b:s6+s23], $0x80, v0, vm3, $0xb8;
	[tilespmem:$0x16800] =	vst v63  }
0x8a5: {  	v0 =	vld.msk @!p0 [tilespmem:s15+$0x5A0], $0xff;
	_ =	sdelay $0x4  }
0x8a6: {  	v1 =	vshrl.u32 @!p0 v0, $0x3  }
0x8a7: {  	v1 =	vmul.u32 @!p0 $0x28, v1  }
0x8a8: {  	v0 =	vand.u32 @!p0 $0x7, v0  }
0x8a9: {  	v0 =	vor.u32 @!p0 v0, v1  }
0x8aa: {  	v0 =	vperm.xlane @!p0 v0, v63;
	_ =	sdelay $0x1  }
0x8ab: {  	v0 =	vadd.s32 @!p0 v62, v0;
	_ =	sdelay $0x3  }
0x8ac: {  	s15 =	simm.s32 @!p0 $0x10400  }
0x8ad: {  	[tilespmem:s15], [sflag:$0x2] =	stream.indirect_vreg.gather @!p0 [hbm4b:s3+s23], $0x80, v0, vm2, $0xb8;
	[tilespmem:$0x16800] =	vst v63  }
0x8ae: {  	s15 =	simm.s32 @!p0 $0x10C00  }
0x8af: {  	[tilespmem:s15], [sflag:$0x2] =	stream.indirect_vreg.gather @!p0 [hbm4b:s5+s23], $0x80, v0, vm2, $0xb8;
	[tilespmem:$0x16800] =	vst v63  }
0x8b0: {  	s15 =	simm.s32 @!p0 $0x11400  }
0x8b1: {  	[tilespmem:s15], [sflag:$0x2] =	stream.indirect_vreg.gather @!p0 [hbm4b:s6+s23], $0x80, v0, vm3, $0xb8;
	[tilespmem:$0x16800] =	vst v63  }
0x8b2: {  	v48 =	vadd.f32 v48, v42;
	v63 =	vld [tilespmem:$0x1EAF0];
	s23 =	sor.u32 $0x80, s18  }
0x8b3: {  	v49 =	vadd.f32 v49, v40;
	[tilespmem:$0x1ECC0] =	vst v61;
	s16 =	sadd.s32 s23, s16  }
0x8b4: {  	v50 =	vadd.f32 v50, v41;
	[tilespmem:s16+$0x0] =	vst v48  }
0x8b5: {  	v51 =	vadd.f32 v51, v38;
	[tilespmem:s16+$0x10] =	vst v49  }
0x8b6: {  	v52 =	vadd.f32 v52, v39;
	[tilespmem:s16+$0x20] =	vst v50  }
0x8b7: {  	v53 =	vadd.f32 v53, v36;
	v1 =	vadd.f32 v63, v28;
	v28 =	vld [tilespmem:$0x1EB00];
	[tilespmem:s16+$0x30] =	vst v51  }
0x8b8: {  	v54 =	vadd.f32 v54, v37;
	v38 =	vld [tilespmem:$0x1EBA0];
	[tilespmem:s16+$0x40] =	vst v52  }
0x8b9: {  	v55 =	vadd.f32 v55, v34;
	v58 =	vadd.f32 v58, v32;
	v32 =	vld [tilespmem:$0x1EB40];
	[tilespmem:s16+$0x50] =	vst v53  }
0x8ba: {  	v56 =	vadd.f32 v56, v35;
	v57 =	vadd.f32 v57, v33;
	v33 =	vld [tilespmem:$0x1EB50];
	[tilespmem:s16+$0x60] =	vst v54  }
0x8bb: {  	v34 =	vld [tilespmem:$0x1EB60];
	s24 =	sadd.s32 s23, s17;
	[tilespmem:s16+$0x70] =	vst v55  }
0x8bc: {  	v2 =	vadd.f32 v28, v29;
	v29 =	vld [tilespmem:$0x1EB10];
	[tilespmem:s24+$0x0] =	vst v56  }
0x8bd: {  	v61 =	vadd.f32 v59, v30;
	v30 =	vld [tilespmem:$0x1EB20];
	[tilespmem:s24+$0x10] =	vst v57  }
0x8be: {  	v62 =	vadd.f32 v60, v31;
	v31 =	vld [tilespmem:$0x1EB30];
	[tilespmem:s24+$0x20] =	vst v58  }
0x8bf: {  	v35 =	vld [tilespmem:$0x1EB70];
	[tilespmem:s24+$0x30] =	vst v61  }
0x8c0: {  	v36 =	vld [tilespmem:$0x1EB80];
	[tilespmem:s24+$0x40] =	vst v62  }
0x8c1: {  	v37 =	vld [tilespmem:$0x1EB90];
	[tilespmem:s24+$0x50] =	vst v1;
	v0 =	vadd.f32 v29, v26  }
0x8c2: {  	v39 =	vld [tilespmem:$0x1EBB0];
	v1 =	vadd.f32 v30, v27;
	[tilespmem:s24+$0x60] =	vst v2  }
0x8c3: {  	v40 =	vld [tilespmem:$0x1EBC0];
	s25 =	sadd.s32 s23, s19;
	v2 =	vadd.f32 v31, v25;
	[tilespmem:s24+$0x70] =	vst v0  }
0x8c4: {  	v41 =	vld [tilespmem:$0x1EBD0];
	v0 =	vadd.f32 v32, v24;
	[tilespmem:s25+$0x0] =	vst v1  }
0x8c5: {  	v42 =	vadd.f32 v46, v12;
	v46 =	vld [tilespmem:$0x1EBE0];
	v1 =	vadd.f32 v33, v22;
	[tilespmem:s25+$0x10] =	vst v2  }
0x8c6: {  	v59 =	vld [tilespmem:$0x1EC90];
	v2 =	vadd.f32 v34, v23;
	[tilespmem:s25+$0x20] =	vst v0  }
0x8c7: {  	v48 =	vld [tilespmem:$0x1EBF0];
	v0 =	vadd.f32 v35, v20;
	[tilespmem:s25+$0x30] =	vst v1  }
0x8c8: {  	v50 =	vld [tilespmem:$0x1EC00];
	v1 =	vadd.f32 v36, v21;
	[tilespmem:s25+$0x40] =	vst v2  }
0x8c9: {  	v51 =	vld [tilespmem:$0x1EC10];
	v2 =	vadd.f32 v37, v18;
	[tilespmem:s25+$0x50] =	vst v0  }
0x8ca: {  	v52 =	vld [tilespmem:$0x1EC20];
	v0 =	vadd.f32 v38, v19;
	[tilespmem:s25+$0x60] =	vst v1  }
0x8cb: {  	v12 =	vadd.f32 v46, v13;
	s26 =	sadd.s32 s23, s20;
	v53 =	vld [tilespmem:$0x1EC30];
	[tilespmem:s25+$0x70] =	vst v2  }
0x8cc: {  	v47 =	vadd.f32 v47, v11;
	v54 =	vld [tilespmem:$0x1EC40];
	v11 =	vadd.f32 v48, v14;
	[tilespmem:s26+$0x0] =	vst v0  }
0x8cd: {  	v55 =	vld [tilespmem:$0x1EC50];
	v1 =	vadd.f32 v39, v17;
	[tilespmem:s26+$0x40] =	vst v12  }
0x8ce: {  	v56 =	vld [tilespmem:$0x1EC60];
	v2 =	vadd.f32 v40, v16;
	[tilespmem:s26+$0x50] =	vst v11  }
0x8cf: {  	v57 =	vld [tilespmem:$0x1EC70];
	v0 =	vadd.f32 v41, v15;
	[tilespmem:s26+$0x10] =	vst v1  }
0x8d0: {  	v49 =	vadd.f32 v43, v10;
	v58 =	vld [tilespmem:$0x1EC80];
	[tilespmem:s26+$0x20] =	vst v2;
	v1 =	vadd.f32 v50, v42  }
0x8d1: {  	v9 =	vadd.f32 v44, v9;
	v60 =	vld [tilespmem:$0x1ECA0];
	v2 =	vadd.f32 v51, v47;
	[tilespmem:s26+$0x30] =	vst v0  }
0x8d2: {  	v8 =	vadd.f32 v45, v8;
	v61 =	vld [tilespmem:$0x1ECB0];
	v0 =	vadd.f32 v52, v49;
	[tilespmem:s26+$0x60] =	vst v1  }
0x8d3: {  	s15 =	sadd.s32 s23, s21;
	v62 =	vld [tilespmem:$0x1ECC0];
	v1 =	vadd.f32 v53, v7;
	v7 =	vadd.f32 v54, v9;
	[tilespmem:s26+$0x70] =	vst v2  }
0x8d4: {  	v63 =	vld [tilespmem:$0x1ECD0];
	v2 =	vadd.f32 v55, v6;
	v6 =	vadd.f32 v56, v8;
	[tilespmem:s15+$0x0] =	vst v0  }
0x8d5: {  	s14 =	sadd.s32 $0x1, s14;
	v0 =	vadd.f32 v57, v5;
	v1 =	vadd.f32 v58, v1;
	[tilespmem:s15+$0x10] =	vst v7  }
0x8d6: {  	v4 =	vadd.f32 v59, v4;
	p0 =	sne.s32 s14, $0x10;
	v2 =	vadd.f32 v60, v2;
	[tilespmem:s15+$0x20] =	vst v6  }
.Ltmp10:
0x8d7: {  	v0 =	vadd.f32 v61, v0;
	[tilespmem:s15+$0x30] =	vst v1;
	(pc) =	sbr.rel @p0 .LBB2_2-.Ltmp10, $4  }
0x8d8: {  	v1 =	vadd.f32 v62, v4;
	[tilespmem:s15+$0x40] =	vst v2  }
0x8d9: {  	v2 =	vadd.f32 v63, v3;
	[tilespmem:s15+$0x50] =	vst v0  }
0x8da: {  	s21 =	simm.s32 $0x5000;
	s23 =	simm.s32 $0x5800;
	[tilespmem:s15+$0x60] =	vst v1  }
0x8db: {  	s24 =	simm.s32 $0x6000;
	s25 =	simm.s32 $0x6400;
	s26 =	simm.s32 $0x6C00;
	[tilespmem:s15+$0x70] =	vst v2  }
0x8dc: {  	s14 =	simm.s32 $0x0;
	s15 =	rddreg [dreg:$0x3];
	s16 =	simm.s32 $0x11800  }
0x8dd: {  	[hbm4b:s15+s14] =	stream.linear.scatter [tilespmem:s16], [sflag:$0x3], $0x5000, $0x38;
	[tilespmem:$0x16800] =	vst v63  }
0x8de: {  	s16 =	simm.s32 $0x3  }
0x8df: {  	_ =	swait.ge [sflag:s16], $0x5000  }
0x8e0: {  	s17 =	rddreg [dreg:$0x5]  }
0x8e1: {  	s22 =	rddreg [dreg:$0x4];
	s17 =	sadd.s32 $0x1, s17  }
0x8e2: {  	p0 =	sne.s32 s17, s22  }
.Ltmp11:
0x8e3: {  	_ = 	snop;
	(pc) =	sbr.rel @p0 .LBB2_1-.Ltmp11, $3  }
0x8e4: {  	_ =	sdelay $0x1  }
0x8e5: {  	[sflag:s16] =	ssyncset.done $0x0  }
0x8e6: {  	[sflag:s16] =	ssyncadd.s32 $0xFFFFB000  }
0x8e7: {  	_ =	sfence.sel $0x180000  }
0x8e8: {  	[bflag:$0x0] =	sbarrier.arrive $0xFFFF  }
0x8e9: {  	_ =	strace $0x90000047  }
0x8ea: {  	s0 =	stileid.u32;
	[bflag:$0x2] =	sbarrier.arrive $0xFFFF  }
0x8eb: {  	p0 =	sne.s32 s0, $0x0;
	s0 =	rddreg [dreg:$0x1]  }
0x8ec: {  	s0 =	sadd.s32 @!p0 $0x100000, s0  }
0x8ed: {  	[sflag:s0] =	ssyncadd.tile.s32 @!p0 $0x1;
	_ =	shalt  }
.Lfunc_end2:
_tile_overlayer_lowered:
.L_overlay_start_2:
0x8ee: {  	(tag) =	ssettag $0x2  }
0x8ef: {  	s0 =	rddreg [dreg:$0x0];
	s2 =	stileid.u32  }
0x8f0: {  	s1 =	rddreg [dreg:$0x1];
	p0 =	sne.s32 s2, $0x0  }
0x8f1: {  	s3 =	rddreg [dreg:$0x2];
	[bflag:$0x3] =	sbarrier.arrive $0xFFFF;
	s2 =	simm.s32 @!p0 $0x1C03  }
0x8f2: {  	[timem:s3], [sflag:s2] =	dma.local @!p0 [hbm:s0], s1  }
0x8f3: {  	s0 =	simm.s32 @!p0 $0x3  }
0x8f4: {  	_ =	swait.ge @!p0 [sflag:s0], s1  }
0x8f5: {  	s1 =	ssub.s32 @!p0 $0x0, s1;
	[sflag:s0] =	ssyncset.done @!p0 $0x0  }
0x8f6: {  	[sflag:s0] =	ssyncadd.s32 @!p0 s1  }
0x8f7: {  	[bflag:$0x3] =	sbarrier.arrive $0xFFFF  }
0x8f8: {  	_ =	shalt  }

</sc_bundles>
